<compile_context>
chip_gen: v7x
topology: tpu7x:2x2x1
jax: 0.10.2.dev20260603
libtpu: 0.0.44.dev20260713+nightly
codegen_flags: <defaults>
</compile_context>

<pallas_src>
import functools

import jax
import jax.numpy as jnp
from jax import lax
from jax.experimental import pallas as pl
from jax.experimental.pallas import tpu as pltpu
from jax.experimental.pallas import tpu_sc as plsc

F32 = jnp.float32

NC = 2
NS = 16
NW = NC * NS


def _sp(x):
    return jnp.maximum(x, 0.0) + jnp.log(1.0 + jnp.exp(-jnp.abs(x)))




def _node_emb_body(x_ref, w_ref, b_ref, o_ref):
    o_ref[...] = (
        jnp.dot(x_ref[...], w_ref[...], preferred_element_type=F32) + b_ref[...]
    )


def _edge_mlp_body(hr_ref, hc_ref, ea_ref, we_ref, be_ref, w1a_ref, w1b_ref,
                   w1c_ref, b1_ref, w2_ref, b2_ref, o_ref):
    e = jnp.dot(ea_ref[...], we_ref[...], preferred_element_type=F32) + be_ref[...]
    z = (
        jnp.dot(hr_ref[...], w1a_ref[...], preferred_element_type=F32)
        + jnp.dot(hc_ref[...], w1b_ref[...], preferred_element_type=F32)
        + jnp.dot(e, w1c_ref[...], preferred_element_type=F32)
        + b1_ref[...]
    )
    hid = _sp(z)
    o_ref[...] = _sp(jnp.dot(hid, w2_ref[...], preferred_element_type=F32) + b2_ref[...])


def _node_update_body(h_ref, a_ref, wa_ref, wb_ref, b_ref, o_ref):
    aggr = a_ref[0] + a_ref[1]
    z = (
        jnp.dot(h_ref[...], wa_ref[...], preferred_element_type=F32)
        + jnp.dot(aggr, wb_ref[...], preferred_element_type=F32)
        + b_ref[...]
    )
    o_ref[...] = _sp(z) + h_ref[...]


def _pool_heads_body(h_ref, bat_ref, ws1_ref, bs1_ref, ws2_ref, bs2_ref,
                     wh1_ref, bh1_ref, wh2_ref, bh2_ref, wlt_ref, blt_ref,
                     o_ref, sums, cnts, *, ngrid, nb, g):
    i = pl.program_id(0)
    bat = bat_ref[0]
    iota = lax.broadcasted_iota(jnp.int32, (g, nb), 0)
    onehot_t = jnp.where(iota == bat, 1.0, 0.0).astype(F32)
    dnum = (((1,), (0,)), ((), ()))
    s_contrib = lax.dot_general(onehot_t, h_ref[...], dnum,
                                preferred_element_type=F32)
    ones = jnp.ones((nb, o_ref.shape[1] * 2), dtype=F32)
    c_contrib = lax.dot_general(onehot_t, ones, dnum, preferred_element_type=F32)

    @pl.when(i == 0)
    def _init():
        sums[...] = s_contrib
        cnts[...] = c_contrib

    @pl.when(i > 0)
    def _acc():
        sums[...] = sums[...] + s_contrib
        cnts[...] = cnts[...] + c_contrib

    @pl.when(i == ngrid - 1)
    def _final():
        pooled = sums[...] / jnp.maximum(cnts[...], 1.0)
        s = _sp(jnp.dot(pooled, ws1_ref[...], preferred_element_type=F32) + bs1_ref[...])
        s = _sp(jnp.dot(s, ws2_ref[...], preferred_element_type=F32) + bs2_ref[...])
        for j in range(3):
            t = _sp(jnp.dot(s, wh1_ref[j], preferred_element_type=F32)
                    + bh1_ref[pl.ds(j, 1), :])
            t = _sp(jnp.dot(t, wh2_ref[j], preferred_element_type=F32)
                    + bh2_ref[pl.ds(j, 1), :])
            pred = lax.dot_general(wlt_ref[pl.ds(j, 1), :], t,
                                   (((1,), (1,)), ((), ())),
                                   preferred_element_type=F32)
            o_ref[pl.ds(j, 1), :] = pred + blt_ref[:, pl.ds(j, 1)]




def _make_gather(e, n, h, chunk):
    per_w = e // NW
    iters = per_w // chunk
    assert per_w % chunk == 0
    mesh = plsc.VectorSubcoreMesh(core_axis_name="c", subcore_axis_name="s")

    @functools.partial(
        pl.kernel,
        out_type=(
            jax.ShapeDtypeStruct((e, h), F32),
            jax.ShapeDtypeStruct((e, h), F32),
        ),
        mesh=mesh,
        scratch_types=[
            pltpu.VMEM((2 * chunk,), jnp.int32),
            pltpu.VMEM((2 * chunk,), jnp.int32),
            pltpu.VMEM((2, 2 * chunk, h), F32),
            pltpu.SemaphoreType.DMA,
            pltpu.SemaphoreType.DMA,
        ],
    )
    def gather_kernel(h_hbm, row_hbm, col_hbm, or_hbm, oc_hbm,
                      idx0, idx1, buf, sem0, sem1):
        cid = lax.axis_index("c")
        sid = lax.axis_index("s")
        base = (cid * NS + sid) * per_w
        sems = (sem0, sem1)
        idxs = (idx0, idx1)

        def issue(i, slot, sem):
            off = base + i * chunk
            pltpu.sync_copy(row_hbm.at[pl.ds(off, chunk)],
                            idxs[slot].at[pl.ds(0, chunk)])
            pltpu.sync_copy(col_hbm.at[pl.ds(off, chunk)],
                            idxs[slot].at[pl.ds(chunk, chunk)])
            pltpu.async_copy(h_hbm.at[idxs[slot]], buf.at[slot], sem)

        issue(0, 0, sems[0])

        def drain(i, cur):
            pltpu.make_async_copy(
                h_hbm.at[idxs[cur]], buf.at[cur], sems[cur]).wait()
            off = base + i * chunk
            pltpu.sync_copy(buf.at[cur, pl.ds(0, chunk)],
                            or_hbm.at[pl.ds(off, chunk)])
            pltpu.sync_copy(buf.at[cur, pl.ds(chunk, chunk)],
                            oc_hbm.at[pl.ds(off, chunk)])

        def pair_body(p, carry):
            for b in (0, 1):
                i = 2 * p + b
                cur, nxt = b, 1 - b

                @pl.when(i + 1 < iters)
                def _prefetch():
                    issue(i + 1, nxt, sems[nxt])

                drain(i, cur)
            return carry

        lax.fori_loop(0, iters // 2, pair_body, 0)
        if iters % 2 == 1:
            drain(iters - 1, 0)

    return gather_kernel


def _make_scatter(e, n, h, chunk):
    per_core = e // NC
    per_w = per_core // NS
    iters = per_w // chunk
    assert per_w % chunk == 0
    n_pad = ((n + 640 * NS - 1) // (640 * NS)) * (640 * NS)
    rows_per_s = n_pad // NS
    zrows = 40
    zsteps = rows_per_s // zrows
    assert zsteps * zrows == rows_per_s
    mesh = plsc.VectorSubcoreMesh(core_axis_name="c", subcore_axis_name="s")

    @functools.partial(
        pl.kernel,
        out_type=jax.ShapeDtypeStruct((NC, n_pad, h), F32),
        mesh=mesh,
        scratch_types=[
            pltpu.VMEM_SHARED((n_pad, h), F32),
            pltpu.VMEM((zrows, h), F32),
            pltpu.VMEM((chunk,), jnp.int32),
            pltpu.VMEM((chunk,), jnp.int32),
            pltpu.VMEM((2, chunk, h), F32),
            pltpu.SemaphoreType.DMA,
            pltpu.SemaphoreType.DMA,
            pltpu.SemaphoreType.DMA,
            pltpu.SemaphoreType.DMA,
        ],
    )
    def scatter_kernel(emb_hbm, col_hbm, out_hbm, acc, zbuf, idx0, idx1,
                       buf, se0, se1, si0, si1):
        cid = lax.axis_index("c")
        sid = lax.axis_index("s")
        ses = (se0, se1)
        sis = (si0, si1)
        idxs = (idx0, idx1)

        base = cid * per_core + sid * per_w

        def issue(i, slot):
            off = base + i * chunk
            pltpu.async_copy(col_hbm.at[pl.ds(off, chunk)], idxs[slot],
                             sis[slot])
            pltpu.async_copy(emb_hbm.at[pl.ds(off, chunk)], buf.at[slot],
                             ses[slot])

        def drain(i, cur):
            off = base + i * chunk
            pltpu.make_async_copy(
                col_hbm.at[pl.ds(off, chunk)], idxs[cur], sis[cur]).wait()
            pltpu.make_async_copy(
                emb_hbm.at[pl.ds(off, chunk)], buf.at[cur], ses[cur]).wait()
            pltpu.sync_copy(buf.at[cur], acc.at[idxs[cur]], add=True)

        issue(0, 0)

        zero16 = jnp.zeros((16,), dtype=F32)

        def zrow(i, carry):
            def zcol(j, c2):
                zbuf[i, pl.ds(j * 16, 16)] = zero16
                return c2
            return lax.fori_loop(0, h // 16, zcol, carry)

        lax.fori_loop(0, zrows, zrow, 0)

        def zcopy(t, carry):
            pltpu.sync_copy(zbuf, acc.at[pl.ds(sid * rows_per_s + t * zrows, zrows)])
            return carry

        lax.fori_loop(0, zsteps, zcopy, 0)
        plsc.subcore_barrier()

        def pair_body(p, carry):
            for b in (0, 1):
                i = 2 * p + b
                cur, nxt = b, 1 - b

                @pl.when(i + 1 < iters)
                def _prefetch():
                    issue(i + 1, nxt)

                drain(i, cur)
            return carry

        lax.fori_loop(0, iters // 2, pair_body, 0)
        if iters % 2 == 1:
            drain(iters - 1, 0)
        plsc.subcore_barrier()

        r0 = sid * rows_per_s
        pltpu.sync_copy(acc.at[pl.ds(r0, rows_per_s)],
                        out_hbm.at[cid, pl.ds(r0, rows_per_s)])

    return scatter_kernel




def kernel(x, edge_index, edge_attr, batch, params):
    n, d_in = x.shape
    e = edge_attr.shape[0]
    d_edge = edge_attr.shape[1]
    hdim = params["node_emb"]["W"].shape[1]
    g = 64
    nprops = len(params["heads"])

    row = edge_index[0]
    col = edge_index[1]

    nb = 2000
    ngrid_n = n // nb
    eb = 2560
    ngrid_e = e // eb

    wn = params["node_emb"]["W"]
    bn = params["node_emb"]["b"].reshape(1, hdim)
    h = pl.pallas_call(
        _node_emb_body,
        grid=(ngrid_n,),
        in_specs=[
            pl.BlockSpec((nb, d_in), lambda i: (i, 0)),
            pl.BlockSpec((d_in, hdim), lambda i: (0, 0)),
            pl.BlockSpec((1, hdim), lambda i: (0, 0)),
        ],
        out_specs=pl.BlockSpec((nb, hdim), lambda i: (i, 0)),
        out_shape=jax.ShapeDtypeStruct((n, hdim), F32),
    )(x, wn, bn)

    we = params["edge_emb"]["W"]
    be = params["edge_emb"]["b"].reshape(1, hdim)

    gather_call = _make_gather(e, n, hdim, 200)
    scatter_call = _make_scatter(e, n, hdim, 80)

    for cp in params["convs"]:
        w1 = cp["edge_l1"]["W"]
        w1a, w1b, w1c = w1[:hdim], w1[hdim:2 * hdim], w1[2 * hdim:]
        b1 = cp["edge_l1"]["b"].reshape(1, 2 * hdim)
        w2 = cp["edge_l2"]["W"]
        b2 = cp["edge_l2"]["b"].reshape(1, hdim)
        wn1 = cp["node_l1"]["W"]
        wna, wnb = wn1[:hdim], wn1[hdim:]
        bn1 = cp["node_l1"]["b"].reshape(1, hdim)

        def edge_mlp(hrow, hcol, ea):
            return pl.pallas_call(
                _edge_mlp_body,
                grid=(ngrid_e,),
                in_specs=[
                    pl.BlockSpec((eb, hdim), lambda i: (i, 0)),
                    pl.BlockSpec((eb, hdim), lambda i: (i, 0)),
                    pl.BlockSpec((eb, d_edge), lambda i: (i, 0)),
                    pl.BlockSpec((d_edge, hdim), lambda i: (0, 0)),
                    pl.BlockSpec((1, hdim), lambda i: (0, 0)),
                    pl.BlockSpec((hdim, 2 * hdim), lambda i: (0, 0)),
                    pl.BlockSpec((hdim, 2 * hdim), lambda i: (0, 0)),
                    pl.BlockSpec((hdim, 2 * hdim), lambda i: (0, 0)),
                    pl.BlockSpec((1, 2 * hdim), lambda i: (0, 0)),
                    pl.BlockSpec((2 * hdim, hdim), lambda i: (0, 0)),
                    pl.BlockSpec((1, hdim), lambda i: (0, 0)),
                ],
                out_specs=pl.BlockSpec((eb, hdim), lambda i: (i, 0)),
                out_shape=jax.ShapeDtypeStruct((e, hdim), F32),
            )(hrow, hcol, ea, we, be, w1a, w1b, w1c, b1, w2, b2)

        hrow, hcol = gather_call(h, row, col)
        emb = edge_mlp(hrow, hcol, edge_attr)
        aparts = scatter_call(emb, col)

        h = pl.pallas_call(
            _node_update_body,
            grid=(ngrid_n,),
            in_specs=[
                pl.BlockSpec((nb, hdim), lambda i: (i, 0)),
                pl.BlockSpec((NC, nb, hdim), lambda i: (0, i, 0)),
                pl.BlockSpec((hdim, hdim), lambda i: (0, 0)),
                pl.BlockSpec((hdim, hdim), lambda i: (0, 0)),
                pl.BlockSpec((1, hdim), lambda i: (0, 0)),
            ],
            out_specs=pl.BlockSpec((nb, hdim), lambda i: (i, 0)),
            out_shape=jax.ShapeDtypeStruct((n, hdim), F32),
        )(h, aparts, wna, wnb, bn1)

    ws1 = params["shared"][0]["W"]
    bs1 = params["shared"][0]["b"].reshape(1, hdim)
    ws2 = params["shared"][1]["W"]
    bs2 = params["shared"][1]["b"].reshape(1, hdim)
    wh1 = jnp.stack([hd[0]["W"] for hd in params["heads"]])
    bh1 = jnp.stack([hd[0]["b"] for hd in params["heads"]])
    wh2 = jnp.stack([hd[1]["W"] for hd in params["heads"]])
    bh2 = jnp.stack([hd[1]["b"] for hd in params["heads"]])
    wlt = jnp.concatenate(
        [hd[2]["W"].reshape(1, hdim) for hd in params["heads"]]
        + [jnp.zeros((8 - nprops, hdim), F32)], axis=0)
    blt = jnp.concatenate(
        [jnp.stack([hd[2]["b"][0] for hd in params["heads"]]),
         jnp.zeros((8 - nprops,), F32)]).reshape(1, 8)

    batch3d = batch.reshape(ngrid_n, 1, nb).astype(jnp.int32)

    preds8 = pl.pallas_call(
        functools.partial(_pool_heads_body, ngrid=ngrid_n, nb=nb, g=g),
        grid=(ngrid_n,),
        in_specs=[
            pl.BlockSpec((nb, hdim), lambda i: (i, 0)),
            pl.BlockSpec((1, 1, nb), lambda i: (i, 0, 0)),
            pl.BlockSpec((hdim, hdim), lambda i: (0, 0)),
            pl.BlockSpec((1, hdim), lambda i: (0, 0)),
            pl.BlockSpec((hdim, hdim), lambda i: (0, 0)),
            pl.BlockSpec((1, hdim), lambda i: (0, 0)),
            pl.BlockSpec((3, hdim, hdim), lambda i: (0, 0, 0)),
            pl.BlockSpec((3, hdim), lambda i: (0, 0)),
            pl.BlockSpec((3, hdim, hdim), lambda i: (0, 0, 0)),
            pl.BlockSpec((3, hdim), lambda i: (0, 0)),
            pl.BlockSpec((8, hdim), lambda i: (0, 0)),
            pl.BlockSpec((1, 8), lambda i: (0, 0)),
        ],
        out_specs=pl.BlockSpec((8, g), lambda i: (0, 0)),
        out_shape=jax.ShapeDtypeStruct((8, g), F32),
        scratch_shapes=[
            pltpu.VMEM((g, hdim), F32),
            pltpu.VMEM((g, hdim), F32),
        ],
    )(h, batch3d, ws1, bs1, ws2, bs2, wh1, bh1, wh2, bh2, wlt, blt)

    return preds8[:nprops]

# --- scband reference (transcript-rebuilt; emitter-appended) ---
"""Pipeline reference for scband-cgcnn-multi-task-51771535786263 (READ-ONLY COPY).

The authoritative reference and input builder live on the scoring server;
editing this copy changes nothing except your own understanding.
"""

import jax, jax.numpy as jnp
import numpy as np

N = 10000
E = 320000
D_IN = 128
D_EDGE = 16
H = 128
G = 64
N_CONV = 3
N_PROPS = 3


def _linear(key, din, dout):
    k1, k2 = jax.random.split(key)
    bound = 1.0 / np.sqrt(din)
    return {
        "W": jax.random.uniform(k1, (din, dout), minval=-bound, maxval=bound, dtype=jnp.float32),
        "b": jax.random.uniform(k2, (dout,), minval=-bound, maxval=bound, dtype=jnp.float32),
    }


def setup_inputs(seed: int = 0) -> dict:
    key = jax.random.key(seed)
    keys = list(jax.random.split(key, 64))
    it = iter(keys)
    x = jax.random.normal(next(it), (N, D_IN), dtype=jnp.float32)
    edge_index = jax.random.randint(next(it), (2, E), 0, N)
    edge_attr = jax.random.normal(next(it), (E, D_EDGE), dtype=jnp.float32)
    batch = jnp.sort(jax.random.randint(next(it), (N,), 0, G))
    params = {
        "node_emb": _linear(next(it), D_IN, H),
        "edge_emb": _linear(next(it), D_EDGE, H),
        "convs": [
            {
                "edge_l1": _linear(next(it), 3 * H, 2 * H),
                "edge_l2": _linear(next(it), 2 * H, H),
                "node_l1": _linear(next(it), 2 * H, H),
            }
            for _ in range(N_CONV)
        ],
        "shared": [_linear(next(it), H, H) for _ in range(2)],
        "heads": [
            [_linear(next(it), H, H), _linear(next(it), H, H), _linear(next(it), H, 1)]
            for _ in range(N_PROPS)
        ],
    }
    return {"x": x, "edge_index": edge_index, "edge_attr": edge_attr, "batch": batch, "params": params}


def _lin(p, x):
    return x @ p["W"] + p["b"]


def _forward(x, edge_attr, params, edge_index, batch):
    sp = jax.nn.softplus
    h = _lin(params["node_emb"], x)
    e = _lin(params["edge_emb"], edge_attr)
    row, col = edge_index[0], edge_index[1]
    for cp in params["convs"]:
        edge_input = jnp.concatenate([h[row], h[col], e], axis=-1)
        edge_emb = sp(_lin(cp["edge_l2"], sp(_lin(cp["edge_l1"], edge_input))))
        aggr = jnp.zeros_like(h).at[col].add(edge_emb)
        node_input = jnp.concatenate([h, aggr], axis=-1)
        h = sp(_lin(cp["node_l1"], node_input)) + h
    sums = jax.ops.segment_sum(h, batch, num_segments=G)
    counts = jax.ops.segment_sum(jnp.ones((h.shape[0], 1), dtype=h.dtype), batch, num_segments=G)
    pooled = sums / jnp.clip(counts, 1.0)
    s = pooled
    for lp in params["shared"]:
        s = sp(_lin(lp, s))
    preds = []
    for head in params["heads"]:
        t = s
        for lp in head[:-1]:
            t = sp(_lin(lp, t))
        t = _lin(head[-1], t)
        preds.append(t.squeeze(-1))
    return jnp.stack(preds, axis=0)


def reference(x, edge_index, edge_attr, batch, params):
    return _forward(x, edge_attr, params, edge_index, batch)

if __name__ == "__main__":
    import jax
    _d = setup_inputs()
    print(jax.jit(kernel)(*tuple(_d.values())))

</pallas_src>

<mosaic_0001>
#map = affine_map<(d0, d1) -> (0, 0)>
#map1 = affine_map<(d0, d1) -> (0)>
#map2 = affine_map<(d0, d1) -> (0, 0, 0)>
module attributes {stable_mosaic.version = 14 : i64} {
  func.func @scatter_kernel(%arg0: i32, %arg1: i32, %arg2: memref<320000x128xf32, #tpu.memory_space<hbm>>, %arg3: memref<320000xi32, #tpu.memory_space<hbm>>, %arg4: memref<2x10240x128xf32, #tpu.memory_space<hbm>>, %arg5: memref<10240x128xf32, #tpu.memory_space<vmem_shared>>, %arg6: memref<40x128xf32, #tpu.memory_space<vmem>>, %arg7: memref<80xi32, #tpu.memory_space<vmem>>, %arg8: memref<80xi32, #tpu.memory_space<vmem>>, %arg9: memref<2x80x128xf32, #tpu.memory_space<vmem>>, %arg10: memref<!tpu.dma_semaphore, #tpu.memory_space<semaphore_mem>>, %arg11: memref<!tpu.dma_semaphore, #tpu.memory_space<semaphore_mem>>, %arg12: memref<!tpu.dma_semaphore, #tpu.memory_space<semaphore_mem>>, %arg13: memref<!tpu.dma_semaphore, #tpu.memory_space<semaphore_mem>>) attributes {dimension_semantics = [#tpu.dimension_semantics<core_parallel>, #tpu.dimension_semantics<subcore_parallel>], iteration_bounds = array<i64: 2, 16>, scalar_prefetch = 0 : i64, scratch_operands = 9 : i64, tpu.core_type = #tpu.core_type<sc_vector_subcore>, window_params = [{transform_indices = #map}, {transform_indices = #map1}, {transform_indices = #map2}]} {
    %mul3A = arith.constant 160000 : i32
    %mul3A_0 = arith.muli %arg0, %mul3A : i32
    %mul3A_1 = arith.constant 10000 : i32
    %mul3A_2 = arith.muli %arg1, %mul3A_1 : i32
    %add3A = arith.addi %mul3A_0, %mul3A_2 : i32
    %add3A_3 = arith.constant 0 : i32
    %add3A_4 = arith.addi %add3A, %add3A_3 : i32
    %dma_start3A = tpu.memref_slice %arg3[%add3A_4] : memref<320000xi32, #tpu.memory_space<hbm>> -> memref<80xi32, #tpu.memory_space<hbm>>
    %dma_start3A_5 = tpu.memref_slice %arg3[%add3A_4] : memref<320000xi32, #tpu.memory_space<hbm>> -> memref<80xi32, #tpu.memory_space<hbm>>
    tpu.enqueue_dma source(%dma_start3A_5 : memref<80xi32, #tpu.memory_space<hbm>>) target(%arg7 : memref<80xi32, #tpu.memory_space<vmem>>) target_semaphore(%arg12 : memref<!tpu.dma_semaphore, #tpu.memory_space<semaphore_mem>>)
    %dma_start3A_6 = arith.constant 0 : i32
    %dma_start3A_7 = arith.constant 0 : i32
    %dma_start3A_8 = arith.constant 0 : i32
    %dma_start3A_9 = tpu.memref_slice %arg9[%dma_start3A_6, %dma_start3A_7, %dma_start3A_8] : memref<2x80x128xf32, #tpu.memory_space<vmem>> -> memref<1x80x128xf32, #tpu.memory_space<vmem>>
    %dma_start3A_10 = tpu.memref_squeeze %dma_start3A_9 : memref<1x80x128xf32, #tpu.memory_space<vmem>> -> memref<80x128xf32, #tpu.memory_space<vmem>>
    %dma_start3A_11 = arith.constant 0 : i32
    %dma_start3A_12 = tpu.memref_slice %arg2[%add3A_4, %dma_start3A_11] : memref<320000x128xf32, #tpu.memory_space<hbm>> -> memref<80x128xf32, #tpu.memory_space<hbm>>
    %dma_start3A_13 = arith.constant 0 : i32
    %dma_start3A_14 = arith.constant 0 : i32
    %dma_start3A_15 = tpu.memref_slice %arg9[%dma_start3A_6, %dma_start3A_13, %dma_start3A_14] : memref<2x80x128xf32, #tpu.memory_space<vmem>> -> memref<1x80x128xf32, #tpu.memory_space<vmem>>
    %dma_start3A_16 = tpu.memref_squeeze %dma_start3A_15 : memref<1x80x128xf32, #tpu.memory_space<vmem>> -> memref<80x128xf32, #tpu.memory_space<vmem>>
    %dma_start3A_17 = arith.constant 0 : i32
    %dma_start3A_18 = tpu.memref_slice %arg2[%add3A_4, %dma_start3A_17] : memref<320000x128xf32, #tpu.memory_space<hbm>> -> memref<80x128xf32, #tpu.memory_space<hbm>>
    tpu.enqueue_dma source(%dma_start3A_18 : memref<80x128xf32, #tpu.memory_space<hbm>>) target(%dma_start3A_16 : memref<80x128xf32, #tpu.memory_space<vmem>>) target_semaphore(%arg10 : memref<!tpu.dma_semaphore, #tpu.memory_space<semaphore_mem>>)
    %broadcast_in_dim3A = arith.constant 0.000000e+00 : f32
    %broadcast_in_dim3A_19 = vector.broadcast %broadcast_in_dim3A : f32 to vector<16xf32>
    %scan3A = arith.constant 0 : i32
    %scan3A_20 = arith.constant 0 : i32
    %scan3A_21 = arith.constant 40 : i32
    %scan3A_22 = arith.addi %scan3A_20, %scan3A_21 : i32
    %scan3A_23 = arith.constant 1 : i32
    scf.for %scan3A_56 = %scan3A_20 to %scan3A_22 step %scan3A_23  : i32 {
      %scan3A_57 = arith.constant 0 : i32
      %scan3A_58 = arith.constant 8 : i32
      %scan3A_59 = arith.addi %scan3A_57, %scan3A_58 : i32
      %scan3A_60 = arith.constant 1 : i32
      scf.for %scan3A_62 = %scan3A_57 to %scan3A_59 step %scan3A_60  : i32 {
        %mul3A_63 = arith.constant 16 : i32
        %mul3A_64 = arith.muli %scan3A_62, %mul3A_63 : i32
        %swap3A = arith.index_cast %scan3A_56 : i32 to index
        %swap3A_65 = arith.index_cast %mul3A_64 : i32 to index
        %swap3A_66 = tpu.vector_load %arg6[%swap3A, %swap3A_65] {strides = array<i32>} : memref<40x128xf32, #tpu.memory_space<vmem>>, vector<1x16xf32>,
        %swap3A_67 = vector.shape_cast %swap3A_66 : vector<1x16xf32> to vector<16xf32>
        %swap3A_68 = vector.shape_cast %broadcast_in_dim3A_19 : vector<16xf32> to vector<1x16xf32>
        tpu.vector_store %arg6[%swap3A, %swap3A_65], %swap3A_68 {strides = array<i32>} : memref<40x128xf32, #tpu.memory_space<vmem>>, vector<1x16xf32>,
      }
      %scan3A_61 = arith.constant 8 : i32
    }
    %scan3A_24 = arith.constant 40 : i32
    %scan3A_25 = arith.constant 0 : i32
    %scan3A_26 = arith.constant 0 : i32
    %scan3A_27 = arith.constant 16 : i32
    %scan3A_28 = arith.addi %scan3A_26, %scan3A_27 : i32
    %scan3A_29 = arith.constant 1 : i32
    scf.for %scan3A_56 = %scan3A_26 to %scan3A_28 step %scan3A_29  : i32 {
      %mul3A_57 = arith.constant 640 : i32
      %mul3A_58 = arith.muli %arg1, %mul3A_57 : i32
      %mul3A_59 = arith.constant 40 : i32
      %mul3A_60 = arith.muli %scan3A_56, %mul3A_59 : i32
      %add3A_61 = arith.addi %mul3A_58, %mul3A_60 : i32
      "tpu.region"() ({
        %run_scoped3A_62 = tpu.sem_alloc : memref<!tpu.dma_semaphore, #tpu.memory_space<semaphore_mem>>
        %dma_start3A_63 = arith.constant 0 : i32
        %dma_start3A_64 = tpu.memref_slice %arg5[%add3A_61, %dma_start3A_63] : memref<10240x128xf32, #tpu.memory_space<vmem_shared>> -> memref<40x128xf32, #tpu.memory_space<vmem_shared>>
        %dma_start3A_65 = arith.constant 0 : i32
        %dma_start3A_66 = tpu.memref_slice %arg5[%add3A_61, %dma_start3A_65] : memref<10240x128xf32, #tpu.memory_space<vmem_shared>> -> memref<40x128xf32, #tpu.memory_space<vmem_shared>>
        tpu.enqueue_dma source(%arg6 : memref<40x128xf32, #tpu.memory_space<vmem>>) target(%dma_start3A_66 : memref<40x128xf32, #tpu.memory_space<vmem_shared>>) target_semaphore(%run_scoped3A_62 : memref<!tpu.dma_semaphore, #tpu.memory_space<semaphore_mem>>)
        %dma_wait3A_67 = arith.constant 0 : i32
        %dma_wait3A_68 = tpu.memref_slice %arg5[%add3A_61, %dma_wait3A_67] : memref<10240x128xf32, #tpu.memory_space<vmem_shared>> -> memref<40x128xf32, #tpu.memory_space<vmem_shared>>
        %dma_wait3A_69 = arith.constant 0 : i32
        %dma_wait3A_70 = tpu.memref_slice %arg5[%add3A_61, %dma_wait3A_69] : memref<10240x128xf32, #tpu.memory_space<vmem_shared>> -> memref<40x128xf32, #tpu.memory_space<vmem_shared>>
        tpu.wait_dma2 semaphore(%run_scoped3A_62 : memref<!tpu.dma_semaphore, #tpu.memory_space<semaphore_mem>>) src(%arg6 : memref<40x128xf32, #tpu.memory_space<vmem>>) dst(%dma_wait3A_70 : memref<40x128xf32, #tpu.memory_space<vmem_shared>>)
        tpu.yield
      }) : () -> ()
    }
    %scan3A_30 = arith.constant 16 : i32
    %barrier3A = arith.constant 0 : index
    tpu.barrier barrier_id(%barrier3A)
    %scan3A_31 = arith.constant 0 : i32
    %scan3A_32 = arith.constant 0 : i32
    %scan3A_33 = arith.constant 62 : i32
    %scan3A_34 = arith.addi %scan3A_32, %scan3A_33 : i32
    %scan3A_35 = arith.constant 1 : i32
    scf.for %scan3A_56 = %scan3A_32 to %scan3A_34 step %scan3A_35  : i32 {
      %mul3A_57 = arith.constant 2 : i32
      %mul3A_58 = arith.muli %mul3A_57, %scan3A_56 : i32
      %add3A_59 = arith.constant 0 : i32
      %add3A_60 = arith.addi %mul3A_58, %add3A_59 : i32
      %add3A_61 = arith.constant 1 : i32
      %add3A_62 = arith.addi %add3A_60, %add3A_61 : i32
      %lt3A = arith.constant 125 : i32
      %lt3A_63 = arith.cmpi slt, %add3A_62, %lt3A : i32
      %convert_element_type3A = arith.extui %lt3A_63 : i1 to i32
      %cond3A = arith.constant 0 : i32
      %cond3A_64 = arith.cmpi ne, %convert_element_type3A, %cond3A : i32
      scf.if %cond3A_64 {
        %add3A_114 = arith.constant 1 : i32
        %add3A_115 = arith.addi %add3A_60, %add3A_114 : i32
        %mul3A_116 = arith.constant 80 : i32
        %mul3A_117 = arith.muli %add3A_115, %mul3A_116 : i32
        %add3A_118 = arith.addi %add3A, %mul3A_117 : i32
        %dma_start3A_119 = tpu.memref_slice %arg3[%add3A_118] : memref<320000xi32, #tpu.memory_space<hbm>> -> memref<80xi32, #tpu.memory_space<hbm>>
        %dma_start3A_120 = tpu.memref_slice %arg3[%add3A_118] : memref<320000xi32, #tpu.memory_space<hbm>> -> memref<80xi32, #tpu.memory_space<hbm>>
        tpu.enqueue_dma source(%dma_start3A_120 : memref<80xi32, #tpu.memory_space<hbm>>) target(%arg8 : memref<80xi32, #tpu.memory_space<vmem>>) target_semaphore(%arg13 : memref<!tpu.dma_semaphore, #tpu.memory_space<semaphore_mem>>)
        %dma_start3A_121 = arith.constant 1 : i32
        %dma_start3A_122 = arith.constant 0 : i32
        %dma_start3A_123 = arith.constant 0 : i32
        %dma_start3A_124 = tpu.memref_slice %arg9[%dma_start3A_121, %dma_start3A_122, %dma_start3A_123] : memref<2x80x128xf32, #tpu.memory_space<vmem>> -> memref<1x80x128xf32, #tpu.memory_space<vmem>>
        %dma_start3A_125 = tpu.memref_squeeze %dma_start3A_124 : memref<1x80x128xf32, #tpu.memory_space<vmem>> -> memref<80x128xf32, #tpu.memory_space<vmem>>
        %dma_start3A_126 = arith.constant 0 : i32
        %dma_start3A_127 = tpu.memref_slice %arg2[%add3A_118, %dma_start3A_126] : memref<320000x128xf32, #tpu.memory_space<hbm>> -> memref<80x128xf32, #tpu.memory_space<hbm>>
        %dma_start3A_128 = arith.constant 0 : i32
        %dma_start3A_129 = arith.constant 0 : i32
        %dma_start3A_130 = tpu.memref_slice %arg9[%dma_start3A_121, %dma_start3A_128, %dma_start3A_129] : memref<2x80x128xf32, #tpu.memory_space<vmem>> -> memref<1x80x128xf32, #tpu.memory_space<vmem>>
        %dma_start3A_131 = tpu.memref_squeeze %dma_start3A_130 : memref<1x80x128xf32, #tpu.memory_space<vmem>> -> memref<80x128xf32, #tpu.memory_space<vmem>>
        %dma_start3A_132 = arith.constant 0 : i32
        %dma_start3A_133 = tpu.memref_slice %arg2[%add3A_118, %dma_start3A_132] : memref<320000x128xf32, #tpu.memory_space<hbm>> -> memref<80x128xf32, #tpu.memory_space<hbm>>
        tpu.enqueue_dma source(%dma_start3A_133 : memref<80x128xf32, #tpu.memory_space<hbm>>) target(%dma_start3A_131 : memref<80x128xf32, #tpu.memory_space<vmem>>) target_semaphore(%arg11 : memref<!tpu.dma_semaphore, #tpu.memory_space<semaphore_mem>>)
      } else {
      }
      %mul3A_65 = arith.constant 80 : i32
      %mul3A_66 = arith.muli %add3A_60, %mul3A_65 : i32
      %add3A_67 = arith.addi %add3A, %mul3A_66 : i32
      %dma_wait3A_68 = tpu.memref_slice %arg3[%add3A_67] : memref<320000xi32, #tpu.memory_space<hbm>> -> memref<80xi32, #tpu.memory_space<hbm>>
      %dma_wait3A_69 = tpu.memref_slice %arg3[%add3A_67] : memref<320000xi32, #tpu.memory_space<hbm>> -> memref<80xi32, #tpu.memory_space<hbm>>
      tpu.wait_dma2 semaphore(%arg12 : memref<!tpu.dma_semaphore, #tpu.memory_space<semaphore_mem>>) src(%dma_wait3A_69 : memref<80xi32, #tpu.memory_space<hbm>>) dst(%arg7 : memref<80xi32, #tpu.memory_space<vmem>>)
      %dma_wait3A_70 = arith.constant 0 : i32
      %dma_wait3A_71 = arith.constant 0 : i32
      %dma_wait3A_72 = arith.constant 0 : i32
      %dma_wait3A_73 = tpu.memref_slice %arg9[%dma_wait3A_70, %dma_wait3A_71, %dma_wait3A_72] : memref<2x80x128xf32, #tpu.memory_space<vmem>> -> memref<1x80x128xf32, #tpu.memory_space<vmem>>
      %dma_wait3A_74 = tpu.memref_squeeze %dma_wait3A_73 : memref<1x80x128xf32, #tpu.memory_space<vmem>> -> memref<80x128xf32, #tpu.memory_space<vmem>>
      %dma_wait3A_75 = arith.constant 0 : i32
      %dma_wait3A_76 = tpu.memref_slice %arg2[%add3A_67, %dma_wait3A_75] : memref<320000x128xf32, #tpu.memory_space<hbm>> -> memref<80x128xf32, #tpu.memory_space<hbm>>
      %dma_wait3A_77 = arith.constant 0 : i32
      %dma_wait3A_78 = arith.constant 0 : i32
      %dma_wait3A_79 = tpu.memref_slice %arg9[%dma_wait3A_70, %dma_wait3A_77, %dma_wait3A_78] : memref<2x80x128xf32, #tpu.memory_space<vmem>> -> memref<1x80x128xf32, #tpu.memory_space<vmem>>
      %dma_wait3A_80 = tpu.memref_squeeze %dma_wait3A_79 : memref<1x80x128xf32, #tpu.memory_space<vmem>> -> memref<80x128xf32, #tpu.memory_space<vmem>>
      %dma_wait3A_81 = arith.constant 0 : i32
      %dma_wait3A_82 = tpu.memref_slice %arg2[%add3A_67, %dma_wait3A_81] : memref<320000x128xf32, #tpu.memory_space<hbm>> -> memref<80x128xf32, #tpu.memory_space<hbm>>
      tpu.wait_dma2 semaphore(%arg10 : memref<!tpu.dma_semaphore, #tpu.memory_space<semaphore_mem>>) src(%dma_wait3A_82 : memref<80x128xf32, #tpu.memory_space<hbm>>) dst(%dma_wait3A_80 : memref<80x128xf32, #tpu.memory_space<vmem>>)
      %run_scoped3A_83 = arith.constant 0 : i32
      "tpu.region"() ({
        %run_scoped3A_114 = tpu.sem_alloc : memref<!tpu.dma_semaphore, #tpu.memory_space<semaphore_mem>>
        %dma_start3A_115 = arith.constant 0 : i32
        %dma_start3A_116 = arith.constant 0 : i32
        %dma_start3A_117 = tpu.memref_slice %arg9[%run_scoped3A_83, %dma_start3A_115, %dma_start3A_116] : memref<2x80x128xf32, #tpu.memory_space<vmem>> -> memref<1x80x128xf32, #tpu.memory_space<vmem>>
        %dma_start3A_118 = tpu.memref_squeeze %dma_start3A_117 : memref<1x80x128xf32, #tpu.memory_space<vmem>> -> memref<80x128xf32, #tpu.memory_space<vmem>>
        %dma_start3A_119 = arith.constant 0 : i32
        %dma_start3A_120 = arith.constant 0 : i32
        %dma_start3A_121 = tpu.memref_slice %arg5[%dma_start3A_119, %dma_start3A_120] : memref<10240x128xf32, #tpu.memory_space<vmem_shared>> -> memref<10240x128xf32, #tpu.memory_space<vmem_shared>>
        tpu.enqueue_indirect_dma source(%dma_start3A_118 : memref<80x128xf32, #tpu.memory_space<vmem>>) target(%dma_start3A_121 : memref<10240x128xf32, #tpu.memory_space<vmem_shared>>) offsets(%arg7 : memref<80xi32, #tpu.memory_space<vmem>>) semaphore(%run_scoped3A_114 : memref<!tpu.dma_semaphore, #tpu.memory_space<semaphore_mem>>) {add = true}
        %dma_wait3A_122 = arith.constant 0 : i32
        %dma_wait3A_123 = arith.constant 0 : i32
        %dma_wait3A_124 = tpu.memref_slice %arg9[%run_scoped3A_83, %dma_wait3A_122, %dma_wait3A_123] : memref<2x80x128xf32, #tpu.memory_space<vmem>> -> memref<1x80x128xf32, #tpu.memory_space<vmem>>
        %dma_wait3A_125 = tpu.memref_squeeze %dma_wait3A_124 : memref<1x80x128xf32, #tpu.memory_space<vmem>> -> memref<80x128xf32, #tpu.memory_space<vmem>>
        %dma_wait3A_126 = arith.constant 0 : i32
        %dma_wait3A_127 = arith.constant 0 : i32
        %dma_wait3A_128 = tpu.memref_slice %arg5[%dma_wait3A_126, %dma_wait3A_127] : memref<10240x128xf32, #tpu.memory_space<vmem_shared>> -> memref<10240x128xf32, #tpu.memory_space<vmem_shared>>
        tpu.wait_indirect_dma semaphore(%run_scoped3A_114 : memref<!tpu.dma_semaphore, #tpu.memory_space<semaphore_mem>>) src(%dma_wait3A_125 : memref<80x128xf32, #tpu.memory_space<vmem>>) dst(%dma_wait3A_128 : memref<10240x128xf32, #tpu.memory_space<vmem_shared>>)
        tpu.yield
      }) : () -> ()
      %mul3A_84 = arith.constant 2 : i32
      %mul3A_85 = arith.muli %mul3A_84, %scan3A_56 : i32
      %add3A_86 = arith.constant 1 : i32
      %add3A_87 = arith.addi %mul3A_85, %add3A_86 : i32
      %add3A_88 = arith.constant 1 : i32
      %add3A_89 = arith.addi %add3A_87, %add3A_88 : i32
      %lt3A_90 = arith.constant 125 : i32
      %lt3A_91 = arith.cmpi slt, %add3A_89, %lt3A_90 : i32
      %convert_element_type3A_92 = arith.extui %lt3A_91 : i1 to i32
      %cond3A_93 = arith.constant 0 : i32
      %cond3A_94 = arith.cmpi ne, %convert_element_type3A_92, %cond3A_93 : i32
      scf.if %cond3A_94 {
        %add3A_114 = arith.constant 1 : i32
        %add3A_115 = arith.addi %add3A_87, %add3A_114 : i32
        %mul3A_116 = arith.constant 80 : i32
        %mul3A_117 = arith.muli %add3A_115, %mul3A_116 : i32
        %add3A_118 = arith.addi %add3A, %mul3A_117 : i32
        %dma_start3A_119 = tpu.memref_slice %arg3[%add3A_118] : memref<320000xi32, #tpu.memory_space<hbm>> -> memref<80xi32, #tpu.memory_space<hbm>>
        %dma_start3A_120 = tpu.memref_slice %arg3[%add3A_118] : memref<320000xi32, #tpu.memory_space<hbm>> -> memref<80xi32, #tpu.memory_space<hbm>>
        tpu.enqueue_dma source(%dma_start3A_120 : memref<80xi32, #tpu.memory_space<hbm>>) target(%arg7 : memref<80xi32, #tpu.memory_space<vmem>>) target_semaphore(%arg12 : memref<!tpu.dma_semaphore, #tpu.memory_space<semaphore_mem>>)
        %dma_start3A_121 = arith.constant 0 : i32
        %dma_start3A_122 = arith.constant 0 : i32
        %dma_start3A_123 = arith.constant 0 : i32
        %dma_start3A_124 = tpu.memref_slice %arg9[%dma_start3A_121, %dma_start3A_122, %dma_start3A_123] : memref<2x80x128xf32, #tpu.memory_space<vmem>> -> memref<1x80x128xf32, #tpu.memory_space<vmem>>
        %dma_start3A_125 = tpu.memref_squeeze %dma_start3A_124 : memref<1x80x128xf32, #tpu.memory_space<vmem>> -> memref<80x128xf32, #tpu.memory_space<vmem>>
        %dma_start3A_126 = arith.constant 0 : i32
        %dma_start3A_127 = tpu.memref_slice %arg2[%add3A_118, %dma_start3A_126] : memref<320000x128xf32, #tpu.memory_space<hbm>> -> memref<80x128xf32, #tpu.memory_space<hbm>>
        %dma_start3A_128 = arith.constant 0 : i32
        %dma_start3A_129 = arith.constant 0 : i32
        %dma_start3A_130 = tpu.memref_slice %arg9[%dma_start3A_121, %dma_start3A_128, %dma_start3A_129] : memref<2x80x128xf32, #tpu.memory_space<vmem>> -> memref<1x80x128xf32, #tpu.memory_space<vmem>>
        %dma_start3A_131 = tpu.memref_squeeze %dma_start3A_130 : memref<1x80x128xf32, #tpu.memory_space<vmem>> -> memref<80x128xf32, #tpu.memory_space<vmem>>
        %dma_start3A_132 = arith.constant 0 : i32
        %dma_start3A_133 = tpu.memref_slice %arg2[%add3A_118, %dma_start3A_132] : memref<320000x128xf32, #tpu.memory_space<hbm>> -> memref<80x128xf32, #tpu.memory_space<hbm>>
        tpu.enqueue_dma source(%dma_start3A_133 : memref<80x128xf32, #tpu.memory_space<hbm>>) target(%dma_start3A_131 : memref<80x128xf32, #tpu.memory_space<vmem>>) target_semaphore(%arg10 : memref<!tpu.dma_semaphore, #tpu.memory_space<semaphore_mem>>)
      } else {
      }
      %mul3A_95 = arith.constant 80 : i32
      %mul3A_96 = arith.muli %add3A_87, %mul3A_95 : i32
      %add3A_97 = arith.addi %add3A, %mul3A_96 : i32
      %dma_wait3A_98 = tpu.memref_slice %arg3[%add3A_97] : memref<320000xi32, #tpu.memory_space<hbm>> -> memref<80xi32, #tpu.memory_space<hbm>>
      %dma_wait3A_99 = tpu.memref_slice %arg3[%add3A_97] : memref<320000xi32, #tpu.memory_space<hbm>> -> memref<80xi32, #tpu.memory_space<hbm>>
      tpu.wait_dma2 semaphore(%arg13 : memref<!tpu.dma_semaphore, #tpu.memory_space<semaphore_mem>>) src(%dma_wait3A_99 : memref<80xi32, #tpu.memory_space<hbm>>) dst(%arg8 : memref<80xi32, #tpu.memory_space<vmem>>)
      %dma_wait3A_100 = arith.constant 1 : i32
      %dma_wait3A_101 = arith.constant 0 : i32
      %dma_wait3A_102 = arith.constant 0 : i32
      %dma_wait3A_103 = tpu.memref_slice %arg9[%dma_wait3A_100, %dma_wait3A_101, %dma_wait3A_102] : memref<2x80x128xf32, #tpu.memory_space<vmem>> -> memref<1x80x128xf32, #tpu.memory_space<vmem>>
      %dma_wait3A_104 = tpu.memref_squeeze %dma_wait3A_103 : memref<1x80x128xf32, #tpu.memory_space<vmem>> -> memref<80x128xf32, #tpu.memory_space<vmem>>
      %dma_wait3A_105 = arith.constant 0 : i32
      %dma_wait3A_106 = tpu.memref_slice %arg2[%add3A_97, %dma_wait3A_105] : memref<320000x128xf32, #tpu.memory_space<hbm>> -> memref<80x128xf32, #tpu.memory_space<hbm>>
      %dma_wait3A_107 = arith.constant 0 : i32
      %dma_wait3A_108 = arith.constant 0 : i32
      %dma_wait3A_109 = tpu.memref_slice %arg9[%dma_wait3A_100, %dma_wait3A_107, %dma_wait3A_108] : memref<2x80x128xf32, #tpu.memory_space<vmem>> -> memref<1x80x128xf32, #tpu.memory_space<vmem>>
      %dma_wait3A_110 = tpu.memref_squeeze %dma_wait3A_109 : memref<1x80x128xf32, #tpu.memory_space<vmem>> -> memref<80x128xf32, #tpu.memory_space<vmem>>
      %dma_wait3A_111 = arith.constant 0 : i32
      %dma_wait3A_112 = tpu.memref_slice %arg2[%add3A_97, %dma_wait3A_111] : memref<320000x128xf32, #tpu.memory_space<hbm>> -> memref<80x128xf32, #tpu.memory_space<hbm>>
      tpu.wait_dma2 semaphore(%arg11 : memref<!tpu.dma_semaphore, #tpu.memory_space<semaphore_mem>>) src(%dma_wait3A_112 : memref<80x128xf32, #tpu.memory_space<hbm>>) dst(%dma_wait3A_110 : memref<80x128xf32, #tpu.memory_space<vmem>>)
      %run_scoped3A_113 = arith.constant 1 : i32
      "tpu.region"() ({
        %run_scoped3A_114 = tpu.sem_alloc : memref<!tpu.dma_semaphore, #tpu.memory_space<semaphore_mem>>
        %dma_start3A_115 = arith.constant 0 : i32
        %dma_start3A_116 = arith.constant 0 : i32
        %dma_start3A_117 = tpu.memref_slice %arg9[%run_scoped3A_113, %dma_start3A_115, %dma_start3A_116] : memref<2x80x128xf32, #tpu.memory_space<vmem>> -> memref<1x80x128xf32, #tpu.memory_space<vmem>>
        %dma_start3A_118 = tpu.memref_squeeze %dma_start3A_117 : memref<1x80x128xf32, #tpu.memory_space<vmem>> -> memref<80x128xf32, #tpu.memory_space<vmem>>
        %dma_start3A_119 = arith.constant 0 : i32
        %dma_start3A_120 = arith.constant 0 : i32
        %dma_start3A_121 = tpu.memref_slice %arg5[%dma_start3A_119, %dma_start3A_120] : memref<10240x128xf32, #tpu.memory_space<vmem_shared>> -> memref<10240x128xf32, #tpu.memory_space<vmem_shared>>
        tpu.enqueue_indirect_dma source(%dma_start3A_118 : memref<80x128xf32, #tpu.memory_space<vmem>>) target(%dma_start3A_121 : memref<10240x128xf32, #tpu.memory_space<vmem_shared>>) offsets(%arg8 : memref<80xi32, #tpu.memory_space<vmem>>) semaphore(%run_scoped3A_114 : memref<!tpu.dma_semaphore, #tpu.memory_space<semaphore_mem>>) {add = true}
        %dma_wait3A_122 = arith.constant 0 : i32
        %dma_wait3A_123 = arith.constant 0 : i32
        %dma_wait3A_124 = tpu.memref_slice %arg9[%run_scoped3A_113, %dma_wait3A_122, %dma_wait3A_123] : memref<2x80x128xf32, #tpu.memory_space<vmem>> -> memref<1x80x128xf32, #tpu.memory_space<vmem>>
        %dma_wait3A_125 = tpu.memref_squeeze %dma_wait3A_124 : memref<1x80x128xf32, #tpu.memory_space<vmem>> -> memref<80x128xf32, #tpu.memory_space<vmem>>
        %dma_wait3A_126 = arith.constant 0 : i32
        %dma_wait3A_127 = arith.constant 0 : i32
        %dma_wait3A_128 = tpu.memref_slice %arg5[%dma_wait3A_126, %dma_wait3A_127] : memref<10240x128xf32, #tpu.memory_space<vmem_shared>> -> memref<10240x128xf32, #tpu.memory_space<vmem_shared>>
        tpu.wait_indirect_dma semaphore(%run_scoped3A_114 : memref<!tpu.dma_semaphore, #tpu.memory_space<semaphore_mem>>) src(%dma_wait3A_125 : memref<80x128xf32, #tpu.memory_space<vmem>>) dst(%dma_wait3A_128 : memref<10240x128xf32, #tpu.memory_space<vmem_shared>>)
        tpu.yield
      }) : () -> ()
    }
    %scan3A_36 = arith.constant 62 : i32
    %add3A_37 = arith.constant 9920 : i32
    %add3A_38 = arith.addi %add3A, %add3A_37 : i32
    %dma_wait3A = tpu.memref_slice %arg3[%add3A_38] : memref<320000xi32, #tpu.memory_space<hbm>> -> memref<80xi32, #tpu.memory_space<hbm>>
    %dma_wait3A_39 = tpu.memref_slice %arg3[%add3A_38] : memref<320000xi32, #tpu.memory_space<hbm>> -> memref<80xi32, #tpu.memory_space<hbm>>
    tpu.wait_dma2 semaphore(%arg12 : memref<!tpu.dma_semaphore, #tpu.memory_space<semaphore_mem>>) src(%dma_wait3A_39 : memref<80xi32, #tpu.memory_space<hbm>>) dst(%arg7 : memref<80xi32, #tpu.memory_space<vmem>>)
    %dma_wait3A_40 = arith.constant 0 : i32
    %dma_wait3A_41 = arith.constant 0 : i32
    %dma_wait3A_42 = arith.constant 0 : i32
    %dma_wait3A_43 = tpu.memref_slice %arg9[%dma_wait3A_40, %dma_wait3A_41, %dma_wait3A_42] : memref<2x80x128xf32, #tpu.memory_space<vmem>> -> memref<1x80x128xf32, #tpu.memory_space<vmem>>
    %dma_wait3A_44 = tpu.memref_squeeze %dma_wait3A_43 : memref<1x80x128xf32, #tpu.memory_space<vmem>> -> memref<80x128xf32, #tpu.memory_space<vmem>>
    %dma_wait3A_45 = arith.constant 0 : i32
    %dma_wait3A_46 = tpu.memref_slice %arg2[%add3A_38, %dma_wait3A_45] : memref<320000x128xf32, #tpu.memory_space<hbm>> -> memref<80x128xf32, #tpu.memory_space<hbm>>
    %dma_wait3A_47 = arith.constant 0 : i32
    %dma_wait3A_48 = arith.constant 0 : i32
    %dma_wait3A_49 = tpu.memref_slice %arg9[%dma_wait3A_40, %dma_wait3A_47, %dma_wait3A_48] : memref<2x80x128xf32, #tpu.memory_space<vmem>> -> memref<1x80x128xf32, #tpu.memory_space<vmem>>
    %dma_wait3A_50 = tpu.memref_squeeze %dma_wait3A_49 : memref<1x80x128xf32, #tpu.memory_space<vmem>> -> memref<80x128xf32, #tpu.memory_space<vmem>>
    %dma_wait3A_51 = arith.constant 0 : i32
    %dma_wait3A_52 = tpu.memref_slice %arg2[%add3A_38, %dma_wait3A_51] : memref<320000x128xf32, #tpu.memory_space<hbm>> -> memref<80x128xf32, #tpu.memory_space<hbm>>
    tpu.wait_dma2 semaphore(%arg10 : memref<!tpu.dma_semaphore, #tpu.memory_space<semaphore_mem>>) src(%dma_wait3A_52 : memref<80x128xf32, #tpu.memory_space<hbm>>) dst(%dma_wait3A_50 : memref<80x128xf32, #tpu.memory_space<vmem>>)
    %run_scoped3A = arith.constant 0 : i32
    "tpu.region"() ({
      %run_scoped3A_56 = tpu.sem_alloc : memref<!tpu.dma_semaphore, #tpu.memory_space<semaphore_mem>>
      %dma_start3A_57 = arith.constant 0 : i32
      %dma_start3A_58 = arith.constant 0 : i32
      %dma_start3A_59 = tpu.memref_slice %arg9[%run_scoped3A, %dma_start3A_57, %dma_start3A_58] : memref<2x80x128xf32, #tpu.memory_space<vmem>> -> memref<1x80x128xf32, #tpu.memory_space<vmem>>
      %dma_start3A_60 = tpu.memref_squeeze %dma_start3A_59 : memref<1x80x128xf32, #tpu.memory_space<vmem>> -> memref<80x128xf32, #tpu.memory_space<vmem>>
      %dma_start3A_61 = arith.constant 0 : i32
      %dma_start3A_62 = arith.constant 0 : i32
      %dma_start3A_63 = tpu.memref_slice %arg5[%dma_start3A_61, %dma_start3A_62] : memref<10240x128xf32, #tpu.memory_space<vmem_shared>> -> memref<10240x128xf32, #tpu.memory_space<vmem_shared>>
      tpu.enqueue_indirect_dma source(%dma_start3A_60 : memref<80x128xf32, #tpu.memory_space<vmem>>) target(%dma_start3A_63 : memref<10240x128xf32, #tpu.memory_space<vmem_shared>>) offsets(%arg7 : memref<80xi32, #tpu.memory_space<vmem>>) semaphore(%run_scoped3A_56 : memref<!tpu.dma_semaphore, #tpu.memory_space<semaphore_mem>>) {add = true}
      %dma_wait3A_64 = arith.constant 0 : i32
      %dma_wait3A_65 = arith.constant 0 : i32
      %dma_wait3A_66 = tpu.memref_slice %arg9[%run_scoped3A, %dma_wait3A_64, %dma_wait3A_65] : memref<2x80x128xf32, #tpu.memory_space<vmem>> -> memref<1x80x128xf32, #tpu.memory_space<vmem>>
      %dma_wait3A_67 = tpu.memref_squeeze %dma_wait3A_66 : memref<1x80x128xf32, #tpu.memory_space<vmem>> -> memref<80x128xf32, #tpu.memory_space<vmem>>
      %dma_wait3A_68 = arith.constant 0 : i32
      %dma_wait3A_69 = arith.constant 0 : i32
      %dma_wait3A_70 = tpu.memref_slice %arg5[%dma_wait3A_68, %dma_wait3A_69] : memref<10240x128xf32, #tpu.memory_space<vmem_shared>> -> memref<10240x128xf32, #tpu.memory_space<vmem_shared>>
      tpu.wait_indirect_dma semaphore(%run_scoped3A_56 : memref<!tpu.dma_semaphore, #tpu.memory_space<semaphore_mem>>) src(%dma_wait3A_67 : memref<80x128xf32, #tpu.memory_space<vmem>>) dst(%dma_wait3A_70 : memref<10240x128xf32, #tpu.memory_space<vmem_shared>>)
      tpu.yield
    }) : () -> ()
    %barrier3A_53 = arith.constant 0 : index
    tpu.barrier barrier_id(%barrier3A_53)
    %mul3A_54 = arith.constant 640 : i32
    %mul3A_55 = arith.muli %arg1, %mul3A_54 : i32
    "tpu.region"() ({
      %run_scoped3A_56 = tpu.sem_alloc : memref<!tpu.dma_semaphore, #tpu.memory_space<semaphore_mem>>
      %dma_start3A_57 = arith.constant 0 : i32
      %dma_start3A_58 = tpu.memref_slice %arg4[%arg0, %mul3A_55, %dma_start3A_57] : memref<2x10240x128xf32, #tpu.memory_space<hbm>> -> memref<1x640x128xf32, #tpu.memory_space<hbm>>
      %dma_start3A_59 = tpu.memref_squeeze %dma_start3A_58 : memref<1x640x128xf32, #tpu.memory_space<hbm>> -> memref<640x128xf32, #tpu.memory_space<hbm>>
      %dma_start3A_60 = arith.constant 0 : i32
      %dma_start3A_61 = tpu.memref_slice %arg5[%mul3A_55, %dma_start3A_60] : memref<10240x128xf32, #tpu.memory_space<vmem_shared>> -> memref<640x128xf32, #tpu.memory_space<vmem_shared>>
      tpu.enqueue_dma source(%dma_start3A_61 : memref<640x128xf32, #tpu.memory_space<vmem_shared>>) target(%dma_start3A_59 : memref<640x128xf32, #tpu.memory_space<hbm>>) target_semaphore(%run_scoped3A_56 : memref<!tpu.dma_semaphore, #tpu.memory_space<semaphore_mem>>)
      %dma_wait3A_62 = arith.constant 0 : i32
      %dma_wait3A_63 = tpu.memref_slice %arg4[%arg0, %mul3A_55, %dma_wait3A_62] : memref<2x10240x128xf32, #tpu.memory_space<hbm>> -> memref<1x640x128xf32, #tpu.memory_space<hbm>>
      %dma_wait3A_64 = tpu.memref_squeeze %dma_wait3A_63 : memref<1x640x128xf32, #tpu.memory_space<hbm>> -> memref<640x128xf32, #tpu.memory_space<hbm>>
      %dma_wait3A_65 = arith.constant 0 : i32
      %dma_wait3A_66 = tpu.memref_slice %arg5[%mul3A_55, %dma_wait3A_65] : memref<10240x128xf32, #tpu.memory_space<vmem_shared>> -> memref<640x128xf32, #tpu.memory_space<vmem_shared>>
      tpu.wait_dma2 semaphore(%run_scoped3A_56 : memref<!tpu.dma_semaphore, #tpu.memory_space<semaphore_mem>>) src(%dma_wait3A_66 : memref<640x128xf32, #tpu.memory_space<vmem_shared>>) dst(%dma_wait3A_64 : memref<640x128xf32, #tpu.memory_space<hbm>>)
      tpu.yield
    }) : () -> ()
    return
  }
}

#map = affine_map<(d0, d1) -> (0, 0)>
#map1 = affine_map<(d0, d1) -> (0)>
module attributes {stable_mosaic.version = 14 : i64} {
  func.func @gather_kernel(%arg0: i32, %arg1: i32, %arg2: memref<10000x128xf32, #tpu.memory_space<hbm>>, %arg3: memref<320000xi32, #tpu.memory_space<hbm>>, %arg4: memref<320000xi32, #tpu.memory_space<hbm>>, %arg5: memref<320000x128xf32, #tpu.memory_space<hbm>>, %arg6: memref<320000x128xf32, #tpu.memory_space<hbm>>, %arg7: memref<400xi32, #tpu.memory_space<vmem>>, %arg8: memref<400xi32, #tpu.memory_space<vmem>>, %arg9: memref<2x400x128xf32, #tpu.memory_space<vmem>>, %arg10: memref<!tpu.dma_semaphore, #tpu.memory_space<semaphore_mem>>, %arg11: memref<!tpu.dma_semaphore, #tpu.memory_space<semaphore_mem>>) attributes {dimension_semantics = [#tpu.dimension_semantics<core_parallel>, #tpu.dimension_semantics<subcore_parallel>], iteration_bounds = array<i64: 2, 16>, scalar_prefetch = 0 : i64, scratch_operands = 5 : i64, tpu.core_type = #tpu.core_type<sc_vector_subcore>, window_params = [{transform_indices = #map}, {transform_indices = #map1}, {transform_indices = #map1}, {transform_indices = #map}, {transform_indices = #map}]} {
    %mul3A = arith.constant 16 : i32
    %mul3A_0 = arith.muli %arg0, %mul3A : i32
    %add3A = arith.addi %mul3A_0, %arg1 : i32
    %mul3A_1 = arith.constant 10000 : i32
    %mul3A_2 = arith.muli %add3A, %mul3A_1 : i32
    %add3A_3 = arith.constant 0 : i32
    %add3A_4 = arith.addi %mul3A_2, %add3A_3 : i32
    "tpu.region"() ({
      %run_scoped3A = tpu.sem_alloc : memref<!tpu.dma_semaphore, #tpu.memory_space<semaphore_mem>>
      %dma_start3A_17 = arith.constant 0 : i32
      %dma_start3A_18 = tpu.memref_slice %arg7[%dma_start3A_17] : memref<400xi32, #tpu.memory_space<vmem>> -> memref<200xi32, #tpu.memory_space<vmem>>
      %dma_start3A_19 = tpu.memref_slice %arg3[%add3A_4] : memref<320000xi32, #tpu.memory_space<hbm>> -> memref<200xi32, #tpu.memory_space<hbm>>
      %dma_start3A_20 = arith.constant 0 : i32
      %dma_start3A_21 = tpu.memref_slice %arg7[%dma_start3A_20] : memref<400xi32, #tpu.memory_space<vmem>> -> memref<200xi32, #tpu.memory_space<vmem>>
      %dma_start3A_22 = tpu.memref_slice %arg3[%add3A_4] : memref<320000xi32, #tpu.memory_space<hbm>> -> memref<200xi32, #tpu.memory_space<hbm>>
      tpu.enqueue_dma source(%dma_start3A_22 : memref<200xi32, #tpu.memory_space<hbm>>) target(%dma_start3A_21 : memref<200xi32, #tpu.memory_space<vmem>>) target_semaphore(%run_scoped3A : memref<!tpu.dma_semaphore, #tpu.memory_space<semaphore_mem>>)
      %dma_wait3A = arith.constant 0 : i32
      %dma_wait3A_23 = tpu.memref_slice %arg7[%dma_wait3A] : memref<400xi32, #tpu.memory_space<vmem>> -> memref<200xi32, #tpu.memory_space<vmem>>
      %dma_wait3A_24 = tpu.memref_slice %arg3[%add3A_4] : memref<320000xi32, #tpu.memory_space<hbm>> -> memref<200xi32, #tpu.memory_space<hbm>>
      %dma_wait3A_25 = arith.constant 0 : i32
      %dma_wait3A_26 = tpu.memref_slice %arg7[%dma_wait3A_25] : memref<400xi32, #tpu.memory_space<vmem>> -> memref<200xi32, #tpu.memory_space<vmem>>
      %dma_wait3A_27 = tpu.memref_slice %arg3[%add3A_4] : memref<320000xi32, #tpu.memory_space<hbm>> -> memref<200xi32, #tpu.memory_space<hbm>>
      tpu.wait_dma2 semaphore(%run_scoped3A : memref<!tpu.dma_semaphore, #tpu.memory_space<semaphore_mem>>) src(%dma_wait3A_27 : memref<200xi32, #tpu.memory_space<hbm>>) dst(%dma_wait3A_26 : memref<200xi32, #tpu.memory_space<vmem>>)
      tpu.yield
    }) : () -> ()
    "tpu.region"() ({
      %run_scoped3A = tpu.sem_alloc : memref<!tpu.dma_semaphore, #tpu.memory_space<semaphore_mem>>
      %dma_start3A_17 = arith.constant 200 : i32
      %dma_start3A_18 = tpu.memref_slice %arg7[%dma_start3A_17] : memref<400xi32, #tpu.memory_space<vmem>> -> memref<200xi32, #tpu.memory_space<vmem>>
      %dma_start3A_19 = tpu.memref_slice %arg4[%add3A_4] : memref<320000xi32, #tpu.memory_space<hbm>> -> memref<200xi32, #tpu.memory_space<hbm>>
      %dma_start3A_20 = arith.constant 200 : i32
      %dma_start3A_21 = tpu.memref_slice %arg7[%dma_start3A_20] : memref<400xi32, #tpu.memory_space<vmem>> -> memref<200xi32, #tpu.memory_space<vmem>>
      %dma_start3A_22 = tpu.memref_slice %arg4[%add3A_4] : memref<320000xi32, #tpu.memory_space<hbm>> -> memref<200xi32, #tpu.memory_space<hbm>>
      tpu.enqueue_dma source(%dma_start3A_22 : memref<200xi32, #tpu.memory_space<hbm>>) target(%dma_start3A_21 : memref<200xi32, #tpu.memory_space<vmem>>) target_semaphore(%run_scoped3A : memref<!tpu.dma_semaphore, #tpu.memory_space<semaphore_mem>>)
      %dma_wait3A = arith.constant 200 : i32
      %dma_wait3A_23 = tpu.memref_slice %arg7[%dma_wait3A] : memref<400xi32, #tpu.memory_space<vmem>> -> memref<200xi32, #tpu.memory_space<vmem>>
      %dma_wait3A_24 = tpu.memref_slice %arg4[%add3A_4] : memref<320000xi32, #tpu.memory_space<hbm>> -> memref<200xi32, #tpu.memory_space<hbm>>
      %dma_wait3A_25 = arith.constant 200 : i32
      %dma_wait3A_26 = tpu.memref_slice %arg7[%dma_wait3A_25] : memref<400xi32, #tpu.memory_space<vmem>> -> memref<200xi32, #tpu.memory_space<vmem>>
      %dma_wait3A_27 = tpu.memref_slice %arg4[%add3A_4] : memref<320000xi32, #tpu.memory_space<hbm>> -> memref<200xi32, #tpu.memory_space<hbm>>
      tpu.wait_dma2 semaphore(%run_scoped3A : memref<!tpu.dma_semaphore, #tpu.memory_space<semaphore_mem>>) src(%dma_wait3A_27 : memref<200xi32, #tpu.memory_space<hbm>>) dst(%dma_wait3A_26 : memref<200xi32, #tpu.memory_space<vmem>>)
      tpu.yield
    }) : () -> ()
    %dma_start3A = arith.constant 0 : i32
    %dma_start3A_5 = arith.constant 0 : i32
    %dma_start3A_6 = arith.constant 0 : i32
    %dma_start3A_7 = tpu.memref_slice %arg9[%dma_start3A, %dma_start3A_5, %dma_start3A_6] : memref<2x400x128xf32, #tpu.memory_space<vmem>> -> memref<1x400x128xf32, #tpu.memory_space<vmem>>
    %dma_start3A_8 = tpu.memref_squeeze %dma_start3A_7 : memref<1x400x128xf32, #tpu.memory_space<vmem>> -> memref<400x128xf32, #tpu.memory_space<vmem>>
    %dma_start3A_9 = arith.constant 0 : i32
    %dma_start3A_10 = arith.constant 0 : i32
    %dma_start3A_11 = tpu.memref_slice %arg2[%dma_start3A_9, %dma_start3A_10] : memref<10000x128xf32, #tpu.memory_space<hbm>> -> memref<10000x128xf32, #tpu.memory_space<hbm>>
    tpu.enqueue_indirect_dma source(%dma_start3A_11 : memref<10000x128xf32, #tpu.memory_space<hbm>>) target(%dma_start3A_8 : memref<400x128xf32, #tpu.memory_space<vmem>>) offsets(%arg7 : memref<400xi32, #tpu.memory_space<vmem>>) semaphore(%arg10 : memref<!tpu.dma_semaphore, #tpu.memory_space<semaphore_mem>>)
    %scan3A = arith.constant 0 : i32
    %scan3A_12 = arith.constant 0 : i32
    %scan3A_13 = arith.constant 25 : i32
    %scan3A_14 = arith.addi %scan3A_12, %scan3A_13 : i32
    %scan3A_15 = arith.constant 1 : i32
    scf.for %scan3A_17 = %scan3A_12 to %scan3A_14 step %scan3A_15  : i32 {
      %mul3A_18 = arith.constant 2 : i32
      %mul3A_19 = arith.muli %mul3A_18, %scan3A_17 : i32
      %add3A_20 = arith.constant 0 : i32
      %add3A_21 = arith.addi %mul3A_19, %add3A_20 : i32
      %add3A_22 = arith.constant 1 : i32
      %add3A_23 = arith.addi %add3A_21, %add3A_22 : i32
      %lt3A = arith.constant 50 : i32
      %lt3A_24 = arith.cmpi slt, %add3A_23, %lt3A : i32
      %convert_element_type3A = arith.extui %lt3A_24 : i1 to i32
      %cond3A = arith.constant 0 : i32
      %cond3A_25 = arith.cmpi ne, %convert_element_type3A, %cond3A : i32
      scf.if %cond3A_25 {
        %add3A_61 = arith.constant 1 : i32
        %add3A_62 = arith.addi %add3A_21, %add3A_61 : i32
        %mul3A_63 = arith.constant 200 : i32
        %mul3A_64 = arith.muli %add3A_62, %mul3A_63 : i32
        %add3A_65 = arith.addi %mul3A_2, %mul3A_64 : i32
        "tpu.region"() ({
          %run_scoped3A_74 = tpu.sem_alloc : memref<!tpu.dma_semaphore, #tpu.memory_space<semaphore_mem>>
          %dma_start3A_75 = arith.constant 0 : i32
          %dma_start3A_76 = tpu.memref_slice %arg8[%dma_start3A_75] : memref<400xi32, #tpu.memory_space<vmem>> -> memref<200xi32, #tpu.memory_space<vmem>>
          %dma_start3A_77 = tpu.memref_slice %arg3[%add3A_65] : memref<320000xi32, #tpu.memory_space<hbm>> -> memref<200xi32, #tpu.memory_space<hbm>>
          %dma_start3A_78 = arith.constant 0 : i32
          %dma_start3A_79 = tpu.memref_slice %arg8[%dma_start3A_78] : memref<400xi32, #tpu.memory_space<vmem>> -> memref<200xi32, #tpu.memory_space<vmem>>
          %dma_start3A_80 = tpu.memref_slice %arg3[%add3A_65] : memref<320000xi32, #tpu.memory_space<hbm>> -> memref<200xi32, #tpu.memory_space<hbm>>
          tpu.enqueue_dma source(%dma_start3A_80 : memref<200xi32, #tpu.memory_space<hbm>>) target(%dma_start3A_79 : memref<200xi32, #tpu.memory_space<vmem>>) target_semaphore(%run_scoped3A_74 : memref<!tpu.dma_semaphore, #tpu.memory_space<semaphore_mem>>)
          %dma_wait3A_81 = arith.constant 0 : i32
          %dma_wait3A_82 = tpu.memref_slice %arg8[%dma_wait3A_81] : memref<400xi32, #tpu.memory_space<vmem>> -> memref<200xi32, #tpu.memory_space<vmem>>
          %dma_wait3A_83 = tpu.memref_slice %arg3[%add3A_65] : memref<320000xi32, #tpu.memory_space<hbm>> -> memref<200xi32, #tpu.memory_space<hbm>>
          %dma_wait3A_84 = arith.constant 0 : i32
          %dma_wait3A_85 = tpu.memref_slice %arg8[%dma_wait3A_84] : memref<400xi32, #tpu.memory_space<vmem>> -> memref<200xi32, #tpu.memory_space<vmem>>
          %dma_wait3A_86 = tpu.memref_slice %arg3[%add3A_65] : memref<320000xi32, #tpu.memory_space<hbm>> -> memref<200xi32, #tpu.memory_space<hbm>>
          tpu.wait_dma2 semaphore(%run_scoped3A_74 : memref<!tpu.dma_semaphore, #tpu.memory_space<semaphore_mem>>) src(%dma_wait3A_86 : memref<200xi32, #tpu.memory_space<hbm>>) dst(%dma_wait3A_85 : memref<200xi32, #tpu.memory_space<vmem>>)
          tpu.yield
        }) : () -> ()
        "tpu.region"() ({
          %run_scoped3A_74 = tpu.sem_alloc : memref<!tpu.dma_semaphore, #tpu.memory_space<semaphore_mem>>
          %dma_start3A_75 = arith.constant 200 : i32
          %dma_start3A_76 = tpu.memref_slice %arg8[%dma_start3A_75] : memref<400xi32, #tpu.memory_space<vmem>> -> memref<200xi32, #tpu.memory_space<vmem>>
          %dma_start3A_77 = tpu.memref_slice %arg4[%add3A_65] : memref<320000xi32, #tpu.memory_space<hbm>> -> memref<200xi32, #tpu.memory_space<hbm>>
          %dma_start3A_78 = arith.constant 200 : i32
          %dma_start3A_79 = tpu.memref_slice %arg8[%dma_start3A_78] : memref<400xi32, #tpu.memory_space<vmem>> -> memref<200xi32, #tpu.memory_space<vmem>>
          %dma_start3A_80 = tpu.memref_slice %arg4[%add3A_65] : memref<320000xi32, #tpu.memory_space<hbm>> -> memref<200xi32, #tpu.memory_space<hbm>>
          tpu.enqueue_dma source(%dma_start3A_80 : memref<200xi32, #tpu.memory_space<hbm>>) target(%dma_start3A_79 : memref<200xi32, #tpu.memory_space<vmem>>) target_semaphore(%run_scoped3A_74 : memref<!tpu.dma_semaphore, #tpu.memory_space<semaphore_mem>>)
          %dma_wait3A_81 = arith.constant 200 : i32
          %dma_wait3A_82 = tpu.memref_slice %arg8[%dma_wait3A_81] : memref<400xi32, #tpu.memory_space<vmem>> -> memref<200xi32, #tpu.memory_space<vmem>>
          %dma_wait3A_83 = tpu.memref_slice %arg4[%add3A_65] : memref<320000xi32, #tpu.memory_space<hbm>> -> memref<200xi32, #tpu.memory_space<hbm>>
          %dma_wait3A_84 = arith.constant 200 : i32
          %dma_wait3A_85 = tpu.memref_slice %arg8[%dma_wait3A_84] : memref<400xi32, #tpu.memory_space<vmem>> -> memref<200xi32, #tpu.memory_space<vmem>>
          %dma_wait3A_86 = tpu.memref_slice %arg4[%add3A_65] : memref<320000xi32, #tpu.memory_space<hbm>> -> memref<200xi32, #tpu.memory_space<hbm>>
          tpu.wait_dma2 semaphore(%run_scoped3A_74 : memref<!tpu.dma_semaphore, #tpu.memory_space<semaphore_mem>>) src(%dma_wait3A_86 : memref<200xi32, #tpu.memory_space<hbm>>) dst(%dma_wait3A_85 : memref<200xi32, #tpu.memory_space<vmem>>)
          tpu.yield
        }) : () -> ()
        %dma_start3A_66 = arith.constant 1 : i32
        %dma_start3A_67 = arith.constant 0 : i32
        %dma_start3A_68 = arith.constant 0 : i32
        %dma_start3A_69 = tpu.memref_slice %arg9[%dma_start3A_66, %dma_start3A_67, %dma_start3A_68] : memref<2x400x128xf32, #tpu.memory_space<vmem>> -> memref<1x400x128xf32, #tpu.memory_space<vmem>>
        %dma_start3A_70 = tpu.memref_squeeze %dma_start3A_69 : memref<1x400x128xf32, #tpu.memory_space<vmem>> -> memref<400x128xf32, #tpu.memory_space<vmem>>
        %dma_start3A_71 = arith.constant 0 : i32
        %dma_start3A_72 = arith.constant 0 : i32
        %dma_start3A_73 = tpu.memref_slice %arg2[%dma_start3A_71, %dma_start3A_72] : memref<10000x128xf32, #tpu.memory_space<hbm>> -> memref<10000x128xf32, #tpu.memory_space<hbm>>
        tpu.enqueue_indirect_dma source(%dma_start3A_73 : memref<10000x128xf32, #tpu.memory_space<hbm>>) target(%dma_start3A_70 : memref<400x128xf32, #tpu.memory_space<vmem>>) offsets(%arg8 : memref<400xi32, #tpu.memory_space<vmem>>) semaphore(%arg11 : memref<!tpu.dma_semaphore, #tpu.memory_space<semaphore_mem>>)
      } else {
      }
      %dma_wait3A = arith.constant 0 : i32
      %dma_wait3A_26 = arith.constant 0 : i32
      %dma_wait3A_27 = arith.constant 0 : i32
      %dma_wait3A_28 = tpu.memref_slice %arg9[%dma_wait3A, %dma_wait3A_26, %dma_wait3A_27] : memref<2x400x128xf32, #tpu.memory_space<vmem>> -> memref<1x400x128xf32, #tpu.memory_space<vmem>>
      %dma_wait3A_29 = tpu.memref_squeeze %dma_wait3A_28 : memref<1x400x128xf32, #tpu.memory_space<vmem>> -> memref<400x128xf32, #tpu.memory_space<vmem>>
      %dma_wait3A_30 = arith.constant 0 : i32
      %dma_wait3A_31 = arith.constant 0 : i32
      %dma_wait3A_32 = tpu.memref_slice %arg2[%dma_wait3A_30, %dma_wait3A_31] : memref<10000x128xf32, #tpu.memory_space<hbm>> -> memref<10000x128xf32, #tpu.memory_space<hbm>>
      tpu.wait_indirect_dma semaphore(%arg10 : memref<!tpu.dma_semaphore, #tpu.memory_space<semaphore_mem>>) src(%dma_wait3A_32 : memref<10000x128xf32, #tpu.memory_space<hbm>>) dst(%dma_wait3A_29 : memref<400x128xf32, #tpu.memory_space<vmem>>)
      %mul3A_33 = arith.constant 200 : i32
      %mul3A_34 = arith.muli %add3A_21, %mul3A_33 : i32
      %add3A_35 = arith.addi %mul3A_2, %mul3A_34 : i32
      %run_scoped3A = arith.constant 0 : i32
      "tpu.region"() ({
        %run_scoped3A_61 = tpu.sem_alloc : memref<!tpu.dma_semaphore, #tpu.memory_space<semaphore_mem>>
        %dma_start3A_62 = arith.constant 0 : i32
        %dma_start3A_63 = arith.constant 0 : i32
        %dma_start3A_64 = tpu.memref_slice %arg9[%run_scoped3A, %dma_start3A_62, %dma_start3A_63] : memref<2x400x128xf32, #tpu.memory_space<vmem>> -> memref<1x200x128xf32, #tpu.memory_space<vmem>>
        %dma_start3A_65 = tpu.memref_squeeze %dma_start3A_64 : memref<1x200x128xf32, #tpu.memory_space<vmem>> -> memref<200x128xf32, #tpu.memory_space<vmem>>
        %dma_start3A_66 = arith.constant 0 : i32
        %dma_start3A_67 = tpu.memref_slice %arg5[%add3A_35, %dma_start3A_66] : memref<320000x128xf32, #tpu.memory_space<hbm>> -> memref<200x128xf32, #tpu.memory_space<hbm>>
        %dma_start3A_68 = arith.constant 0 : i32
        %dma_start3A_69 = tpu.memref_slice %arg5[%add3A_35, %dma_start3A_68] : memref<320000x128xf32, #tpu.memory_space<hbm>> -> memref<200x128xf32, #tpu.memory_space<hbm>>
        %dma_start3A_70 = arith.constant 0 : i32
        %dma_start3A_71 = arith.constant 0 : i32
        %dma_start3A_72 = tpu.memref_slice %arg9[%run_scoped3A, %dma_start3A_70, %dma_start3A_71] : memref<2x400x128xf32, #tpu.memory_space<vmem>> -> memref<1x200x128xf32, #tpu.memory_space<vmem>>
        %dma_start3A_73 = tpu.memref_squeeze %dma_start3A_72 : memref<1x200x128xf32, #tpu.memory_space<vmem>> -> memref<200x128xf32, #tpu.memory_space<vmem>>
        tpu.enqueue_dma source(%dma_start3A_73 : memref<200x128xf32, #tpu.memory_space<vmem>>) target(%dma_start3A_69 : memref<200x128xf32, #tpu.memory_space<hbm>>) target_semaphore(%run_scoped3A_61 : memref<!tpu.dma_semaphore, #tpu.memory_space<semaphore_mem>>)
        %dma_wait3A_74 = arith.constant 0 : i32
        %dma_wait3A_75 = arith.constant 0 : i32
        %dma_wait3A_76 = tpu.memref_slice %arg9[%run_scoped3A, %dma_wait3A_74, %dma_wait3A_75] : memref<2x400x128xf32, #tpu.memory_space<vmem>> -> memref<1x200x128xf32, #tpu.memory_space<vmem>>
        %dma_wait3A_77 = tpu.memref_squeeze %dma_wait3A_76 : memref<1x200x128xf32, #tpu.memory_space<vmem>> -> memref<200x128xf32, #tpu.memory_space<vmem>>
        %dma_wait3A_78 = arith.constant 0 : i32
        %dma_wait3A_79 = tpu.memref_slice %arg5[%add3A_35, %dma_wait3A_78] : memref<320000x128xf32, #tpu.memory_space<hbm>> -> memref<200x128xf32, #tpu.memory_space<hbm>>
        %dma_wait3A_80 = arith.constant 0 : i32
        %dma_wait3A_81 = tpu.memref_slice %arg5[%add3A_35, %dma_wait3A_80] : memref<320000x128xf32, #tpu.memory_space<hbm>> -> memref<200x128xf32, #tpu.memory_space<hbm>>
        %dma_wait3A_82 = arith.constant 0 : i32
        %dma_wait3A_83 = arith.constant 0 : i32
        %dma_wait3A_84 = tpu.memref_slice %arg9[%run_scoped3A, %dma_wait3A_82, %dma_wait3A_83] : memref<2x400x128xf32, #tpu.memory_space<vmem>> -> memref<1x200x128xf32, #tpu.memory_space<vmem>>
        %dma_wait3A_85 = tpu.memref_squeeze %dma_wait3A_84 : memref<1x200x128xf32, #tpu.memory_space<vmem>> -> memref<200x128xf32, #tpu.memory_space<vmem>>
        tpu.wait_dma2 semaphore(%run_scoped3A_61 : memref<!tpu.dma_semaphore, #tpu.memory_space<semaphore_mem>>) src(%dma_wait3A_85 : memref<200x128xf32, #tpu.memory_space<vmem>>) dst(%dma_wait3A_81 : memref<200x128xf32, #tpu.memory_space<hbm>>)
        tpu.yield
      }) : () -> ()
      %run_scoped3A_36 = arith.constant 0 : i32
      "tpu.region"() ({
        %run_scoped3A_61 = tpu.sem_alloc : memref<!tpu.dma_semaphore, #tpu.memory_space<semaphore_mem>>
        %dma_start3A_62 = arith.constant 200 : i32
        %dma_start3A_63 = arith.constant 0 : i32
        %dma_start3A_64 = tpu.memref_slice %arg9[%run_scoped3A_36, %dma_start3A_62, %dma_start3A_63] : memref<2x400x128xf32, #tpu.memory_space<vmem>> -> memref<1x200x128xf32, #tpu.memory_space<vmem>>
        %dma_start3A_65 = tpu.memref_squeeze %dma_start3A_64 : memref<1x200x128xf32, #tpu.memory_space<vmem>> -> memref<200x128xf32, #tpu.memory_space<vmem>>
        %dma_start3A_66 = arith.constant 0 : i32
        %dma_start3A_67 = tpu.memref_slice %arg6[%add3A_35, %dma_start3A_66] : memref<320000x128xf32, #tpu.memory_space<hbm>> -> memref<200x128xf32, #tpu.memory_space<hbm>>
        %dma_start3A_68 = arith.constant 0 : i32
        %dma_start3A_69 = tpu.memref_slice %arg6[%add3A_35, %dma_start3A_68] : memref<320000x128xf32, #tpu.memory_space<hbm>> -> memref<200x128xf32, #tpu.memory_space<hbm>>
        %dma_start3A_70 = arith.constant 200 : i32
        %dma_start3A_71 = arith.constant 0 : i32
        %dma_start3A_72 = tpu.memref_slice %arg9[%run_scoped3A_36, %dma_start3A_70, %dma_start3A_71] : memref<2x400x128xf32, #tpu.memory_space<vmem>> -> memref<1x200x128xf32, #tpu.memory_space<vmem>>
        %dma_start3A_73 = tpu.memref_squeeze %dma_start3A_72 : memref<1x200x128xf32, #tpu.memory_space<vmem>> -> memref<200x128xf32, #tpu.memory_space<vmem>>
        tpu.enqueue_dma source(%dma_start3A_73 : memref<200x128xf32, #tpu.memory_space<vmem>>) target(%dma_start3A_69 : memref<200x128xf32, #tpu.memory_space<hbm>>) target_semaphore(%run_scoped3A_61 : memref<!tpu.dma_semaphore, #tpu.memory_space<semaphore_mem>>)
        %dma_wait3A_74 = arith.constant 200 : i32
        %dma_wait3A_75 = arith.constant 0 : i32
        %dma_wait3A_76 = tpu.memref_slice %arg9[%run_scoped3A_36, %dma_wait3A_74, %dma_wait3A_75] : memref<2x400x128xf32, #tpu.memory_space<vmem>> -> memref<1x200x128xf32, #tpu.memory_space<vmem>>
        %dma_wait3A_77 = tpu.memref_squeeze %dma_wait3A_76 : memref<1x200x128xf32, #tpu.memory_space<vmem>> -> memref<200x128xf32, #tpu.memory_space<vmem>>
        %dma_wait3A_78 = arith.constant 0 : i32
        %dma_wait3A_79 = tpu.memref_slice %arg6[%add3A_35, %dma_wait3A_78] : memref<320000x128xf32, #tpu.memory_space<hbm>> -> memref<200x128xf32, #tpu.memory_space<hbm>>
        %dma_wait3A_80 = arith.constant 0 : i32
        %dma_wait3A_81 = tpu.memref_slice %arg6[%add3A_35, %dma_wait3A_80] : memref<320000x128xf32, #tpu.memory_space<hbm>> -> memref<200x128xf32, #tpu.memory_space<hbm>>
        %dma_wait3A_82 = arith.constant 200 : i32
        %dma_wait3A_83 = arith.constant 0 : i32
        %dma_wait3A_84 = tpu.memref_slice %arg9[%run_scoped3A_36, %dma_wait3A_82, %dma_wait3A_83] : memref<2x400x128xf32, #tpu.memory_space<vmem>> -> memref<1x200x128xf32, #tpu.memory_space<vmem>>
        %dma_wait3A_85 = tpu.memref_squeeze %dma_wait3A_84 : memref<1x200x128xf32, #tpu.memory_space<vmem>> -> memref<200x128xf32, #tpu.memory_space<vmem>>
        tpu.wait_dma2 semaphore(%run_scoped3A_61 : memref<!tpu.dma_semaphore, #tpu.memory_space<semaphore_mem>>) src(%dma_wait3A_85 : memref<200x128xf32, #tpu.memory_space<vmem>>) dst(%dma_wait3A_81 : memref<200x128xf32, #tpu.memory_space<hbm>>)
        tpu.yield
      }) : () -> ()
      %mul3A_37 = arith.constant 2 : i32
      %mul3A_38 = arith.muli %mul3A_37, %scan3A_17 : i32
      %add3A_39 = arith.constant 1 : i32
      %add3A_40 = arith.addi %mul3A_38, %add3A_39 : i32
      %add3A_41 = arith.constant 1 : i32
      %add3A_42 = arith.addi %add3A_40, %add3A_41 : i32
      %lt3A_43 = arith.constant 50 : i32
      %lt3A_44 = arith.cmpi slt, %add3A_42, %lt3A_43 : i32
      %convert_element_type3A_45 = arith.extui %lt3A_44 : i1 to i32
      %cond3A_46 = arith.constant 0 : i32
      %cond3A_47 = arith.cmpi ne, %convert_element_type3A_45, %cond3A_46 : i32
      scf.if %cond3A_47 {
        %add3A_61 = arith.constant 1 : i32
        %add3A_62 = arith.addi %add3A_40, %add3A_61 : i32
        %mul3A_63 = arith.constant 200 : i32
        %mul3A_64 = arith.muli %add3A_62, %mul3A_63 : i32
        %add3A_65 = arith.addi %mul3A_2, %mul3A_64 : i32
        "tpu.region"() ({
          %run_scoped3A_74 = tpu.sem_alloc : memref<!tpu.dma_semaphore, #tpu.memory_space<semaphore_mem>>
          %dma_start3A_75 = arith.constant 0 : i32
          %dma_start3A_76 = tpu.memref_slice %arg7[%dma_start3A_75] : memref<400xi32, #tpu.memory_space<vmem>> -> memref<200xi32, #tpu.memory_space<vmem>>
          %dma_start3A_77 = tpu.memref_slice %arg3[%add3A_65] : memref<320000xi32, #tpu.memory_space<hbm>> -> memref<200xi32, #tpu.memory_space<hbm>>
          %dma_start3A_78 = arith.constant 0 : i32
          %dma_start3A_79 = tpu.memref_slice %arg7[%dma_start3A_78] : memref<400xi32, #tpu.memory_space<vmem>> -> memref<200xi32, #tpu.memory_space<vmem>>
          %dma_start3A_80 = tpu.memref_slice %arg3[%add3A_65] : memref<320000xi32, #tpu.memory_space<hbm>> -> memref<200xi32, #tpu.memory_space<hbm>>
          tpu.enqueue_dma source(%dma_start3A_80 : memref<200xi32, #tpu.memory_space<hbm>>) target(%dma_start3A_79 : memref<200xi32, #tpu.memory_space<vmem>>) target_semaphore(%run_scoped3A_74 : memref<!tpu.dma_semaphore, #tpu.memory_space<semaphore_mem>>)
          %dma_wait3A_81 = arith.constant 0 : i32
          %dma_wait3A_82 = tpu.memref_slice %arg7[%dma_wait3A_81] : memref<400xi32, #tpu.memory_space<vmem>> -> memref<200xi32, #tpu.memory_space<vmem>>
          %dma_wait3A_83 = tpu.memref_slice %arg3[%add3A_65] : memref<320000xi32, #tpu.memory_space<hbm>> -> memref<200xi32, #tpu.memory_space<hbm>>
          %dma_wait3A_84 = arith.constant 0 : i32
          %dma_wait3A_85 = tpu.memref_slice %arg7[%dma_wait3A_84] : memref<400xi32, #tpu.memory_space<vmem>> -> memref<200xi32, #tpu.memory_space<vmem>>
          %dma_wait3A_86 = tpu.memref_slice %arg3[%add3A_65] : memref<320000xi32, #tpu.memory_space<hbm>> -> memref<200xi32, #tpu.memory_space<hbm>>
          tpu.wait_dma2 semaphore(%run_scoped3A_74 : memref<!tpu.dma_semaphore, #tpu.memory_space<semaphore_mem>>) src(%dma_wait3A_86 : memref<200xi32, #tpu.memory_space<hbm>>) dst(%dma_wait3A_85 : memref<200xi32, #tpu.memory_space<vmem>>)
          tpu.yield
        }) : () -> ()
        "tpu.region"() ({
          %run_scoped3A_74 = tpu.sem_alloc : memref<!tpu.dma_semaphore, #tpu.memory_space<semaphore_mem>>
          %dma_start3A_75 = arith.constant 200 : i32
          %dma_start3A_76 = tpu.memref_slice %arg7[%dma_start3A_75] : memref<400xi32, #tpu.memory_space<vmem>> -> memref<200xi32, #tpu.memory_space<vmem>>
          %dma_start3A_77 = tpu.memref_slice %arg4[%add3A_65] : memref<320000xi32, #tpu.memory_space<hbm>> -> memref<200xi32, #tpu.memory_space<hbm>>
          %dma_start3A_78 = arith.constant 200 : i32
          %dma_start3A_79 = tpu.memref_slice %arg7[%dma_start3A_78] : memref<400xi32, #tpu.memory_space<vmem>> -> memref<200xi32, #tpu.memory_space<vmem>>
          %dma_start3A_80 = tpu.memref_slice %arg4[%add3A_65] : memref<320000xi32, #tpu.memory_space<hbm>> -> memref<200xi32, #tpu.memory_space<hbm>>
          tpu.enqueue_dma source(%dma_start3A_80 : memref<200xi32, #tpu.memory_space<hbm>>) target(%dma_start3A_79 : memref<200xi32, #tpu.memory_space<vmem>>) target_semaphore(%run_scoped3A_74 : memref<!tpu.dma_semaphore, #tpu.memory_space<semaphore_mem>>)
          %dma_wait3A_81 = arith.constant 200 : i32
          %dma_wait3A_82 = tpu.memref_slice %arg7[%dma_wait3A_81] : memref<400xi32, #tpu.memory_space<vmem>> -> memref<200xi32, #tpu.memory_space<vmem>>
          %dma_wait3A_83 = tpu.memref_slice %arg4[%add3A_65] : memref<320000xi32, #tpu.memory_space<hbm>> -> memref<200xi32, #tpu.memory_space<hbm>>
          %dma_wait3A_84 = arith.constant 200 : i32
          %dma_wait3A_85 = tpu.memref_slice %arg7[%dma_wait3A_84] : memref<400xi32, #tpu.memory_space<vmem>> -> memref<200xi32, #tpu.memory_space<vmem>>
          %dma_wait3A_86 = tpu.memref_slice %arg4[%add3A_65] : memref<320000xi32, #tpu.memory_space<hbm>> -> memref<200xi32, #tpu.memory_space<hbm>>
          tpu.wait_dma2 semaphore(%run_scoped3A_74 : memref<!tpu.dma_semaphore, #tpu.memory_space<semaphore_mem>>) src(%dma_wait3A_86 : memref<200xi32, #tpu.memory_space<hbm>>) dst(%dma_wait3A_85 : memref<200xi32, #tpu.memory_space<vmem>>)
          tpu.yield
        }) : () -> ()
        %dma_start3A_66 = arith.constant 0 : i32
        %dma_start3A_67 = arith.constant 0 : i32
        %dma_start3A_68 = arith.constant 0 : i32
        %dma_start3A_69 = tpu.memref_slice %arg9[%dma_start3A_66, %dma_start3A_67, %dma_start3A_68] : memref<2x400x128xf32, #tpu.memory_space<vmem>> -> memref<1x400x128xf32, #tpu.memory_space<vmem>>
        %dma_start3A_70 = tpu.memref_squeeze %dma_start3A_69 : memref<1x400x128xf32, #tpu.memory_space<vmem>> -> memref<400x128xf32, #tpu.memory_space<vmem>>
        %dma_start3A_71 = arith.constant 0 : i32
        %dma_start3A_72 = arith.constant 0 : i32
        %dma_start3A_73 = tpu.memref_slice %arg2[%dma_start3A_71, %dma_start3A_72] : memref<10000x128xf32, #tpu.memory_space<hbm>> -> memref<10000x128xf32, #tpu.memory_space<hbm>>
        tpu.enqueue_indirect_dma source(%dma_start3A_73 : memref<10000x128xf32, #tpu.memory_space<hbm>>) target(%dma_start3A_70 : memref<400x128xf32, #tpu.memory_space<vmem>>) offsets(%arg7 : memref<400xi32, #tpu.memory_space<vmem>>) semaphore(%arg10 : memref<!tpu.dma_semaphore, #tpu.memory_space<semaphore_mem>>)
      } else {
      }
      %dma_wait3A_48 = arith.constant 1 : i32
      %dma_wait3A_49 = arith.constant 0 : i32
      %dma_wait3A_50 = arith.constant 0 : i32
      %dma_wait3A_51 = tpu.memref_slice %arg9[%dma_wait3A_48, %dma_wait3A_49, %dma_wait3A_50] : memref<2x400x128xf32, #tpu.memory_space<vmem>> -> memref<1x400x128xf32, #tpu.memory_space<vmem>>
      %dma_wait3A_52 = tpu.memref_squeeze %dma_wait3A_51 : memref<1x400x128xf32, #tpu.memory_space<vmem>> -> memref<400x128xf32, #tpu.memory_space<vmem>>
      %dma_wait3A_53 = arith.constant 0 : i32
      %dma_wait3A_54 = arith.constant 0 : i32
      %dma_wait3A_55 = tpu.memref_slice %arg2[%dma_wait3A_53, %dma_wait3A_54] : memref<10000x128xf32, #tpu.memory_space<hbm>> -> memref<10000x128xf32, #tpu.memory_space<hbm>>
      tpu.wait_indirect_dma semaphore(%arg11 : memref<!tpu.dma_semaphore, #tpu.memory_space<semaphore_mem>>) src(%dma_wait3A_55 : memref<10000x128xf32, #tpu.memory_space<hbm>>) dst(%dma_wait3A_52 : memref<400x128xf32, #tpu.memory_space<vmem>>)
      %mul3A_56 = arith.constant 200 : i32
      %mul3A_57 = arith.muli %add3A_40, %mul3A_56 : i32
      %add3A_58 = arith.addi %mul3A_2, %mul3A_57 : i32
      %run_scoped3A_59 = arith.constant 1 : i32
      "tpu.region"() ({
        %run_scoped3A_61 = tpu.sem_alloc : memref<!tpu.dma_semaphore, #tpu.memory_space<semaphore_mem>>
        %dma_start3A_62 = arith.constant 0 : i32
        %dma_start3A_63 = arith.constant 0 : i32
        %dma_start3A_64 = tpu.memref_slice %arg9[%run_scoped3A_59, %dma_start3A_62, %dma_start3A_63] : memref<2x400x128xf32, #tpu.memory_space<vmem>> -> memref<1x200x128xf32, #tpu.memory_space<vmem>>
        %dma_start3A_65 = tpu.memref_squeeze %dma_start3A_64 : memref<1x200x128xf32, #tpu.memory_space<vmem>> -> memref<200x128xf32, #tpu.memory_space<vmem>>
        %dma_start3A_66 = arith.constant 0 : i32
        %dma_start3A_67 = tpu.memref_slice %arg5[%add3A_58, %dma_start3A_66] : memref<320000x128xf32, #tpu.memory_space<hbm>> -> memref<200x128xf32, #tpu.memory_space<hbm>>
        %dma_start3A_68 = arith.constant 0 : i32
        %dma_start3A_69 = tpu.memref_slice %arg5[%add3A_58, %dma_start3A_68] : memref<320000x128xf32, #tpu.memory_space<hbm>> -> memref<200x128xf32, #tpu.memory_space<hbm>>
        %dma_start3A_70 = arith.constant 0 : i32
        %dma_start3A_71 = arith.constant 0 : i32
        %dma_start3A_72 = tpu.memref_slice %arg9[%run_scoped3A_59, %dma_start3A_70, %dma_start3A_71] : memref<2x400x128xf32, #tpu.memory_space<vmem>> -> memref<1x200x128xf32, #tpu.memory_space<vmem>>
        %dma_start3A_73 = tpu.memref_squeeze %dma_start3A_72 : memref<1x200x128xf32, #tpu.memory_space<vmem>> -> memref<200x128xf32, #tpu.memory_space<vmem>>
        tpu.enqueue_dma source(%dma_start3A_73 : memref<200x128xf32, #tpu.memory_space<vmem>>) target(%dma_start3A_69 : memref<200x128xf32, #tpu.memory_space<hbm>>) target_semaphore(%run_scoped3A_61 : memref<!tpu.dma_semaphore, #tpu.memory_space<semaphore_mem>>)
        %dma_wait3A_74 = arith.constant 0 : i32
        %dma_wait3A_75 = arith.constant 0 : i32
        %dma_wait3A_76 = tpu.memref_slice %arg9[%run_scoped3A_59, %dma_wait3A_74, %dma_wait3A_75] : memref<2x400x128xf32, #tpu.memory_space<vmem>> -> memref<1x200x128xf32, #tpu.memory_space<vmem>>
        %dma_wait3A_77 = tpu.memref_squeeze %dma_wait3A_76 : memref<1x200x128xf32, #tpu.memory_space<vmem>> -> memref<200x128xf32, #tpu.memory_space<vmem>>
        %dma_wait3A_78 = arith.constant 0 : i32
        %dma_wait3A_79 = tpu.memref_slice %arg5[%add3A_58, %dma_wait3A_78] : memref<320000x128xf32, #tpu.memory_space<hbm>> -> memref<200x128xf32, #tpu.memory_space<hbm>>
        %dma_wait3A_80 = arith.constant 0 : i32
        %dma_wait3A_81 = tpu.memref_slice %arg5[%add3A_58, %dma_wait3A_80] : memref<320000x128xf32, #tpu.memory_space<hbm>> -> memref<200x128xf32, #tpu.memory_space<hbm>>
        %dma_wait3A_82 = arith.constant 0 : i32
        %dma_wait3A_83 = arith.constant 0 : i32
        %dma_wait3A_84 = tpu.memref_slice %arg9[%run_scoped3A_59, %dma_wait3A_82, %dma_wait3A_83] : memref<2x400x128xf32, #tpu.memory_space<vmem>> -> memref<1x200x128xf32, #tpu.memory_space<vmem>>
        %dma_wait3A_85 = tpu.memref_squeeze %dma_wait3A_84 : memref<1x200x128xf32, #tpu.memory_space<vmem>> -> memref<200x128xf32, #tpu.memory_space<vmem>>
        tpu.wait_dma2 semaphore(%run_scoped3A_61 : memref<!tpu.dma_semaphore, #tpu.memory_space<semaphore_mem>>) src(%dma_wait3A_85 : memref<200x128xf32, #tpu.memory_space<vmem>>) dst(%dma_wait3A_81 : memref<200x128xf32, #tpu.memory_space<hbm>>)
        tpu.yield
      }) : () -> ()
      %run_scoped3A_60 = arith.constant 1 : i32
      "tpu.region"() ({
        %run_scoped3A_61 = tpu.sem_alloc : memref<!tpu.dma_semaphore, #tpu.memory_space<semaphore_mem>>
        %dma_start3A_62 = arith.constant 200 : i32
        %dma_start3A_63 = arith.constant 0 : i32
        %dma_start3A_64 = tpu.memref_slice %arg9[%run_scoped3A_60, %dma_start3A_62, %dma_start3A_63] : memref<2x400x128xf32, #tpu.memory_space<vmem>> -> memref<1x200x128xf32, #tpu.memory_space<vmem>>
        %dma_start3A_65 = tpu.memref_squeeze %dma_start3A_64 : memref<1x200x128xf32, #tpu.memory_space<vmem>> -> memref<200x128xf32, #tpu.memory_space<vmem>>
        %dma_start3A_66 = arith.constant 0 : i32
        %dma_start3A_67 = tpu.memref_slice %arg6[%add3A_58, %dma_start3A_66] : memref<320000x128xf32, #tpu.memory_space<hbm>> -> memref<200x128xf32, #tpu.memory_space<hbm>>
        %dma_start3A_68 = arith.constant 0 : i32
        %dma_start3A_69 = tpu.memref_slice %arg6[%add3A_58, %dma_start3A_68] : memref<320000x128xf32, #tpu.memory_space<hbm>> -> memref<200x128xf32, #tpu.memory_space<hbm>>
        %dma_start3A_70 = arith.constant 200 : i32
        %dma_start3A_71 = arith.constant 0 : i32
        %dma_start3A_72 = tpu.memref_slice %arg9[%run_scoped3A_60, %dma_start3A_70, %dma_start3A_71] : memref<2x400x128xf32, #tpu.memory_space<vmem>> -> memref<1x200x128xf32, #tpu.memory_space<vmem>>
        %dma_start3A_73 = tpu.memref_squeeze %dma_start3A_72 : memref<1x200x128xf32, #tpu.memory_space<vmem>> -> memref<200x128xf32, #tpu.memory_space<vmem>>
        tpu.enqueue_dma source(%dma_start3A_73 : memref<200x128xf32, #tpu.memory_space<vmem>>) target(%dma_start3A_69 : memref<200x128xf32, #tpu.memory_space<hbm>>) target_semaphore(%run_scoped3A_61 : memref<!tpu.dma_semaphore, #tpu.memory_space<semaphore_mem>>)
        %dma_wait3A_74 = arith.constant 200 : i32
        %dma_wait3A_75 = arith.constant 0 : i32
        %dma_wait3A_76 = tpu.memref_slice %arg9[%run_scoped3A_60, %dma_wait3A_74, %dma_wait3A_75] : memref<2x400x128xf32, #tpu.memory_space<vmem>> -> memref<1x200x128xf32, #tpu.memory_space<vmem>>
        %dma_wait3A_77 = tpu.memref_squeeze %dma_wait3A_76 : memref<1x200x128xf32, #tpu.memory_space<vmem>> -> memref<200x128xf32, #tpu.memory_space<vmem>>
        %dma_wait3A_78 = arith.constant 0 : i32
        %dma_wait3A_79 = tpu.memref_slice %arg6[%add3A_58, %dma_wait3A_78] : memref<320000x128xf32, #tpu.memory_space<hbm>> -> memref<200x128xf32, #tpu.memory_space<hbm>>
        %dma_wait3A_80 = arith.constant 0 : i32
        %dma_wait3A_81 = tpu.memref_slice %arg6[%add3A_58, %dma_wait3A_80] : memref<320000x128xf32, #tpu.memory_space<hbm>> -> memref<200x128xf32, #tpu.memory_space<hbm>>
        %dma_wait3A_82 = arith.constant 200 : i32
        %dma_wait3A_83 = arith.constant 0 : i32
        %dma_wait3A_84 = tpu.memref_slice %arg9[%run_scoped3A_60, %dma_wait3A_82, %dma_wait3A_83] : memref<2x400x128xf32, #tpu.memory_space<vmem>> -> memref<1x200x128xf32, #tpu.memory_space<vmem>>
        %dma_wait3A_85 = tpu.memref_squeeze %dma_wait3A_84 : memref<1x200x128xf32, #tpu.memory_space<vmem>> -> memref<200x128xf32, #tpu.memory_space<vmem>>
        tpu.wait_dma2 semaphore(%run_scoped3A_61 : memref<!tpu.dma_semaphore, #tpu.memory_space<semaphore_mem>>) src(%dma_wait3A_85 : memref<200x128xf32, #tpu.memory_space<vmem>>) dst(%dma_wait3A_81 : memref<200x128xf32, #tpu.memory_space<hbm>>)
        tpu.yield
      }) : () -> ()
    }
    %scan3A_16 = arith.constant 25 : i32
    return
  }
}

#map = affine_map<(d0, d1) -> (0, 0)>
#map1 = affine_map<(d0, d1) -> (0)>
module attributes {stable_mosaic.version = 14 : i64} {
  func.func @gather_kernel(%arg0: i32, %arg1: i32, %arg2: memref<10000x128xf32, #tpu.memory_space<hbm>>, %arg3: memref<320000xi32, #tpu.memory_space<hbm>>, %arg4: memref<320000xi32, #tpu.memory_space<hbm>>, %arg5: memref<320000x128xf32, #tpu.memory_space<hbm>>, %arg6: memref<320000x128xf32, #tpu.memory_space<hbm>>, %arg7: memref<400xi32, #tpu.memory_space<vmem>>, %arg8: memref<400xi32, #tpu.memory_space<vmem>>, %arg9: memref<2x400x128xf32, #tpu.memory_space<vmem>>, %arg10: memref<!tpu.dma_semaphore, #tpu.memory_space<semaphore_mem>>, %arg11: memref<!tpu.dma_semaphore, #tpu.memory_space<semaphore_mem>>) attributes {dimension_semantics = [#tpu.dimension_semantics<core_parallel>, #tpu.dimension_semantics<subcore_parallel>], iteration_bounds = array<i64: 2, 16>, scalar_prefetch = 0 : i64, scratch_operands = 5 : i64, tpu.core_type = #tpu.core_type<sc_vector_subcore>, window_params = [{transform_indices = #map}, {transform_indices = #map1}, {transform_indices = #map1}, {transform_indices = #map}, {transform_indices = #map}]} {
    %mul3A = arith.constant 16 : i32
    %mul3A_0 = arith.muli %arg0, %mul3A : i32
    %add3A = arith.addi %mul3A_0, %arg1 : i32
    %mul3A_1 = arith.constant 10000 : i32
    %mul3A_2 = arith.muli %add3A, %mul3A_1 : i32
    %add3A_3 = arith.constant 0 : i32
    %add3A_4 = arith.addi %mul3A_2, %add3A_3 : i32
    "tpu.region"() ({
      %run_scoped3A = tpu.sem_alloc : memref<!tpu.dma_semaphore, #tpu.memory_space<semaphore_mem>>
      %dma_start3A_17 = arith.constant 0 : i32
      %dma_start3A_18 = tpu.memref_slice %arg7[%dma_start3A_17] : memref<400xi32, #tpu.memory_space<vmem>> -> memref<200xi32, #tpu.memory_space<vmem>>
      %dma_start3A_19 = tpu.memref_slice %arg3[%add3A_4] : memref<320000xi32, #tpu.memory_space<hbm>> -> memref<200xi32, #tpu.memory_space<hbm>>
      %dma_start3A_20 = arith.constant 0 : i32
      %dma_start3A_21 = tpu.memref_slice %arg7[%dma_start3A_20] : memref<400xi32, #tpu.memory_space<vmem>> -> memref<200xi32, #tpu.memory_space<vmem>>
      %dma_start3A_22 = tpu.memref_slice %arg3[%add3A_4] : memref<320000xi32, #tpu.memory_space<hbm>> -> memref<200xi32, #tpu.memory_space<hbm>>
      tpu.enqueue_dma source(%dma_start3A_22 : memref<200xi32, #tpu.memory_space<hbm>>) target(%dma_start3A_21 : memref<200xi32, #tpu.memory_space<vmem>>) target_semaphore(%run_scoped3A : memref<!tpu.dma_semaphore, #tpu.memory_space<semaphore_mem>>)
      %dma_wait3A = arith.constant 0 : i32
      %dma_wait3A_23 = tpu.memref_slice %arg7[%dma_wait3A] : memref<400xi32, #tpu.memory_space<vmem>> -> memref<200xi32, #tpu.memory_space<vmem>>
      %dma_wait3A_24 = tpu.memref_slice %arg3[%add3A_4] : memref<320000xi32, #tpu.memory_space<hbm>> -> memref<200xi32, #tpu.memory_space<hbm>>
      %dma_wait3A_25 = arith.constant 0 : i32
      %dma_wait3A_26 = tpu.memref_slice %arg7[%dma_wait3A_25] : memref<400xi32, #tpu.memory_space<vmem>> -> memref<200xi32, #tpu.memory_space<vmem>>
      %dma_wait3A_27 = tpu.memref_slice %arg3[%add3A_4] : memref<320000xi32, #tpu.memory_space<hbm>> -> memref<200xi32, #tpu.memory_space<hbm>>
      tpu.wait_dma2 semaphore(%run_scoped3A : memref<!tpu.dma_semaphore, #tpu.memory_space<semaphore_mem>>) src(%dma_wait3A_27 : memref<200xi32, #tpu.memory_space<hbm>>) dst(%dma_wait3A_26 : memref<200xi32, #tpu.memory_space<vmem>>)
      tpu.yield
    }) : () -> ()
    "tpu.region"() ({
      %run_scoped3A = tpu.sem_alloc : memref<!tpu.dma_semaphore, #tpu.memory_space<semaphore_mem>>
      %dma_start3A_17 = arith.constant 200 : i32
      %dma_start3A_18 = tpu.memref_slice %arg7[%dma_start3A_17] : memref<400xi32, #tpu.memory_space<vmem>> -> memref<200xi32, #tpu.memory_space<vmem>>
      %dma_start3A_19 = tpu.memref_slice %arg4[%add3A_4] : memref<320000xi32, #tpu.memory_space<hbm>> -> memref<200xi32, #tpu.memory_space<hbm>>
      %dma_start3A_20 = arith.constant 200 : i32
      %dma_start3A_21 = tpu.memref_slice %arg7[%dma_start3A_20] : memref<400xi32, #tpu.memory_space<vmem>> -> memref<200xi32, #tpu.memory_space<vmem>>
      %dma_start3A_22 = tpu.memref_slice %arg4[%add3A_4] : memref<320000xi32, #tpu.memory_space<hbm>> -> memref<200xi32, #tpu.memory_space<hbm>>
      tpu.enqueue_dma source(%dma_start3A_22 : memref<200xi32, #tpu.memory_space<hbm>>) target(%dma_start3A_21 : memref<200xi32, #tpu.memory_space<vmem>>) target_semaphore(%run_scoped3A : memref<!tpu.dma_semaphore, #tpu.memory_space<semaphore_mem>>)
      %dma_wait3A = arith.constant 200 : i32
      %dma_wait3A_23 = tpu.memref_slice %arg7[%dma_wait3A] : memref<400xi32, #tpu.memory_space<vmem>> -> memref<200xi32, #tpu.memory_space<vmem>>
      %dma_wait3A_24 = tpu.memref_slice %arg4[%add3A_4] : memref<320000xi32, #tpu.memory_space<hbm>> -> memref<200xi32, #tpu.memory_space<hbm>>
      %dma_wait3A_25 = arith.constant 200 : i32
      %dma_wait3A_26 = tpu.memref_slice %arg7[%dma_wait3A_25] : memref<400xi32, #tpu.memory_space<vmem>> -> memref<200xi32, #tpu.memory_space<vmem>>
      %dma_wait3A_27 = tpu.memref_slice %arg4[%add3A_4] : memref<320000xi32, #tpu.memory_space<hbm>> -> memref<200xi32, #tpu.memory_space<hbm>>
      tpu.wait_dma2 semaphore(%run_scoped3A : memref<!tpu.dma_semaphore, #tpu.memory_space<semaphore_mem>>) src(%dma_wait3A_27 : memref<200xi32, #tpu.memory_space<hbm>>) dst(%dma_wait3A_26 : memref<200xi32, #tpu.memory_space<vmem>>)
      tpu.yield
    }) : () -> ()
    %dma_start3A = arith.constant 0 : i32
    %dma_start3A_5 = arith.constant 0 : i32
    %dma_start3A_6 = arith.constant 0 : i32
    %dma_start3A_7 = tpu.memref_slice %arg9[%dma_start3A, %dma_start3A_5, %dma_start3A_6] : memref<2x400x128xf32, #tpu.memory_space<vmem>> -> memref<1x400x128xf32, #tpu.memory_space<vmem>>
    %dma_start3A_8 = tpu.memref_squeeze %dma_start3A_7 : memref<1x400x128xf32, #tpu.memory_space<vmem>> -> memref<400x128xf32, #tpu.memory_space<vmem>>
    %dma_start3A_9 = arith.constant 0 : i32
    %dma_start3A_10 = arith.constant 0 : i32
    %dma_start3A_11 = tpu.memref_slice %arg2[%dma_start3A_9, %dma_start3A_10] : memref<10000x128xf32, #tpu.memory_space<hbm>> -> memref<10000x128xf32, #tpu.memory_space<hbm>>
    tpu.enqueue_indirect_dma source(%dma_start3A_11 : memref<10000x128xf32, #tpu.memory_space<hbm>>) target(%dma_start3A_8 : memref<400x128xf32, #tpu.memory_space<vmem>>) offsets(%arg7 : memref<400xi32, #tpu.memory_space<vmem>>) semaphore(%arg10 : memref<!tpu.dma_semaphore, #tpu.memory_space<semaphore_mem>>)
    %scan3A = arith.constant 0 : i32
    %scan3A_12 = arith.constant 0 : i32
    %scan3A_13 = arith.constant 25 : i32
    %scan3A_14 = arith.addi %scan3A_12, %scan3A_13 : i32
    %scan3A_15 = arith.constant 1 : i32
    scf.for %scan3A_17 = %scan3A_12 to %scan3A_14 step %scan3A_15  : i32 {
      %mul3A_18 = arith.constant 2 : i32
      %mul3A_19 = arith.muli %mul3A_18, %scan3A_17 : i32
      %add3A_20 = arith.constant 0 : i32
      %add3A_21 = arith.addi %mul3A_19, %add3A_20 : i32
      %add3A_22 = arith.constant 1 : i32
      %add3A_23 = arith.addi %add3A_21, %add3A_22 : i32
      %lt3A = arith.constant 50 : i32
      %lt3A_24 = arith.cmpi slt, %add3A_23, %lt3A : i32
      %convert_element_type3A = arith.extui %lt3A_24 : i1 to i32
      %cond3A = arith.constant 0 : i32
      %cond3A_25 = arith.cmpi ne, %convert_element_type3A, %cond3A : i32
      scf.if %cond3A_25 {
        %add3A_61 = arith.constant 1 : i32
        %add3A_62 = arith.addi %add3A_21, %add3A_61 : i32
        %mul3A_63 = arith.constant 200 : i32
        %mul3A_64 = arith.muli %add3A_62, %mul3A_63 : i32
        %add3A_65 = arith.addi %mul3A_2, %mul3A_64 : i32
        "tpu.region"() ({
          %run_scoped3A_74 = tpu.sem_alloc : memref<!tpu.dma_semaphore, #tpu.memory_space<semaphore_mem>>
          %dma_start3A_75 = arith.constant 0 : i32
          %dma_start3A_76 = tpu.memref_slice %arg8[%dma_start3A_75] : memref<400xi32, #tpu.memory_space<vmem>> -> memref<200xi32, #tpu.memory_space<vmem>>
          %dma_start3A_77 = tpu.memref_slice %arg3[%add3A_65] : memref<320000xi32, #tpu.memory_space<hbm>> -> memref<200xi32, #tpu.memory_space<hbm>>
          %dma_start3A_78 = arith.constant 0 : i32
          %dma_start3A_79 = tpu.memref_slice %arg8[%dma_start3A_78] : memref<400xi32, #tpu.memory_space<vmem>> -> memref<200xi32, #tpu.memory_space<vmem>>
          %dma_start3A_80 = tpu.memref_slice %arg3[%add3A_65] : memref<320000xi32, #tpu.memory_space<hbm>> -> memref<200xi32, #tpu.memory_space<hbm>>
          tpu.enqueue_dma source(%dma_start3A_80 : memref<200xi32, #tpu.memory_space<hbm>>) target(%dma_start3A_79 : memref<200xi32, #tpu.memory_space<vmem>>) target_semaphore(%run_scoped3A_74 : memref<!tpu.dma_semaphore, #tpu.memory_space<semaphore_mem>>)
          %dma_wait3A_81 = arith.constant 0 : i32
          %dma_wait3A_82 = tpu.memref_slice %arg8[%dma_wait3A_81] : memref<400xi32, #tpu.memory_space<vmem>> -> memref<200xi32, #tpu.memory_space<vmem>>
          %dma_wait3A_83 = tpu.memref_slice %arg3[%add3A_65] : memref<320000xi32, #tpu.memory_space<hbm>> -> memref<200xi32, #tpu.memory_space<hbm>>
          %dma_wait3A_84 = arith.constant 0 : i32
          %dma_wait3A_85 = tpu.memref_slice %arg8[%dma_wait3A_84] : memref<400xi32, #tpu.memory_space<vmem>> -> memref<200xi32, #tpu.memory_space<vmem>>
          %dma_wait3A_86 = tpu.memref_slice %arg3[%add3A_65] : memref<320000xi32, #tpu.memory_space<hbm>> -> memref<200xi32, #tpu.memory_space<hbm>>
          tpu.wait_dma2 semaphore(%run_scoped3A_74 : memref<!tpu.dma_semaphore, #tpu.memory_space<semaphore_mem>>) src(%dma_wait3A_86 : memref<200xi32, #tpu.memory_space<hbm>>) dst(%dma_wait3A_85 : memref<200xi32, #tpu.memory_space<vmem>>)
          tpu.yield
        }) : () -> ()
        "tpu.region"() ({
          %run_scoped3A_74 = tpu.sem_alloc : memref<!tpu.dma_semaphore, #tpu.memory_space<semaphore_mem>>
          %dma_start3A_75 = arith.constant 200 : i32
          %dma_start3A_76 = tpu.memref_slice %arg8[%dma_start3A_75] : memref<400xi32, #tpu.memory_space<vmem>> -> memref<200xi32, #tpu.memory_space<vmem>>
          %dma_start3A_77 = tpu.memref_slice %arg4[%add3A_65] : memref<320000xi32, #tpu.memory_space<hbm>> -> memref<200xi32, #tpu.memory_space<hbm>>
          %dma_start3A_78 = arith.constant 200 : i32
          %dma_start3A_79 = tpu.memref_slice %arg8[%dma_start3A_78] : memref<400xi32, #tpu.memory_space<vmem>> -> memref<200xi32, #tpu.memory_space<vmem>>
          %dma_start3A_80 = tpu.memref_slice %arg4[%add3A_65] : memref<320000xi32, #tpu.memory_space<hbm>> -> memref<200xi32, #tpu.memory_space<hbm>>
          tpu.enqueue_dma source(%dma_start3A_80 : memref<200xi32, #tpu.memory_space<hbm>>) target(%dma_start3A_79 : memref<200xi32, #tpu.memory_space<vmem>>) target_semaphore(%run_scoped3A_74 : memref<!tpu.dma_semaphore, #tpu.memory_space<semaphore_mem>>)
          %dma_wait3A_81 = arith.constant 200 : i32
          %dma_wait3A_82 = tpu.memref_slice %arg8[%dma_wait3A_81] : memref<400xi32, #tpu.memory_space<vmem>> -> memref<200xi32, #tpu.memory_space<vmem>>
          %dma_wait3A_83 = tpu.memref_slice %arg4[%add3A_65] : memref<320000xi32, #tpu.memory_space<hbm>> -> memref<200xi32, #tpu.memory_space<hbm>>
          %dma_wait3A_84 = arith.constant 200 : i32
          %dma_wait3A_85 = tpu.memref_slice %arg8[%dma_wait3A_84] : memref<400xi32, #tpu.memory_space<vmem>> -> memref<200xi32, #tpu.memory_space<vmem>>
          %dma_wait3A_86 = tpu.memref_slice %arg4[%add3A_65] : memref<320000xi32, #tpu.memory_space<hbm>> -> memref<200xi32, #tpu.memory_space<hbm>>
          tpu.wait_dma2 semaphore(%run_scoped3A_74 : memref<!tpu.dma_semaphore, #tpu.memory_space<semaphore_mem>>) src(%dma_wait3A_86 : memref<200xi32, #tpu.memory_space<hbm>>) dst(%dma_wait3A_85 : memref<200xi32, #tpu.memory_space<vmem>>)
          tpu.yield
        }) : () -> ()
        %dma_start3A_66 = arith.constant 1 : i32
        %dma_start3A_67 = arith.constant 0 : i32
        %dma_start3A_68 = arith.constant 0 : i32
        %dma_start3A_69 = tpu.memref_slice %arg9[%dma_start3A_66, %dma_start3A_67, %dma_start3A_68] : memref<2x400x128xf32, #tpu.memory_space<vmem>> -> memref<1x400x128xf32, #tpu.memory_space<vmem>>
        %dma_start3A_70 = tpu.memref_squeeze %dma_start3A_69 : memref<1x400x128xf32, #tpu.memory_space<vmem>> -> memref<400x128xf32, #tpu.memory_space<vmem>>
        %dma_start3A_71 = arith.constant 0 : i32
        %dma_start3A_72 = arith.constant 0 : i32
        %dma_start3A_73 = tpu.memref_slice %arg2[%dma_start3A_71, %dma_start3A_72] : memref<10000x128xf32, #tpu.memory_space<hbm>> -> memref<10000x128xf32, #tpu.memory_space<hbm>>
        tpu.enqueue_indirect_dma source(%dma_start3A_73 : memref<10000x128xf32, #tpu.memory_space<hbm>>) target(%dma_start3A_70 : memref<400x128xf32, #tpu.memory_space<vmem>>) offsets(%arg8 : memref<400xi32, #tpu.memory_space<vmem>>) semaphore(%arg11 : memref<!tpu.dma_semaphore, #tpu.memory_space<semaphore_mem>>)
      } else {
      }
      %dma_wait3A = arith.constant 0 : i32
      %dma_wait3A_26 = arith.constant 0 : i32
      %dma_wait3A_27 = arith.constant 0 : i32
      %dma_wait3A_28 = tpu.memref_slice %arg9[%dma_wait3A, %dma_wait3A_26, %dma_wait3A_27] : memref<2x400x128xf32, #tpu.memory_space<vmem>> -> memref<1x400x128xf32, #tpu.memory_space<vmem>>
      %dma_wait3A_29 = tpu.memref_squeeze %dma_wait3A_28 : memref<1x400x128xf32, #tpu.memory_space<vmem>> -> memref<400x128xf32, #tpu.memory_space<vmem>>
      %dma_wait3A_30 = arith.constant 0 : i32
      %dma_wait3A_31 = arith.constant 0 : i32
      %dma_wait3A_32 = tpu.memref_slice %arg2[%dma_wait3A_30, %dma_wait3A_31] : memref<10000x128xf32, #tpu.memory_space<hbm>> -> memref<10000x128xf32, #tpu.memory_space<hbm>>
      tpu.wait_indirect_dma semaphore(%arg10 : memref<!tpu.dma_semaphore, #tpu.memory_space<semaphore_mem>>) src(%dma_wait3A_32 : memref<10000x128xf32, #tpu.memory_space<hbm>>) dst(%dma_wait3A_29 : memref<400x128xf32, #tpu.memory_space<vmem>>)
      %mul3A_33 = arith.constant 200 : i32
      %mul3A_34 = arith.muli %add3A_21, %mul3A_33 : i32
      %add3A_35 = arith.addi %mul3A_2, %mul3A_34 : i32
      %run_scoped3A = arith.constant 0 : i32
      "tpu.region"() ({
        %run_scoped3A_61 = tpu.sem_alloc : memref<!tpu.dma_semaphore, #tpu.memory_space<semaphore_mem>>
        %dma_start3A_62 = arith.constant 0 : i32
        %dma_start3A_63 = arith.constant 0 : i32
        %dma_start3A_64 = tpu.memref_slice %arg9[%run_scoped3A, %dma_start3A_62, %dma_start3A_63] : memref<2x400x128xf32, #tpu.memory_space<vmem>> -> memref<1x200x128xf32, #tpu.memory_space<vmem>>
        %dma_start3A_65 = tpu.memref_squeeze %dma_start3A_64 : memref<1x200x128xf32, #tpu.memory_space<vmem>> -> memref<200x128xf32, #tpu.memory_space<vmem>>
        %dma_start3A_66 = arith.constant 0 : i32
        %dma_start3A_67 = tpu.memref_slice %arg5[%add3A_35, %dma_start3A_66] : memref<320000x128xf32, #tpu.memory_space<hbm>> -> memref<200x128xf32, #tpu.memory_space<hbm>>
        %dma_start3A_68 = arith.constant 0 : i32
        %dma_start3A_69 = tpu.memref_slice %arg5[%add3A_35, %dma_start3A_68] : memref<320000x128xf32, #tpu.memory_space<hbm>> -> memref<200x128xf32, #tpu.memory_space<hbm>>
        %dma_start3A_70 = arith.constant 0 : i32
        %dma_start3A_71 = arith.constant 0 : i32
        %dma_start3A_72 = tpu.memref_slice %arg9[%run_scoped3A, %dma_start3A_70, %dma_start3A_71] : memref<2x400x128xf32, #tpu.memory_space<vmem>> -> memref<1x200x128xf32, #tpu.memory_space<vmem>>
        %dma_start3A_73 = tpu.memref_squeeze %dma_start3A_72 : memref<1x200x128xf32, #tpu.memory_space<vmem>> -> memref<200x128xf32, #tpu.memory_space<vmem>>
        tpu.enqueue_dma source(%dma_start3A_73 : memref<200x128xf32, #tpu.memory_space<vmem>>) target(%dma_start3A_69 : memref<200x128xf32, #tpu.memory_space<hbm>>) target_semaphore(%run_scoped3A_61 : memref<!tpu.dma_semaphore, #tpu.memory_space<semaphore_mem>>)
        %dma_wait3A_74 = arith.constant 0 : i32
        %dma_wait3A_75 = arith.constant 0 : i32
        %dma_wait3A_76 = tpu.memref_slice %arg9[%run_scoped3A, %dma_wait3A_74, %dma_wait3A_75] : memref<2x400x128xf32, #tpu.memory_space<vmem>> -> memref<1x200x128xf32, #tpu.memory_space<vmem>>
        %dma_wait3A_77 = tpu.memref_squeeze %dma_wait3A_76 : memref<1x200x128xf32, #tpu.memory_space<vmem>> -> memref<200x128xf32, #tpu.memory_space<vmem>>
        %dma_wait3A_78 = arith.constant 0 : i32
        %dma_wait3A_79 = tpu.memref_slice %arg5[%add3A_35, %dma_wait3A_78] : memref<320000x128xf32, #tpu.memory_space<hbm>> -> memref<200x128xf32, #tpu.memory_space<hbm>>
        %dma_wait3A_80 = arith.constant 0 : i32
        %dma_wait3A_81 = tpu.memref_slice %arg5[%add3A_35, %dma_wait3A_80] : memref<320000x128xf32, #tpu.memory_space<hbm>> -> memref<200x128xf32, #tpu.memory_space<hbm>>
        %dma_wait3A_82 = arith.constant 0 : i32
        %dma_wait3A_83 = arith.constant 0 : i32
        %dma_wait3A_84 = tpu.memref_slice %arg9[%run_scoped3A, %dma_wait3A_82, %dma_wait3A_83] : memref<2x400x128xf32, #tpu.memory_space<vmem>> -> memref<1x200x128xf32, #tpu.memory_space<vmem>>
        %dma_wait3A_85 = tpu.memref_squeeze %dma_wait3A_84 : memref<1x200x128xf32, #tpu.memory_space<vmem>> -> memref<200x128xf32, #tpu.memory_space<vmem>>
        tpu.wait_dma2 semaphore(%run_scoped3A_61 : memref<!tpu.dma_semaphore, #tpu.memory_space<semaphore_mem>>) src(%dma_wait3A_85 : memref<200x128xf32, #tpu.memory_space<vmem>>) dst(%dma_wait3A_81 : memref<200x128xf32, #tpu.memory_space<hbm>>)
        tpu.yield
      }) : () -> ()
      %run_scoped3A_36 = arith.constant 0 : i32
      "tpu.region"() ({
        %run_scoped3A_61 = tpu.sem_alloc : memref<!tpu.dma_semaphore, #tpu.memory_space<semaphore_mem>>
        %dma_start3A_62 = arith.constant 200 : i32
        %dma_start3A_63 = arith.constant 0 : i32
        %dma_start3A_64 = tpu.memref_slice %arg9[%run_scoped3A_36, %dma_start3A_62, %dma_start3A_63] : memref<2x400x128xf32, #tpu.memory_space<vmem>> -> memref<1x200x128xf32, #tpu.memory_space<vmem>>
        %dma_start3A_65 = tpu.memref_squeeze %dma_start3A_64 : memref<1x200x128xf32, #tpu.memory_space<vmem>> -> memref<200x128xf32, #tpu.memory_space<vmem>>
        %dma_start3A_66 = arith.constant 0 : i32
        %dma_start3A_67 = tpu.memref_slice %arg6[%add3A_35, %dma_start3A_66] : memref<320000x128xf32, #tpu.memory_space<hbm>> -> memref<200x128xf32, #tpu.memory_space<hbm>>
        %dma_start3A_68 = arith.constant 0 : i32
        %dma_start3A_69 = tpu.memref_slice %arg6[%add3A_35, %dma_start3A_68] : memref<320000x128xf32, #tpu.memory_space<hbm>> -> memref<200x128xf32, #tpu.memory_space<hbm>>
        %dma_start3A_70 = arith.constant 200 : i32
        %dma_start3A_71 = arith.constant 0 : i32
        %dma_start3A_72 = tpu.memref_slice %arg9[%run_scoped3A_36, %dma_start3A_70, %dma_start3A_71] : memref<2x400x128xf32, #tpu.memory_space<vmem>> -> memref<1x200x128xf32, #tpu.memory_space<vmem>>
        %dma_start3A_73 = tpu.memref_squeeze %dma_start3A_72 : memref<1x200x128xf32, #tpu.memory_space<vmem>> -> memref<200x128xf32, #tpu.memory_space<vmem>>
        tpu.enqueue_dma source(%dma_start3A_73 : memref<200x128xf32, #tpu.memory_space<vmem>>) target(%dma_start3A_69 : memref<200x128xf32, #tpu.memory_space<hbm>>) target_semaphore(%run_scoped3A_61 : memref<!tpu.dma_semaphore, #tpu.memory_space<semaphore_mem>>)
        %dma_wait3A_74 = arith.constant 200 : i32
        %dma_wait3A_75 = arith.constant 0 : i32
        %dma_wait3A_76 = tpu.memref_slice %arg9[%run_scoped3A_36, %dma_wait3A_74, %dma_wait3A_75] : memref<2x400x128xf32, #tpu.memory_space<vmem>> -> memref<1x200x128xf32, #tpu.memory_space<vmem>>
        %dma_wait3A_77 = tpu.memref_squeeze %dma_wait3A_76 : memref<1x200x128xf32, #tpu.memory_space<vmem>> -> memref<200x128xf32, #tpu.memory_space<vmem>>
        %dma_wait3A_78 = arith.constant 0 : i32
        %dma_wait3A_79 = tpu.memref_slice %arg6[%add3A_35, %dma_wait3A_78] : memref<320000x128xf32, #tpu.memory_space<hbm>> -> memref<200x128xf32, #tpu.memory_space<hbm>>
        %dma_wait3A_80 = arith.constant 0 : i32
        %dma_wait3A_81 = tpu.memref_slice %arg6[%add3A_35, %dma_wait3A_80] : memref<320000x128xf32, #tpu.memory_space<hbm>> -> memref<200x128xf32, #tpu.memory_space<hbm>>
        %dma_wait3A_82 = arith.constant 200 : i32
        %dma_wait3A_83 = arith.constant 0 : i32
        %dma_wait3A_84 = tpu.memref_slice %arg9[%run_scoped3A_36, %dma_wait3A_82, %dma_wait3A_83] : memref<2x400x128xf32, #tpu.memory_space<vmem>> -> memref<1x200x128xf32, #tpu.memory_space<vmem>>
        %dma_wait3A_85 = tpu.memref_squeeze %dma_wait3A_84 : memref<1x200x128xf32, #tpu.memory_space<vmem>> -> memref<200x128xf32, #tpu.memory_space<vmem>>
        tpu.wait_dma2 semaphore(%run_scoped3A_61 : memref<!tpu.dma_semaphore, #tpu.memory_space<semaphore_mem>>) src(%dma_wait3A_85 : memref<200x128xf32, #tpu.memory_space<vmem>>) dst(%dma_wait3A_81 : memref<200x128xf32, #tpu.memory_space<hbm>>)
        tpu.yield
      }) : () -> ()
      %mul3A_37 = arith.constant 2 : i32
      %mul3A_38 = arith.muli %mul3A_37, %scan3A_17 : i32
      %add3A_39 = arith.constant 1 : i32
      %add3A_40 = arith.addi %mul3A_38, %add3A_39 : i32
      %add3A_41 = arith.constant 1 : i32
      %add3A_42 = arith.addi %add3A_40, %add3A_41 : i32
      %lt3A_43 = arith.constant 50 : i32
      %lt3A_44 = arith.cmpi slt, %add3A_42, %lt3A_43 : i32
      %convert_element_type3A_45 = arith.extui %lt3A_44 : i1 to i32
      %cond3A_46 = arith.constant 0 : i32
      %cond3A_47 = arith.cmpi ne, %convert_element_type3A_45, %cond3A_46 : i32
      scf.if %cond3A_47 {
        %add3A_61 = arith.constant 1 : i32
        %add3A_62 = arith.addi %add3A_40, %add3A_61 : i32
        %mul3A_63 = arith.constant 200 : i32
        %mul3A_64 = arith.muli %add3A_62, %mul3A_63 : i32
        %add3A_65 = arith.addi %mul3A_2, %mul3A_64 : i32
        "tpu.region"() ({
          %run_scoped3A_74 = tpu.sem_alloc : memref<!tpu.dma_semaphore, #tpu.memory_space<semaphore_mem>>
          %dma_start3A_75 = arith.constant 0 : i32
          %dma_start3A_76 = tpu.memref_slice %arg7[%dma_start3A_75] : memref<400xi32, #tpu.memory_space<vmem>> -> memref<200xi32, #tpu.memory_space<vmem>>
          %dma_start3A_77 = tpu.memref_slice %arg3[%add3A_65] : memref<320000xi32, #tpu.memory_space<hbm>> -> memref<200xi32, #tpu.memory_space<hbm>>
          %dma_start3A_78 = arith.constant 0 : i32
          %dma_start3A_79 = tpu.memref_slice %arg7[%dma_start3A_78] : memref<400xi32, #tpu.memory_space<vmem>> -> memref<200xi32, #tpu.memory_space<vmem>>
          %dma_start3A_80 = tpu.memref_slice %arg3[%add3A_65] : memref<320000xi32, #tpu.memory_space<hbm>> -> memref<200xi32, #tpu.memory_space<hbm>>
          tpu.enqueue_dma source(%dma_start3A_80 : memref<200xi32, #tpu.memory_space<hbm>>) target(%dma_start3A_79 : memref<200xi32, #tpu.memory_space<vmem>>) target_semaphore(%run_scoped3A_74 : memref<!tpu.dma_semaphore, #tpu.memory_space<semaphore_mem>>)
          %dma_wait3A_81 = arith.constant 0 : i32
          %dma_wait3A_82 = tpu.memref_slice %arg7[%dma_wait3A_81] : memref<400xi32, #tpu.memory_space<vmem>> -> memref<200xi32, #tpu.memory_space<vmem>>
          %dma_wait3A_83 = tpu.memref_slice %arg3[%add3A_65] : memref<320000xi32, #tpu.memory_space<hbm>> -> memref<200xi32, #tpu.memory_space<hbm>>
          %dma_wait3A_84 = arith.constant 0 : i32
          %dma_wait3A_85 = tpu.memref_slice %arg7[%dma_wait3A_84] : memref<400xi32, #tpu.memory_space<vmem>> -> memref<200xi32, #tpu.memory_space<vmem>>
          %dma_wait3A_86 = tpu.memref_slice %arg3[%add3A_65] : memref<320000xi32, #tpu.memory_space<hbm>> -> memref<200xi32, #tpu.memory_space<hbm>>
          tpu.wait_dma2 semaphore(%run_scoped3A_74 : memref<!tpu.dma_semaphore, #tpu.memory_space<semaphore_mem>>) src(%dma_wait3A_86 : memref<200xi32, #tpu.memory_space<hbm>>) dst(%dma_wait3A_85 : memref<200xi32, #tpu.memory_space<vmem>>)
          tpu.yield
        }) : () -> ()
        "tpu.region"() ({
          %run_scoped3A_74 = tpu.sem_alloc : memref<!tpu.dma_semaphore, #tpu.memory_space<semaphore_mem>>
          %dma_start3A_75 = arith.constant 200 : i32
          %dma_start3A_76 = tpu.memref_slice %arg7[%dma_start3A_75] : memref<400xi32, #tpu.memory_space<vmem>> -> memref<200xi32, #tpu.memory_space<vmem>>
          %dma_start3A_77 = tpu.memref_slice %arg4[%add3A_65] : memref<320000xi32, #tpu.memory_space<hbm>> -> memref<200xi32, #tpu.memory_space<hbm>>
          %dma_start3A_78 = arith.constant 200 : i32
          %dma_start3A_79 = tpu.memref_slice %arg7[%dma_start3A_78] : memref<400xi32, #tpu.memory_space<vmem>> -> memref<200xi32, #tpu.memory_space<vmem>>
          %dma_start3A_80 = tpu.memref_slice %arg4[%add3A_65] : memref<320000xi32, #tpu.memory_space<hbm>> -> memref<200xi32, #tpu.memory_space<hbm>>
          tpu.enqueue_dma source(%dma_start3A_80 : memref<200xi32, #tpu.memory_space<hbm>>) target(%dma_start3A_79 : memref<200xi32, #tpu.memory_space<vmem>>) target_semaphore(%run_scoped3A_74 : memref<!tpu.dma_semaphore, #tpu.memory_space<semaphore_mem>>)
          %dma_wait3A_81 = arith.constant 200 : i32
          %dma_wait3A_82 = tpu.memref_slice %arg7[%dma_wait3A_81] : memref<400xi32, #tpu.memory_space<vmem>> -> memref<200xi32, #tpu.memory_space<vmem>>
          %dma_wait3A_83 = tpu.memref_slice %arg4[%add3A_65] : memref<320000xi32, #tpu.memory_space<hbm>> -> memref<200xi32, #tpu.memory_space<hbm>>
          %dma_wait3A_84 = arith.constant 200 : i32
          %dma_wait3A_85 = tpu.memref_slice %arg7[%dma_wait3A_84] : memref<400xi32, #tpu.memory_space<vmem>> -> memref<200xi32, #tpu.memory_space<vmem>>
          %dma_wait3A_86 = tpu.memref_slice %arg4[%add3A_65] : memref<320000xi32, #tpu.memory_space<hbm>> -> memref<200xi32, #tpu.memory_space<hbm>>
          tpu.wait_dma2 semaphore(%run_scoped3A_74 : memref<!tpu.dma_semaphore, #tpu.memory_space<semaphore_mem>>) src(%dma_wait3A_86 : memref<200xi32, #tpu.memory_space<hbm>>) dst(%dma_wait3A_85 : memref<200xi32, #tpu.memory_space<vmem>>)
          tpu.yield
        }) : () -> ()
        %dma_start3A_66 = arith.constant 0 : i32
        %dma_start3A_67 = arith.constant 0 : i32
        %dma_start3A_68 = arith.constant 0 : i32
        %dma_start3A_69 = tpu.memref_slice %arg9[%dma_start3A_66, %dma_start3A_67, %dma_start3A_68] : memref<2x400x128xf32, #tpu.memory_space<vmem>> -> memref<1x400x128xf32, #tpu.memory_space<vmem>>
        %dma_start3A_70 = tpu.memref_squeeze %dma_start3A_69 : memref<1x400x128xf32, #tpu.memory_space<vmem>> -> memref<400x128xf32, #tpu.memory_space<vmem>>
        %dma_start3A_71 = arith.constant 0 : i32
        %dma_start3A_72 = arith.constant 0 : i32
        %dma_start3A_73 = tpu.memref_slice %arg2[%dma_start3A_71, %dma_start3A_72] : memref<10000x128xf32, #tpu.memory_space<hbm>> -> memref<10000x128xf32, #tpu.memory_space<hbm>>
        tpu.enqueue_indirect_dma source(%dma_start3A_73 : memref<10000x128xf32, #tpu.memory_space<hbm>>) target(%dma_start3A_70 : memref<400x128xf32, #tpu.memory_space<vmem>>) offsets(%arg7 : memref<400xi32, #tpu.memory_space<vmem>>) semaphore(%arg10 : memref<!tpu.dma_semaphore, #tpu.memory_space<semaphore_mem>>)
      } else {
      }
      %dma_wait3A_48 = arith.constant 1 : i32
      %dma_wait3A_49 = arith.constant 0 : i32
      %dma_wait3A_50 = arith.constant 0 : i32
      %dma_wait3A_51 = tpu.memref_slice %arg9[%dma_wait3A_48, %dma_wait3A_49, %dma_wait3A_50] : memref<2x400x128xf32, #tpu.memory_space<vmem>> -> memref<1x400x128xf32, #tpu.memory_space<vmem>>
      %dma_wait3A_52 = tpu.memref_squeeze %dma_wait3A_51 : memref<1x400x128xf32, #tpu.memory_space<vmem>> -> memref<400x128xf32, #tpu.memory_space<vmem>>
      %dma_wait3A_53 = arith.constant 0 : i32
      %dma_wait3A_54 = arith.constant 0 : i32
      %dma_wait3A_55 = tpu.memref_slice %arg2[%dma_wait3A_53, %dma_wait3A_54] : memref<10000x128xf32, #tpu.memory_space<hbm>> -> memref<10000x128xf32, #tpu.memory_space<hbm>>
      tpu.wait_indirect_dma semaphore(%arg11 : memref<!tpu.dma_semaphore, #tpu.memory_space<semaphore_mem>>) src(%dma_wait3A_55 : memref<10000x128xf32, #tpu.memory_space<hbm>>) dst(%dma_wait3A_52 : memref<400x128xf32, #tpu.memory_space<vmem>>)
      %mul3A_56 = arith.constant 200 : i32
      %mul3A_57 = arith.muli %add3A_40, %mul3A_56 : i32
      %add3A_58 = arith.addi %mul3A_2, %mul3A_57 : i32
      %run_scoped3A_59 = arith.constant 1 : i32
      "tpu.region"() ({
        %run_scoped3A_61 = tpu.sem_alloc : memref<!tpu.dma_semaphore, #tpu.memory_space<semaphore_mem>>
        %dma_start3A_62 = arith.constant 0 : i32
        %dma_start3A_63 = arith.constant 0 : i32
        %dma_start3A_64 = tpu.memref_slice %arg9[%run_scoped3A_59, %dma_start3A_62, %dma_start3A_63] : memref<2x400x128xf32, #tpu.memory_space<vmem>> -> memref<1x200x128xf32, #tpu.memory_space<vmem>>
        %dma_start3A_65 = tpu.memref_squeeze %dma_start3A_64 : memref<1x200x128xf32, #tpu.memory_space<vmem>> -> memref<200x128xf32, #tpu.memory_space<vmem>>
        %dma_start3A_66 = arith.constant 0 : i32
        %dma_start3A_67 = tpu.memref_slice %arg5[%add3A_58, %dma_start3A_66] : memref<320000x128xf32, #tpu.memory_space<hbm>> -> memref<200x128xf32, #tpu.memory_space<hbm>>
        %dma_start3A_68 = arith.constant 0 : i32
        %dma_start3A_69 = tpu.memref_slice %arg5[%add3A_58, %dma_start3A_68] : memref<320000x128xf32, #tpu.memory_space<hbm>> -> memref<200x128xf32, #tpu.memory_space<hbm>>
        %dma_start3A_70 = arith.constant 0 : i32
        %dma_start3A_71 = arith.constant 0 : i32
        %dma_start3A_72 = tpu.memref_slice %arg9[%run_scoped3A_59, %dma_start3A_70, %dma_start3A_71] : memref<2x400x128xf32, #tpu.memory_space<vmem>> -> memref<1x200x128xf32, #tpu.memory_space<vmem>>
        %dma_start3A_73 = tpu.memref_squeeze %dma_start3A_72 : memref<1x200x128xf32, #tpu.memory_space<vmem>> -> memref<200x128xf32, #tpu.memory_space<vmem>>
        tpu.enqueue_dma source(%dma_start3A_73 : memref<200x128xf32, #tpu.memory_space<vmem>>) target(%dma_start3A_69 : memref<200x128xf32, #tpu.memory_space<hbm>>) target_semaphore(%run_scoped3A_61 : memref<!tpu.dma_semaphore, #tpu.memory_space<semaphore_mem>>)
        %dma_wait3A_74 = arith.constant 0 : i32
        %dma_wait3A_75 = arith.constant 0 : i32
        %dma_wait3A_76 = tpu.memref_slice %arg9[%run_scoped3A_59, %dma_wait3A_74, %dma_wait3A_75] : memref<2x400x128xf32, #tpu.memory_space<vmem>> -> memref<1x200x128xf32, #tpu.memory_space<vmem>>
        %dma_wait3A_77 = tpu.memref_squeeze %dma_wait3A_76 : memref<1x200x128xf32, #tpu.memory_space<vmem>> -> memref<200x128xf32, #tpu.memory_space<vmem>>
        %dma_wait3A_78 = arith.constant 0 : i32
        %dma_wait3A_79 = tpu.memref_slice %arg5[%add3A_58, %dma_wait3A_78] : memref<320000x128xf32, #tpu.memory_space<hbm>> -> memref<200x128xf32, #tpu.memory_space<hbm>>
        %dma_wait3A_80 = arith.constant 0 : i32
        %dma_wait3A_81 = tpu.memref_slice %arg5[%add3A_58, %dma_wait3A_80] : memref<320000x128xf32, #tpu.memory_space<hbm>> -> memref<200x128xf32, #tpu.memory_space<hbm>>
        %dma_wait3A_82 = arith.constant 0 : i32
        %dma_wait3A_83 = arith.constant 0 : i32
        %dma_wait3A_84 = tpu.memref_slice %arg9[%run_scoped3A_59, %dma_wait3A_82, %dma_wait3A_83] : memref<2x400x128xf32, #tpu.memory_space<vmem>> -> memref<1x200x128xf32, #tpu.memory_space<vmem>>
        %dma_wait3A_85 = tpu.memref_squeeze %dma_wait3A_84 : memref<1x200x128xf32, #tpu.memory_space<vmem>> -> memref<200x128xf32, #tpu.memory_space<vmem>>
        tpu.wait_dma2 semaphore(%run_scoped3A_61 : memref<!tpu.dma_semaphore, #tpu.memory_space<semaphore_mem>>) src(%dma_wait3A_85 : memref<200x128xf32, #tpu.memory_space<vmem>>) dst(%dma_wait3A_81 : memref<200x128xf32, #tpu.memory_space<hbm>>)
        tpu.yield
      }) : () -> ()
      %run_scoped3A_60 = arith.constant 1 : i32
      "tpu.region"() ({
        %run_scoped3A_61 = tpu.sem_alloc : memref<!tpu.dma_semaphore, #tpu.memory_space<semaphore_mem>>
        %dma_start3A_62 = arith.constant 200 : i32
        %dma_start3A_63 = arith.constant 0 : i32
        %dma_start3A_64 = tpu.memref_slice %arg9[%run_scoped3A_60, %dma_start3A_62, %dma_start3A_63] : memref<2x400x128xf32, #tpu.memory_space<vmem>> -> memref<1x200x128xf32, #tpu.memory_space<vmem>>
        %dma_start3A_65 = tpu.memref_squeeze %dma_start3A_64 : memref<1x200x128xf32, #tpu.memory_space<vmem>> -> memref<200x128xf32, #tpu.memory_space<vmem>>
        %dma_start3A_66 = arith.constant 0 : i32
        %dma_start3A_67 = tpu.memref_slice %arg6[%add3A_58, %dma_start3A_66] : memref<320000x128xf32, #tpu.memory_space<hbm>> -> memref<200x128xf32, #tpu.memory_space<hbm>>
        %dma_start3A_68 = arith.constant 0 : i32
        %dma_start3A_69 = tpu.memref_slice %arg6[%add3A_58, %dma_start3A_68] : memref<320000x128xf32, #tpu.memory_space<hbm>> -> memref<200x128xf32, #tpu.memory_space<hbm>>
        %dma_start3A_70 = arith.constant 200 : i32
        %dma_start3A_71 = arith.constant 0 : i32
        %dma_start3A_72 = tpu.memref_slice %arg9[%run_scoped3A_60, %dma_start3A_70, %dma_start3A_71] : memref<2x400x128xf32, #tpu.memory_space<vmem>> -> memref<1x200x128xf32, #tpu.memory_space<vmem>>
        %dma_start3A_73 = tpu.memref_squeeze %dma_start3A_72 : memref<1x200x128xf32, #tpu.memory_space<vmem>> -> memref<200x128xf32, #tpu.memory_space<vmem>>
        tpu.enqueue_dma source(%dma_start3A_73 : memref<200x128xf32, #tpu.memory_space<vmem>>) target(%dma_start3A_69 : memref<200x128xf32, #tpu.memory_space<hbm>>) target_semaphore(%run_scoped3A_61 : memref<!tpu.dma_semaphore, #tpu.memory_space<semaphore_mem>>)
        %dma_wait3A_74 = arith.constant 200 : i32
        %dma_wait3A_75 = arith.constant 0 : i32
        %dma_wait3A_76 = tpu.memref_slice %arg9[%run_scoped3A_60, %dma_wait3A_74, %dma_wait3A_75] : memref<2x400x128xf32, #tpu.memory_space<vmem>> -> memref<1x200x128xf32, #tpu.memory_space<vmem>>
        %dma_wait3A_77 = tpu.memref_squeeze %dma_wait3A_76 : memref<1x200x128xf32, #tpu.memory_space<vmem>> -> memref<200x128xf32, #tpu.memory_space<vmem>>
        %dma_wait3A_78 = arith.constant 0 : i32
        %dma_wait3A_79 = tpu.memref_slice %arg6[%add3A_58, %dma_wait3A_78] : memref<320000x128xf32, #tpu.memory_space<hbm>> -> memref<200x128xf32, #tpu.memory_space<hbm>>
        %dma_wait3A_80 = arith.constant 0 : i32
        %dma_wait3A_81 = tpu.memref_slice %arg6[%add3A_58, %dma_wait3A_80] : memref<320000x128xf32, #tpu.memory_space<hbm>> -> memref<200x128xf32, #tpu.memory_space<hbm>>
        %dma_wait3A_82 = arith.constant 200 : i32
        %dma_wait3A_83 = arith.constant 0 : i32
        %dma_wait3A_84 = tpu.memref_slice %arg9[%run_scoped3A_60, %dma_wait3A_82, %dma_wait3A_83] : memref<2x400x128xf32, #tpu.memory_space<vmem>> -> memref<1x200x128xf32, #tpu.memory_space<vmem>>
        %dma_wait3A_85 = tpu.memref_squeeze %dma_wait3A_84 : memref<1x200x128xf32, #tpu.memory_space<vmem>> -> memref<200x128xf32, #tpu.memory_space<vmem>>
        tpu.wait_dma2 semaphore(%run_scoped3A_61 : memref<!tpu.dma_semaphore, #tpu.memory_space<semaphore_mem>>) src(%dma_wait3A_85 : memref<200x128xf32, #tpu.memory_space<vmem>>) dst(%dma_wait3A_81 : memref<200x128xf32, #tpu.memory_space<hbm>>)
        tpu.yield
      }) : () -> ()
    }
    %scan3A_16 = arith.constant 25 : i32
    return
  }
}

#map = affine_map<(d0, d1) -> (0, 0)>
#map1 = affine_map<(d0, d1) -> (0)>
#map2 = affine_map<(d0, d1) -> (0, 0, 0)>
module attributes {stable_mosaic.version = 14 : i64} {
  func.func @scatter_kernel(%arg0: i32, %arg1: i32, %arg2: memref<320000x128xf32, #tpu.memory_space<hbm>>, %arg3: memref<320000xi32, #tpu.memory_space<hbm>>, %arg4: memref<2x10240x128xf32, #tpu.memory_space<hbm>>, %arg5: memref<10240x128xf32, #tpu.memory_space<vmem_shared>>, %arg6: memref<40x128xf32, #tpu.memory_space<vmem>>, %arg7: memref<80xi32, #tpu.memory_space<vmem>>, %arg8: memref<80xi32, #tpu.memory_space<vmem>>, %arg9: memref<2x80x128xf32, #tpu.memory_space<vmem>>, %arg10: memref<!tpu.dma_semaphore, #tpu.memory_space<semaphore_mem>>, %arg11: memref<!tpu.dma_semaphore, #tpu.memory_space<semaphore_mem>>, %arg12: memref<!tpu.dma_semaphore, #tpu.memory_space<semaphore_mem>>, %arg13: memref<!tpu.dma_semaphore, #tpu.memory_space<semaphore_mem>>) attributes {dimension_semantics = [#tpu.dimension_semantics<core_parallel>, #tpu.dimension_semantics<subcore_parallel>], iteration_bounds = array<i64: 2, 16>, scalar_prefetch = 0 : i64, scratch_operands = 9 : i64, tpu.core_type = #tpu.core_type<sc_vector_subcore>, window_params = [{transform_indices = #map}, {transform_indices = #map1}, {transform_indices = #map2}]} {
    %mul3A = arith.constant 160000 : i32
    %mul3A_0 = arith.muli %arg0, %mul3A : i32
    %mul3A_1 = arith.constant 10000 : i32
    %mul3A_2 = arith.muli %arg1, %mul3A_1 : i32
    %add3A = arith.addi %mul3A_0, %mul3A_2 : i32
    %add3A_3 = arith.constant 0 : i32
    %add3A_4 = arith.addi %add3A, %add3A_3 : i32
    %dma_start3A = tpu.memref_slice %arg3[%add3A_4] : memref<320000xi32, #tpu.memory_space<hbm>> -> memref<80xi32, #tpu.memory_space<hbm>>
    %dma_start3A_5 = tpu.memref_slice %arg3[%add3A_4] : memref<320000xi32, #tpu.memory_space<hbm>> -> memref<80xi32, #tpu.memory_space<hbm>>
    tpu.enqueue_dma source(%dma_start3A_5 : memref<80xi32, #tpu.memory_space<hbm>>) target(%arg7 : memref<80xi32, #tpu.memory_space<vmem>>) target_semaphore(%arg12 : memref<!tpu.dma_semaphore, #tpu.memory_space<semaphore_mem>>)
    %dma_start3A_6 = arith.constant 0 : i32
    %dma_start3A_7 = arith.constant 0 : i32
    %dma_start3A_8 = arith.constant 0 : i32
    %dma_start3A_9 = tpu.memref_slice %arg9[%dma_start3A_6, %dma_start3A_7, %dma_start3A_8] : memref<2x80x128xf32, #tpu.memory_space<vmem>> -> memref<1x80x128xf32, #tpu.memory_space<vmem>>
    %dma_start3A_10 = tpu.memref_squeeze %dma_start3A_9 : memref<1x80x128xf32, #tpu.memory_space<vmem>> -> memref<80x128xf32, #tpu.memory_space<vmem>>
    %dma_start3A_11 = arith.constant 0 : i32
    %dma_start3A_12 = tpu.memref_slice %arg2[%add3A_4, %dma_start3A_11] : memref<320000x128xf32, #tpu.memory_space<hbm>> -> memref<80x128xf32, #tpu.memory_space<hbm>>
    %dma_start3A_13 = arith.constant 0 : i32
    %dma_start3A_14 = arith.constant 0 : i32
    %dma_start3A_15 = tpu.memref_slice %arg9[%dma_start3A_6, %dma_start3A_13, %dma_start3A_14] : memref<2x80x128xf32, #tpu.memory_space<vmem>> -> memref<1x80x128xf32, #tpu.memory_space<vmem>>
    %dma_start3A_16 = tpu.memref_squeeze %dma_start3A_15 : memref<1x80x128xf32, #tpu.memory_space<vmem>> -> memref<80x128xf32, #tpu.memory_space<vmem>>
    %dma_start3A_17 = arith.constant 0 : i32
    %dma_start3A_18 = tpu.memref_slice %arg2[%add3A_4, %dma_start3A_17] : memref<320000x128xf32, #tpu.memory_space<hbm>> -> memref<80x128xf32, #tpu.memory_space<hbm>>
    tpu.enqueue_dma source(%dma_start3A_18 : memref<80x128xf32, #tpu.memory_space<hbm>>) target(%dma_start3A_16 : memref<80x128xf32, #tpu.memory_space<vmem>>) target_semaphore(%arg10 : memref<!tpu.dma_semaphore, #tpu.memory_space<semaphore_mem>>)
    %broadcast_in_dim3A = arith.constant 0.000000e+00 : f32
    %broadcast_in_dim3A_19 = vector.broadcast %broadcast_in_dim3A : f32 to vector<16xf32>
    %scan3A = arith.constant 0 : i32
    %scan3A_20 = arith.constant 0 : i32
    %scan3A_21 = arith.constant 40 : i32
    %scan3A_22 = arith.addi %scan3A_20, %scan3A_21 : i32
    %scan3A_23 = arith.constant 1 : i32
    scf.for %scan3A_56 = %scan3A_20 to %scan3A_22 step %scan3A_23  : i32 {
      %scan3A_57 = arith.constant 0 : i32
      %scan3A_58 = arith.constant 8 : i32
      %scan3A_59 = arith.addi %scan3A_57, %scan3A_58 : i32
      %scan3A_60 = arith.constant 1 : i32
      scf.for %scan3A_62 = %scan3A_57 to %scan3A_59 step %scan3A_60  : i32 {
        %mul3A_63 = arith.constant 16 : i32
        %mul3A_64 = arith.muli %scan3A_62, %mul3A_63 : i32
        %swap3A = arith.index_cast %scan3A_56 : i32 to index
        %swap3A_65 = arith.index_cast %mul3A_64 : i32 to index
        %swap3A_66 = tpu.vector_load %arg6[%swap3A, %swap3A_65] {strides = array<i32>} : memref<40x128xf32, #tpu.memory_space<vmem>>, vector<1x16xf32>,
        %swap3A_67 = vector.shape_cast %swap3A_66 : vector<1x16xf32> to vector<16xf32>
        %swap3A_68 = vector.shape_cast %broadcast_in_dim3A_19 : vector<16xf32> to vector<1x16xf32>
        tpu.vector_store %arg6[%swap3A, %swap3A_65], %swap3A_68 {strides = array<i32>} : memref<40x128xf32, #tpu.memory_space<vmem>>, vector<1x16xf32>,
      }
      %scan3A_61 = arith.constant 8 : i32
    }
    %scan3A_24 = arith.constant 40 : i32
    %scan3A_25 = arith.constant 0 : i32
    %scan3A_26 = arith.constant 0 : i32
    %scan3A_27 = arith.constant 16 : i32
    %scan3A_28 = arith.addi %scan3A_26, %scan3A_27 : i32
    %scan3A_29 = arith.constant 1 : i32
    scf.for %scan3A_56 = %scan3A_26 to %scan3A_28 step %scan3A_29  : i32 {
      %mul3A_57 = arith.constant 640 : i32
      %mul3A_58 = arith.muli %arg1, %mul3A_57 : i32
      %mul3A_59 = arith.constant 40 : i32
      %mul3A_60 = arith.muli %scan3A_56, %mul3A_59 : i32
      %add3A_61 = arith.addi %mul3A_58, %mul3A_60 : i32
      "tpu.region"() ({
        %run_scoped3A_62 = tpu.sem_alloc : memref<!tpu.dma_semaphore, #tpu.memory_space<semaphore_mem>>
        %dma_start3A_63 = arith.constant 0 : i32
        %dma_start3A_64 = tpu.memref_slice %arg5[%add3A_61, %dma_start3A_63] : memref<10240x128xf32, #tpu.memory_space<vmem_shared>> -> memref<40x128xf32, #tpu.memory_space<vmem_shared>>
        %dma_start3A_65 = arith.constant 0 : i32
        %dma_start3A_66 = tpu.memref_slice %arg5[%add3A_61, %dma_start3A_65] : memref<10240x128xf32, #tpu.memory_space<vmem_shared>> -> memref<40x128xf32, #tpu.memory_space<vmem_shared>>
        tpu.enqueue_dma source(%arg6 : memref<40x128xf32, #tpu.memory_space<vmem>>) target(%dma_start3A_66 : memref<40x128xf32, #tpu.memory_space<vmem_shared>>) target_semaphore(%run_scoped3A_62 : memref<!tpu.dma_semaphore, #tpu.memory_space<semaphore_mem>>)
        %dma_wait3A_67 = arith.constant 0 : i32
        %dma_wait3A_68 = tpu.memref_slice %arg5[%add3A_61, %dma_wait3A_67] : memref<10240x128xf32, #tpu.memory_space<vmem_shared>> -> memref<40x128xf32, #tpu.memory_space<vmem_shared>>
        %dma_wait3A_69 = arith.constant 0 : i32
        %dma_wait3A_70 = tpu.memref_slice %arg5[%add3A_61, %dma_wait3A_69] : memref<10240x128xf32, #tpu.memory_space<vmem_shared>> -> memref<40x128xf32, #tpu.memory_space<vmem_shared>>
        tpu.wait_dma2 semaphore(%run_scoped3A_62 : memref<!tpu.dma_semaphore, #tpu.memory_space<semaphore_mem>>) src(%arg6 : memref<40x128xf32, #tpu.memory_space<vmem>>) dst(%dma_wait3A_70 : memref<40x128xf32, #tpu.memory_space<vmem_shared>>)
        tpu.yield
      }) : () -> ()
    }
    %scan3A_30 = arith.constant 16 : i32
    %barrier3A = arith.constant 0 : index
    tpu.barrier barrier_id(%barrier3A)
    %scan3A_31 = arith.constant 0 : i32
    %scan3A_32 = arith.constant 0 : i32
    %scan3A_33 = arith.constant 62 : i32
    %scan3A_34 = arith.addi %scan3A_32, %scan3A_33 : i32
    %scan3A_35 = arith.constant 1 : i32
    scf.for %scan3A_56 = %scan3A_32 to %scan3A_34 step %scan3A_35  : i32 {
      %mul3A_57 = arith.constant 2 : i32
      %mul3A_58 = arith.muli %mul3A_57, %scan3A_56 : i32
      %add3A_59 = arith.constant 0 : i32
      %add3A_60 = arith.addi %mul3A_58, %add3A_59 : i32
      %add3A_61 = arith.constant 1 : i32
      %add3A_62 = arith.addi %add3A_60, %add3A_61 : i32
      %lt3A = arith.constant 125 : i32
      %lt3A_63 = arith.cmpi slt, %add3A_62, %lt3A : i32
      %convert_element_type3A = arith.extui %lt3A_63 : i1 to i32
      %cond3A = arith.constant 0 : i32
      %cond3A_64 = arith.cmpi ne, %convert_element_type3A, %cond3A : i32
      scf.if %cond3A_64 {
        %add3A_114 = arith.constant 1 : i32
        %add3A_115 = arith.addi %add3A_60, %add3A_114 : i32
        %mul3A_116 = arith.constant 80 : i32
        %mul3A_117 = arith.muli %add3A_115, %mul3A_116 : i32
        %add3A_118 = arith.addi %add3A, %mul3A_117 : i32
        %dma_start3A_119 = tpu.memref_slice %arg3[%add3A_118] : memref<320000xi32, #tpu.memory_space<hbm>> -> memref<80xi32, #tpu.memory_space<hbm>>
        %dma_start3A_120 = tpu.memref_slice %arg3[%add3A_118] : memref<320000xi32, #tpu.memory_space<hbm>> -> memref<80xi32, #tpu.memory_space<hbm>>
        tpu.enqueue_dma source(%dma_start3A_120 : memref<80xi32, #tpu.memory_space<hbm>>) target(%arg8 : memref<80xi32, #tpu.memory_space<vmem>>) target_semaphore(%arg13 : memref<!tpu.dma_semaphore, #tpu.memory_space<semaphore_mem>>)
        %dma_start3A_121 = arith.constant 1 : i32
        %dma_start3A_122 = arith.constant 0 : i32
        %dma_start3A_123 = arith.constant 0 : i32
        %dma_start3A_124 = tpu.memref_slice %arg9[%dma_start3A_121, %dma_start3A_122, %dma_start3A_123] : memref<2x80x128xf32, #tpu.memory_space<vmem>> -> memref<1x80x128xf32, #tpu.memory_space<vmem>>
        %dma_start3A_125 = tpu.memref_squeeze %dma_start3A_124 : memref<1x80x128xf32, #tpu.memory_space<vmem>> -> memref<80x128xf32, #tpu.memory_space<vmem>>
        %dma_start3A_126 = arith.constant 0 : i32
        %dma_start3A_127 = tpu.memref_slice %arg2[%add3A_118, %dma_start3A_126] : memref<320000x128xf32, #tpu.memory_space<hbm>> -> memref<80x128xf32, #tpu.memory_space<hbm>>
        %dma_start3A_128 = arith.constant 0 : i32
        %dma_start3A_129 = arith.constant 0 : i32
        %dma_start3A_130 = tpu.memref_slice %arg9[%dma_start3A_121, %dma_start3A_128, %dma_start3A_129] : memref<2x80x128xf32, #tpu.memory_space<vmem>> -> memref<1x80x128xf32, #tpu.memory_space<vmem>>
        %dma_start3A_131 = tpu.memref_squeeze %dma_start3A_130 : memref<1x80x128xf32, #tpu.memory_space<vmem>> -> memref<80x128xf32, #tpu.memory_space<vmem>>
        %dma_start3A_132 = arith.constant 0 : i32
        %dma_start3A_133 = tpu.memref_slice %arg2[%add3A_118, %dma_start3A_132] : memref<320000x128xf32, #tpu.memory_space<hbm>> -> memref<80x128xf32, #tpu.memory_space<hbm>>
        tpu.enqueue_dma source(%dma_start3A_133 : memref<80x128xf32, #tpu.memory_space<hbm>>) target(%dma_start3A_131 : memref<80x128xf32, #tpu.memory_space<vmem>>) target_semaphore(%arg11 : memref<!tpu.dma_semaphore, #tpu.memory_space<semaphore_mem>>)
      } else {
      }
      %mul3A_65 = arith.constant 80 : i32
      %mul3A_66 = arith.muli %add3A_60, %mul3A_65 : i32
      %add3A_67 = arith.addi %add3A, %mul3A_66 : i32
      %dma_wait3A_68 = tpu.memref_slice %arg3[%add3A_67] : memref<320000xi32, #tpu.memory_space<hbm>> -> memref<80xi32, #tpu.memory_space<hbm>>
      %dma_wait3A_69 = tpu.memref_slice %arg3[%add3A_67] : memref<320000xi32, #tpu.memory_space<hbm>> -> memref<80xi32, #tpu.memory_space<hbm>>
      tpu.wait_dma2 semaphore(%arg12 : memref<!tpu.dma_semaphore, #tpu.memory_space<semaphore_mem>>) src(%dma_wait3A_69 : memref<80xi32, #tpu.memory_space<hbm>>) dst(%arg7 : memref<80xi32, #tpu.memory_space<vmem>>)
      %dma_wait3A_70 = arith.constant 0 : i32
      %dma_wait3A_71 = arith.constant 0 : i32
      %dma_wait3A_72 = arith.constant 0 : i32
      %dma_wait3A_73 = tpu.memref_slice %arg9[%dma_wait3A_70, %dma_wait3A_71, %dma_wait3A_72] : memref<2x80x128xf32, #tpu.memory_space<vmem>> -> memref<1x80x128xf32, #tpu.memory_space<vmem>>
      %dma_wait3A_74 = tpu.memref_squeeze %dma_wait3A_73 : memref<1x80x128xf32, #tpu.memory_space<vmem>> -> memref<80x128xf32, #tpu.memory_space<vmem>>
      %dma_wait3A_75 = arith.constant 0 : i32
      %dma_wait3A_76 = tpu.memref_slice %arg2[%add3A_67, %dma_wait3A_75] : memref<320000x128xf32, #tpu.memory_space<hbm>> -> memref<80x128xf32, #tpu.memory_space<hbm>>
      %dma_wait3A_77 = arith.constant 0 : i32
      %dma_wait3A_78 = arith.constant 0 : i32
      %dma_wait3A_79 = tpu.memref_slice %arg9[%dma_wait3A_70, %dma_wait3A_77, %dma_wait3A_78] : memref<2x80x128xf32, #tpu.memory_space<vmem>> -> memref<1x80x128xf32, #tpu.memory_space<vmem>>
      %dma_wait3A_80 = tpu.memref_squeeze %dma_wait3A_79 : memref<1x80x128xf32, #tpu.memory_space<vmem>> -> memref<80x128xf32, #tpu.memory_space<vmem>>
      %dma_wait3A_81 = arith.constant 0 : i32
      %dma_wait3A_82 = tpu.memref_slice %arg2[%add3A_67, %dma_wait3A_81] : memref<320000x128xf32, #tpu.memory_space<hbm>> -> memref<80x128xf32, #tpu.memory_space<hbm>>
      tpu.wait_dma2 semaphore(%arg10 : memref<!tpu.dma_semaphore, #tpu.memory_space<semaphore_mem>>) src(%dma_wait3A_82 : memref<80x128xf32, #tpu.memory_space<hbm>>) dst(%dma_wait3A_80 : memref<80x128xf32, #tpu.memory_space<vmem>>)
      %run_scoped3A_83 = arith.constant 0 : i32
      "tpu.region"() ({
        %run_scoped3A_114 = tpu.sem_alloc : memref<!tpu.dma_semaphore, #tpu.memory_space<semaphore_mem>>
        %dma_start3A_115 = arith.constant 0 : i32
        %dma_start3A_116 = arith.constant 0 : i32
        %dma_start3A_117 = tpu.memref_slice %arg9[%run_scoped3A_83, %dma_start3A_115, %dma_start3A_116] : memref<2x80x128xf32, #tpu.memory_space<vmem>> -> memref<1x80x128xf32, #tpu.memory_space<vmem>>
        %dma_start3A_118 = tpu.memref_squeeze %dma_start3A_117 : memref<1x80x128xf32, #tpu.memory_space<vmem>> -> memref<80x128xf32, #tpu.memory_space<vmem>>
        %dma_start3A_119 = arith.constant 0 : i32
        %dma_start3A_120 = arith.constant 0 : i32
        %dma_start3A_121 = tpu.memref_slice %arg5[%dma_start3A_119, %dma_start3A_120] : memref<10240x128xf32, #tpu.memory_space<vmem_shared>> -> memref<10240x128xf32, #tpu.memory_space<vmem_shared>>
        tpu.enqueue_indirect_dma source(%dma_start3A_118 : memref<80x128xf32, #tpu.memory_space<vmem>>) target(%dma_start3A_121 : memref<10240x128xf32, #tpu.memory_space<vmem_shared>>) offsets(%arg7 : memref<80xi32, #tpu.memory_space<vmem>>) semaphore(%run_scoped3A_114 : memref<!tpu.dma_semaphore, #tpu.memory_space<semaphore_mem>>) {add = true}
        %dma_wait3A_122 = arith.constant 0 : i32
        %dma_wait3A_123 = arith.constant 0 : i32
        %dma_wait3A_124 = tpu.memref_slice %arg9[%run_scoped3A_83, %dma_wait3A_122, %dma_wait3A_123] : memref<2x80x128xf32, #tpu.memory_space<vmem>> -> memref<1x80x128xf32, #tpu.memory_space<vmem>>
        %dma_wait3A_125 = tpu.memref_squeeze %dma_wait3A_124 : memref<1x80x128xf32, #tpu.memory_space<vmem>> -> memref<80x128xf32, #tpu.memory_space<vmem>>
        %dma_wait3A_126 = arith.constant 0 : i32
        %dma_wait3A_127 = arith.constant 0 : i32
        %dma_wait3A_128 = tpu.memref_slice %arg5[%dma_wait3A_126, %dma_wait3A_127] : memref<10240x128xf32, #tpu.memory_space<vmem_shared>> -> memref<10240x128xf32, #tpu.memory_space<vmem_shared>>
        tpu.wait_indirect_dma semaphore(%run_scoped3A_114 : memref<!tpu.dma_semaphore, #tpu.memory_space<semaphore_mem>>) src(%dma_wait3A_125 : memref<80x128xf32, #tpu.memory_space<vmem>>) dst(%dma_wait3A_128 : memref<10240x128xf32, #tpu.memory_space<vmem_shared>>)
        tpu.yield
      }) : () -> ()
      %mul3A_84 = arith.constant 2 : i32
      %mul3A_85 = arith.muli %mul3A_84, %scan3A_56 : i32
      %add3A_86 = arith.constant 1 : i32
      %add3A_87 = arith.addi %mul3A_85, %add3A_86 : i32
      %add3A_88 = arith.constant 1 : i32
      %add3A_89 = arith.addi %add3A_87, %add3A_88 : i32
      %lt3A_90 = arith.constant 125 : i32
      %lt3A_91 = arith.cmpi slt, %add3A_89, %lt3A_90 : i32
      %convert_element_type3A_92 = arith.extui %lt3A_91 : i1 to i32
      %cond3A_93 = arith.constant 0 : i32
      %cond3A_94 = arith.cmpi ne, %convert_element_type3A_92, %cond3A_93 : i32
      scf.if %cond3A_94 {
        %add3A_114 = arith.constant 1 : i32
        %add3A_115 = arith.addi %add3A_87, %add3A_114 : i32
        %mul3A_116 = arith.constant 80 : i32
        %mul3A_117 = arith.muli %add3A_115, %mul3A_116 : i32
        %add3A_118 = arith.addi %add3A, %mul3A_117 : i32
        %dma_start3A_119 = tpu.memref_slice %arg3[%add3A_118] : memref<320000xi32, #tpu.memory_space<hbm>> -> memref<80xi32, #tpu.memory_space<hbm>>
        %dma_start3A_120 = tpu.memref_slice %arg3[%add3A_118] : memref<320000xi32, #tpu.memory_space<hbm>> -> memref<80xi32, #tpu.memory_space<hbm>>
        tpu.enqueue_dma source(%dma_start3A_120 : memref<80xi32, #tpu.memory_space<hbm>>) target(%arg7 : memref<80xi32, #tpu.memory_space<vmem>>) target_semaphore(%arg12 : memref<!tpu.dma_semaphore, #tpu.memory_space<semaphore_mem>>)
        %dma_start3A_121 = arith.constant 0 : i32
        %dma_start3A_122 = arith.constant 0 : i32
        %dma_start3A_123 = arith.constant 0 : i32
        %dma_start3A_124 = tpu.memref_slice %arg9[%dma_start3A_121, %dma_start3A_122, %dma_start3A_123] : memref<2x80x128xf32, #tpu.memory_space<vmem>> -> memref<1x80x128xf32, #tpu.memory_space<vmem>>
        %dma_start3A_125 = tpu.memref_squeeze %dma_start3A_124 : memref<1x80x128xf32, #tpu.memory_space<vmem>> -> memref<80x128xf32, #tpu.memory_space<vmem>>
        %dma_start3A_126 = arith.constant 0 : i32
        %dma_start3A_127 = tpu.memref_slice %arg2[%add3A_118, %dma_start3A_126] : memref<320000x128xf32, #tpu.memory_space<hbm>> -> memref<80x128xf32, #tpu.memory_space<hbm>>
        %dma_start3A_128 = arith.constant 0 : i32
        %dma_start3A_129 = arith.constant 0 : i32
        %dma_start3A_130 = tpu.memref_slice %arg9[%dma_start3A_121, %dma_start3A_128, %dma_start3A_129] : memref<2x80x128xf32, #tpu.memory_space<vmem>> -> memref<1x80x128xf32, #tpu.memory_space<vmem>>
        %dma_start3A_131 = tpu.memref_squeeze %dma_start3A_130 : memref<1x80x128xf32, #tpu.memory_space<vmem>> -> memref<80x128xf32, #tpu.memory_space<vmem>>
        %dma_start3A_132 = arith.constant 0 : i32
        %dma_start3A_133 = tpu.memref_slice %arg2[%add3A_118, %dma_start3A_132] : memref<320000x128xf32, #tpu.memory_space<hbm>> -> memref<80x128xf32, #tpu.memory_space<hbm>>
        tpu.enqueue_dma source(%dma_start3A_133 : memref<80x128xf32, #tpu.memory_space<hbm>>) target(%dma_start3A_131 : memref<80x128xf32, #tpu.memory_space<vmem>>) target_semaphore(%arg10 : memref<!tpu.dma_semaphore, #tpu.memory_space<semaphore_mem>>)
      } else {
      }
      %mul3A_95 = arith.constant 80 : i32
      %mul3A_96 = arith.muli %add3A_87, %mul3A_95 : i32
      %add3A_97 = arith.addi %add3A, %mul3A_96 : i32
      %dma_wait3A_98 = tpu.memref_slice %arg3[%add3A_97] : memref<320000xi32, #tpu.memory_space<hbm>> -> memref<80xi32, #tpu.memory_space<hbm>>
      %dma_wait3A_99 = tpu.memref_slice %arg3[%add3A_97] : memref<320000xi32, #tpu.memory_space<hbm>> -> memref<80xi32, #tpu.memory_space<hbm>>
      tpu.wait_dma2 semaphore(%arg13 : memref<!tpu.dma_semaphore, #tpu.memory_space<semaphore_mem>>) src(%dma_wait3A_99 : memref<80xi32, #tpu.memory_space<hbm>>) dst(%arg8 : memref<80xi32, #tpu.memory_space<vmem>>)
      %dma_wait3A_100 = arith.constant 1 : i32
      %dma_wait3A_101 = arith.constant 0 : i32
      %dma_wait3A_102 = arith.constant 0 : i32
      %dma_wait3A_103 = tpu.memref_slice %arg9[%dma_wait3A_100, %dma_wait3A_101, %dma_wait3A_102] : memref<2x80x128xf32, #tpu.memory_space<vmem>> -> memref<1x80x128xf32, #tpu.memory_space<vmem>>
      %dma_wait3A_104 = tpu.memref_squeeze %dma_wait3A_103 : memref<1x80x128xf32, #tpu.memory_space<vmem>> -> memref<80x128xf32, #tpu.memory_space<vmem>>
      %dma_wait3A_105 = arith.constant 0 : i32
      %dma_wait3A_106 = tpu.memref_slice %arg2[%add3A_97, %dma_wait3A_105] : memref<320000x128xf32, #tpu.memory_space<hbm>> -> memref<80x128xf32, #tpu.memory_space<hbm>>
      %dma_wait3A_107 = arith.constant 0 : i32
      %dma_wait3A_108 = arith.constant 0 : i32
      %dma_wait3A_109 = tpu.memref_slice %arg9[%dma_wait3A_100, %dma_wait3A_107, %dma_wait3A_108] : memref<2x80x128xf32, #tpu.memory_space<vmem>> -> memref<1x80x128xf32, #tpu.memory_space<vmem>>
      %dma_wait3A_110 = tpu.memref_squeeze %dma_wait3A_109 : memref<1x80x128xf32, #tpu.memory_space<vmem>> -> memref<80x128xf32, #tpu.memory_space<vmem>>
      %dma_wait3A_111 = arith.constant 0 : i32
      %dma_wait3A_112 = tpu.memref_slice %arg2[%add3A_97, %dma_wait3A_111] : memref<320000x128xf32, #tpu.memory_space<hbm>> -> memref<80x128xf32, #tpu.memory_space<hbm>>
      tpu.wait_dma2 semaphore(%arg11 : memref<!tpu.dma_semaphore, #tpu.memory_space<semaphore_mem>>) src(%dma_wait3A_112 : memref<80x128xf32, #tpu.memory_space<hbm>>) dst(%dma_wait3A_110 : memref<80x128xf32, #tpu.memory_space<vmem>>)
      %run_scoped3A_113 = arith.constant 1 : i32
      "tpu.region"() ({
        %run_scoped3A_114 = tpu.sem_alloc : memref<!tpu.dma_semaphore, #tpu.memory_space<semaphore_mem>>
        %dma_start3A_115 = arith.constant 0 : i32
        %dma_start3A_116 = arith.constant 0 : i32
        %dma_start3A_117 = tpu.memref_slice %arg9[%run_scoped3A_113, %dma_start3A_115, %dma_start3A_116] : memref<2x80x128xf32, #tpu.memory_space<vmem>> -> memref<1x80x128xf32, #tpu.memory_space<vmem>>
        %dma_start3A_118 = tpu.memref_squeeze %dma_start3A_117 : memref<1x80x128xf32, #tpu.memory_space<vmem>> -> memref<80x128xf32, #tpu.memory_space<vmem>>
        %dma_start3A_119 = arith.constant 0 : i32
        %dma_start3A_120 = arith.constant 0 : i32
        %dma_start3A_121 = tpu.memref_slice %arg5[%dma_start3A_119, %dma_start3A_120] : memref<10240x128xf32, #tpu.memory_space<vmem_shared>> -> memref<10240x128xf32, #tpu.memory_space<vmem_shared>>
        tpu.enqueue_indirect_dma source(%dma_start3A_118 : memref<80x128xf32, #tpu.memory_space<vmem>>) target(%dma_start3A_121 : memref<10240x128xf32, #tpu.memory_space<vmem_shared>>) offsets(%arg8 : memref<80xi32, #tpu.memory_space<vmem>>) semaphore(%run_scoped3A_114 : memref<!tpu.dma_semaphore, #tpu.memory_space<semaphore_mem>>) {add = true}
        %dma_wait3A_122 = arith.constant 0 : i32
        %dma_wait3A_123 = arith.constant 0 : i32
        %dma_wait3A_124 = tpu.memref_slice %arg9[%run_scoped3A_113, %dma_wait3A_122, %dma_wait3A_123] : memref<2x80x128xf32, #tpu.memory_space<vmem>> -> memref<1x80x128xf32, #tpu.memory_space<vmem>>
        %dma_wait3A_125 = tpu.memref_squeeze %dma_wait3A_124 : memref<1x80x128xf32, #tpu.memory_space<vmem>> -> memref<80x128xf32, #tpu.memory_space<vmem>>
        %dma_wait3A_126 = arith.constant 0 : i32
        %dma_wait3A_127 = arith.constant 0 : i32
        %dma_wait3A_128 = tpu.memref_slice %arg5[%dma_wait3A_126, %dma_wait3A_127] : memref<10240x128xf32, #tpu.memory_space<vmem_shared>> -> memref<10240x128xf32, #tpu.memory_space<vmem_shared>>
        tpu.wait_indirect_dma semaphore(%run_scoped3A_114 : memref<!tpu.dma_semaphore, #tpu.memory_space<semaphore_mem>>) src(%dma_wait3A_125 : memref<80x128xf32, #tpu.memory_space<vmem>>) dst(%dma_wait3A_128 : memref<10240x128xf32, #tpu.memory_space<vmem_shared>>)
        tpu.yield
      }) : () -> ()
    }
    %scan3A_36 = arith.constant 62 : i32
    %add3A_37 = arith.constant 9920 : i32
    %add3A_38 = arith.addi %add3A, %add3A_37 : i32
    %dma_wait3A = tpu.memref_slice %arg3[%add3A_38] : memref<320000xi32, #tpu.memory_space<hbm>> -> memref<80xi32, #tpu.memory_space<hbm>>
    %dma_wait3A_39 = tpu.memref_slice %arg3[%add3A_38] : memref<320000xi32, #tpu.memory_space<hbm>> -> memref<80xi32, #tpu.memory_space<hbm>>
    tpu.wait_dma2 semaphore(%arg12 : memref<!tpu.dma_semaphore, #tpu.memory_space<semaphore_mem>>) src(%dma_wait3A_39 : memref<80xi32, #tpu.memory_space<hbm>>) dst(%arg7 : memref<80xi32, #tpu.memory_space<vmem>>)
    %dma_wait3A_40 = arith.constant 0 : i32
    %dma_wait3A_41 = arith.constant 0 : i32
    %dma_wait3A_42 = arith.constant 0 : i32
    %dma_wait3A_43 = tpu.memref_slice %arg9[%dma_wait3A_40, %dma_wait3A_41, %dma_wait3A_42] : memref<2x80x128xf32, #tpu.memory_space<vmem>> -> memref<1x80x128xf32, #tpu.memory_space<vmem>>
    %dma_wait3A_44 = tpu.memref_squeeze %dma_wait3A_43 : memref<1x80x128xf32, #tpu.memory_space<vmem>> -> memref<80x128xf32, #tpu.memory_space<vmem>>
    %dma_wait3A_45 = arith.constant 0 : i32
    %dma_wait3A_46 = tpu.memref_slice %arg2[%add3A_38, %dma_wait3A_45] : memref<320000x128xf32, #tpu.memory_space<hbm>> -> memref<80x128xf32, #tpu.memory_space<hbm>>
    %dma_wait3A_47 = arith.constant 0 : i32
    %dma_wait3A_48 = arith.constant 0 : i32
    %dma_wait3A_49 = tpu.memref_slice %arg9[%dma_wait3A_40, %dma_wait3A_47, %dma_wait3A_48] : memref<2x80x128xf32, #tpu.memory_space<vmem>> -> memref<1x80x128xf32, #tpu.memory_space<vmem>>
    %dma_wait3A_50 = tpu.memref_squeeze %dma_wait3A_49 : memref<1x80x128xf32, #tpu.memory_space<vmem>> -> memref<80x128xf32, #tpu.memory_space<vmem>>
    %dma_wait3A_51 = arith.constant 0 : i32
    %dma_wait3A_52 = tpu.memref_slice %arg2[%add3A_38, %dma_wait3A_51] : memref<320000x128xf32, #tpu.memory_space<hbm>> -> memref<80x128xf32, #tpu.memory_space<hbm>>
    tpu.wait_dma2 semaphore(%arg10 : memref<!tpu.dma_semaphore, #tpu.memory_space<semaphore_mem>>) src(%dma_wait3A_52 : memref<80x128xf32, #tpu.memory_space<hbm>>) dst(%dma_wait3A_50 : memref<80x128xf32, #tpu.memory_space<vmem>>)
    %run_scoped3A = arith.constant 0 : i32
    "tpu.region"() ({
      %run_scoped3A_56 = tpu.sem_alloc : memref<!tpu.dma_semaphore, #tpu.memory_space<semaphore_mem>>
      %dma_start3A_57 = arith.constant 0 : i32
      %dma_start3A_58 = arith.constant 0 : i32
      %dma_start3A_59 = tpu.memref_slice %arg9[%run_scoped3A, %dma_start3A_57, %dma_start3A_58] : memref<2x80x128xf32, #tpu.memory_space<vmem>> -> memref<1x80x128xf32, #tpu.memory_space<vmem>>
      %dma_start3A_60 = tpu.memref_squeeze %dma_start3A_59 : memref<1x80x128xf32, #tpu.memory_space<vmem>> -> memref<80x128xf32, #tpu.memory_space<vmem>>
      %dma_start3A_61 = arith.constant 0 : i32
      %dma_start3A_62 = arith.constant 0 : i32
      %dma_start3A_63 = tpu.memref_slice %arg5[%dma_start3A_61, %dma_start3A_62] : memref<10240x128xf32, #tpu.memory_space<vmem_shared>> -> memref<10240x128xf32, #tpu.memory_space<vmem_shared>>
      tpu.enqueue_indirect_dma source(%dma_start3A_60 : memref<80x128xf32, #tpu.memory_space<vmem>>) target(%dma_start3A_63 : memref<10240x128xf32, #tpu.memory_space<vmem_shared>>) offsets(%arg7 : memref<80xi32, #tpu.memory_space<vmem>>) semaphore(%run_scoped3A_56 : memref<!tpu.dma_semaphore, #tpu.memory_space<semaphore_mem>>) {add = true}
      %dma_wait3A_64 = arith.constant 0 : i32
      %dma_wait3A_65 = arith.constant 0 : i32
      %dma_wait3A_66 = tpu.memref_slice %arg9[%run_scoped3A, %dma_wait3A_64, %dma_wait3A_65] : memref<2x80x128xf32, #tpu.memory_space<vmem>> -> memref<1x80x128xf32, #tpu.memory_space<vmem>>
      %dma_wait3A_67 = tpu.memref_squeeze %dma_wait3A_66 : memref<1x80x128xf32, #tpu.memory_space<vmem>> -> memref<80x128xf32, #tpu.memory_space<vmem>>
      %dma_wait3A_68 = arith.constant 0 : i32
      %dma_wait3A_69 = arith.constant 0 : i32
      %dma_wait3A_70 = tpu.memref_slice %arg5[%dma_wait3A_68, %dma_wait3A_69] : memref<10240x128xf32, #tpu.memory_space<vmem_shared>> -> memref<10240x128xf32, #tpu.memory_space<vmem_shared>>
      tpu.wait_indirect_dma semaphore(%run_scoped3A_56 : memref<!tpu.dma_semaphore, #tpu.memory_space<semaphore_mem>>) src(%dma_wait3A_67 : memref<80x128xf32, #tpu.memory_space<vmem>>) dst(%dma_wait3A_70 : memref<10240x128xf32, #tpu.memory_space<vmem_shared>>)
      tpu.yield
    }) : () -> ()
    %barrier3A_53 = arith.constant 0 : index
    tpu.barrier barrier_id(%barrier3A_53)
    %mul3A_54 = arith.constant 640 : i32
    %mul3A_55 = arith.muli %arg1, %mul3A_54 : i32
    "tpu.region"() ({
      %run_scoped3A_56 = tpu.sem_alloc : memref<!tpu.dma_semaphore, #tpu.memory_space<semaphore_mem>>
      %dma_start3A_57 = arith.constant 0 : i32
      %dma_start3A_58 = tpu.memref_slice %arg4[%arg0, %mul3A_55, %dma_start3A_57] : memref<2x10240x128xf32, #tpu.memory_space<hbm>> -> memref<1x640x128xf32, #tpu.memory_space<hbm>>
      %dma_start3A_59 = tpu.memref_squeeze %dma_start3A_58 : memref<1x640x128xf32, #tpu.memory_space<hbm>> -> memref<640x128xf32, #tpu.memory_space<hbm>>
      %dma_start3A_60 = arith.constant 0 : i32
      %dma_start3A_61 = tpu.memref_slice %arg5[%mul3A_55, %dma_start3A_60] : memref<10240x128xf32, #tpu.memory_space<vmem_shared>> -> memref<640x128xf32, #tpu.memory_space<vmem_shared>>
      tpu.enqueue_dma source(%dma_start3A_61 : memref<640x128xf32, #tpu.memory_space<vmem_shared>>) target(%dma_start3A_59 : memref<640x128xf32, #tpu.memory_space<hbm>>) target_semaphore(%run_scoped3A_56 : memref<!tpu.dma_semaphore, #tpu.memory_space<semaphore_mem>>)
      %dma_wait3A_62 = arith.constant 0 : i32
      %dma_wait3A_63 = tpu.memref_slice %arg4[%arg0, %mul3A_55, %dma_wait3A_62] : memref<2x10240x128xf32, #tpu.memory_space<hbm>> -> memref<1x640x128xf32, #tpu.memory_space<hbm>>
      %dma_wait3A_64 = tpu.memref_squeeze %dma_wait3A_63 : memref<1x640x128xf32, #tpu.memory_space<hbm>> -> memref<640x128xf32, #tpu.memory_space<hbm>>
      %dma_wait3A_65 = arith.constant 0 : i32
      %dma_wait3A_66 = tpu.memref_slice %arg5[%mul3A_55, %dma_wait3A_65] : memref<10240x128xf32, #tpu.memory_space<vmem_shared>> -> memref<640x128xf32, #tpu.memory_space<vmem_shared>>
      tpu.wait_dma2 semaphore(%run_scoped3A_56 : memref<!tpu.dma_semaphore, #tpu.memory_space<semaphore_mem>>) src(%dma_wait3A_66 : memref<640x128xf32, #tpu.memory_space<vmem_shared>>) dst(%dma_wait3A_64 : memref<640x128xf32, #tpu.memory_space<hbm>>)
      tpu.yield
    }) : () -> ()
    return
  }
}

#map = affine_map<(d0, d1) -> (0, 0)>
#map1 = affine_map<(d0, d1) -> (0)>
module attributes {stable_mosaic.version = 14 : i64} {
  func.func @gather_kernel(%arg0: i32, %arg1: i32, %arg2: memref<10000x128xf32, #tpu.memory_space<hbm>>, %arg3: memref<320000xi32, #tpu.memory_space<hbm>>, %arg4: memref<320000xi32, #tpu.memory_space<hbm>>, %arg5: memref<320000x128xf32, #tpu.memory_space<hbm>>, %arg6: memref<320000x128xf32, #tpu.memory_space<hbm>>, %arg7: memref<400xi32, #tpu.memory_space<vmem>>, %arg8: memref<400xi32, #tpu.memory_space<vmem>>, %arg9: memref<2x400x128xf32, #tpu.memory_space<vmem>>, %arg10: memref<!tpu.dma_semaphore, #tpu.memory_space<semaphore_mem>>, %arg11: memref<!tpu.dma_semaphore, #tpu.memory_space<semaphore_mem>>) attributes {dimension_semantics = [#tpu.dimension_semantics<core_parallel>, #tpu.dimension_semantics<subcore_parallel>], iteration_bounds = array<i64: 2, 16>, scalar_prefetch = 0 : i64, scratch_operands = 5 : i64, tpu.core_type = #tpu.core_type<sc_vector_subcore>, window_params = [{transform_indices = #map}, {transform_indices = #map1}, {transform_indices = #map1}, {transform_indices = #map}, {transform_indices = #map}]} {
    %mul3A = arith.constant 16 : i32
    %mul3A_0 = arith.muli %arg0, %mul3A : i32
    %add3A = arith.addi %mul3A_0, %arg1 : i32
    %mul3A_1 = arith.constant 10000 : i32
    %mul3A_2 = arith.muli %add3A, %mul3A_1 : i32
    %add3A_3 = arith.constant 0 : i32
    %add3A_4 = arith.addi %mul3A_2, %add3A_3 : i32
    "tpu.region"() ({
      %run_scoped3A = tpu.sem_alloc : memref<!tpu.dma_semaphore, #tpu.memory_space<semaphore_mem>>
      %dma_start3A_17 = arith.constant 0 : i32
      %dma_start3A_18 = tpu.memref_slice %arg7[%dma_start3A_17] : memref<400xi32, #tpu.memory_space<vmem>> -> memref<200xi32, #tpu.memory_space<vmem>>
      %dma_start3A_19 = tpu.memref_slice %arg3[%add3A_4] : memref<320000xi32, #tpu.memory_space<hbm>> -> memref<200xi32, #tpu.memory_space<hbm>>
      %dma_start3A_20 = arith.constant 0 : i32
      %dma_start3A_21 = tpu.memref_slice %arg7[%dma_start3A_20] : memref<400xi32, #tpu.memory_space<vmem>> -> memref<200xi32, #tpu.memory_space<vmem>>
      %dma_start3A_22 = tpu.memref_slice %arg3[%add3A_4] : memref<320000xi32, #tpu.memory_space<hbm>> -> memref<200xi32, #tpu.memory_space<hbm>>
      tpu.enqueue_dma source(%dma_start3A_22 : memref<200xi32, #tpu.memory_space<hbm>>) target(%dma_start3A_21 : memref<200xi32, #tpu.memory_space<vmem>>) target_semaphore(%run_scoped3A : memref<!tpu.dma_semaphore, #tpu.memory_space<semaphore_mem>>)
      %dma_wait3A = arith.constant 0 : i32
      %dma_wait3A_23 = tpu.memref_slice %arg7[%dma_wait3A] : memref<400xi32, #tpu.memory_space<vmem>> -> memref<200xi32, #tpu.memory_space<vmem>>
      %dma_wait3A_24 = tpu.memref_slice %arg3[%add3A_4] : memref<320000xi32, #tpu.memory_space<hbm>> -> memref<200xi32, #tpu.memory_space<hbm>>
      %dma_wait3A_25 = arith.constant 0 : i32
      %dma_wait3A_26 = tpu.memref_slice %arg7[%dma_wait3A_25] : memref<400xi32, #tpu.memory_space<vmem>> -> memref<200xi32, #tpu.memory_space<vmem>>
      %dma_wait3A_27 = tpu.memref_slice %arg3[%add3A_4] : memref<320000xi32, #tpu.memory_space<hbm>> -> memref<200xi32, #tpu.memory_space<hbm>>
      tpu.wait_dma2 semaphore(%run_scoped3A : memref<!tpu.dma_semaphore, #tpu.memory_space<semaphore_mem>>) src(%dma_wait3A_27 : memref<200xi32, #tpu.memory_space<hbm>>) dst(%dma_wait3A_26 : memref<200xi32, #tpu.memory_space<vmem>>)
      tpu.yield
    }) : () -> ()
    "tpu.region"() ({
      %run_scoped3A = tpu.sem_alloc : memref<!tpu.dma_semaphore, #tpu.memory_space<semaphore_mem>>
      %dma_start3A_17 = arith.constant 200 : i32
      %dma_start3A_18 = tpu.memref_slice %arg7[%dma_start3A_17] : memref<400xi32, #tpu.memory_space<vmem>> -> memref<200xi32, #tpu.memory_space<vmem>>
      %dma_start3A_19 = tpu.memref_slice %arg4[%add3A_4] : memref<320000xi32, #tpu.memory_space<hbm>> -> memref<200xi32, #tpu.memory_space<hbm>>
      %dma_start3A_20 = arith.constant 200 : i32
      %dma_start3A_21 = tpu.memref_slice %arg7[%dma_start3A_20] : memref<400xi32, #tpu.memory_space<vmem>> -> memref<200xi32, #tpu.memory_space<vmem>>
      %dma_start3A_22 = tpu.memref_slice %arg4[%add3A_4] : memref<320000xi32, #tpu.memory_space<hbm>> -> memref<200xi32, #tpu.memory_space<hbm>>
      tpu.enqueue_dma source(%dma_start3A_22 : memref<200xi32, #tpu.memory_space<hbm>>) target(%dma_start3A_21 : memref<200xi32, #tpu.memory_space<vmem>>) target_semaphore(%run_scoped3A : memref<!tpu.dma_semaphore, #tpu.memory_space<semaphore_mem>>)
      %dma_wait3A = arith.constant 200 : i32
      %dma_wait3A_23 = tpu.memref_slice %arg7[%dma_wait3A] : memref<400xi32, #tpu.memory_space<vmem>> -> memref<200xi32, #tpu.memory_space<vmem>>
      %dma_wait3A_24 = tpu.memref_slice %arg4[%add3A_4] : memref<320000xi32, #tpu.memory_space<hbm>> -> memref<200xi32, #tpu.memory_space<hbm>>
      %dma_wait3A_25 = arith.constant 200 : i32
      %dma_wait3A_26 = tpu.memref_slice %arg7[%dma_wait3A_25] : memref<400xi32, #tpu.memory_space<vmem>> -> memref<200xi32, #tpu.memory_space<vmem>>
      %dma_wait3A_27 = tpu.memref_slice %arg4[%add3A_4] : memref<320000xi32, #tpu.memory_space<hbm>> -> memref<200xi32, #tpu.memory_space<hbm>>
      tpu.wait_dma2 semaphore(%run_scoped3A : memref<!tpu.dma_semaphore, #tpu.memory_space<semaphore_mem>>) src(%dma_wait3A_27 : memref<200xi32, #tpu.memory_space<hbm>>) dst(%dma_wait3A_26 : memref<200xi32, #tpu.memory_space<vmem>>)
      tpu.yield
    }) : () -> ()
    %dma_start3A = arith.constant 0 : i32
    %dma_start3A_5 = arith.constant 0 : i32
    %dma_start3A_6 = arith.constant 0 : i32
    %dma_start3A_7 = tpu.memref_slice %arg9[%dma_start3A, %dma_start3A_5, %dma_start3A_6] : memref<2x400x128xf32, #tpu.memory_space<vmem>> -> memref<1x400x128xf32, #tpu.memory_space<vmem>>
    %dma_start3A_8 = tpu.memref_squeeze %dma_start3A_7 : memref<1x400x128xf32, #tpu.memory_space<vmem>> -> memref<400x128xf32, #tpu.memory_space<vmem>>
    %dma_start3A_9 = arith.constant 0 : i32
    %dma_start3A_10 = arith.constant 0 : i32
    %dma_start3A_11 = tpu.memref_slice %arg2[%dma_start3A_9, %dma_start3A_10] : memref<10000x128xf32, #tpu.memory_space<hbm>> -> memref<10000x128xf32, #tpu.memory_space<hbm>>
    tpu.enqueue_indirect_dma source(%dma_start3A_11 : memref<10000x128xf32, #tpu.memory_space<hbm>>) target(%dma_start3A_8 : memref<400x128xf32, #tpu.memory_space<vmem>>) offsets(%arg7 : memref<400xi32, #tpu.memory_space<vmem>>) semaphore(%arg10 : memref<!tpu.dma_semaphore, #tpu.memory_space<semaphore_mem>>)
    %scan3A = arith.constant 0 : i32
    %scan3A_12 = arith.constant 0 : i32
    %scan3A_13 = arith.constant 25 : i32
    %scan3A_14 = arith.addi %scan3A_12, %scan3A_13 : i32
    %scan3A_15 = arith.constant 1 : i32
    scf.for %scan3A_17 = %scan3A_12 to %scan3A_14 step %scan3A_15  : i32 {
      %mul3A_18 = arith.constant 2 : i32
      %mul3A_19 = arith.muli %mul3A_18, %scan3A_17 : i32
      %add3A_20 = arith.constant 0 : i32
      %add3A_21 = arith.addi %mul3A_19, %add3A_20 : i32
      %add3A_22 = arith.constant 1 : i32
      %add3A_23 = arith.addi %add3A_21, %add3A_22 : i32
      %lt3A = arith.constant 50 : i32
      %lt3A_24 = arith.cmpi slt, %add3A_23, %lt3A : i32
      %convert_element_type3A = arith.extui %lt3A_24 : i1 to i32
      %cond3A = arith.constant 0 : i32
      %cond3A_25 = arith.cmpi ne, %convert_element_type3A, %cond3A : i32
      scf.if %cond3A_25 {
        %add3A_61 = arith.constant 1 : i32
        %add3A_62 = arith.addi %add3A_21, %add3A_61 : i32
        %mul3A_63 = arith.constant 200 : i32
        %mul3A_64 = arith.muli %add3A_62, %mul3A_63 : i32
        %add3A_65 = arith.addi %mul3A_2, %mul3A_64 : i32
        "tpu.region"() ({
          %run_scoped3A_74 = tpu.sem_alloc : memref<!tpu.dma_semaphore, #tpu.memory_space<semaphore_mem>>
          %dma_start3A_75 = arith.constant 0 : i32
          %dma_start3A_76 = tpu.memref_slice %arg8[%dma_start3A_75] : memref<400xi32, #tpu.memory_space<vmem>> -> memref<200xi32, #tpu.memory_space<vmem>>
          %dma_start3A_77 = tpu.memref_slice %arg3[%add3A_65] : memref<320000xi32, #tpu.memory_space<hbm>> -> memref<200xi32, #tpu.memory_space<hbm>>
          %dma_start3A_78 = arith.constant 0 : i32
          %dma_start3A_79 = tpu.memref_slice %arg8[%dma_start3A_78] : memref<400xi32, #tpu.memory_space<vmem>> -> memref<200xi32, #tpu.memory_space<vmem>>
          %dma_start3A_80 = tpu.memref_slice %arg3[%add3A_65] : memref<320000xi32, #tpu.memory_space<hbm>> -> memref<200xi32, #tpu.memory_space<hbm>>
          tpu.enqueue_dma source(%dma_start3A_80 : memref<200xi32, #tpu.memory_space<hbm>>) target(%dma_start3A_79 : memref<200xi32, #tpu.memory_space<vmem>>) target_semaphore(%run_scoped3A_74 : memref<!tpu.dma_semaphore, #tpu.memory_space<semaphore_mem>>)
          %dma_wait3A_81 = arith.constant 0 : i32
          %dma_wait3A_82 = tpu.memref_slice %arg8[%dma_wait3A_81] : memref<400xi32, #tpu.memory_space<vmem>> -> memref<200xi32, #tpu.memory_space<vmem>>
          %dma_wait3A_83 = tpu.memref_slice %arg3[%add3A_65] : memref<320000xi32, #tpu.memory_space<hbm>> -> memref<200xi32, #tpu.memory_space<hbm>>
          %dma_wait3A_84 = arith.constant 0 : i32
          %dma_wait3A_85 = tpu.memref_slice %arg8[%dma_wait3A_84] : memref<400xi32, #tpu.memory_space<vmem>> -> memref<200xi32, #tpu.memory_space<vmem>>
          %dma_wait3A_86 = tpu.memref_slice %arg3[%add3A_65] : memref<320000xi32, #tpu.memory_space<hbm>> -> memref<200xi32, #tpu.memory_space<hbm>>
          tpu.wait_dma2 semaphore(%run_scoped3A_74 : memref<!tpu.dma_semaphore, #tpu.memory_space<semaphore_mem>>) src(%dma_wait3A_86 : memref<200xi32, #tpu.memory_space<hbm>>) dst(%dma_wait3A_85 : memref<200xi32, #tpu.memory_space<vmem>>)
          tpu.yield
        }) : () -> ()
        "tpu.region"() ({
          %run_scoped3A_74 = tpu.sem_alloc : memref<!tpu.dma_semaphore, #tpu.memory_space<semaphore_mem>>
          %dma_start3A_75 = arith.constant 200 : i32
          %dma_start3A_76 = tpu.memref_slice %arg8[%dma_start3A_75] : memref<400xi32, #tpu.memory_space<vmem>> -> memref<200xi32, #tpu.memory_space<vmem>>
          %dma_start3A_77 = tpu.memref_slice %arg4[%add3A_65] : memref<320000xi32, #tpu.memory_space<hbm>> -> memref<200xi32, #tpu.memory_space<hbm>>
          %dma_start3A_78 = arith.constant 200 : i32
          %dma_start3A_79 = tpu.memref_slice %arg8[%dma_start3A_78] : memref<400xi32, #tpu.memory_space<vmem>> -> memref<200xi32, #tpu.memory_space<vmem>>
          %dma_start3A_80 = tpu.memref_slice %arg4[%add3A_65] : memref<320000xi32, #tpu.memory_space<hbm>> -> memref<200xi32, #tpu.memory_space<hbm>>
          tpu.enqueue_dma source(%dma_start3A_80 : memref<200xi32, #tpu.memory_space<hbm>>) target(%dma_start3A_79 : memref<200xi32, #tpu.memory_space<vmem>>) target_semaphore(%run_scoped3A_74 : memref<!tpu.dma_semaphore, #tpu.memory_space<semaphore_mem>>)
          %dma_wait3A_81 = arith.constant 200 : i32
          %dma_wait3A_82 = tpu.memref_slice %arg8[%dma_wait3A_81] : memref<400xi32, #tpu.memory_space<vmem>> -> memref<200xi32, #tpu.memory_space<vmem>>
          %dma_wait3A_83 = tpu.memref_slice %arg4[%add3A_65] : memref<320000xi32, #tpu.memory_space<hbm>> -> memref<200xi32, #tpu.memory_space<hbm>>
          %dma_wait3A_84 = arith.constant 200 : i32
          %dma_wait3A_85 = tpu.memref_slice %arg8[%dma_wait3A_84] : memref<400xi32, #tpu.memory_space<vmem>> -> memref<200xi32, #tpu.memory_space<vmem>>
          %dma_wait3A_86 = tpu.memref_slice %arg4[%add3A_65] : memref<320000xi32, #tpu.memory_space<hbm>> -> memref<200xi32, #tpu.memory_space<hbm>>
          tpu.wait_dma2 semaphore(%run_scoped3A_74 : memref<!tpu.dma_semaphore, #tpu.memory_space<semaphore_mem>>) src(%dma_wait3A_86 : memref<200xi32, #tpu.memory_space<hbm>>) dst(%dma_wait3A_85 : memref<200xi32, #tpu.memory_space<vmem>>)
          tpu.yield
        }) : () -> ()
        %dma_start3A_66 = arith.constant 1 : i32
        %dma_start3A_67 = arith.constant 0 : i32
        %dma_start3A_68 = arith.constant 0 : i32
        %dma_start3A_69 = tpu.memref_slice %arg9[%dma_start3A_66, %dma_start3A_67, %dma_start3A_68] : memref<2x400x128xf32, #tpu.memory_space<vmem>> -> memref<1x400x128xf32, #tpu.memory_space<vmem>>
        %dma_start3A_70 = tpu.memref_squeeze %dma_start3A_69 : memref<1x400x128xf32, #tpu.memory_space<vmem>> -> memref<400x128xf32, #tpu.memory_space<vmem>>
        %dma_start3A_71 = arith.constant 0 : i32
        %dma_start3A_72 = arith.constant 0 : i32
        %dma_start3A_73 = tpu.memref_slice %arg2[%dma_start3A_71, %dma_start3A_72] : memref<10000x128xf32, #tpu.memory_space<hbm>> -> memref<10000x128xf32, #tpu.memory_space<hbm>>
        tpu.enqueue_indirect_dma source(%dma_start3A_73 : memref<10000x128xf32, #tpu.memory_space<hbm>>) target(%dma_start3A_70 : memref<400x128xf32, #tpu.memory_space<vmem>>) offsets(%arg8 : memref<400xi32, #tpu.memory_space<vmem>>) semaphore(%arg11 : memref<!tpu.dma_semaphore, #tpu.memory_space<semaphore_mem>>)
      } else {
      }
      %dma_wait3A = arith.constant 0 : i32
      %dma_wait3A_26 = arith.constant 0 : i32
      %dma_wait3A_27 = arith.constant 0 : i32
      %dma_wait3A_28 = tpu.memref_slice %arg9[%dma_wait3A, %dma_wait3A_26, %dma_wait3A_27] : memref<2x400x128xf32, #tpu.memory_space<vmem>> -> memref<1x400x128xf32, #tpu.memory_space<vmem>>
      %dma_wait3A_29 = tpu.memref_squeeze %dma_wait3A_28 : memref<1x400x128xf32, #tpu.memory_space<vmem>> -> memref<400x128xf32, #tpu.memory_space<vmem>>
      %dma_wait3A_30 = arith.constant 0 : i32
      %dma_wait3A_31 = arith.constant 0 : i32
      %dma_wait3A_32 = tpu.memref_slice %arg2[%dma_wait3A_30, %dma_wait3A_31] : memref<10000x128xf32, #tpu.memory_space<hbm>> -> memref<10000x128xf32, #tpu.memory_space<hbm>>
      tpu.wait_indirect_dma semaphore(%arg10 : memref<!tpu.dma_semaphore, #tpu.memory_space<semaphore_mem>>) src(%dma_wait3A_32 : memref<10000x128xf32, #tpu.memory_space<hbm>>) dst(%dma_wait3A_29 : memref<400x128xf32, #tpu.memory_space<vmem>>)
      %mul3A_33 = arith.constant 200 : i32
      %mul3A_34 = arith.muli %add3A_21, %mul3A_33 : i32
      %add3A_35 = arith.addi %mul3A_2, %mul3A_34 : i32
      %run_scoped3A = arith.constant 0 : i32
      "tpu.region"() ({
        %run_scoped3A_61 = tpu.sem_alloc : memref<!tpu.dma_semaphore, #tpu.memory_space<semaphore_mem>>
        %dma_start3A_62 = arith.constant 0 : i32
        %dma_start3A_63 = arith.constant 0 : i32
        %dma_start3A_64 = tpu.memref_slice %arg9[%run_scoped3A, %dma_start3A_62, %dma_start3A_63] : memref<2x400x128xf32, #tpu.memory_space<vmem>> -> memref<1x200x128xf32, #tpu.memory_space<vmem>>
        %dma_start3A_65 = tpu.memref_squeeze %dma_start3A_64 : memref<1x200x128xf32, #tpu.memory_space<vmem>> -> memref<200x128xf32, #tpu.memory_space<vmem>>
        %dma_start3A_66 = arith.constant 0 : i32
        %dma_start3A_67 = tpu.memref_slice %arg5[%add3A_35, %dma_start3A_66] : memref<320000x128xf32, #tpu.memory_space<hbm>> -> memref<200x128xf32, #tpu.memory_space<hbm>>
        %dma_start3A_68 = arith.constant 0 : i32
        %dma_start3A_69 = tpu.memref_slice %arg5[%add3A_35, %dma_start3A_68] : memref<320000x128xf32, #tpu.memory_space<hbm>> -> memref<200x128xf32, #tpu.memory_space<hbm>>
        %dma_start3A_70 = arith.constant 0 : i32
        %dma_start3A_71 = arith.constant 0 : i32
        %dma_start3A_72 = tpu.memref_slice %arg9[%run_scoped3A, %dma_start3A_70, %dma_start3A_71] : memref<2x400x128xf32, #tpu.memory_space<vmem>> -> memref<1x200x128xf32, #tpu.memory_space<vmem>>
        %dma_start3A_73 = tpu.memref_squeeze %dma_start3A_72 : memref<1x200x128xf32, #tpu.memory_space<vmem>> -> memref<200x128xf32, #tpu.memory_space<vmem>>
        tpu.enqueue_dma source(%dma_start3A_73 : memref<200x128xf32, #tpu.memory_space<vmem>>) target(%dma_start3A_69 : memref<200x128xf32, #tpu.memory_space<hbm>>) target_semaphore(%run_scoped3A_61 : memref<!tpu.dma_semaphore, #tpu.memory_space<semaphore_mem>>)
        %dma_wait3A_74 = arith.constant 0 : i32
        %dma_wait3A_75 = arith.constant 0 : i32
        %dma_wait3A_76 = tpu.memref_slice %arg9[%run_scoped3A, %dma_wait3A_74, %dma_wait3A_75] : memref<2x400x128xf32, #tpu.memory_space<vmem>> -> memref<1x200x128xf32, #tpu.memory_space<vmem>>
        %dma_wait3A_77 = tpu.memref_squeeze %dma_wait3A_76 : memref<1x200x128xf32, #tpu.memory_space<vmem>> -> memref<200x128xf32, #tpu.memory_space<vmem>>
        %dma_wait3A_78 = arith.constant 0 : i32
        %dma_wait3A_79 = tpu.memref_slice %arg5[%add3A_35, %dma_wait3A_78] : memref<320000x128xf32, #tpu.memory_space<hbm>> -> memref<200x128xf32, #tpu.memory_space<hbm>>
        %dma_wait3A_80 = arith.constant 0 : i32
        %dma_wait3A_81 = tpu.memref_slice %arg5[%add3A_35, %dma_wait3A_80] : memref<320000x128xf32, #tpu.memory_space<hbm>> -> memref<200x128xf32, #tpu.memory_space<hbm>>
        %dma_wait3A_82 = arith.constant 0 : i32
        %dma_wait3A_83 = arith.constant 0 : i32
        %dma_wait3A_84 = tpu.memref_slice %arg9[%run_scoped3A, %dma_wait3A_82, %dma_wait3A_83] : memref<2x400x128xf32, #tpu.memory_space<vmem>> -> memref<1x200x128xf32, #tpu.memory_space<vmem>>
        %dma_wait3A_85 = tpu.memref_squeeze %dma_wait3A_84 : memref<1x200x128xf32, #tpu.memory_space<vmem>> -> memref<200x128xf32, #tpu.memory_space<vmem>>
        tpu.wait_dma2 semaphore(%run_scoped3A_61 : memref<!tpu.dma_semaphore, #tpu.memory_space<semaphore_mem>>) src(%dma_wait3A_85 : memref<200x128xf32, #tpu.memory_space<vmem>>) dst(%dma_wait3A_81 : memref<200x128xf32, #tpu.memory_space<hbm>>)
        tpu.yield
      }) : () -> ()
      %run_scoped3A_36 = arith.constant 0 : i32
      "tpu.region"() ({
        %run_scoped3A_61 = tpu.sem_alloc : memref<!tpu.dma_semaphore, #tpu.memory_space<semaphore_mem>>
        %dma_start3A_62 = arith.constant 200 : i32
        %dma_start3A_63 = arith.constant 0 : i32
        %dma_start3A_64 = tpu.memref_slice %arg9[%run_scoped3A_36, %dma_start3A_62, %dma_start3A_63] : memref<2x400x128xf32, #tpu.memory_space<vmem>> -> memref<1x200x128xf32, #tpu.memory_space<vmem>>
        %dma_start3A_65 = tpu.memref_squeeze %dma_start3A_64 : memref<1x200x128xf32, #tpu.memory_space<vmem>> -> memref<200x128xf32, #tpu.memory_space<vmem>>
        %dma_start3A_66 = arith.constant 0 : i32
        %dma_start3A_67 = tpu.memref_slice %arg6[%add3A_35, %dma_start3A_66] : memref<320000x128xf32, #tpu.memory_space<hbm>> -> memref<200x128xf32, #tpu.memory_space<hbm>>
        %dma_start3A_68 = arith.constant 0 : i32
        %dma_start3A_69 = tpu.memref_slice %arg6[%add3A_35, %dma_start3A_68] : memref<320000x128xf32, #tpu.memory_space<hbm>> -> memref<200x128xf32, #tpu.memory_space<hbm>>
        %dma_start3A_70 = arith.constant 200 : i32
        %dma_start3A_71 = arith.constant 0 : i32
        %dma_start3A_72 = tpu.memref_slice %arg9[%run_scoped3A_36, %dma_start3A_70, %dma_start3A_71] : memref<2x400x128xf32, #tpu.memory_space<vmem>> -> memref<1x200x128xf32, #tpu.memory_space<vmem>>
        %dma_start3A_73 = tpu.memref_squeeze %dma_start3A_72 : memref<1x200x128xf32, #tpu.memory_space<vmem>> -> memref<200x128xf32, #tpu.memory_space<vmem>>
        tpu.enqueue_dma source(%dma_start3A_73 : memref<200x128xf32, #tpu.memory_space<vmem>>) target(%dma_start3A_69 : memref<200x128xf32, #tpu.memory_space<hbm>>) target_semaphore(%run_scoped3A_61 : memref<!tpu.dma_semaphore, #tpu.memory_space<semaphore_mem>>)
        %dma_wait3A_74 = arith.constant 200 : i32
        %dma_wait3A_75 = arith.constant 0 : i32
        %dma_wait3A_76 = tpu.memref_slice %arg9[%run_scoped3A_36, %dma_wait3A_74, %dma_wait3A_75] : memref<2x400x128xf32, #tpu.memory_space<vmem>> -> memref<1x200x128xf32, #tpu.memory_space<vmem>>
        %dma_wait3A_77 = tpu.memref_squeeze %dma_wait3A_76 : memref<1x200x128xf32, #tpu.memory_space<vmem>> -> memref<200x128xf32, #tpu.memory_space<vmem>>
        %dma_wait3A_78 = arith.constant 0 : i32
        %dma_wait3A_79 = tpu.memref_slice %arg6[%add3A_35, %dma_wait3A_78] : memref<320000x128xf32, #tpu.memory_space<hbm>> -> memref<200x128xf32, #tpu.memory_space<hbm>>
        %dma_wait3A_80 = arith.constant 0 : i32
        %dma_wait3A_81 = tpu.memref_slice %arg6[%add3A_35, %dma_wait3A_80] : memref<320000x128xf32, #tpu.memory_space<hbm>> -> memref<200x128xf32, #tpu.memory_space<hbm>>
        %dma_wait3A_82 = arith.constant 200 : i32
        %dma_wait3A_83 = arith.constant 0 : i32
        %dma_wait3A_84 = tpu.memref_slice %arg9[%run_scoped3A_36, %dma_wait3A_82, %dma_wait3A_83] : memref<2x400x128xf32, #tpu.memory_space<vmem>> -> memref<1x200x128xf32, #tpu.memory_space<vmem>>
        %dma_wait3A_85 = tpu.memref_squeeze %dma_wait3A_84 : memref<1x200x128xf32, #tpu.memory_space<vmem>> -> memref<200x128xf32, #tpu.memory_space<vmem>>
        tpu.wait_dma2 semaphore(%run_scoped3A_61 : memref<!tpu.dma_semaphore, #tpu.memory_space<semaphore_mem>>) src(%dma_wait3A_85 : memref<200x128xf32, #tpu.memory_space<vmem>>) dst(%dma_wait3A_81 : memref<200x128xf32, #tpu.memory_space<hbm>>)
        tpu.yield
      }) : () -> ()
      %mul3A_37 = arith.constant 2 : i32
      %mul3A_38 = arith.muli %mul3A_37, %scan3A_17 : i32
      %add3A_39 = arith.constant 1 : i32
      %add3A_40 = arith.addi %mul3A_38, %add3A_39 : i32
      %add3A_41 = arith.constant 1 : i32
      %add3A_42 = arith.addi %add3A_40, %add3A_41 : i32
      %lt3A_43 = arith.constant 50 : i32
      %lt3A_44 = arith.cmpi slt, %add3A_42, %lt3A_43 : i32
      %convert_element_type3A_45 = arith.extui %lt3A_44 : i1 to i32
      %cond3A_46 = arith.constant 0 : i32
      %cond3A_47 = arith.cmpi ne, %convert_element_type3A_45, %cond3A_46 : i32
      scf.if %cond3A_47 {
        %add3A_61 = arith.constant 1 : i32
        %add3A_62 = arith.addi %add3A_40, %add3A_61 : i32
        %mul3A_63 = arith.constant 200 : i32
        %mul3A_64 = arith.muli %add3A_62, %mul3A_63 : i32
        %add3A_65 = arith.addi %mul3A_2, %mul3A_64 : i32
        "tpu.region"() ({
          %run_scoped3A_74 = tpu.sem_alloc : memref<!tpu.dma_semaphore, #tpu.memory_space<semaphore_mem>>
          %dma_start3A_75 = arith.constant 0 : i32
          %dma_start3A_76 = tpu.memref_slice %arg7[%dma_start3A_75] : memref<400xi32, #tpu.memory_space<vmem>> -> memref<200xi32, #tpu.memory_space<vmem>>
          %dma_start3A_77 = tpu.memref_slice %arg3[%add3A_65] : memref<320000xi32, #tpu.memory_space<hbm>> -> memref<200xi32, #tpu.memory_space<hbm>>
          %dma_start3A_78 = arith.constant 0 : i32
          %dma_start3A_79 = tpu.memref_slice %arg7[%dma_start3A_78] : memref<400xi32, #tpu.memory_space<vmem>> -> memref<200xi32, #tpu.memory_space<vmem>>
          %dma_start3A_80 = tpu.memref_slice %arg3[%add3A_65] : memref<320000xi32, #tpu.memory_space<hbm>> -> memref<200xi32, #tpu.memory_space<hbm>>
          tpu.enqueue_dma source(%dma_start3A_80 : memref<200xi32, #tpu.memory_space<hbm>>) target(%dma_start3A_79 : memref<200xi32, #tpu.memory_space<vmem>>) target_semaphore(%run_scoped3A_74 : memref<!tpu.dma_semaphore, #tpu.memory_space<semaphore_mem>>)
          %dma_wait3A_81 = arith.constant 0 : i32
          %dma_wait3A_82 = tpu.memref_slice %arg7[%dma_wait3A_81] : memref<400xi32, #tpu.memory_space<vmem>> -> memref<200xi32, #tpu.memory_space<vmem>>
          %dma_wait3A_83 = tpu.memref_slice %arg3[%add3A_65] : memref<320000xi32, #tpu.memory_space<hbm>> -> memref<200xi32, #tpu.memory_space<hbm>>
          %dma_wait3A_84 = arith.constant 0 : i32
          %dma_wait3A_85 = tpu.memref_slice %arg7[%dma_wait3A_84] : memref<400xi32, #tpu.memory_space<vmem>> -> memref<200xi32, #tpu.memory_space<vmem>>
          %dma_wait3A_86 = tpu.memref_slice %arg3[%add3A_65] : memref<320000xi32, #tpu.memory_space<hbm>> -> memref<200xi32, #tpu.memory_space<hbm>>
          tpu.wait_dma2 semaphore(%run_scoped3A_74 : memref<!tpu.dma_semaphore, #tpu.memory_space<semaphore_mem>>) src(%dma_wait3A_86 : memref<200xi32, #tpu.memory_space<hbm>>) dst(%dma_wait3A_85 : memref<200xi32, #tpu.memory_space<vmem>>)
          tpu.yield
        }) : () -> ()
        "tpu.region"() ({
          %run_scoped3A_74 = tpu.sem_alloc : memref<!tpu.dma_semaphore, #tpu.memory_space<semaphore_mem>>
          %dma_start3A_75 = arith.constant 200 : i32
          %dma_start3A_76 = tpu.memref_slice %arg7[%dma_start3A_75] : memref<400xi32, #tpu.memory_space<vmem>> -> memref<200xi32, #tpu.memory_space<vmem>>
          %dma_start3A_77 = tpu.memref_slice %arg4[%add3A_65] : memref<320000xi32, #tpu.memory_space<hbm>> -> memref<200xi32, #tpu.memory_space<hbm>>
          %dma_start3A_78 = arith.constant 200 : i32
          %dma_start3A_79 = tpu.memref_slice %arg7[%dma_start3A_78] : memref<400xi32, #tpu.memory_space<vmem>> -> memref<200xi32, #tpu.memory_space<vmem>>
          %dma_start3A_80 = tpu.memref_slice %arg4[%add3A_65] : memref<320000xi32, #tpu.memory_space<hbm>> -> memref<200xi32, #tpu.memory_space<hbm>>
          tpu.enqueue_dma source(%dma_start3A_80 : memref<200xi32, #tpu.memory_space<hbm>>) target(%dma_start3A_79 : memref<200xi32, #tpu.memory_space<vmem>>) target_semaphore(%run_scoped3A_74 : memref<!tpu.dma_semaphore, #tpu.memory_space<semaphore_mem>>)
          %dma_wait3A_81 = arith.constant 200 : i32
          %dma_wait3A_82 = tpu.memref_slice %arg7[%dma_wait3A_81] : memref<400xi32, #tpu.memory_space<vmem>> -> memref<200xi32, #tpu.memory_space<vmem>>
          %dma_wait3A_83 = tpu.memref_slice %arg4[%add3A_65] : memref<320000xi32, #tpu.memory_space<hbm>> -> memref<200xi32, #tpu.memory_space<hbm>>
          %dma_wait3A_84 = arith.constant 200 : i32
          %dma_wait3A_85 = tpu.memref_slice %arg7[%dma_wait3A_84] : memref<400xi32, #tpu.memory_space<vmem>> -> memref<200xi32, #tpu.memory_space<vmem>>
          %dma_wait3A_86 = tpu.memref_slice %arg4[%add3A_65] : memref<320000xi32, #tpu.memory_space<hbm>> -> memref<200xi32, #tpu.memory_space<hbm>>
          tpu.wait_dma2 semaphore(%run_scoped3A_74 : memref<!tpu.dma_semaphore, #tpu.memory_space<semaphore_mem>>) src(%dma_wait3A_86 : memref<200xi32, #tpu.memory_space<hbm>>) dst(%dma_wait3A_85 : memref<200xi32, #tpu.memory_space<vmem>>)
          tpu.yield
        }) : () -> ()
        %dma_start3A_66 = arith.constant 0 : i32
        %dma_start3A_67 = arith.constant 0 : i32
        %dma_start3A_68 = arith.constant 0 : i32
        %dma_start3A_69 = tpu.memref_slice %arg9[%dma_start3A_66, %dma_start3A_67, %dma_start3A_68] : memref<2x400x128xf32, #tpu.memory_space<vmem>> -> memref<1x400x128xf32, #tpu.memory_space<vmem>>
        %dma_start3A_70 = tpu.memref_squeeze %dma_start3A_69 : memref<1x400x128xf32, #tpu.memory_space<vmem>> -> memref<400x128xf32, #tpu.memory_space<vmem>>
        %dma_start3A_71 = arith.constant 0 : i32
        %dma_start3A_72 = arith.constant 0 : i32
        %dma_start3A_73 = tpu.memref_slice %arg2[%dma_start3A_71, %dma_start3A_72] : memref<10000x128xf32, #tpu.memory_space<hbm>> -> memref<10000x128xf32, #tpu.memory_space<hbm>>
        tpu.enqueue_indirect_dma source(%dma_start3A_73 : memref<10000x128xf32, #tpu.memory_space<hbm>>) target(%dma_start3A_70 : memref<400x128xf32, #tpu.memory_space<vmem>>) offsets(%arg7 : memref<400xi32, #tpu.memory_space<vmem>>) semaphore(%arg10 : memref<!tpu.dma_semaphore, #tpu.memory_space<semaphore_mem>>)
      } else {
      }
      %dma_wait3A_48 = arith.constant 1 : i32
      %dma_wait3A_49 = arith.constant 0 : i32
      %dma_wait3A_50 = arith.constant 0 : i32
      %dma_wait3A_51 = tpu.memref_slice %arg9[%dma_wait3A_48, %dma_wait3A_49, %dma_wait3A_50] : memref<2x400x128xf32, #tpu.memory_space<vmem>> -> memref<1x400x128xf32, #tpu.memory_space<vmem>>
      %dma_wait3A_52 = tpu.memref_squeeze %dma_wait3A_51 : memref<1x400x128xf32, #tpu.memory_space<vmem>> -> memref<400x128xf32, #tpu.memory_space<vmem>>
      %dma_wait3A_53 = arith.constant 0 : i32
      %dma_wait3A_54 = arith.constant 0 : i32
      %dma_wait3A_55 = tpu.memref_slice %arg2[%dma_wait3A_53, %dma_wait3A_54] : memref<10000x128xf32, #tpu.memory_space<hbm>> -> memref<10000x128xf32, #tpu.memory_space<hbm>>
      tpu.wait_indirect_dma semaphore(%arg11 : memref<!tpu.dma_semaphore, #tpu.memory_space<semaphore_mem>>) src(%dma_wait3A_55 : memref<10000x128xf32, #tpu.memory_space<hbm>>) dst(%dma_wait3A_52 : memref<400x128xf32, #tpu.memory_space<vmem>>)
      %mul3A_56 = arith.constant 200 : i32
      %mul3A_57 = arith.muli %add3A_40, %mul3A_56 : i32
      %add3A_58 = arith.addi %mul3A_2, %mul3A_57 : i32
      %run_scoped3A_59 = arith.constant 1 : i32
      "tpu.region"() ({
        %run_scoped3A_61 = tpu.sem_alloc : memref<!tpu.dma_semaphore, #tpu.memory_space<semaphore_mem>>
        %dma_start3A_62 = arith.constant 0 : i32
        %dma_start3A_63 = arith.constant 0 : i32
        %dma_start3A_64 = tpu.memref_slice %arg9[%run_scoped3A_59, %dma_start3A_62, %dma_start3A_63] : memref<2x400x128xf32, #tpu.memory_space<vmem>> -> memref<1x200x128xf32, #tpu.memory_space<vmem>>
        %dma_start3A_65 = tpu.memref_squeeze %dma_start3A_64 : memref<1x200x128xf32, #tpu.memory_space<vmem>> -> memref<200x128xf32, #tpu.memory_space<vmem>>
        %dma_start3A_66 = arith.constant 0 : i32
        %dma_start3A_67 = tpu.memref_slice %arg5[%add3A_58, %dma_start3A_66] : memref<320000x128xf32, #tpu.memory_space<hbm>> -> memref<200x128xf32, #tpu.memory_space<hbm>>
        %dma_start3A_68 = arith.constant 0 : i32
        %dma_start3A_69 = tpu.memref_slice %arg5[%add3A_58, %dma_start3A_68] : memref<320000x128xf32, #tpu.memory_space<hbm>> -> memref<200x128xf32, #tpu.memory_space<hbm>>
        %dma_start3A_70 = arith.constant 0 : i32
        %dma_start3A_71 = arith.constant 0 : i32
        %dma_start3A_72 = tpu.memref_slice %arg9[%run_scoped3A_59, %dma_start3A_70, %dma_start3A_71] : memref<2x400x128xf32, #tpu.memory_space<vmem>> -> memref<1x200x128xf32, #tpu.memory_space<vmem>>
        %dma_start3A_73 = tpu.memref_squeeze %dma_start3A_72 : memref<1x200x128xf32, #tpu.memory_space<vmem>> -> memref<200x128xf32, #tpu.memory_space<vmem>>
        tpu.enqueue_dma source(%dma_start3A_73 : memref<200x128xf32, #tpu.memory_space<vmem>>) target(%dma_start3A_69 : memref<200x128xf32, #tpu.memory_space<hbm>>) target_semaphore(%run_scoped3A_61 : memref<!tpu.dma_semaphore, #tpu.memory_space<semaphore_mem>>)
        %dma_wait3A_74 = arith.constant 0 : i32
        %dma_wait3A_75 = arith.constant 0 : i32
        %dma_wait3A_76 = tpu.memref_slice %arg9[%run_scoped3A_59, %dma_wait3A_74, %dma_wait3A_75] : memref<2x400x128xf32, #tpu.memory_space<vmem>> -> memref<1x200x128xf32, #tpu.memory_space<vmem>>
        %dma_wait3A_77 = tpu.memref_squeeze %dma_wait3A_76 : memref<1x200x128xf32, #tpu.memory_space<vmem>> -> memref<200x128xf32, #tpu.memory_space<vmem>>
        %dma_wait3A_78 = arith.constant 0 : i32
        %dma_wait3A_79 = tpu.memref_slice %arg5[%add3A_58, %dma_wait3A_78] : memref<320000x128xf32, #tpu.memory_space<hbm>> -> memref<200x128xf32, #tpu.memory_space<hbm>>
        %dma_wait3A_80 = arith.constant 0 : i32
        %dma_wait3A_81 = tpu.memref_slice %arg5[%add3A_58, %dma_wait3A_80] : memref<320000x128xf32, #tpu.memory_space<hbm>> -> memref<200x128xf32, #tpu.memory_space<hbm>>
        %dma_wait3A_82 = arith.constant 0 : i32
        %dma_wait3A_83 = arith.constant 0 : i32
        %dma_wait3A_84 = tpu.memref_slice %arg9[%run_scoped3A_59, %dma_wait3A_82, %dma_wait3A_83] : memref<2x400x128xf32, #tpu.memory_space<vmem>> -> memref<1x200x128xf32, #tpu.memory_space<vmem>>
        %dma_wait3A_85 = tpu.memref_squeeze %dma_wait3A_84 : memref<1x200x128xf32, #tpu.memory_space<vmem>> -> memref<200x128xf32, #tpu.memory_space<vmem>>
        tpu.wait_dma2 semaphore(%run_scoped3A_61 : memref<!tpu.dma_semaphore, #tpu.memory_space<semaphore_mem>>) src(%dma_wait3A_85 : memref<200x128xf32, #tpu.memory_space<vmem>>) dst(%dma_wait3A_81 : memref<200x128xf32, #tpu.memory_space<hbm>>)
        tpu.yield
      }) : () -> ()
      %run_scoped3A_60 = arith.constant 1 : i32
      "tpu.region"() ({
        %run_scoped3A_61 = tpu.sem_alloc : memref<!tpu.dma_semaphore, #tpu.memory_space<semaphore_mem>>
        %dma_start3A_62 = arith.constant 200 : i32
        %dma_start3A_63 = arith.constant 0 : i32
        %dma_start3A_64 = tpu.memref_slice %arg9[%run_scoped3A_60, %dma_start3A_62, %dma_start3A_63] : memref<2x400x128xf32, #tpu.memory_space<vmem>> -> memref<1x200x128xf32, #tpu.memory_space<vmem>>
        %dma_start3A_65 = tpu.memref_squeeze %dma_start3A_64 : memref<1x200x128xf32, #tpu.memory_space<vmem>> -> memref<200x128xf32, #tpu.memory_space<vmem>>
        %dma_start3A_66 = arith.constant 0 : i32
        %dma_start3A_67 = tpu.memref_slice %arg6[%add3A_58, %dma_start3A_66] : memref<320000x128xf32, #tpu.memory_space<hbm>> -> memref<200x128xf32, #tpu.memory_space<hbm>>
        %dma_start3A_68 = arith.constant 0 : i32
        %dma_start3A_69 = tpu.memref_slice %arg6[%add3A_58, %dma_start3A_68] : memref<320000x128xf32, #tpu.memory_space<hbm>> -> memref<200x128xf32, #tpu.memory_space<hbm>>
        %dma_start3A_70 = arith.constant 200 : i32
        %dma_start3A_71 = arith.constant 0 : i32
        %dma_start3A_72 = tpu.memref_slice %arg9[%run_scoped3A_60, %dma_start3A_70, %dma_start3A_71] : memref<2x400x128xf32, #tpu.memory_space<vmem>> -> memref<1x200x128xf32, #tpu.memory_space<vmem>>
        %dma_start3A_73 = tpu.memref_squeeze %dma_start3A_72 : memref<1x200x128xf32, #tpu.memory_space<vmem>> -> memref<200x128xf32, #tpu.memory_space<vmem>>
        tpu.enqueue_dma source(%dma_start3A_73 : memref<200x128xf32, #tpu.memory_space<vmem>>) target(%dma_start3A_69 : memref<200x128xf32, #tpu.memory_space<hbm>>) target_semaphore(%run_scoped3A_61 : memref<!tpu.dma_semaphore, #tpu.memory_space<semaphore_mem>>)
        %dma_wait3A_74 = arith.constant 200 : i32
        %dma_wait3A_75 = arith.constant 0 : i32
        %dma_wait3A_76 = tpu.memref_slice %arg9[%run_scoped3A_60, %dma_wait3A_74, %dma_wait3A_75] : memref<2x400x128xf32, #tpu.memory_space<vmem>> -> memref<1x200x128xf32, #tpu.memory_space<vmem>>
        %dma_wait3A_77 = tpu.memref_squeeze %dma_wait3A_76 : memref<1x200x128xf32, #tpu.memory_space<vmem>> -> memref<200x128xf32, #tpu.memory_space<vmem>>
        %dma_wait3A_78 = arith.constant 0 : i32
        %dma_wait3A_79 = tpu.memref_slice %arg6[%add3A_58, %dma_wait3A_78] : memref<320000x128xf32, #tpu.memory_space<hbm>> -> memref<200x128xf32, #tpu.memory_space<hbm>>
        %dma_wait3A_80 = arith.constant 0 : i32
        %dma_wait3A_81 = tpu.memref_slice %arg6[%add3A_58, %dma_wait3A_80] : memref<320000x128xf32, #tpu.memory_space<hbm>> -> memref<200x128xf32, #tpu.memory_space<hbm>>
        %dma_wait3A_82 = arith.constant 200 : i32
        %dma_wait3A_83 = arith.constant 0 : i32
        %dma_wait3A_84 = tpu.memref_slice %arg9[%run_scoped3A_60, %dma_wait3A_82, %dma_wait3A_83] : memref<2x400x128xf32, #tpu.memory_space<vmem>> -> memref<1x200x128xf32, #tpu.memory_space<vmem>>
        %dma_wait3A_85 = tpu.memref_squeeze %dma_wait3A_84 : memref<1x200x128xf32, #tpu.memory_space<vmem>> -> memref<200x128xf32, #tpu.memory_space<vmem>>
        tpu.wait_dma2 semaphore(%run_scoped3A_61 : memref<!tpu.dma_semaphore, #tpu.memory_space<semaphore_mem>>) src(%dma_wait3A_85 : memref<200x128xf32, #tpu.memory_space<vmem>>) dst(%dma_wait3A_81 : memref<200x128xf32, #tpu.memory_space<hbm>>)
        tpu.yield
      }) : () -> ()
    }
    %scan3A_16 = arith.constant 25 : i32
    return
  }
}

#map = affine_map<(d0, d1) -> (0, 0)>
#map1 = affine_map<(d0, d1) -> (0)>
#map2 = affine_map<(d0, d1) -> (0, 0, 0)>
module attributes {stable_mosaic.version = 14 : i64} {
  func.func @scatter_kernel(%arg0: i32, %arg1: i32, %arg2: memref<320000x128xf32, #tpu.memory_space<hbm>>, %arg3: memref<320000xi32, #tpu.memory_space<hbm>>, %arg4: memref<2x10240x128xf32, #tpu.memory_space<hbm>>, %arg5: memref<10240x128xf32, #tpu.memory_space<vmem_shared>>, %arg6: memref<40x128xf32, #tpu.memory_space<vmem>>, %arg7: memref<80xi32, #tpu.memory_space<vmem>>, %arg8: memref<80xi32, #tpu.memory_space<vmem>>, %arg9: memref<2x80x128xf32, #tpu.memory_space<vmem>>, %arg10: memref<!tpu.dma_semaphore, #tpu.memory_space<semaphore_mem>>, %arg11: memref<!tpu.dma_semaphore, #tpu.memory_space<semaphore_mem>>, %arg12: memref<!tpu.dma_semaphore, #tpu.memory_space<semaphore_mem>>, %arg13: memref<!tpu.dma_semaphore, #tpu.memory_space<semaphore_mem>>) attributes {dimension_semantics = [#tpu.dimension_semantics<core_parallel>, #tpu.dimension_semantics<subcore_parallel>], iteration_bounds = array<i64: 2, 16>, scalar_prefetch = 0 : i64, scratch_operands = 9 : i64, tpu.core_type = #tpu.core_type<sc_vector_subcore>, window_params = [{transform_indices = #map}, {transform_indices = #map1}, {transform_indices = #map2}]} {
    %mul3A = arith.constant 160000 : i32
    %mul3A_0 = arith.muli %arg0, %mul3A : i32
    %mul3A_1 = arith.constant 10000 : i32
    %mul3A_2 = arith.muli %arg1, %mul3A_1 : i32
    %add3A = arith.addi %mul3A_0, %mul3A_2 : i32
    %add3A_3 = arith.constant 0 : i32
    %add3A_4 = arith.addi %add3A, %add3A_3 : i32
    %dma_start3A = tpu.memref_slice %arg3[%add3A_4] : memref<320000xi32, #tpu.memory_space<hbm>> -> memref<80xi32, #tpu.memory_space<hbm>>
    %dma_start3A_5 = tpu.memref_slice %arg3[%add3A_4] : memref<320000xi32, #tpu.memory_space<hbm>> -> memref<80xi32, #tpu.memory_space<hbm>>
    tpu.enqueue_dma source(%dma_start3A_5 : memref<80xi32, #tpu.memory_space<hbm>>) target(%arg7 : memref<80xi32, #tpu.memory_space<vmem>>) target_semaphore(%arg12 : memref<!tpu.dma_semaphore, #tpu.memory_space<semaphore_mem>>)
    %dma_start3A_6 = arith.constant 0 : i32
    %dma_start3A_7 = arith.constant 0 : i32
    %dma_start3A_8 = arith.constant 0 : i32
    %dma_start3A_9 = tpu.memref_slice %arg9[%dma_start3A_6, %dma_start3A_7, %dma_start3A_8] : memref<2x80x128xf32, #tpu.memory_space<vmem>> -> memref<1x80x128xf32, #tpu.memory_space<vmem>>
    %dma_start3A_10 = tpu.memref_squeeze %dma_start3A_9 : memref<1x80x128xf32, #tpu.memory_space<vmem>> -> memref<80x128xf32, #tpu.memory_space<vmem>>
    %dma_start3A_11 = arith.constant 0 : i32
    %dma_start3A_12 = tpu.memref_slice %arg2[%add3A_4, %dma_start3A_11] : memref<320000x128xf32, #tpu.memory_space<hbm>> -> memref<80x128xf32, #tpu.memory_space<hbm>>
    %dma_start3A_13 = arith.constant 0 : i32
    %dma_start3A_14 = arith.constant 0 : i32
    %dma_start3A_15 = tpu.memref_slice %arg9[%dma_start3A_6, %dma_start3A_13, %dma_start3A_14] : memref<2x80x128xf32, #tpu.memory_space<vmem>> -> memref<1x80x128xf32, #tpu.memory_space<vmem>>
    %dma_start3A_16 = tpu.memref_squeeze %dma_start3A_15 : memref<1x80x128xf32, #tpu.memory_space<vmem>> -> memref<80x128xf32, #tpu.memory_space<vmem>>
    %dma_start3A_17 = arith.constant 0 : i32
    %dma_start3A_18 = tpu.memref_slice %arg2[%add3A_4, %dma_start3A_17] : memref<320000x128xf32, #tpu.memory_space<hbm>> -> memref<80x128xf32, #tpu.memory_space<hbm>>
    tpu.enqueue_dma source(%dma_start3A_18 : memref<80x128xf32, #tpu.memory_space<hbm>>) target(%dma_start3A_16 : memref<80x128xf32, #tpu.memory_space<vmem>>) target_semaphore(%arg10 : memref<!tpu.dma_semaphore, #tpu.memory_space<semaphore_mem>>)
    %broadcast_in_dim3A = arith.constant 0.000000e+00 : f32
    %broadcast_in_dim3A_19 = vector.broadcast %broadcast_in_dim3A : f32 to vector<16xf32>
    %scan3A = arith.constant 0 : i32
    %scan3A_20 = arith.constant 0 : i32
    %scan3A_21 = arith.constant 40 : i32
    %scan3A_22 = arith.addi %scan3A_20, %scan3A_21 : i32
    %scan3A_23 = arith.constant 1 : i32
    scf.for %scan3A_56 = %scan3A_20 to %scan3A_22 step %scan3A_23  : i32 {
      %scan3A_57 = arith.constant 0 : i32
      %scan3A_58 = arith.constant 8 : i32
      %scan3A_59 = arith.addi %scan3A_57, %scan3A_58 : i32
      %scan3A_60 = arith.constant 1 : i32
      scf.for %scan3A_62 = %scan3A_57 to %scan3A_59 step %scan3A_60  : i32 {
        %mul3A_63 = arith.constant 16 : i32
        %mul3A_64 = arith.muli %scan3A_62, %mul3A_63 : i32
        %swap3A = arith.index_cast %scan3A_56 : i32 to index
        %swap3A_65 = arith.index_cast %mul3A_64 : i32 to index
        %swap3A_66 = tpu.vector_load %arg6[%swap3A, %swap3A_65] {strides = array<i32>} : memref<40x128xf32, #tpu.memory_space<vmem>>, vector<1x16xf32>,
        %swap3A_67 = vector.shape_cast %swap3A_66 : vector<1x16xf32> to vector<16xf32>
        %swap3A_68 = vector.shape_cast %broadcast_in_dim3A_19 : vector<16xf32> to vector<1x16xf32>
        tpu.vector_store %arg6[%swap3A, %swap3A_65], %swap3A_68 {strides = array<i32>} : memref<40x128xf32, #tpu.memory_space<vmem>>, vector<1x16xf32>,
      }
      %scan3A_61 = arith.constant 8 : i32
    }
    %scan3A_24 = arith.constant 40 : i32
    %scan3A_25 = arith.constant 0 : i32
    %scan3A_26 = arith.constant 0 : i32
    %scan3A_27 = arith.constant 16 : i32
    %scan3A_28 = arith.addi %scan3A_26, %scan3A_27 : i32
    %scan3A_29 = arith.constant 1 : i32
    scf.for %scan3A_56 = %scan3A_26 to %scan3A_28 step %scan3A_29  : i32 {
      %mul3A_57 = arith.constant 640 : i32
      %mul3A_58 = arith.muli %arg1, %mul3A_57 : i32
      %mul3A_59 = arith.constant 40 : i32
      %mul3A_60 = arith.muli %scan3A_56, %mul3A_59 : i32
      %add3A_61 = arith.addi %mul3A_58, %mul3A_60 : i32
      "tpu.region"() ({
        %run_scoped3A_62 = tpu.sem_alloc : memref<!tpu.dma_semaphore, #tpu.memory_space<semaphore_mem>>
        %dma_start3A_63 = arith.constant 0 : i32
        %dma_start3A_64 = tpu.memref_slice %arg5[%add3A_61, %dma_start3A_63] : memref<10240x128xf32, #tpu.memory_space<vmem_shared>> -> memref<40x128xf32, #tpu.memory_space<vmem_shared>>
        %dma_start3A_65 = arith.constant 0 : i32
        %dma_start3A_66 = tpu.memref_slice %arg5[%add3A_61, %dma_start3A_65] : memref<10240x128xf32, #tpu.memory_space<vmem_shared>> -> memref<40x128xf32, #tpu.memory_space<vmem_shared>>
        tpu.enqueue_dma source(%arg6 : memref<40x128xf32, #tpu.memory_space<vmem>>) target(%dma_start3A_66 : memref<40x128xf32, #tpu.memory_space<vmem_shared>>) target_semaphore(%run_scoped3A_62 : memref<!tpu.dma_semaphore, #tpu.memory_space<semaphore_mem>>)
        %dma_wait3A_67 = arith.constant 0 : i32
        %dma_wait3A_68 = tpu.memref_slice %arg5[%add3A_61, %dma_wait3A_67] : memref<10240x128xf32, #tpu.memory_space<vmem_shared>> -> memref<40x128xf32, #tpu.memory_space<vmem_shared>>
        %dma_wait3A_69 = arith.constant 0 : i32
        %dma_wait3A_70 = tpu.memref_slice %arg5[%add3A_61, %dma_wait3A_69] : memref<10240x128xf32, #tpu.memory_space<vmem_shared>> -> memref<40x128xf32, #tpu.memory_space<vmem_shared>>
        tpu.wait_dma2 semaphore(%run_scoped3A_62 : memref<!tpu.dma_semaphore, #tpu.memory_space<semaphore_mem>>) src(%arg6 : memref<40x128xf32, #tpu.memory_space<vmem>>) dst(%dma_wait3A_70 : memref<40x128xf32, #tpu.memory_space<vmem_shared>>)
        tpu.yield
      }) : () -> ()
    }
    %scan3A_30 = arith.constant 16 : i32
    %barrier3A = arith.constant 0 : index
    tpu.barrier barrier_id(%barrier3A)
    %scan3A_31 = arith.constant 0 : i32
    %scan3A_32 = arith.constant 0 : i32
    %scan3A_33 = arith.constant 62 : i32
    %scan3A_34 = arith.addi %scan3A_32, %scan3A_33 : i32
    %scan3A_35 = arith.constant 1 : i32
    scf.for %scan3A_56 = %scan3A_32 to %scan3A_34 step %scan3A_35  : i32 {
      %mul3A_57 = arith.constant 2 : i32
      %mul3A_58 = arith.muli %mul3A_57, %scan3A_56 : i32
      %add3A_59 = arith.constant 0 : i32
      %add3A_60 = arith.addi %mul3A_58, %add3A_59 : i32
      %add3A_61 = arith.constant 1 : i32
      %add3A_62 = arith.addi %add3A_60, %add3A_61 : i32
      %lt3A = arith.constant 125 : i32
      %lt3A_63 = arith.cmpi slt, %add3A_62, %lt3A : i32
      %convert_element_type3A = arith.extui %lt3A_63 : i1 to i32
      %cond3A = arith.constant 0 : i32
      %cond3A_64 = arith.cmpi ne, %convert_element_type3A, %cond3A : i32
      scf.if %cond3A_64 {
        %add3A_114 = arith.constant 1 : i32
        %add3A_115 = arith.addi %add3A_60, %add3A_114 : i32
        %mul3A_116 = arith.constant 80 : i32
        %mul3A_117 = arith.muli %add3A_115, %mul3A_116 : i32
        %add3A_118 = arith.addi %add3A, %mul3A_117 : i32
        %dma_start3A_119 = tpu.memref_slice %arg3[%add3A_118] : memref<320000xi32, #tpu.memory_space<hbm>> -> memref<80xi32, #tpu.memory_space<hbm>>
        %dma_start3A_120 = tpu.memref_slice %arg3[%add3A_118] : memref<320000xi32, #tpu.memory_space<hbm>> -> memref<80xi32, #tpu.memory_space<hbm>>
        tpu.enqueue_dma source(%dma_start3A_120 : memref<80xi32, #tpu.memory_space<hbm>>) target(%arg8 : memref<80xi32, #tpu.memory_space<vmem>>) target_semaphore(%arg13 : memref<!tpu.dma_semaphore, #tpu.memory_space<semaphore_mem>>)
        %dma_start3A_121 = arith.constant 1 : i32
        %dma_start3A_122 = arith.constant 0 : i32
        %dma_start3A_123 = arith.constant 0 : i32
        %dma_start3A_124 = tpu.memref_slice %arg9[%dma_start3A_121, %dma_start3A_122, %dma_start3A_123] : memref<2x80x128xf32, #tpu.memory_space<vmem>> -> memref<1x80x128xf32, #tpu.memory_space<vmem>>
        %dma_start3A_125 = tpu.memref_squeeze %dma_start3A_124 : memref<1x80x128xf32, #tpu.memory_space<vmem>> -> memref<80x128xf32, #tpu.memory_space<vmem>>
        %dma_start3A_126 = arith.constant 0 : i32
        %dma_start3A_127 = tpu.memref_slice %arg2[%add3A_118, %dma_start3A_126] : memref<320000x128xf32, #tpu.memory_space<hbm>> -> memref<80x128xf32, #tpu.memory_space<hbm>>
        %dma_start3A_128 = arith.constant 0 : i32
        %dma_start3A_129 = arith.constant 0 : i32
        %dma_start3A_130 = tpu.memref_slice %arg9[%dma_start3A_121, %dma_start3A_128, %dma_start3A_129] : memref<2x80x128xf32, #tpu.memory_space<vmem>> -> memref<1x80x128xf32, #tpu.memory_space<vmem>>
        %dma_start3A_131 = tpu.memref_squeeze %dma_start3A_130 : memref<1x80x128xf32, #tpu.memory_space<vmem>> -> memref<80x128xf32, #tpu.memory_space<vmem>>
        %dma_start3A_132 = arith.constant 0 : i32
        %dma_start3A_133 = tpu.memref_slice %arg2[%add3A_118, %dma_start3A_132] : memref<320000x128xf32, #tpu.memory_space<hbm>> -> memref<80x128xf32, #tpu.memory_space<hbm>>
        tpu.enqueue_dma source(%dma_start3A_133 : memref<80x128xf32, #tpu.memory_space<hbm>>) target(%dma_start3A_131 : memref<80x128xf32, #tpu.memory_space<vmem>>) target_semaphore(%arg11 : memref<!tpu.dma_semaphore, #tpu.memory_space<semaphore_mem>>)
      } else {
      }
      %mul3A_65 = arith.constant 80 : i32
      %mul3A_66 = arith.muli %add3A_60, %mul3A_65 : i32
      %add3A_67 = arith.addi %add3A, %mul3A_66 : i32
      %dma_wait3A_68 = tpu.memref_slice %arg3[%add3A_67] : memref<320000xi32, #tpu.memory_space<hbm>> -> memref<80xi32, #tpu.memory_space<hbm>>
      %dma_wait3A_69 = tpu.memref_slice %arg3[%add3A_67] : memref<320000xi32, #tpu.memory_space<hbm>> -> memref<80xi32, #tpu.memory_space<hbm>>
      tpu.wait_dma2 semaphore(%arg12 : memref<!tpu.dma_semaphore, #tpu.memory_space<semaphore_mem>>) src(%dma_wait3A_69 : memref<80xi32, #tpu.memory_space<hbm>>) dst(%arg7 : memref<80xi32, #tpu.memory_space<vmem>>)
      %dma_wait3A_70 = arith.constant 0 : i32
      %dma_wait3A_71 = arith.constant 0 : i32
      %dma_wait3A_72 = arith.constant 0 : i32
      %dma_wait3A_73 = tpu.memref_slice %arg9[%dma_wait3A_70, %dma_wait3A_71, %dma_wait3A_72] : memref<2x80x128xf32, #tpu.memory_space<vmem>> -> memref<1x80x128xf32, #tpu.memory_space<vmem>>
      %dma_wait3A_74 = tpu.memref_squeeze %dma_wait3A_73 : memref<1x80x128xf32, #tpu.memory_space<vmem>> -> memref<80x128xf32, #tpu.memory_space<vmem>>
      %dma_wait3A_75 = arith.constant 0 : i32
      %dma_wait3A_76 = tpu.memref_slice %arg2[%add3A_67, %dma_wait3A_75] : memref<320000x128xf32, #tpu.memory_space<hbm>> -> memref<80x128xf32, #tpu.memory_space<hbm>>
      %dma_wait3A_77 = arith.constant 0 : i32
      %dma_wait3A_78 = arith.constant 0 : i32
      %dma_wait3A_79 = tpu.memref_slice %arg9[%dma_wait3A_70, %dma_wait3A_77, %dma_wait3A_78] : memref<2x80x128xf32, #tpu.memory_space<vmem>> -> memref<1x80x128xf32, #tpu.memory_space<vmem>>
      %dma_wait3A_80 = tpu.memref_squeeze %dma_wait3A_79 : memref<1x80x128xf32, #tpu.memory_space<vmem>> -> memref<80x128xf32, #tpu.memory_space<vmem>>
      %dma_wait3A_81 = arith.constant 0 : i32
      %dma_wait3A_82 = tpu.memref_slice %arg2[%add3A_67, %dma_wait3A_81] : memref<320000x128xf32, #tpu.memory_space<hbm>> -> memref<80x128xf32, #tpu.memory_space<hbm>>
      tpu.wait_dma2 semaphore(%arg10 : memref<!tpu.dma_semaphore, #tpu.memory_space<semaphore_mem>>) src(%dma_wait3A_82 : memref<80x128xf32, #tpu.memory_space<hbm>>) dst(%dma_wait3A_80 : memref<80x128xf32, #tpu.memory_space<vmem>>)
      %run_scoped3A_83 = arith.constant 0 : i32
      "tpu.region"() ({
        %run_scoped3A_114 = tpu.sem_alloc : memref<!tpu.dma_semaphore, #tpu.memory_space<semaphore_mem>>
        %dma_start3A_115 = arith.constant 0 : i32
        %dma_start3A_116 = arith.constant 0 : i32
        %dma_start3A_117 = tpu.memref_slice %arg9[%run_scoped3A_83, %dma_start3A_115, %dma_start3A_116] : memref<2x80x128xf32, #tpu.memory_space<vmem>> -> memref<1x80x128xf32, #tpu.memory_space<vmem>>
        %dma_start3A_118 = tpu.memref_squeeze %dma_start3A_117 : memref<1x80x128xf32, #tpu.memory_space<vmem>> -> memref<80x128xf32, #tpu.memory_space<vmem>>
        %dma_start3A_119 = arith.constant 0 : i32
        %dma_start3A_120 = arith.constant 0 : i32
        %dma_start3A_121 = tpu.memref_slice %arg5[%dma_start3A_119, %dma_start3A_120] : memref<10240x128xf32, #tpu.memory_space<vmem_shared>> -> memref<10240x128xf32, #tpu.memory_space<vmem_shared>>
        tpu.enqueue_indirect_dma source(%dma_start3A_118 : memref<80x128xf32, #tpu.memory_space<vmem>>) target(%dma_start3A_121 : memref<10240x128xf32, #tpu.memory_space<vmem_shared>>) offsets(%arg7 : memref<80xi32, #tpu.memory_space<vmem>>) semaphore(%run_scoped3A_114 : memref<!tpu.dma_semaphore, #tpu.memory_space<semaphore_mem>>) {add = true}
        %dma_wait3A_122 = arith.constant 0 : i32
        %dma_wait3A_123 = arith.constant 0 : i32
        %dma_wait3A_124 = tpu.memref_slice %arg9[%run_scoped3A_83, %dma_wait3A_122, %dma_wait3A_123] : memref<2x80x128xf32, #tpu.memory_space<vmem>> -> memref<1x80x128xf32, #tpu.memory_space<vmem>>
        %dma_wait3A_125 = tpu.memref_squeeze %dma_wait3A_124 : memref<1x80x128xf32, #tpu.memory_space<vmem>> -> memref<80x128xf32, #tpu.memory_space<vmem>>
        %dma_wait3A_126 = arith.constant 0 : i32
        %dma_wait3A_127 = arith.constant 0 : i32
        %dma_wait3A_128 = tpu.memref_slice %arg5[%dma_wait3A_126, %dma_wait3A_127] : memref<10240x128xf32, #tpu.memory_space<vmem_shared>> -> memref<10240x128xf32, #tpu.memory_space<vmem_shared>>
        tpu.wait_indirect_dma semaphore(%run_scoped3A_114 : memref<!tpu.dma_semaphore, #tpu.memory_space<semaphore_mem>>) src(%dma_wait3A_125 : memref<80x128xf32, #tpu.memory_space<vmem>>) dst(%dma_wait3A_128 : memref<10240x128xf32, #tpu.memory_space<vmem_shared>>)
        tpu.yield
      }) : () -> ()
      %mul3A_84 = arith.constant 2 : i32
      %mul3A_85 = arith.muli %mul3A_84, %scan3A_56 : i32
      %add3A_86 = arith.constant 1 : i32
      %add3A_87 = arith.addi %mul3A_85, %add3A_86 : i32
      %add3A_88 = arith.constant 1 : i32
      %add3A_89 = arith.addi %add3A_87, %add3A_88 : i32
      %lt3A_90 = arith.constant 125 : i32
      %lt3A_91 = arith.cmpi slt, %add3A_89, %lt3A_90 : i32
      %convert_element_type3A_92 = arith.extui %lt3A_91 : i1 to i32
      %cond3A_93 = arith.constant 0 : i32
      %cond3A_94 = arith.cmpi ne, %convert_element_type3A_92, %cond3A_93 : i32
      scf.if %cond3A_94 {
        %add3A_114 = arith.constant 1 : i32
        %add3A_115 = arith.addi %add3A_87, %add3A_114 : i32
        %mul3A_116 = arith.constant 80 : i32
        %mul3A_117 = arith.muli %add3A_115, %mul3A_116 : i32
        %add3A_118 = arith.addi %add3A, %mul3A_117 : i32
        %dma_start3A_119 = tpu.memref_slice %arg3[%add3A_118] : memref<320000xi32, #tpu.memory_space<hbm>> -> memref<80xi32, #tpu.memory_space<hbm>>
        %dma_start3A_120 = tpu.memref_slice %arg3[%add3A_118] : memref<320000xi32, #tpu.memory_space<hbm>> -> memref<80xi32, #tpu.memory_space<hbm>>
        tpu.enqueue_dma source(%dma_start3A_120 : memref<80xi32, #tpu.memory_space<hbm>>) target(%arg7 : memref<80xi32, #tpu.memory_space<vmem>>) target_semaphore(%arg12 : memref<!tpu.dma_semaphore, #tpu.memory_space<semaphore_mem>>)
        %dma_start3A_121 = arith.constant 0 : i32
        %dma_start3A_122 = arith.constant 0 : i32
        %dma_start3A_123 = arith.constant 0 : i32
        %dma_start3A_124 = tpu.memref_slice %arg9[%dma_start3A_121, %dma_start3A_122, %dma_start3A_123] : memref<2x80x128xf32, #tpu.memory_space<vmem>> -> memref<1x80x128xf32, #tpu.memory_space<vmem>>
        %dma_start3A_125 = tpu.memref_squeeze %dma_start3A_124 : memref<1x80x128xf32, #tpu.memory_space<vmem>> -> memref<80x128xf32, #tpu.memory_space<vmem>>
        %dma_start3A_126 = arith.constant 0 : i32
        %dma_start3A_127 = tpu.memref_slice %arg2[%add3A_118, %dma_start3A_126] : memref<320000x128xf32, #tpu.memory_space<hbm>> -> memref<80x128xf32, #tpu.memory_space<hbm>>
        %dma_start3A_128 = arith.constant 0 : i32
        %dma_start3A_129 = arith.constant 0 : i32
        %dma_start3A_130 = tpu.memref_slice %arg9[%dma_start3A_121, %dma_start3A_128, %dma_start3A_129] : memref<2x80x128xf32, #tpu.memory_space<vmem>> -> memref<1x80x128xf32, #tpu.memory_space<vmem>>
        %dma_start3A_131 = tpu.memref_squeeze %dma_start3A_130 : memref<1x80x128xf32, #tpu.memory_space<vmem>> -> memref<80x128xf32, #tpu.memory_space<vmem>>
        %dma_start3A_132 = arith.constant 0 : i32
        %dma_start3A_133 = tpu.memref_slice %arg2[%add3A_118, %dma_start3A_132] : memref<320000x128xf32, #tpu.memory_space<hbm>> -> memref<80x128xf32, #tpu.memory_space<hbm>>
        tpu.enqueue_dma source(%dma_start3A_133 : memref<80x128xf32, #tpu.memory_space<hbm>>) target(%dma_start3A_131 : memref<80x128xf32, #tpu.memory_space<vmem>>) target_semaphore(%arg10 : memref<!tpu.dma_semaphore, #tpu.memory_space<semaphore_mem>>)
      } else {
      }
      %mul3A_95 = arith.constant 80 : i32
      %mul3A_96 = arith.muli %add3A_87, %mul3A_95 : i32
      %add3A_97 = arith.addi %add3A, %mul3A_96 : i32
      %dma_wait3A_98 = tpu.memref_slice %arg3[%add3A_97] : memref<320000xi32, #tpu.memory_space<hbm>> -> memref<80xi32, #tpu.memory_space<hbm>>
      %dma_wait3A_99 = tpu.memref_slice %arg3[%add3A_97] : memref<320000xi32, #tpu.memory_space<hbm>> -> memref<80xi32, #tpu.memory_space<hbm>>
      tpu.wait_dma2 semaphore(%arg13 : memref<!tpu.dma_semaphore, #tpu.memory_space<semaphore_mem>>) src(%dma_wait3A_99 : memref<80xi32, #tpu.memory_space<hbm>>) dst(%arg8 : memref<80xi32, #tpu.memory_space<vmem>>)
      %dma_wait3A_100 = arith.constant 1 : i32
      %dma_wait3A_101 = arith.constant 0 : i32
      %dma_wait3A_102 = arith.constant 0 : i32
      %dma_wait3A_103 = tpu.memref_slice %arg9[%dma_wait3A_100, %dma_wait3A_101, %dma_wait3A_102] : memref<2x80x128xf32, #tpu.memory_space<vmem>> -> memref<1x80x128xf32, #tpu.memory_space<vmem>>
      %dma_wait3A_104 = tpu.memref_squeeze %dma_wait3A_103 : memref<1x80x128xf32, #tpu.memory_space<vmem>> -> memref<80x128xf32, #tpu.memory_space<vmem>>
      %dma_wait3A_105 = arith.constant 0 : i32
      %dma_wait3A_106 = tpu.memref_slice %arg2[%add3A_97, %dma_wait3A_105] : memref<320000x128xf32, #tpu.memory_space<hbm>> -> memref<80x128xf32, #tpu.memory_space<hbm>>
      %dma_wait3A_107 = arith.constant 0 : i32
      %dma_wait3A_108 = arith.constant 0 : i32
      %dma_wait3A_109 = tpu.memref_slice %arg9[%dma_wait3A_100, %dma_wait3A_107, %dma_wait3A_108] : memref<2x80x128xf32, #tpu.memory_space<vmem>> -> memref<1x80x128xf32, #tpu.memory_space<vmem>>
      %dma_wait3A_110 = tpu.memref_squeeze %dma_wait3A_109 : memref<1x80x128xf32, #tpu.memory_space<vmem>> -> memref<80x128xf32, #tpu.memory_space<vmem>>
      %dma_wait3A_111 = arith.constant 0 : i32
      %dma_wait3A_112 = tpu.memref_slice %arg2[%add3A_97, %dma_wait3A_111] : memref<320000x128xf32, #tpu.memory_space<hbm>> -> memref<80x128xf32, #tpu.memory_space<hbm>>
      tpu.wait_dma2 semaphore(%arg11 : memref<!tpu.dma_semaphore, #tpu.memory_space<semaphore_mem>>) src(%dma_wait3A_112 : memref<80x128xf32, #tpu.memory_space<hbm>>) dst(%dma_wait3A_110 : memref<80x128xf32, #tpu.memory_space<vmem>>)
      %run_scoped3A_113 = arith.constant 1 : i32
      "tpu.region"() ({
        %run_scoped3A_114 = tpu.sem_alloc : memref<!tpu.dma_semaphore, #tpu.memory_space<semaphore_mem>>
        %dma_start3A_115 = arith.constant 0 : i32
        %dma_start3A_116 = arith.constant 0 : i32
        %dma_start3A_117 = tpu.memref_slice %arg9[%run_scoped3A_113, %dma_start3A_115, %dma_start3A_116] : memref<2x80x128xf32, #tpu.memory_space<vmem>> -> memref<1x80x128xf32, #tpu.memory_space<vmem>>
        %dma_start3A_118 = tpu.memref_squeeze %dma_start3A_117 : memref<1x80x128xf32, #tpu.memory_space<vmem>> -> memref<80x128xf32, #tpu.memory_space<vmem>>
        %dma_start3A_119 = arith.constant 0 : i32
        %dma_start3A_120 = arith.constant 0 : i32
        %dma_start3A_121 = tpu.memref_slice %arg5[%dma_start3A_119, %dma_start3A_120] : memref<10240x128xf32, #tpu.memory_space<vmem_shared>> -> memref<10240x128xf32, #tpu.memory_space<vmem_shared>>
        tpu.enqueue_indirect_dma source(%dma_start3A_118 : memref<80x128xf32, #tpu.memory_space<vmem>>) target(%dma_start3A_121 : memref<10240x128xf32, #tpu.memory_space<vmem_shared>>) offsets(%arg8 : memref<80xi32, #tpu.memory_space<vmem>>) semaphore(%run_scoped3A_114 : memref<!tpu.dma_semaphore, #tpu.memory_space<semaphore_mem>>) {add = true}
        %dma_wait3A_122 = arith.constant 0 : i32
        %dma_wait3A_123 = arith.constant 0 : i32
        %dma_wait3A_124 = tpu.memref_slice %arg9[%run_scoped3A_113, %dma_wait3A_122, %dma_wait3A_123] : memref<2x80x128xf32, #tpu.memory_space<vmem>> -> memref<1x80x128xf32, #tpu.memory_space<vmem>>
        %dma_wait3A_125 = tpu.memref_squeeze %dma_wait3A_124 : memref<1x80x128xf32, #tpu.memory_space<vmem>> -> memref<80x128xf32, #tpu.memory_space<vmem>>
        %dma_wait3A_126 = arith.constant 0 : i32
        %dma_wait3A_127 = arith.constant 0 : i32
        %dma_wait3A_128 = tpu.memref_slice %arg5[%dma_wait3A_126, %dma_wait3A_127] : memref<10240x128xf32, #tpu.memory_space<vmem_shared>> -> memref<10240x128xf32, #tpu.memory_space<vmem_shared>>
        tpu.wait_indirect_dma semaphore(%run_scoped3A_114 : memref<!tpu.dma_semaphore, #tpu.memory_space<semaphore_mem>>) src(%dma_wait3A_125 : memref<80x128xf32, #tpu.memory_space<vmem>>) dst(%dma_wait3A_128 : memref<10240x128xf32, #tpu.memory_space<vmem_shared>>)
        tpu.yield
      }) : () -> ()
    }
    %scan3A_36 = arith.constant 62 : i32
    %add3A_37 = arith.constant 9920 : i32
    %add3A_38 = arith.addi %add3A, %add3A_37 : i32
    %dma_wait3A = tpu.memref_slice %arg3[%add3A_38] : memref<320000xi32, #tpu.memory_space<hbm>> -> memref<80xi32, #tpu.memory_space<hbm>>
    %dma_wait3A_39 = tpu.memref_slice %arg3[%add3A_38] : memref<320000xi32, #tpu.memory_space<hbm>> -> memref<80xi32, #tpu.memory_space<hbm>>
    tpu.wait_dma2 semaphore(%arg12 : memref<!tpu.dma_semaphore, #tpu.memory_space<semaphore_mem>>) src(%dma_wait3A_39 : memref<80xi32, #tpu.memory_space<hbm>>) dst(%arg7 : memref<80xi32, #tpu.memory_space<vmem>>)
    %dma_wait3A_40 = arith.constant 0 : i32
    %dma_wait3A_41 = arith.constant 0 : i32
    %dma_wait3A_42 = arith.constant 0 : i32
    %dma_wait3A_43 = tpu.memref_slice %arg9[%dma_wait3A_40, %dma_wait3A_41, %dma_wait3A_42] : memref<2x80x128xf32, #tpu.memory_space<vmem>> -> memref<1x80x128xf32, #tpu.memory_space<vmem>>
    %dma_wait3A_44 = tpu.memref_squeeze %dma_wait3A_43 : memref<1x80x128xf32, #tpu.memory_space<vmem>> -> memref<80x128xf32, #tpu.memory_space<vmem>>
    %dma_wait3A_45 = arith.constant 0 : i32
    %dma_wait3A_46 = tpu.memref_slice %arg2[%add3A_38, %dma_wait3A_45] : memref<320000x128xf32, #tpu.memory_space<hbm>> -> memref<80x128xf32, #tpu.memory_space<hbm>>
    %dma_wait3A_47 = arith.constant 0 : i32
    %dma_wait3A_48 = arith.constant 0 : i32
    %dma_wait3A_49 = tpu.memref_slice %arg9[%dma_wait3A_40, %dma_wait3A_47, %dma_wait3A_48] : memref<2x80x128xf32, #tpu.memory_space<vmem>> -> memref<1x80x128xf32, #tpu.memory_space<vmem>>
    %dma_wait3A_50 = tpu.memref_squeeze %dma_wait3A_49 : memref<1x80x128xf32, #tpu.memory_space<vmem>> -> memref<80x128xf32, #tpu.memory_space<vmem>>
    %dma_wait3A_51 = arith.constant 0 : i32
    %dma_wait3A_52 = tpu.memref_slice %arg2[%add3A_38, %dma_wait3A_51] : memref<320000x128xf32, #tpu.memory_space<hbm>> -> memref<80x128xf32, #tpu.memory_space<hbm>>
    tpu.wait_dma2 semaphore(%arg10 : memref<!tpu.dma_semaphore, #tpu.memory_space<semaphore_mem>>) src(%dma_wait3A_52 : memref<80x128xf32, #tpu.memory_space<hbm>>) dst(%dma_wait3A_50 : memref<80x128xf32, #tpu.memory_space<vmem>>)
    %run_scoped3A = arith.constant 0 : i32
    "tpu.region"() ({
      %run_scoped3A_56 = tpu.sem_alloc : memref<!tpu.dma_semaphore, #tpu.memory_space<semaphore_mem>>
      %dma_start3A_57 = arith.constant 0 : i32
      %dma_start3A_58 = arith.constant 0 : i32
      %dma_start3A_59 = tpu.memref_slice %arg9[%run_scoped3A, %dma_start3A_57, %dma_start3A_58] : memref<2x80x128xf32, #tpu.memory_space<vmem>> -> memref<1x80x128xf32, #tpu.memory_space<vmem>>
      %dma_start3A_60 = tpu.memref_squeeze %dma_start3A_59 : memref<1x80x128xf32, #tpu.memory_space<vmem>> -> memref<80x128xf32, #tpu.memory_space<vmem>>
      %dma_start3A_61 = arith.constant 0 : i32
      %dma_start3A_62 = arith.constant 0 : i32
      %dma_start3A_63 = tpu.memref_slice %arg5[%dma_start3A_61, %dma_start3A_62] : memref<10240x128xf32, #tpu.memory_space<vmem_shared>> -> memref<10240x128xf32, #tpu.memory_space<vmem_shared>>
      tpu.enqueue_indirect_dma source(%dma_start3A_60 : memref<80x128xf32, #tpu.memory_space<vmem>>) target(%dma_start3A_63 : memref<10240x128xf32, #tpu.memory_space<vmem_shared>>) offsets(%arg7 : memref<80xi32, #tpu.memory_space<vmem>>) semaphore(%run_scoped3A_56 : memref<!tpu.dma_semaphore, #tpu.memory_space<semaphore_mem>>) {add = true}
      %dma_wait3A_64 = arith.constant 0 : i32
      %dma_wait3A_65 = arith.constant 0 : i32
      %dma_wait3A_66 = tpu.memref_slice %arg9[%run_scoped3A, %dma_wait3A_64, %dma_wait3A_65] : memref<2x80x128xf32, #tpu.memory_space<vmem>> -> memref<1x80x128xf32, #tpu.memory_space<vmem>>
      %dma_wait3A_67 = tpu.memref_squeeze %dma_wait3A_66 : memref<1x80x128xf32, #tpu.memory_space<vmem>> -> memref<80x128xf32, #tpu.memory_space<vmem>>
      %dma_wait3A_68 = arith.constant 0 : i32
      %dma_wait3A_69 = arith.constant 0 : i32
      %dma_wait3A_70 = tpu.memref_slice %arg5[%dma_wait3A_68, %dma_wait3A_69] : memref<10240x128xf32, #tpu.memory_space<vmem_shared>> -> memref<10240x128xf32, #tpu.memory_space<vmem_shared>>
      tpu.wait_indirect_dma semaphore(%run_scoped3A_56 : memref<!tpu.dma_semaphore, #tpu.memory_space<semaphore_mem>>) src(%dma_wait3A_67 : memref<80x128xf32, #tpu.memory_space<vmem>>) dst(%dma_wait3A_70 : memref<10240x128xf32, #tpu.memory_space<vmem_shared>>)
      tpu.yield
    }) : () -> ()
    %barrier3A_53 = arith.constant 0 : index
    tpu.barrier barrier_id(%barrier3A_53)
    %mul3A_54 = arith.constant 640 : i32
    %mul3A_55 = arith.muli %arg1, %mul3A_54 : i32
    "tpu.region"() ({
      %run_scoped3A_56 = tpu.sem_alloc : memref<!tpu.dma_semaphore, #tpu.memory_space<semaphore_mem>>
      %dma_start3A_57 = arith.constant 0 : i32
      %dma_start3A_58 = tpu.memref_slice %arg4[%arg0, %mul3A_55, %dma_start3A_57] : memref<2x10240x128xf32, #tpu.memory_space<hbm>> -> memref<1x640x128xf32, #tpu.memory_space<hbm>>
      %dma_start3A_59 = tpu.memref_squeeze %dma_start3A_58 : memref<1x640x128xf32, #tpu.memory_space<hbm>> -> memref<640x128xf32, #tpu.memory_space<hbm>>
      %dma_start3A_60 = arith.constant 0 : i32
      %dma_start3A_61 = tpu.memref_slice %arg5[%mul3A_55, %dma_start3A_60] : memref<10240x128xf32, #tpu.memory_space<vmem_shared>> -> memref<640x128xf32, #tpu.memory_space<vmem_shared>>
      tpu.enqueue_dma source(%dma_start3A_61 : memref<640x128xf32, #tpu.memory_space<vmem_shared>>) target(%dma_start3A_59 : memref<640x128xf32, #tpu.memory_space<hbm>>) target_semaphore(%run_scoped3A_56 : memref<!tpu.dma_semaphore, #tpu.memory_space<semaphore_mem>>)
      %dma_wait3A_62 = arith.constant 0 : i32
      %dma_wait3A_63 = tpu.memref_slice %arg4[%arg0, %mul3A_55, %dma_wait3A_62] : memref<2x10240x128xf32, #tpu.memory_space<hbm>> -> memref<1x640x128xf32, #tpu.memory_space<hbm>>
      %dma_wait3A_64 = tpu.memref_squeeze %dma_wait3A_63 : memref<1x640x128xf32, #tpu.memory_space<hbm>> -> memref<640x128xf32, #tpu.memory_space<hbm>>
      %dma_wait3A_65 = arith.constant 0 : i32
      %dma_wait3A_66 = tpu.memref_slice %arg5[%mul3A_55, %dma_wait3A_65] : memref<10240x128xf32, #tpu.memory_space<vmem_shared>> -> memref<640x128xf32, #tpu.memory_space<vmem_shared>>
      tpu.wait_dma2 semaphore(%run_scoped3A_56 : memref<!tpu.dma_semaphore, #tpu.memory_space<semaphore_mem>>) src(%dma_wait3A_66 : memref<640x128xf32, #tpu.memory_space<vmem_shared>>) dst(%dma_wait3A_64 : memref<640x128xf32, #tpu.memory_space<hbm>>)
      tpu.yield
    }) : () -> ()
    return
  }
}

module attributes {stable_mosaic.version = 14 : i64} {
  func.func @_node_emb_body(%arg0: i32, %arg1: memref<2000x128xf32, #tpu.memory_space<vmem>>, %arg2: memref<128x128xf32, #tpu.memory_space<vmem>>, %arg3: memref<1x128xf32, #tpu.memory_space<vmem>>, %arg4: memref<2000x128xf32, #tpu.memory_space<vmem>>) attributes {dimension_semantics = [#tpu.dimension_semantics<arbitrary>], iteration_bounds = array<i64: 5>, scalar_prefetch = 0 : i64, scratch_operands = 0 : i64, tpu.core_type = #tpu.core_type<tc>, window_params = [{transform_indices = @transform_0, window_bounds = array<i64: 2000, 128>}, {pipeline_mode = #tpu.pipeline_mode<synchronous>, transform_indices = @transform_1, window_bounds = array<i64: 128, 128>}, {pipeline_mode = #tpu.pipeline_mode<synchronous>, transform_indices = @transform_2, window_bounds = array<i64: 1, 128>}, {transform_indices = @transform_3, window_bounds = array<i64: 2000, 128>}]} {
    %get3A = arith.constant 0 : index
    %get3A_0 = arith.constant 0 : index
    %get3A_1 = vector.load %arg1[%get3A, %get3A_0] : memref<2000x128xf32, #tpu.memory_space<vmem>>, vector<2000x128xf32>
    %get3A_2 = arith.constant 0 : index
    %get3A_3 = arith.constant 0 : index
    %get3A_4 = vector.load %arg2[%get3A_2, %get3A_3] : memref<128x128xf32, #tpu.memory_space<vmem>>, vector<128x128xf32>
    %dot_general3A = arith.constant dense<0.000000e+00> : vector<2000x128xf32>
    %dot_general3A_5 = tpu.matmul %get3A_1, %get3A_4, %dot_general3A {dimension_numbers = #tpu.dot_dimension_numbers<[1], [0], [0], [1], [0, 0, 1, 1], [], []>, transpose_lhs_hint = false} : vector<2000x128xf32>, vector<128x128xf32>, vector<2000x128xf32> -> vector<2000x128xf32>
    %get3A_6 = arith.constant 0 : index
    %get3A_7 = arith.constant 0 : index
    %get3A_8 = vector.load %arg3[%get3A_6, %get3A_7] : memref<1x128xf32, #tpu.memory_space<vmem>>, vector<1x128xf32>
    %add3A = vector.broadcast %get3A_8 : vector<1x128xf32> to vector<2000x128xf32>
    %add3A_9 = arith.addf %dot_general3A_5, %add3A : vector<2000x128xf32>
    %swap3A = arith.constant 0 : index
    %swap3A_10 = arith.constant 0 : index
    %swap3A_11 = vector.load %arg4[%swap3A, %swap3A_10] : memref<2000x128xf32, #tpu.memory_space<vmem>>, vector<2000x128xf32>
    tpu.vector_store %arg4[%swap3A, %swap3A_10], %add3A_9 {strides = array<i32>} : memref<2000x128xf32, #tpu.memory_space<vmem>>, vector<2000x128xf32>,
    return
  }
  func.func @transform_0(%arg0: i32) -> (i32, i32) {
    %c0_i32 = arith.constant 0 : i32
    %c0_i32_0 = arith.constant 0 : i32
    return %arg0, %c0_i32 : i32, i32
  }
  func.func @transform_1(%arg0: i32) -> (i32, i32) {
    %c0_i32 = arith.constant 0 : i32
    %c0_i32_0 = arith.constant 0 : i32
    %c0_i32_1 = arith.constant 0 : i32
    return %c0_i32, %c0_i32_0 : i32, i32
  }
  func.func @transform_2(%arg0: i32) -> (i32, i32) {
    %c0_i32 = arith.constant 0 : i32
    %c0_i32_0 = arith.constant 0 : i32
    %c0_i32_1 = arith.constant 0 : i32
    return %c0_i32, %c0_i32_0 : i32, i32
  }
  func.func @transform_3(%arg0: i32) -> (i32, i32) {
    %c0_i32 = arith.constant 0 : i32
    %c0_i32_0 = arith.constant 0 : i32
    return %arg0, %c0_i32 : i32, i32
  }
}

module attributes {stable_mosaic.version = 14 : i64} {
  func.func @_edge_mlp_body(%arg0: i32, %arg1: memref<2560x128xf32, #tpu.memory_space<vmem>>, %arg2: memref<2560x128xf32, #tpu.memory_space<vmem>>, %arg3: memref<2560x16xf32, #tpu.memory_space<vmem>>, %arg4: memref<16x128xf32, #tpu.memory_space<vmem>>, %arg5: memref<1x128xf32, #tpu.memory_space<vmem>>, %arg6: memref<128x256xf32, #tpu.memory_space<vmem>>, %arg7: memref<128x256xf32, #tpu.memory_space<vmem>>, %arg8: memref<128x256xf32, #tpu.memory_space<vmem>>, %arg9: memref<1x256xf32, #tpu.memory_space<vmem>>, %arg10: memref<256x128xf32, #tpu.memory_space<vmem>>, %arg11: memref<1x128xf32, #tpu.memory_space<vmem>>, %arg12: memref<2560x128xf32, #tpu.memory_space<vmem>>) attributes {dimension_semantics = [#tpu.dimension_semantics<arbitrary>], iteration_bounds = array<i64: 125>, scalar_prefetch = 0 : i64, scratch_operands = 0 : i64, tpu.core_type = #tpu.core_type<tc>, window_params = [{transform_indices = @transform_0, window_bounds = array<i64: 2560, 128>}, {transform_indices = @transform_1, window_bounds = array<i64: 2560, 128>}, {transform_indices = @transform_2, window_bounds = array<i64: 2560, 16>}, {pipeline_mode = #tpu.pipeline_mode<synchronous>, transform_indices = @transform_3, window_bounds = array<i64: 16, 128>}, {pipeline_mode = #tpu.pipeline_mode<synchronous>, transform_indices = @transform_4, window_bounds = array<i64: 1, 128>}, {pipeline_mode = #tpu.pipeline_mode<synchronous>, transform_indices = @transform_5, window_bounds = array<i64: 128, 256>}, {pipeline_mode = #tpu.pipeline_mode<synchronous>, transform_indices = @transform_6, window_bounds = array<i64: 128, 256>}, {pipeline_mode = #tpu.pipeline_mode<synchronous>, transform_indices = @transform_7, window_bounds = array<i64: 128, 256>}, {pipeline_mode = #tpu.pipeline_mode<synchronous>, transform_indices = @transform_8, window_bounds = array<i64: 1, 256>}, {pipeline_mode = #tpu.pipeline_mode<synchronous>, transform_indices = @transform_9, window_bounds = array<i64: 256, 128>}, {pipeline_mode = #tpu.pipeline_mode<synchronous>, transform_indices = @transform_10, window_bounds = array<i64: 1, 128>}, {transform_indices = @transform_11, window_bounds = array<i64: 2560, 128>}]} {
    %get3A = arith.constant 0 : index
    %get3A_0 = arith.constant 0 : index
    %get3A_1 = vector.load %arg3[%get3A, %get3A_0] : memref<2560x16xf32, #tpu.memory_space<vmem>>, vector<2560x16xf32>
    %get3A_2 = arith.constant 0 : index
    %get3A_3 = arith.constant 0 : index
    %get3A_4 = vector.load %arg4[%get3A_2, %get3A_3] : memref<16x128xf32, #tpu.memory_space<vmem>>, vector<16x128xf32>
    %dot_general3A = arith.constant dense<0.000000e+00> : vector<2560x128xf32>
    %dot_general3A_5 = tpu.matmul %get3A_1, %get3A_4, %dot_general3A {dimension_numbers = #tpu.dot_dimension_numbers<[1], [0], [0], [1], [0, 0, 1, 1], [], []>, transpose_lhs_hint = false} : vector<2560x16xf32>, vector<16x128xf32>, vector<2560x128xf32> -> vector<2560x128xf32>
    %get3A_6 = arith.constant 0 : index
    %get3A_7 = arith.constant 0 : index
    %get3A_8 = vector.load %arg5[%get3A_6, %get3A_7] : memref<1x128xf32, #tpu.memory_space<vmem>>, vector<1x128xf32>
    %add3A = vector.broadcast %get3A_8 : vector<1x128xf32> to vector<2560x128xf32>
    %add3A_9 = arith.addf %dot_general3A_5, %add3A : vector<2560x128xf32>
    %get3A_10 = arith.constant 0 : index
    %get3A_11 = arith.constant 0 : index
    %get3A_12 = vector.load %arg1[%get3A_10, %get3A_11] : memref<2560x128xf32, #tpu.memory_space<vmem>>, vector<2560x128xf32>
    %get3A_13 = arith.constant 0 : index
    %get3A_14 = arith.constant 0 : index
    %get3A_15 = vector.load %arg6[%get3A_13, %get3A_14] : memref<128x256xf32, #tpu.memory_space<vmem>>, vector<128x256xf32>
    %dot_general3A_16 = arith.constant dense<0.000000e+00> : vector<2560x256xf32>
    %dot_general3A_17 = tpu.matmul %get3A_12, %get3A_15, %dot_general3A_16 {dimension_numbers = #tpu.dot_dimension_numbers<[1], [0], [0], [1], [0, 0, 1, 1], [], []>, transpose_lhs_hint = false} : vector<2560x128xf32>, vector<128x256xf32>, vector<2560x256xf32> -> vector<2560x256xf32>
    %get3A_18 = arith.constant 0 : index
    %get3A_19 = arith.constant 0 : index
    %get3A_20 = vector.load %arg2[%get3A_18, %get3A_19] : memref<2560x128xf32, #tpu.memory_space<vmem>>, vector<2560x128xf32>
    %get3A_21 = arith.constant 0 : index
    %get3A_22 = arith.constant 0 : index
    %get3A_23 = vector.load %arg7[%get3A_21, %get3A_22] : memref<128x256xf32, #tpu.memory_space<vmem>>, vector<128x256xf32>
    %dot_general3A_24 = arith.constant dense<0.000000e+00> : vector<2560x256xf32>
    %dot_general3A_25 = tpu.matmul %get3A_20, %get3A_23, %dot_general3A_24 {dimension_numbers = #tpu.dot_dimension_numbers<[1], [0], [0], [1], [0, 0, 1, 1], [], []>, transpose_lhs_hint = false} : vector<2560x128xf32>, vector<128x256xf32>, vector<2560x256xf32> -> vector<2560x256xf32>
    %add3A_26 = arith.addf %dot_general3A_17, %dot_general3A_25 : vector<2560x256xf32>
    %get3A_27 = arith.constant 0 : index
    %get3A_28 = arith.constant 0 : index
    %get3A_29 = vector.load %arg8[%get3A_27, %get3A_28] : memref<128x256xf32, #tpu.memory_space<vmem>>, vector<128x256xf32>
    %dot_general3A_30 = arith.constant dense<0.000000e+00> : vector<2560x256xf32>
    %dot_general3A_31 = tpu.matmul %add3A_9, %get3A_29, %dot_general3A_30 {dimension_numbers = #tpu.dot_dimension_numbers<[1], [0], [0], [1], [0, 0, 1, 1], [], []>, transpose_lhs_hint = false} : vector<2560x128xf32>, vector<128x256xf32>, vector<2560x256xf32> -> vector<2560x256xf32>
    %add3A_32 = arith.addf %add3A_26, %dot_general3A_31 : vector<2560x256xf32>
    %get3A_33 = arith.constant 0 : index
    %get3A_34 = arith.constant 0 : index
    %get3A_35 = vector.load %arg9[%get3A_33, %get3A_34] : memref<1x256xf32, #tpu.memory_space<vmem>>, vector<1x256xf32>
    %add3A_36 = vector.broadcast %get3A_35 : vector<1x256xf32> to vector<2560x256xf32>
    %add3A_37 = arith.addf %add3A_32, %add3A_36 : vector<2560x256xf32>
    %max3A = arith.constant 0.000000e+00 : f32
    %max3A_38 = vector.broadcast %max3A : f32 to vector<2560x256xf32>
    %max3A_39 = arith.maximumf %add3A_37, %max3A_38 : vector<2560x256xf32>
    %abs3A = math.absf %add3A_37 : vector<2560x256xf32>
    %neg3A = arith.constant 0.000000e+00 : f32
    %neg3A_40 = vector.broadcast %neg3A : f32 to vector<2560x256xf32>
    %neg3A_41 = arith.subf %neg3A_40, %abs3A : vector<2560x256xf32>
    %exp3A = math.exp %neg3A_41 : vector<2560x256xf32>
    %add3A_42 = arith.constant 1.000000e+00 : f32
    %add3A_43 = vector.broadcast %add3A_42 : f32 to vector<2560x256xf32>
    %add3A_44 = arith.addf %add3A_43, %exp3A : vector<2560x256xf32>
    %log3A = math.log %add3A_44 : vector<2560x256xf32>
    %add3A_45 = arith.addf %max3A_39, %log3A : vector<2560x256xf32>
    %get3A_46 = arith.constant 0 : index
    %get3A_47 = arith.constant 0 : index
    %get3A_48 = vector.load %arg10[%get3A_46, %get3A_47] : memref<256x128xf32, #tpu.memory_space<vmem>>, vector<256x128xf32>
    %dot_general3A_49 = arith.constant dense<0.000000e+00> : vector<2560x128xf32>
    %dot_general3A_50 = tpu.matmul %add3A_45, %get3A_48, %dot_general3A_49 {dimension_numbers = #tpu.dot_dimension_numbers<[1], [0], [0], [1], [0, 0, 1, 1], [], []>, transpose_lhs_hint = false} : vector<2560x256xf32>, vector<256x128xf32>, vector<2560x128xf32> -> vector<2560x128xf32>
    %get3A_51 = arith.constant 0 : index
    %get3A_52 = arith.constant 0 : index
    %get3A_53 = vector.load %arg11[%get3A_51, %get3A_52] : memref<1x128xf32, #tpu.memory_space<vmem>>, vector<1x128xf32>
    %add3A_54 = vector.broadcast %get3A_53 : vector<1x128xf32> to vector<2560x128xf32>
    %add3A_55 = arith.addf %dot_general3A_50, %add3A_54 : vector<2560x128xf32>
    %max3A_56 = arith.constant 0.000000e+00 : f32
    %max3A_57 = vector.broadcast %max3A_56 : f32 to vector<2560x128xf32>
    %max3A_58 = arith.maximumf %add3A_55, %max3A_57 : vector<2560x128xf32>
    %abs3A_59 = math.absf %add3A_55 : vector<2560x128xf32>
    %neg3A_60 = arith.constant 0.000000e+00 : f32
    %neg3A_61 = vector.broadcast %neg3A_60 : f32 to vector<2560x128xf32>
    %neg3A_62 = arith.subf %neg3A_61, %abs3A_59 : vector<2560x128xf32>
    %exp3A_63 = math.exp %neg3A_62 : vector<2560x128xf32>
    %add3A_64 = arith.constant 1.000000e+00 : f32
    %add3A_65 = vector.broadcast %add3A_64 : f32 to vector<2560x128xf32>
    %add3A_66 = arith.addf %add3A_65, %exp3A_63 : vector<2560x128xf32>
    %log3A_67 = math.log %add3A_66 : vector<2560x128xf32>
    %add3A_68 = arith.addf %max3A_58, %log3A_67 : vector<2560x128xf32>
    %swap3A = arith.constant 0 : index
    %swap3A_69 = arith.constant 0 : index
    %swap3A_70 = vector.load %arg12[%swap3A, %swap3A_69] : memref<2560x128xf32, #tpu.memory_space<vmem>>, vector<2560x128xf32>
    tpu.vector_store %arg12[%swap3A, %swap3A_69], %add3A_68 {strides = array<i32>} : memref<2560x128xf32, #tpu.memory_space<vmem>>, vector<2560x128xf32>,
    return
  }
  func.func @transform_0(%arg0: i32) -> (i32, i32) {
    %c0_i32 = arith.constant 0 : i32
    %c0_i32_0 = arith.constant 0 : i32
    return %arg0, %c0_i32 : i32, i32
  }
  func.func @transform_1(%arg0: i32) -> (i32, i32) {
    %c0_i32 = arith.constant 0 : i32
    %c0_i32_0 = arith.constant 0 : i32
    return %arg0, %c0_i32 : i32, i32
  }
  func.func @transform_2(%arg0: i32) -> (i32, i32) {
    %c0_i32 = arith.constant 0 : i32
    %c0_i32_0 = arith.constant 0 : i32
    return %arg0, %c0_i32 : i32, i32
  }
  func.func @transform_3(%arg0: i32) -> (i32, i32) {
    %c0_i32 = arith.constant 0 : i32
    %c0_i32_0 = arith.constant 0 : i32
    %c0_i32_1 = arith.constant 0 : i32
    return %c0_i32, %c0_i32_0 : i32, i32
  }
  func.func @transform_4(%arg0: i32) -> (i32, i32) {
    %c0_i32 = arith.constant 0 : i32
    %c0_i32_0 = arith.constant 0 : i32
    %c0_i32_1 = arith.constant 0 : i32
    return %c0_i32, %c0_i32_0 : i32, i32
  }
  func.func @transform_5(%arg0: i32) -> (i32, i32) {
    %c0_i32 = arith.constant 0 : i32
    %c0_i32_0 = arith.constant 0 : i32
    %c0_i32_1 = arith.constant 0 : i32
    return %c0_i32, %c0_i32_0 : i32, i32
  }
  func.func @transform_6(%arg0: i32) -> (i32, i32) {
    %c0_i32 = arith.constant 0 : i32
    %c0_i32_0 = arith.constant 0 : i32
    %c0_i32_1 = arith.constant 0 : i32
    return %c0_i32, %c0_i32_0 : i32, i32
  }
  func.func @transform_7(%arg0: i32) -> (i32, i32) {
    %c0_i32 = arith.constant 0 : i32
    %c0_i32_0 = arith.constant 0 : i32
    %c0_i32_1 = arith.constant 0 : i32
    return %c0_i32, %c0_i32_0 : i32, i32
  }
  func.func @transform_8(%arg0: i32) -> (i32, i32) {
    %c0_i32 = arith.constant 0 : i32
    %c0_i32_0 = arith.constant 0 : i32
    %c0_i32_1 = arith.constant 0 : i32
    return %c0_i32, %c0_i32_0 : i32, i32
  }
  func.func @transform_9(%arg0: i32) -> (i32, i32) {
    %c0_i32 = arith.constant 0 : i32
    %c0_i32_0 = arith.constant 0 : i32
    %c0_i32_1 = arith.constant 0 : i32
    return %c0_i32, %c0_i32_0 : i32, i32
  }
  func.func @transform_10(%arg0: i32) -> (i32, i32) {
    %c0_i32 = arith.constant 0 : i32
    %c0_i32_0 = arith.constant 0 : i32
    %c0_i32_1 = arith.constant 0 : i32
    return %c0_i32, %c0_i32_0 : i32, i32
  }
  func.func @transform_11(%arg0: i32) -> (i32, i32) {
    %c0_i32 = arith.constant 0 : i32
    %c0_i32_0 = arith.constant 0 : i32
    return %arg0, %c0_i32 : i32, i32
  }
}

module attributes {stable_mosaic.version = 14 : i64} {
  func.func @_node_update_body(%arg0: i32, %arg1: memref<2000x128xf32, #tpu.memory_space<vmem>>, %arg2: memref<2x2000x128xf32, #tpu.memory_space<vmem>>, %arg3: memref<128x128xf32, #tpu.memory_space<vmem>>, %arg4: memref<128x128xf32, #tpu.memory_space<vmem>>, %arg5: memref<1x128xf32, #tpu.memory_space<vmem>>, %arg6: memref<2000x128xf32, #tpu.memory_space<vmem>>) attributes {dimension_semantics = [#tpu.dimension_semantics<arbitrary>], iteration_bounds = array<i64: 5>, scalar_prefetch = 0 : i64, scratch_operands = 0 : i64, tpu.core_type = #tpu.core_type<tc>, window_params = [{transform_indices = @transform_0, window_bounds = array<i64: 2000, 128>}, {transform_indices = @transform_1, window_bounds = array<i64: 2, 2000, 128>}, {pipeline_mode = #tpu.pipeline_mode<synchronous>, transform_indices = @transform_2, window_bounds = array<i64: 128, 128>}, {pipeline_mode = #tpu.pipeline_mode<synchronous>, transform_indices = @transform_3, window_bounds = array<i64: 128, 128>}, {pipeline_mode = #tpu.pipeline_mode<synchronous>, transform_indices = @transform_4, window_bounds = array<i64: 1, 128>}, {transform_indices = @transform_5, window_bounds = array<i64: 2000, 128>}]} {
    %get3A = arith.constant 0 : index
    %get3A_0 = arith.constant 0 : index
    %get3A_1 = arith.constant 0 : index
    %get3A_2 = vector.load %arg2[%get3A, %get3A_0, %get3A_1] : memref<2x2000x128xf32, #tpu.memory_space<vmem>>, vector<1x2000x128xf32>
    %get3A_3 = vector.shape_cast %get3A_2 : vector<1x2000x128xf32> to vector<2000x128xf32>
    %get3A_4 = arith.constant 1 : index
    %get3A_5 = arith.constant 0 : index
    %get3A_6 = arith.constant 0 : index
    %get3A_7 = vector.load %arg2[%get3A_4, %get3A_5, %get3A_6] : memref<2x2000x128xf32, #tpu.memory_space<vmem>>, vector<1x2000x128xf32>
    %get3A_8 = vector.shape_cast %get3A_7 : vector<1x2000x128xf32> to vector<2000x128xf32>
    %add3A = arith.addf %get3A_3, %get3A_8 : vector<2000x128xf32>
    %get3A_9 = arith.constant 0 : index
    %get3A_10 = arith.constant 0 : index
    %get3A_11 = vector.load %arg1[%get3A_9, %get3A_10] : memref<2000x128xf32, #tpu.memory_space<vmem>>, vector<2000x128xf32>
    %get3A_12 = arith.constant 0 : index
    %get3A_13 = arith.constant 0 : index
    %get3A_14 = vector.load %arg3[%get3A_12, %get3A_13] : memref<128x128xf32, #tpu.memory_space<vmem>>, vector<128x128xf32>
    %dot_general3A = arith.constant dense<0.000000e+00> : vector<2000x128xf32>
    %dot_general3A_15 = tpu.matmul %get3A_11, %get3A_14, %dot_general3A {dimension_numbers = #tpu.dot_dimension_numbers<[1], [0], [0], [1], [0, 0, 1, 1], [], []>, transpose_lhs_hint = false} : vector<2000x128xf32>, vector<128x128xf32>, vector<2000x128xf32> -> vector<2000x128xf32>
    %get3A_16 = arith.constant 0 : index
    %get3A_17 = arith.constant 0 : index
    %get3A_18 = vector.load %arg4[%get3A_16, %get3A_17] : memref<128x128xf32, #tpu.memory_space<vmem>>, vector<128x128xf32>
    %dot_general3A_19 = arith.constant dense<0.000000e+00> : vector<2000x128xf32>
    %dot_general3A_20 = tpu.matmul %add3A, %get3A_18, %dot_general3A_19 {dimension_numbers = #tpu.dot_dimension_numbers<[1], [0], [0], [1], [0, 0, 1, 1], [], []>, transpose_lhs_hint = false} : vector<2000x128xf32>, vector<128x128xf32>, vector<2000x128xf32> -> vector<2000x128xf32>
    %add3A_21 = arith.addf %dot_general3A_15, %dot_general3A_20 : vector<2000x128xf32>
    %get3A_22 = arith.constant 0 : index
    %get3A_23 = arith.constant 0 : index
    %get3A_24 = vector.load %arg5[%get3A_22, %get3A_23] : memref<1x128xf32, #tpu.memory_space<vmem>>, vector<1x128xf32>
    %add3A_25 = vector.broadcast %get3A_24 : vector<1x128xf32> to vector<2000x128xf32>
    %add3A_26 = arith.addf %add3A_21, %add3A_25 : vector<2000x128xf32>
    %max3A = arith.constant 0.000000e+00 : f32
    %max3A_27 = vector.broadcast %max3A : f32 to vector<2000x128xf32>
    %max3A_28 = arith.maximumf %add3A_26, %max3A_27 : vector<2000x128xf32>
    %abs3A = math.absf %add3A_26 : vector<2000x128xf32>
    %neg3A = arith.constant 0.000000e+00 : f32
    %neg3A_29 = vector.broadcast %neg3A : f32 to vector<2000x128xf32>
    %neg3A_30 = arith.subf %neg3A_29, %abs3A : vector<2000x128xf32>
    %exp3A = math.exp %neg3A_30 : vector<2000x128xf32>
    %add3A_31 = arith.constant 1.000000e+00 : f32
    %add3A_32 = vector.broadcast %add3A_31 : f32 to vector<2000x128xf32>
    %add3A_33 = arith.addf %add3A_32, %exp3A : vector<2000x128xf32>
    %log3A = math.log %add3A_33 : vector<2000x128xf32>
    %add3A_34 = arith.addf %max3A_28, %log3A : vector<2000x128xf32>
    %get3A_35 = arith.constant 0 : index
    %get3A_36 = arith.constant 0 : index
    %get3A_37 = vector.load %arg1[%get3A_35, %get3A_36] : memref<2000x128xf32, #tpu.memory_space<vmem>>, vector<2000x128xf32>
    %add3A_38 = arith.addf %add3A_34, %get3A_37 : vector<2000x128xf32>
    %swap3A = arith.constant 0 : index
    %swap3A_39 = arith.constant 0 : index
    %swap3A_40 = vector.load %arg6[%swap3A, %swap3A_39] : memref<2000x128xf32, #tpu.memory_space<vmem>>, vector<2000x128xf32>
    tpu.vector_store %arg6[%swap3A, %swap3A_39], %add3A_38 {strides = array<i32>} : memref<2000x128xf32, #tpu.memory_space<vmem>>, vector<2000x128xf32>,
    return
  }
  func.func @transform_0(%arg0: i32) -> (i32, i32) {
    %c0_i32 = arith.constant 0 : i32
    %c0_i32_0 = arith.constant 0 : i32
    return %arg0, %c0_i32 : i32, i32
  }
  func.func @transform_1(%arg0: i32) -> (i32, i32, i32) {
    %c0_i32 = arith.constant 0 : i32
    %c0_i32_0 = arith.constant 0 : i32
    %c0_i32_1 = arith.constant 0 : i32
    return %c0_i32, %arg0, %c0_i32_0 : i32, i32, i32
  }
  func.func @transform_2(%arg0: i32) -> (i32, i32) {
    %c0_i32 = arith.constant 0 : i32
    %c0_i32_0 = arith.constant 0 : i32
    %c0_i32_1 = arith.constant 0 : i32
    return %c0_i32, %c0_i32_0 : i32, i32
  }
  func.func @transform_3(%arg0: i32) -> (i32, i32) {
    %c0_i32 = arith.constant 0 : i32
    %c0_i32_0 = arith.constant 0 : i32
    %c0_i32_1 = arith.constant 0 : i32
    return %c0_i32, %c0_i32_0 : i32, i32
  }
  func.func @transform_4(%arg0: i32) -> (i32, i32) {
    %c0_i32 = arith.constant 0 : i32
    %c0_i32_0 = arith.constant 0 : i32
    %c0_i32_1 = arith.constant 0 : i32
    return %c0_i32, %c0_i32_0 : i32, i32
  }
  func.func @transform_5(%arg0: i32) -> (i32, i32) {
    %c0_i32 = arith.constant 0 : i32
    %c0_i32_0 = arith.constant 0 : i32
    return %arg0, %c0_i32 : i32, i32
  }
}

module attributes {stable_mosaic.version = 14 : i64} {
  func.func @_pool_heads_body(%arg0: i32, %arg1: memref<2000x128xf32, #tpu.memory_space<vmem>>, %arg2: memref<1x1x2000xi32, #tpu.memory_space<vmem>>, %arg3: memref<128x128xf32, #tpu.memory_space<vmem>>, %arg4: memref<1x128xf32, #tpu.memory_space<vmem>>, %arg5: memref<128x128xf32, #tpu.memory_space<vmem>>, %arg6: memref<1x128xf32, #tpu.memory_space<vmem>>, %arg7: memref<3x128x128xf32, #tpu.memory_space<vmem>>, %arg8: memref<3x128xf32, #tpu.memory_space<vmem>>, %arg9: memref<3x128x128xf32, #tpu.memory_space<vmem>>, %arg10: memref<3x128xf32, #tpu.memory_space<vmem>>, %arg11: memref<8x128xf32, #tpu.memory_space<vmem>>, %arg12: memref<1x8xf32, #tpu.memory_space<vmem>>, %arg13: memref<8x64xf32, #tpu.memory_space<vmem>>, %arg14: memref<64x128xf32, #tpu.memory_space<vmem>>, %arg15: memref<64x128xf32, #tpu.memory_space<vmem>>) attributes {dimension_semantics = [#tpu.dimension_semantics<arbitrary>], iteration_bounds = array<i64: 5>, scalar_prefetch = 0 : i64, scratch_operands = 2 : i64, tpu.core_type = #tpu.core_type<tc>, window_params = [{transform_indices = @transform_0, window_bounds = array<i64: 2000, 128>}, {transform_indices = @transform_1, window_bounds = array<i64: 1, 1, 2000>}, {pipeline_mode = #tpu.pipeline_mode<synchronous>, transform_indices = @transform_2, window_bounds = array<i64: 128, 128>}, {pipeline_mode = #tpu.pipeline_mode<synchronous>, transform_indices = @transform_3, window_bounds = array<i64: 1, 128>}, {pipeline_mode = #tpu.pipeline_mode<synchronous>, transform_indices = @transform_4, window_bounds = array<i64: 128, 128>}, {pipeline_mode = #tpu.pipeline_mode<synchronous>, transform_indices = @transform_5, window_bounds = array<i64: 1, 128>}, {pipeline_mode = #tpu.pipeline_mode<synchronous>, transform_indices = @transform_6, window_bounds = array<i64: 3, 128, 128>}, {pipeline_mode = #tpu.pipeline_mode<synchronous>, transform_indices = @transform_7, window_bounds = array<i64: 3, 128>}, {pipeline_mode = #tpu.pipeline_mode<synchronous>, transform_indices = @transform_8, window_bounds = array<i64: 3, 128, 128>}, {pipeline_mode = #tpu.pipeline_mode<synchronous>, transform_indices = @transform_9, window_bounds = array<i64: 3, 128>}, {pipeline_mode = #tpu.pipeline_mode<synchronous>, transform_indices = @transform_10, window_bounds = array<i64: 8, 128>}, {pipeline_mode = #tpu.pipeline_mode<synchronous>, transform_indices = @transform_11, window_bounds = array<i64: 1, 8>}, {pipeline_mode = #tpu.pipeline_mode<synchronous>, transform_indices = @transform_12, window_bounds = array<i64: 8, 64>}]} {
    %get3A = arith.constant 0 : index
    %get3A_0 = arith.constant 0 : index
    %get3A_1 = arith.constant 0 : index
    %get3A_2 = vector.load %arg2[%get3A, %get3A_0, %get3A_1] : memref<1x1x2000xi32, #tpu.memory_space<vmem>>, vector<1x1x2000xi32>
    %get3A_3 = vector.shape_cast %get3A_2 : vector<1x1x2000xi32> to vector<1x2000xi32>
    %iota3A = tpu.iota {dimensions = array<i32: 0>} : vector<64x2000xi32>
    %eq3A = vector.broadcast %get3A_3 : vector<1x2000xi32> to vector<64x2000xi32>
    %eq3A_4 = arith.cmpi eq, %iota3A, %eq3A : vector<64x2000xi32>
    %jit3A = arith.constant 1.000000e+00 : f32
    %jit3A_5 = arith.constant 0.000000e+00 : f32
    %broadcast_in_dim3A = vector.broadcast %jit3A : f32 to vector<64x2000xf32>
    %broadcast_in_dim3A_6 = vector.broadcast %jit3A_5 : f32 to vector<64x2000xf32>
    %select_n3A = arith.select %eq3A_4, %broadcast_in_dim3A, %broadcast_in_dim3A_6 : vector<64x2000xi1>, vector<64x2000xf32>
    %get3A_7 = arith.constant 0 : index
    %get3A_8 = arith.constant 0 : index
    %get3A_9 = vector.load %arg1[%get3A_7, %get3A_8] : memref<2000x128xf32, #tpu.memory_space<vmem>>, vector<2000x128xf32>
    %dot_general3A = arith.constant dense<0.000000e+00> : vector<64x128xf32>
    %dot_general3A_10 = tpu.matmul %select_n3A, %get3A_9, %dot_general3A {dimension_numbers = #tpu.dot_dimension_numbers<[1], [0], [0], [1], [0, 0, 1, 1], [], []>, transpose_lhs_hint = false} : vector<64x2000xf32>, vector<2000x128xf32>, vector<64x128xf32> -> vector<64x128xf32>
    %broadcast_in_dim3A_11 = arith.constant 1.000000e+00 : f32
    %broadcast_in_dim3A_12 = vector.broadcast %broadcast_in_dim3A_11 : f32 to vector<2000x128xf32>
    %dot_general3A_13 = arith.constant dense<0.000000e+00> : vector<64x128xf32>
    %dot_general3A_14 = tpu.matmul %select_n3A, %broadcast_in_dim3A_12, %dot_general3A_13 {dimension_numbers = #tpu.dot_dimension_numbers<[1], [0], [0], [1], [0, 0, 1, 1], [], []>, transpose_lhs_hint = false} : vector<64x2000xf32>, vector<2000x128xf32>, vector<64x128xf32> -> vector<64x128xf32>
    %eq3A_15 = arith.constant 0 : i32
    %eq3A_16 = arith.cmpi eq, %arg0, %eq3A_15 : i32
    %convert_element_type3A = arith.extui %eq3A_16 : i1 to i32
    %cond3A = arith.constant 0 : i32
    %cond3A_17 = arith.cmpi ne, %convert_element_type3A, %cond3A : i32
    scf.if %cond3A_17 {
      %swap3A = arith.constant 0 : index
      %swap3A_27 = arith.constant 0 : index
      %swap3A_28 = vector.load %arg14[%swap3A, %swap3A_27] : memref<64x128xf32, #tpu.memory_space<vmem>>, vector<64x128xf32>
      tpu.vector_store %arg14[%swap3A, %swap3A_27], %dot_general3A_10 {strides = array<i32>} : memref<64x128xf32, #tpu.memory_space<vmem>>, vector<64x128xf32>,
      %swap3A_29 = arith.constant 0 : index
      %swap3A_30 = arith.constant 0 : index
      %swap3A_31 = vector.load %arg15[%swap3A_29, %swap3A_30] : memref<64x128xf32, #tpu.memory_space<vmem>>, vector<64x128xf32>
      tpu.vector_store %arg15[%swap3A_29, %swap3A_30], %dot_general3A_14 {strides = array<i32>} : memref<64x128xf32, #tpu.memory_space<vmem>>, vector<64x128xf32>,
    } else {
    }
    %gt3A = arith.constant 0 : i32
    %gt3A_18 = arith.cmpi sgt, %arg0, %gt3A : i32
    %convert_element_type3A_19 = arith.extui %gt3A_18 : i1 to i32
    %cond3A_20 = arith.constant 0 : i32
    %cond3A_21 = arith.cmpi ne, %convert_element_type3A_19, %cond3A_20 : i32
    scf.if %cond3A_21 {
      %get3A_27 = arith.constant 0 : index
      %get3A_28 = arith.constant 0 : index
      %get3A_29 = vector.load %arg14[%get3A_27, %get3A_28] : memref<64x128xf32, #tpu.memory_space<vmem>>, vector<64x128xf32>
      %add3A = arith.addf %get3A_29, %dot_general3A_10 : vector<64x128xf32>
      %swap3A = arith.constant 0 : index
      %swap3A_30 = arith.constant 0 : index
      %swap3A_31 = vector.load %arg14[%swap3A, %swap3A_30] : memref<64x128xf32, #tpu.memory_space<vmem>>, vector<64x128xf32>
      tpu.vector_store %arg14[%swap3A, %swap3A_30], %add3A {strides = array<i32>} : memref<64x128xf32, #tpu.memory_space<vmem>>, vector<64x128xf32>,
      %get3A_32 = arith.constant 0 : index
      %get3A_33 = arith.constant 0 : index
      %get3A_34 = vector.load %arg15[%get3A_32, %get3A_33] : memref<64x128xf32, #tpu.memory_space<vmem>>, vector<64x128xf32>
      %add3A_35 = arith.addf %get3A_34, %dot_general3A_14 : vector<64x128xf32>
      %swap3A_36 = arith.constant 0 : index
      %swap3A_37 = arith.constant 0 : index
      %swap3A_38 = vector.load %arg15[%swap3A_36, %swap3A_37] : memref<64x128xf32, #tpu.memory_space<vmem>>, vector<64x128xf32>
      tpu.vector_store %arg15[%swap3A_36, %swap3A_37], %add3A_35 {strides = array<i32>} : memref<64x128xf32, #tpu.memory_space<vmem>>, vector<64x128xf32>,
    } else {
    }
    %eq3A_22 = arith.constant 4 : i32
    %eq3A_23 = arith.cmpi eq, %arg0, %eq3A_22 : i32
    %convert_element_type3A_24 = arith.extui %eq3A_23 : i1 to i32
    %cond3A_25 = arith.constant 0 : i32
    %cond3A_26 = arith.cmpi ne, %convert_element_type3A_24, %cond3A_25 : i32
    scf.if %cond3A_26 {
      %get3A_27 = arith.constant 0 : index
      %get3A_28 = arith.constant 0 : index
      %get3A_29 = vector.load %arg14[%get3A_27, %get3A_28] : memref<64x128xf32, #tpu.memory_space<vmem>>, vector<64x128xf32>
      %get3A_30 = arith.constant 0 : index
      %get3A_31 = arith.constant 0 : index
      %get3A_32 = vector.load %arg15[%get3A_30, %get3A_31] : memref<64x128xf32, #tpu.memory_space<vmem>>, vector<64x128xf32>
      %max3A = arith.constant 1.000000e+00 : f32
      %max3A_33 = vector.broadcast %max3A : f32 to vector<64x128xf32>
      %max3A_34 = arith.maximumf %get3A_32, %max3A_33 : vector<64x128xf32>
      %div3A = arith.divf %get3A_29, %max3A_34 : vector<64x128xf32>
      %get3A_35 = arith.constant 0 : index
      %get3A_36 = arith.constant 0 : index
      %get3A_37 = vector.load %arg3[%get3A_35, %get3A_36] : memref<128x128xf32, #tpu.memory_space<vmem>>, vector<128x128xf32>
      %dot_general3A_38 = arith.constant dense<0.000000e+00> : vector<64x128xf32>
      %dot_general3A_39 = tpu.matmul %div3A, %get3A_37, %dot_general3A_38 {dimension_numbers = #tpu.dot_dimension_numbers<[1], [0], [0], [1], [0, 0, 1, 1], [], []>, transpose_lhs_hint = false} : vector<64x128xf32>, vector<128x128xf32>, vector<64x128xf32> -> vector<64x128xf32>
      %get3A_40 = arith.constant 0 : index
      %get3A_41 = arith.constant 0 : index
      %get3A_42 = vector.load %arg4[%get3A_40, %get3A_41] : memref<1x128xf32, #tpu.memory_space<vmem>>, vector<1x128xf32>
      %add3A = vector.broadcast %get3A_42 : vector<1x128xf32> to vector<64x128xf32>
      %add3A_43 = arith.addf %dot_general3A_39, %add3A : vector<64x128xf32>
      %max3A_44 = arith.constant 0.000000e+00 : f32
      %max3A_45 = vector.broadcast %max3A_44 : f32 to vector<64x128xf32>
      %max3A_46 = arith.maximumf %add3A_43, %max3A_45 : vector<64x128xf32>
      %abs3A = math.absf %add3A_43 : vector<64x128xf32>
      %neg3A = arith.constant 0.000000e+00 : f32
      %neg3A_47 = vector.broadcast %neg3A : f32 to vector<64x128xf32>
      %neg3A_48 = arith.subf %neg3A_47, %abs3A : vector<64x128xf32>
      %exp3A = math.exp %neg3A_48 : vector<64x128xf32>
      %add3A_49 = arith.constant 1.000000e+00 : f32
      %add3A_50 = vector.broadcast %add3A_49 : f32 to vector<64x128xf32>
      %add3A_51 = arith.addf %add3A_50, %exp3A : vector<64x128xf32>
      %log3A = math.log %add3A_51 : vector<64x128xf32>
      %add3A_52 = arith.addf %max3A_46, %log3A : vector<64x128xf32>
      %get3A_53 = arith.constant 0 : index
      %get3A_54 = arith.constant 0 : index
      %get3A_55 = vector.load %arg5[%get3A_53, %get3A_54] : memref<128x128xf32, #tpu.memory_space<vmem>>, vector<128x128xf32>
      %dot_general3A_56 = arith.constant dense<0.000000e+00> : vector<64x128xf32>
      %dot_general3A_57 = tpu.matmul %add3A_52, %get3A_55, %dot_general3A_56 {dimension_numbers = #tpu.dot_dimension_numbers<[1], [0], [0], [1], [0, 0, 1, 1], [], []>, transpose_lhs_hint = false} : vector<64x128xf32>, vector<128x128xf32>, vector<64x128xf32> -> vector<64x128xf32>
      %get3A_58 = arith.constant 0 : index
      %get3A_59 = arith.constant 0 : index
      %get3A_60 = vector.load %arg6[%get3A_58, %get3A_59] : memref<1x128xf32, #tpu.memory_space<vmem>>, vector<1x128xf32>
      %add3A_61 = vector.broadcast %get3A_60 : vector<1x128xf32> to vector<64x128xf32>
      %add3A_62 = arith.addf %dot_general3A_57, %add3A_61 : vector<64x128xf32>
      %max3A_63 = arith.constant 0.000000e+00 : f32
      %max3A_64 = vector.broadcast %max3A_63 : f32 to vector<64x128xf32>
      %max3A_65 = arith.maximumf %add3A_62, %max3A_64 : vector<64x128xf32>
      %abs3A_66 = math.absf %add3A_62 : vector<64x128xf32>
      %neg3A_67 = arith.constant 0.000000e+00 : f32
      %neg3A_68 = vector.broadcast %neg3A_67 : f32 to vector<64x128xf32>
      %neg3A_69 = arith.subf %neg3A_68, %abs3A_66 : vector<64x128xf32>
      %exp3A_70 = math.exp %neg3A_69 : vector<64x128xf32>
      %add3A_71 = arith.constant 1.000000e+00 : f32
      %add3A_72 = vector.broadcast %add3A_71 : f32 to vector<64x128xf32>
      %add3A_73 = arith.addf %add3A_72, %exp3A_70 : vector<64x128xf32>
      %log3A_74 = math.log %add3A_73 : vector<64x128xf32>
      %add3A_75 = arith.addf %max3A_65, %log3A_74 : vector<64x128xf32>
      %get3A_76 = arith.constant 0 : index
      %get3A_77 = arith.constant 0 : index
      %get3A_78 = arith.constant 0 : index
      %get3A_79 = vector.load %arg7[%get3A_76, %get3A_77, %get3A_78] : memref<3x128x128xf32, #tpu.memory_space<vmem>>, vector<1x128x128xf32>
      %get3A_80 = vector.shape_cast %get3A_79 : vector<1x128x128xf32> to vector<128x128xf32>
      %dot_general3A_81 = arith.constant dense<0.000000e+00> : vector<64x128xf32>
      %dot_general3A_82 = tpu.matmul %add3A_75, %get3A_80, %dot_general3A_81 {dimension_numbers = #tpu.dot_dimension_numbers<[1], [0], [0], [1], [0, 0, 1, 1], [], []>, transpose_lhs_hint = false} : vector<64x128xf32>, vector<128x128xf32>, vector<64x128xf32> -> vector<64x128xf32>
      %get3A_83 = arith.constant 0 : index
      %get3A_84 = arith.constant 0 : index
      %get3A_85 = vector.load %arg8[%get3A_83, %get3A_84] : memref<3x128xf32, #tpu.memory_space<vmem>>, vector<1x128xf32>
      %add3A_86 = vector.broadcast %get3A_85 : vector<1x128xf32> to vector<64x128xf32>
      %add3A_87 = arith.addf %dot_general3A_82, %add3A_86 : vector<64x128xf32>
      %max3A_88 = arith.constant 0.000000e+00 : f32
      %max3A_89 = vector.broadcast %max3A_88 : f32 to vector<64x128xf32>
      %max3A_90 = arith.maximumf %add3A_87, %max3A_89 : vector<64x128xf32>
      %abs3A_91 = math.absf %add3A_87 : vector<64x128xf32>
      %neg3A_92 = arith.constant 0.000000e+00 : f32
      %neg3A_93 = vector.broadcast %neg3A_92 : f32 to vector<64x128xf32>
      %neg3A_94 = arith.subf %neg3A_93, %abs3A_91 : vector<64x128xf32>
      %exp3A_95 = math.exp %neg3A_94 : vector<64x128xf32>
      %add3A_96 = arith.constant 1.000000e+00 : f32
      %add3A_97 = vector.broadcast %add3A_96 : f32 to vector<64x128xf32>
      %add3A_98 = arith.addf %add3A_97, %exp3A_95 : vector<64x128xf32>
      %log3A_99 = math.log %add3A_98 : vector<64x128xf32>
      %add3A_100 = arith.addf %max3A_90, %log3A_99 : vector<64x128xf32>
      %get3A_101 = arith.constant 0 : index
      %get3A_102 = arith.constant 0 : index
      %get3A_103 = arith.constant 0 : index
      %get3A_104 = vector.load %arg9[%get3A_101, %get3A_102, %get3A_103] : memref<3x128x128xf32, #tpu.memory_space<vmem>>, vector<1x128x128xf32>
      %get3A_105 = vector.shape_cast %get3A_104 : vector<1x128x128xf32> to vector<128x128xf32>
      %dot_general3A_106 = arith.constant dense<0.000000e+00> : vector<64x128xf32>
      %dot_general3A_107 = tpu.matmul %add3A_100, %get3A_105, %dot_general3A_106 {dimension_numbers = #tpu.dot_dimension_numbers<[1], [0], [0], [1], [0, 0, 1, 1], [], []>, transpose_lhs_hint = false} : vector<64x128xf32>, vector<128x128xf32>, vector<64x128xf32> -> vector<64x128xf32>
      %get3A_108 = arith.constant 0 : index
      %get3A_109 = arith.constant 0 : index
      %get3A_110 = vector.load %arg10[%get3A_108, %get3A_109] : memref<3x128xf32, #tpu.memory_space<vmem>>, vector<1x128xf32>
      %add3A_111 = vector.broadcast %get3A_110 : vector<1x128xf32> to vector<64x128xf32>
      %add3A_112 = arith.addf %dot_general3A_107, %add3A_111 : vector<64x128xf32>
      %max3A_113 = arith.constant 0.000000e+00 : f32
      %max3A_114 = vector.broadcast %max3A_113 : f32 to vector<64x128xf32>
      %max3A_115 = arith.maximumf %add3A_112, %max3A_114 : vector<64x128xf32>
      %abs3A_116 = math.absf %add3A_112 : vector<64x128xf32>
      %neg3A_117 = arith.constant 0.000000e+00 : f32
      %neg3A_118 = vector.broadcast %neg3A_117 : f32 to vector<64x128xf32>
      %neg3A_119 = arith.subf %neg3A_118, %abs3A_116 : vector<64x128xf32>
      %exp3A_120 = math.exp %neg3A_119 : vector<64x128xf32>
      %add3A_121 = arith.constant 1.000000e+00 : f32
      %add3A_122 = vector.broadcast %add3A_121 : f32 to vector<64x128xf32>
      %add3A_123 = arith.addf %add3A_122, %exp3A_120 : vector<64x128xf32>
      %log3A_124 = math.log %add3A_123 : vector<64x128xf32>
      %add3A_125 = arith.addf %max3A_115, %log3A_124 : vector<64x128xf32>
      %get3A_126 = arith.constant 0 : index
      %get3A_127 = arith.constant 0 : index
      %get3A_128 = vector.load %arg11[%get3A_126, %get3A_127] : memref<8x128xf32, #tpu.memory_space<vmem>>, vector<1x128xf32>
      %dot_general3A_129 = arith.constant dense<0.000000e+00> : vector<1x64xf32>
      %dot_general3A_130 = tpu.matmul %get3A_128, %add3A_125, %dot_general3A_129 {dimension_numbers = #tpu.dot_dimension_numbers<[1], [1], [0], [0], [0, 0, 1, 0], [], []>, transpose_lhs_hint = false} : vector<1x128xf32>, vector<64x128xf32>, vector<1x64xf32> -> vector<1x64xf32>
      %get3A_131 = arith.constant 0 : index
      %get3A_132 = arith.constant 0 : index
      %get3A_133 = vector.load %arg12[%get3A_131, %get3A_132] : memref<1x8xf32, #tpu.memory_space<vmem>>, vector<1x1xf32>
      %add3A_134 = vector.broadcast %get3A_133 : vector<1x1xf32> to vector<1x64xf32>
      %add3A_135 = arith.addf %dot_general3A_130, %add3A_134 : vector<1x64xf32>
      %swap3A = arith.constant 0 : index
      %swap3A_136 = arith.constant 0 : index
      %swap3A_137 = vector.load %arg13[%swap3A, %swap3A_136] : memref<8x64xf32, #tpu.memory_space<vmem>>, vector<1x64xf32>
      tpu.vector_store %arg13[%swap3A, %swap3A_136], %add3A_135 {strides = array<i32>} : memref<8x64xf32, #tpu.memory_space<vmem>>, vector<1x64xf32>,
      %get3A_138 = arith.constant 1 : index
      %get3A_139 = arith.constant 0 : index
      %get3A_140 = arith.constant 0 : index
      %get3A_141 = vector.load %arg7[%get3A_138, %get3A_139, %get3A_140] : memref<3x128x128xf32, #tpu.memory_space<vmem>>, vector<1x128x128xf32>
      %get3A_142 = vector.shape_cast %get3A_141 : vector<1x128x128xf32> to vector<128x128xf32>
      %dot_general3A_143 = arith.constant dense<0.000000e+00> : vector<64x128xf32>
      %dot_general3A_144 = tpu.matmul %add3A_75, %get3A_142, %dot_general3A_143 {dimension_numbers = #tpu.dot_dimension_numbers<[1], [0], [0], [1], [0, 0, 1, 1], [], []>, transpose_lhs_hint = false} : vector<64x128xf32>, vector<128x128xf32>, vector<64x128xf32> -> vector<64x128xf32>
      %get3A_145 = arith.constant 1 : index
      %get3A_146 = arith.constant 0 : index
      %get3A_147 = vector.load %arg8[%get3A_145, %get3A_146] : memref<3x128xf32, #tpu.memory_space<vmem>>, vector<1x128xf32>
      %add3A_148 = vector.broadcast %get3A_147 : vector<1x128xf32> to vector<64x128xf32>
      %add3A_149 = arith.addf %dot_general3A_144, %add3A_148 : vector<64x128xf32>
      %max3A_150 = arith.constant 0.000000e+00 : f32
      %max3A_151 = vector.broadcast %max3A_150 : f32 to vector<64x128xf32>
      %max3A_152 = arith.maximumf %add3A_149, %max3A_151 : vector<64x128xf32>
      %abs3A_153 = math.absf %add3A_149 : vector<64x128xf32>
      %neg3A_154 = arith.constant 0.000000e+00 : f32
      %neg3A_155 = vector.broadcast %neg3A_154 : f32 to vector<64x128xf32>
      %neg3A_156 = arith.subf %neg3A_155, %abs3A_153 : vector<64x128xf32>
      %exp3A_157 = math.exp %neg3A_156 : vector<64x128xf32>
      %add3A_158 = arith.constant 1.000000e+00 : f32
      %add3A_159 = vector.broadcast %add3A_158 : f32 to vector<64x128xf32>
      %add3A_160 = arith.addf %add3A_159, %exp3A_157 : vector<64x128xf32>
      %log3A_161 = math.log %add3A_160 : vector<64x128xf32>
      %add3A_162 = arith.addf %max3A_152, %log3A_161 : vector<64x128xf32>
      %get3A_163 = arith.constant 1 : index
      %get3A_164 = arith.constant 0 : index
      %get3A_165 = arith.constant 0 : index
      %get3A_166 = vector.load %arg9[%get3A_163, %get3A_164, %get3A_165] : memref<3x128x128xf32, #tpu.memory_space<vmem>>, vector<1x128x128xf32>
      %get3A_167 = vector.shape_cast %get3A_166 : vector<1x128x128xf32> to vector<128x128xf32>
      %dot_general3A_168 = arith.constant dense<0.000000e+00> : vector<64x128xf32>
      %dot_general3A_169 = tpu.matmul %add3A_162, %get3A_167, %dot_general3A_168 {dimension_numbers = #tpu.dot_dimension_numbers<[1], [0], [0], [1], [0, 0, 1, 1], [], []>, transpose_lhs_hint = false} : vector<64x128xf32>, vector<128x128xf32>, vector<64x128xf32> -> vector<64x128xf32>
      %get3A_170 = arith.constant 1 : index
      %get3A_171 = arith.constant 0 : index
      %get3A_172 = vector.load %arg10[%get3A_170, %get3A_171] : memref<3x128xf32, #tpu.memory_space<vmem>>, vector<1x128xf32>
      %add3A_173 = vector.broadcast %get3A_172 : vector<1x128xf32> to vector<64x128xf32>
      %add3A_174 = arith.addf %dot_general3A_169, %add3A_173 : vector<64x128xf32>
      %max3A_175 = arith.constant 0.000000e+00 : f32
      %max3A_176 = vector.broadcast %max3A_175 : f32 to vector<64x128xf32>
      %max3A_177 = arith.maximumf %add3A_174, %max3A_176 : vector<64x128xf32>
      %abs3A_178 = math.absf %add3A_174 : vector<64x128xf32>
      %neg3A_179 = arith.constant 0.000000e+00 : f32
      %neg3A_180 = vector.broadcast %neg3A_179 : f32 to vector<64x128xf32>
      %neg3A_181 = arith.subf %neg3A_180, %abs3A_178 : vector<64x128xf32>
      %exp3A_182 = math.exp %neg3A_181 : vector<64x128xf32>
      %add3A_183 = arith.constant 1.000000e+00 : f32
      %add3A_184 = vector.broadcast %add3A_183 : f32 to vector<64x128xf32>
      %add3A_185 = arith.addf %add3A_184, %exp3A_182 : vector<64x128xf32>
      %log3A_186 = math.log %add3A_185 : vector<64x128xf32>
      %add3A_187 = arith.addf %max3A_177, %log3A_186 : vector<64x128xf32>
      %get3A_188 = arith.constant 1 : index
      %get3A_189 = arith.constant 0 : index
      %get3A_190 = vector.load %arg11[%get3A_188, %get3A_189] : memref<8x128xf32, #tpu.memory_space<vmem>>, vector<1x128xf32>
      %dot_general3A_191 = arith.constant dense<0.000000e+00> : vector<1x64xf32>
      %dot_general3A_192 = tpu.matmul %get3A_190, %add3A_187, %dot_general3A_191 {dimension_numbers = #tpu.dot_dimension_numbers<[1], [1], [0], [0], [0, 0, 1, 0], [], []>, transpose_lhs_hint = false} : vector<1x128xf32>, vector<64x128xf32>, vector<1x64xf32> -> vector<1x64xf32>
      %get3A_193 = arith.constant 0 : index
      %get3A_194 = arith.constant 1 : index
      %get3A_195 = vector.load %arg12[%get3A_193, %get3A_194] : memref<1x8xf32, #tpu.memory_space<vmem>>, vector<1x1xf32>
      %add3A_196 = vector.broadcast %get3A_195 : vector<1x1xf32> to vector<1x64xf32>
      %add3A_197 = arith.addf %dot_general3A_192, %add3A_196 : vector<1x64xf32>
      %swap3A_198 = arith.constant 1 : index
      %swap3A_199 = arith.constant 0 : index
      %swap3A_200 = vector.load %arg13[%swap3A_198, %swap3A_199] : memref<8x64xf32, #tpu.memory_space<vmem>>, vector<1x64xf32>
      tpu.vector_store %arg13[%swap3A_198, %swap3A_199], %add3A_197 {strides = array<i32>} : memref<8x64xf32, #tpu.memory_space<vmem>>, vector<1x64xf32>,
      %get3A_201 = arith.constant 2 : index
      %get3A_202 = arith.constant 0 : index
      %get3A_203 = arith.constant 0 : index
      %get3A_204 = vector.load %arg7[%get3A_201, %get3A_202, %get3A_203] : memref<3x128x128xf32, #tpu.memory_space<vmem>>, vector<1x128x128xf32>
      %get3A_205 = vector.shape_cast %get3A_204 : vector<1x128x128xf32> to vector<128x128xf32>
      %dot_general3A_206 = arith.constant dense<0.000000e+00> : vector<64x128xf32>
      %dot_general3A_207 = tpu.matmul %add3A_75, %get3A_205, %dot_general3A_206 {dimension_numbers = #tpu.dot_dimension_numbers<[1], [0], [0], [1], [0, 0, 1, 1], [], []>, transpose_lhs_hint = false} : vector<64x128xf32>, vector<128x128xf32>, vector<64x128xf32> -> vector<64x128xf32>
      %get3A_208 = arith.constant 2 : index
      %get3A_209 = arith.constant 0 : index
      %get3A_210 = vector.load %arg8[%get3A_208, %get3A_209] : memref<3x128xf32, #tpu.memory_space<vmem>>, vector<1x128xf32>
      %add3A_211 = vector.broadcast %get3A_210 : vector<1x128xf32> to vector<64x128xf32>
      %add3A_212 = arith.addf %dot_general3A_207, %add3A_211 : vector<64x128xf32>
      %max3A_213 = arith.constant 0.000000e+00 : f32
      %max3A_214 = vector.broadcast %max3A_213 : f32 to vector<64x128xf32>
      %max3A_215 = arith.maximumf %add3A_212, %max3A_214 : vector<64x128xf32>
      %abs3A_216 = math.absf %add3A_212 : vector<64x128xf32>
      %neg3A_217 = arith.constant 0.000000e+00 : f32
      %neg3A_218 = vector.broadcast %neg3A_217 : f32 to vector<64x128xf32>
      %neg3A_219 = arith.subf %neg3A_218, %abs3A_216 : vector<64x128xf32>
      %exp3A_220 = math.exp %neg3A_219 : vector<64x128xf32>
      %add3A_221 = arith.constant 1.000000e+00 : f32
      %add3A_222 = vector.broadcast %add3A_221 : f32 to vector<64x128xf32>
      %add3A_223 = arith.addf %add3A_222, %exp3A_220 : vector<64x128xf32>
      %log3A_224 = math.log %add3A_223 : vector<64x128xf32>
      %add3A_225 = arith.addf %max3A_215, %log3A_224 : vector<64x128xf32>
      %get3A_226 = arith.constant 2 : index
      %get3A_227 = arith.constant 0 : index
      %get3A_228 = arith.constant 0 : index
      %get3A_229 = vector.load %arg9[%get3A_226, %get3A_227, %get3A_228] : memref<3x128x128xf32, #tpu.memory_space<vmem>>, vector<1x128x128xf32>
      %get3A_230 = vector.shape_cast %get3A_229 : vector<1x128x128xf32> to vector<128x128xf32>
      %dot_general3A_231 = arith.constant dense<0.000000e+00> : vector<64x128xf32>
      %dot_general3A_232 = tpu.matmul %add3A_225, %get3A_230, %dot_general3A_231 {dimension_numbers = #tpu.dot_dimension_numbers<[1], [0], [0], [1], [0, 0, 1, 1], [], []>, transpose_lhs_hint = false} : vector<64x128xf32>, vector<128x128xf32>, vector<64x128xf32> -> vector<64x128xf32>
      %get3A_233 = arith.constant 2 : index
      %get3A_234 = arith.constant 0 : index
      %get3A_235 = vector.load %arg10[%get3A_233, %get3A_234] : memref<3x128xf32, #tpu.memory_space<vmem>>, vector<1x128xf32>
      %add3A_236 = vector.broadcast %get3A_235 : vector<1x128xf32> to vector<64x128xf32>
      %add3A_237 = arith.addf %dot_general3A_232, %add3A_236 : vector<64x128xf32>
      %max3A_238 = arith.constant 0.000000e+00 : f32
      %max3A_239 = vector.broadcast %max3A_238 : f32 to vector<64x128xf32>
      %max3A_240 = arith.maximumf %add3A_237, %max3A_239 : vector<64x128xf32>
      %abs3A_241 = math.absf %add3A_237 : vector<64x128xf32>
      %neg3A_242 = arith.constant 0.000000e+00 : f32
      %neg3A_243 = vector.broadcast %neg3A_242 : f32 to vector<64x128xf32>
      %neg3A_244 = arith.subf %neg3A_243, %abs3A_241 : vector<64x128xf32>
      %exp3A_245 = math.exp %neg3A_244 : vector<64x128xf32>
      %add3A_246 = arith.constant 1.000000e+00 : f32
      %add3A_247 = vector.broadcast %add3A_246 : f32 to vector<64x128xf32>
      %add3A_248 = arith.addf %add3A_247, %exp3A_245 : vector<64x128xf32>
      %log3A_249 = math.log %add3A_248 : vector<64x128xf32>
      %add3A_250 = arith.addf %max3A_240, %log3A_249 : vector<64x128xf32>
      %get3A_251 = arith.constant 2 : index
      %get3A_252 = arith.constant 0 : index
      %get3A_253 = vector.load %arg11[%get3A_251, %get3A_252] : memref<8x128xf32, #tpu.memory_space<vmem>>, vector<1x128xf32>
      %dot_general3A_254 = arith.constant dense<0.000000e+00> : vector<1x64xf32>
      %dot_general3A_255 = tpu.matmul %get3A_253, %add3A_250, %dot_general3A_254 {dimension_numbers = #tpu.dot_dimension_numbers<[1], [1], [0], [0], [0, 0, 1, 0], [], []>, transpose_lhs_hint = false} : vector<1x128xf32>, vector<64x128xf32>, vector<1x64xf32> -> vector<1x64xf32>
      %get3A_256 = arith.constant 0 : index
      %get3A_257 = arith.constant 2 : index
      %get3A_258 = vector.load %arg12[%get3A_256, %get3A_257] : memref<1x8xf32, #tpu.memory_space<vmem>>, vector<1x1xf32>
      %add3A_259 = vector.broadcast %get3A_258 : vector<1x1xf32> to vector<1x64xf32>
      %add3A_260 = arith.addf %dot_general3A_255, %add3A_259 : vector<1x64xf32>
      %swap3A_261 = arith.constant 2 : index
      %swap3A_262 = arith.constant 0 : index
      %swap3A_263 = vector.load %arg13[%swap3A_261, %swap3A_262] : memref<8x64xf32, #tpu.memory_space<vmem>>, vector<1x64xf32>
      tpu.vector_store %arg13[%swap3A_261, %swap3A_262], %add3A_260 {strides = array<i32>} : memref<8x64xf32, #tpu.memory_space<vmem>>, vector<1x64xf32>,
    } else {
    }
    return
  }
  func.func @transform_0(%arg0: i32) -> (i32, i32) {
    %c0_i32 = arith.constant 0 : i32
    %c0_i32_0 = arith.constant 0 : i32
    return %arg0, %c0_i32 : i32, i32
  }
  func.func @transform_1(%arg0: i32) -> (i32, i32, i32) {
    %c0_i32 = arith.constant 0 : i32
    %c0_i32_0 = arith.constant 0 : i32
    %c0_i32_1 = arith.constant 0 : i32
    return %arg0, %c0_i32, %c0_i32_0 : i32, i32, i32
  }
  func.func @transform_2(%arg0: i32) -> (i32, i32) {
    %c0_i32 = arith.constant 0 : i32
    %c0_i32_0 = arith.constant 0 : i32
    %c0_i32_1 = arith.constant 0 : i32
    return %c0_i32, %c0_i32_0 : i32, i32
  }
  func.func @transform_3(%arg0: i32) -> (i32, i32) {
    %c0_i32 = arith.constant 0 : i32
    %c0_i32_0 = arith.constant 0 : i32
    %c0_i32_1 = arith.constant 0 : i32
    return %c0_i32, %c0_i32_0 : i32, i32
  }
  func.func @transform_4(%arg0: i32) -> (i32, i32) {
    %c0_i32 = arith.constant 0 : i32
    %c0_i32_0 = arith.constant 0 : i32
    %c0_i32_1 = arith.constant 0 : i32
    return %c0_i32, %c0_i32_0 : i32, i32
  }
  func.func @transform_5(%arg0: i32) -> (i32, i32) {
    %c0_i32 = arith.constant 0 : i32
    %c0_i32_0 = arith.constant 0 : i32
    %c0_i32_1 = arith.constant 0 : i32
    return %c0_i32, %c0_i32_0 : i32, i32
  }
  func.func @transform_6(%arg0: i32) -> (i32, i32, i32) {
    %c0_i32 = arith.constant 0 : i32
    %c0_i32_0 = arith.constant 0 : i32
    %c0_i32_1 = arith.constant 0 : i32
    %c0_i32_2 = arith.constant 0 : i32
    return %c0_i32, %c0_i32_0, %c0_i32_1 : i32, i32, i32
  }
  func.func @transform_7(%arg0: i32) -> (i32, i32) {
    %c0_i32 = arith.constant 0 : i32
    %c0_i32_0 = arith.constant 0 : i32
    %c0_i32_1 = arith.constant 0 : i32
    return %c0_i32, %c0_i32_0 : i32, i32
  }
  func.func @transform_8(%arg0: i32) -> (i32, i32, i32) {
    %c0_i32 = arith.constant 0 : i32
    %c0_i32_0 = arith.constant 0 : i32
    %c0_i32_1 = arith.constant 0 : i32
    %c0_i32_2 = arith.constant 0 : i32
    return %c0_i32, %c0_i32_0, %c0_i32_1 : i32, i32, i32
  }
  func.func @transform_9(%arg0: i32) -> (i32, i32) {
    %c0_i32 = arith.constant 0 : i32
    %c0_i32_0 = arith.constant 0 : i32
    %c0_i32_1 = arith.constant 0 : i32
    return %c0_i32, %c0_i32_0 : i32, i32
  }
  func.func @transform_10(%arg0: i32) -> (i32, i32) {
    %c0_i32 = arith.constant 0 : i32
    %c0_i32_0 = arith.constant 0 : i32
    %c0_i32_1 = arith.constant 0 : i32
    return %c0_i32, %c0_i32_0 : i32, i32
  }
  func.func @transform_11(%arg0: i32) -> (i32, i32) {
    %c0_i32 = arith.constant 0 : i32
    %c0_i32_0 = arith.constant 0 : i32
    %c0_i32_1 = arith.constant 0 : i32
    return %c0_i32, %c0_i32_0 : i32, i32
  }
  func.func @transform_12(%arg0: i32) -> (i32, i32) {
    %c0_i32 = arith.constant 0 : i32
    %c0_i32_0 = arith.constant 0 : i32
    %c0_i32_1 = arith.constant 0 : i32
    return %c0_i32, %c0_i32_0 : i32, i32
  }
}

</mosaic_0001>

<sc_bundles>
// kernel: kernel.16.cloned.1.call-start
scs
__scs_entry_jumppad:
0x0: {  	(pc) =	sbr.rel $0x88, $3  }
0x1: {  	(tag) =	ssettag $0x0;
	lr =	simm.s32 $0x1  }
0x2: {  	[smem:$0x3F71] =	sst lr;
	_ =	strace $0xD0000000  }
0x3: {  	_ = 	snop  }
0x4: {  	_ = 	snop  }
0x5: {  	_ = 	snop  }
0x6: {  	_ = 	snop  }
0x7: {  	_ = 	snop  }
__scs_overlays_trampoline_lowered:
0x8: {  	[smem:$0x3F80] =	sst s0  }
0x9: {  	[smem:$0x3F81] =	sst s1  }
0xa: {  	[smem:$0x3F82] =	sst s2  }
0xb: {  	[smem:$0x3F83] =	sst s3  }
0xc: {  	[smem:$0x3F84] =	sst s4  }
0xd: {  	[smem:$0x3F85] =	sst s5  }
0xe: {  	[smem:$0x3F86] =	sst s6  }
0xf: {  	[smem:$0x3F87] =	sst s7  }
0x10: {  	[smem:$0x3F88] =	sst s8  }
0x11: {  	[smem:$0x3F89] =	sst s9;
	s0 =	simm.s32 @!p0 $0x0  }
0x12: {  	s1 =	sld [smem:$0x3F6F];
	s0 =	simm.s32 @p0 $0x1  }
0x13: {  	[smem:$0x3F8A] =	sst s0;
	s0 =	simm.s32 @!p1 $0x0  }
0x14: {  	s2 =	sld [smem:$0x3F6E];
	s0 =	simm.s32 @p1 $0x1  }
0x15: {  	[smem:$0x3F8B] =	sst s0;
	s0 =	simm.s32 @!p2 $0x0  }
0x16: {  	s3 =	sld [smem:$0x3FDB];
	s0 =	simm.s32 @p2 $0x1  }
0x17: {  	s4 =	simm.s32 $0x1BF5;
	[smem:$0x3F8D] =	sst s0  }
0x18: {  	s0 =	sld [smem:$0x3F70];
	_ =	swait.ge [sflag:s4], $0x0  }
0x19: {  	s7 =	sld [smem:$0x3F71]  }
0x1a: {  	s8 =	sadd.s32 $0xFFFFE003, lr  }
0x1b: {  	s9 =	sadd.s32 $0xFFFFFEF7, lr;
	s5 =	simm.s32 $0xFFFFFFFF;
	p2 =	slt.u32 s8, $0xFFFFF086  }
0x1c: {  	p1 =	slt.u32 s9, $0xF7A;
	s5 =	simm.s32 @!p2 $0x0  }
0x1d: {  	s5 =	simm.s32 @p1 $0x1;
	p0 =	seq.s32 s7, s2  }
0x1e: {  	s7 =	smul.u32 @!p0 $0xF7A, s2;
	p2 =	seq.s32 @!p0 s5, $0x0  }
0x1f: {  	s9 =	smul.u32 $0xF7A, s1;
	s8 =	simm.s32 @!p0 $0x1BF5;
	p2 =	por !p2, p0  }
0x20: {  	[sflag:s8] =	ssyncset.s32 @!p0 $0xFFFFF086;
	s6 =	sadd.s32 @!p0 s3, s7;
	s7 =	simm.s32 @!p0 $0x108  }
0x21: {  	s3 =	sadd.s32 s3, s9;
	s6 =	sadd.s32 @!p0 $0x88, s6;
	s7 =	simm.s32 @p2 $0x1082  }
0x22: {  	[simem:s7], [sflag:s8] =	dma.local @!p0 [hbm:s6], $0xF7A  }
0x23: {  	s9 =	sor.u32 $0xD0000000, s2;
	s6 =	simm.s32 $0x108;
	_ =	swait.ge @!p0 [sflag:s8], $0x0  }
0x24: {  	s3 =	sadd.s32 $0x88, s3;
	s6 =	simm.s32 @!p1 $0x1082;
	[sflag:s4] =	ssyncset.s32 $0xFFFFF086  }
0x25: {  	[simem:s6], [sflag:s4] =	dma.local [hbm:s3], $0xF7A  }
0x26: {  	[smem:$0x3F71] =	sst s1;
	(tag) =	ssettag s2;
	_ =	strace s9  }
0x27: {  	s1 =	sld [smem:$0x3F81]  }
0x28: {  	s2 =	sld [smem:$0x3F82]  }
0x29: {  	s4 =	sld [smem:$0x3F84]  }
0x2a: {  	p0 =	seq.s32 s5, $0x0;
	s5 =	sld [smem:$0x3F85]  }
0x2b: {  	s6 =	sld [smem:$0x3F86]  }
0x2c: {  	s7 =	sld [smem:$0x3F87]  }
0x2d: {  	s3 =	simm.s32 $0x108;
	s8 =	sld [smem:$0x3F88]  }
0x2e: {  	s3 =	simm.s32 @!p0 $0x1082;
	s9 =	sld [smem:$0x3F89]  }
0x2f: {  	lr =	sadd.s32 s0, s3;
	s0 =	sld [smem:$0x3F80]  }
0x30: {  	s3 =	sld [smem:$0x3F83]  }
0x31: {  	[smem:$0x3F8C] =	sst s10  }
0x32: {  	s10 =	sld [smem:$0x3F8A];
	_ =	sdelay $0x3  }
0x33: {  	p0 =	seq.s32 s10, $0x1;
	s10 =	sld [smem:$0x3F8C];
	_ =	sdelay $0x3  }
0x34: {  	[smem:$0x3F8C] =	sst s10  }
0x35: {  	s10 =	sld [smem:$0x3F8B];
	_ =	sdelay $0x3  }
0x36: {  	p1 =	seq.s32 s10, $0x1;
	s10 =	sld [smem:$0x3F8C];
	_ =	sdelay $0x3  }
0x37: {  	[smem:$0x3F8C] =	sst s10  }
0x38: {  	s10 =	sld [smem:$0x3F8D]  }
0x39: {  	_ = 	snop;
	(pc) =	sbr.ind lr, $3  }
0x3a: {  	_ = 	snop  }
0x3b: {  	_ = 	snop  }
0x3c: {  	p2 =	seq.s32 s10, $0x1;
	s10 =	sld [smem:$0x3F8C]  }
0x3d: {  	_ =	shalt  }
0x3e: {  	_ =	shalt  }
0x3f: {  	_ =	shalt  }
0x40: {  	_ =	shalt  }
0x41: {  	_ =	shalt  }
0x42: {  	_ =	shalt  }
0x43: {  	_ =	shalt  }
0x44: {  	_ =	shalt  }
0x45: {  	_ =	shalt  }
0x46: {  	_ =	shalt  }
0x47: {  	_ =	shalt  }
0x48: {  	_ =	shalt  }
0x49: {  	_ =	shalt  }
0x4a: {  	_ =	shalt  }
0x4b: {  	_ =	shalt  }
0x4c: {  	_ =	shalt  }
0x4d: {  	_ =	shalt  }
0x4e: {  	_ =	shalt  }
0x4f: {  	_ =	shalt  }
0x50: {  	_ =	shalt  }
0x51: {  	_ =	shalt  }
0x52: {  	_ =	shalt  }
0x53: {  	_ =	shalt  }
0x54: {  	_ =	shalt  }
0x55: {  	_ =	shalt  }
0x56: {  	_ =	shalt  }
0x57: {  	_ =	shalt  }
0x58: {  	_ =	shalt  }
0x59: {  	_ =	shalt  }
0x5a: {  	_ =	shalt  }
0x5b: {  	_ =	shalt  }
0x5c: {  	_ =	shalt  }
0x5d: {  	_ =	shalt  }
0x5e: {  	_ =	shalt  }
0x5f: {  	_ =	shalt  }
0x60: {  	_ =	shalt  }
0x61: {  	_ =	shalt  }
0x62: {  	_ =	shalt  }
0x63: {  	_ =	shalt  }
0x64: {  	_ =	shalt  }
0x65: {  	_ =	shalt  }
0x66: {  	_ =	shalt  }
0x67: {  	_ =	shalt  }
0x68: {  	_ =	shalt  }
0x69: {  	_ =	shalt  }
0x6a: {  	_ =	shalt  }
0x6b: {  	_ =	shalt  }
0x6c: {  	_ =	shalt  }
0x6d: {  	_ =	shalt  }
0x6e: {  	_ =	shalt  }
0x6f: {  	_ =	shalt  }
0x70: {  	_ =	shalt  }
0x71: {  	_ =	shalt  }
0x72: {  	_ =	shalt  }
0x73: {  	_ =	shalt  }
0x74: {  	_ =	shalt  }
0x75: {  	_ =	shalt  }
0x76: {  	_ =	shalt  }
0x77: {  	_ =	shalt  }
0x78: {  	_ =	shalt  }
0x79: {  	_ =	shalt  }
0x7a: {  	_ =	shalt  }
0x7b: {  	_ =	shalt  }
0x7c: {  	_ =	shalt  }
0x7d: {  	_ =	shalt  }
0x7e: {  	_ =	shalt  }
0x7f: {  	_ =	shalt  }
0x80: {  	_ =	shalt  }
0x81: {  	_ =	shalt  }
0x82: {  	_ =	shalt  }
0x83: {  	_ =	shalt  }
0x84: {  	_ =	shalt  }
0x85: {  	_ =	shalt  }
0x86: {  	_ =	shalt  }
0x87: {  	_ =	shalt  }
.Lfunc_end0:
.L_simem_size_0:
called_computation_lowered:
.L_overlay_start_0:
0x88: {  	s2 =	sld [smem:$0x3FD9]  }
0x89: {  	s3 =	sld [smem:$0x3FFE];
	_ =	sdelay $0x1  }
0x8a: {  	s1 =	srdreg.scid  }
0x8b: {  	s0 =	sand.u32 $0x1, s1  }
0x8c: {  	s16 =	sshll.u32 s0, $0xA;
	s2 =	sadd.s32 s3, s2  }
0x8d: {  	s2 =	sadd.s32 s2, s16  }
0x8e: {  	[smem:$0x3F98] =	sst s2  }
0x8f: {  	_ = 	snop  }
0x90: {  	(tm) =	ssettm $0x1  }
0x91: {  	s17 =	sld [smem:$0x3FFB];
	_ =	sdelay $0x3  }
0x92: {  	_ =	strace s17  }
0x93: {  	s2 =	sld [smem:$0x3FFC];
	_ =	sdelay $0x3  }
0x94: {  	_ =	strace s2  }
0x95: {  	s2 =	sld [smem:$0x3FFD];
	_ =	sdelay $0x3  }
0x96: {  	_ =	strace s2  }
0x97: {  	_ =	strace $0x8FFFFFFF  }
0x98: {  	s18 =	sld [smem:$0x3FDB];
	_ =	sdelay $0x1  }
0x99: {  	s19 =	simm.s32 $_scs_section_size  }
0x9a: {  	s4 =	simm.s32 $_size__tile_overlayer_lowered;
	s5 =	simm.s32 $_tile_overlayer_lowered  }
0x9b: {  	s22 =	simm.s32 $0x1BFF;
	s21 =	sshll.u32 s5, $0x1;
	s2 =	sadd.s32 s19, s18  }
0x9c: {  	s6 =	simm.s32 $0x0;
	s20 =	sshll.u32 s4, $0x1;
	s4 =	sadd.s32 s21, s2  }
0x9d: {  	[timem:s6], [sflag:s22] =	dma.local [hbm:s4], s20  }
0x9e: {  	_ =	swait.ge [sflag:s22], s20  }
0x9f: {  	s3 =	ssub.s32 $0x0, s20;
	[sflag:s22] =	ssyncset.done $0x0  }
0xa0: {  	[sflag:s22] =	ssyncadd.s32 s3;
	_ =	sdelay $0x1  }
0xa1: {  	s23 =	simm.s32 $0x1B8B  }
0xa2: {  	_ =	swait.ge [sflag:s23], $0x1  }
0xa3: {  	[sflag:s23] =	ssyncset.done $0x0  }
0xa4: {  	s25 =	simm.s32 $0x1B8E;
	s24 =	sld [smem:$0x3FFE];
	[sflag:s23] =	ssyncadd.s32 $0xFFFFFFFF  }
0xa5: {  	s26 =	simm.s32 $execute0_lowered;
	[smem:$0x3FD2] =	sst s25  }
0xa6: {  	s4 =	sshll.u32 s26, $0x1;
	_ =	strace $0x80000046;
	[dreg:$0x1] =	wrdreg $0xFFFFFFFF  }
0xa7: {  	s28 =	simm.s32 $_size_execute0_lowered;
	s2 =	sadd.s32 s2, s4;
	[dreg:$0x0] =	wrdreg $0x0  }
0xa8: {  	s4 =	sshll.u32 s28, $0x1;
	[dreg:$0x2] =	wrdreg s2  }
0xa9: {  	[dreg:$0x3] =	wrdreg s4  }
0xaa: {  	[dreg:$0x4] =	wrdreg $0xC0  }
0xab: {  	_ =	task [dreg:s6], $0x5FFFF  }
0xac: {  	[dreg:$0x1] =	wrdreg $0xFFFFFFFF  }
0xad: {  	[dreg:$0x0] =	wrdreg $0x60  }
0xae: {  	[dreg:$0x2] =	wrdreg s24  }
0xaf: {  	[dreg:$0x3] =	wrdreg $0x9  }
0xb0: {  	_ =	task.clear_ibuf [dreg:s6], $0x4FFFF;
	_ =	strace $0x90000046  }
0xb1: {  	s29 =	simm.s32 $0x9;
	_ =	strace $0x80000048  }
0xb2: {  	_ =	swait.ge [sflag:s29], $0x1  }
0xb3: {  	[sflag:s29] =	ssyncadd.s32 $0xFFFFFFFF  }
0xb4: {  	_ =	strace $0x90000048  }
0xb5: {  	_ =	sfence  }
0xb6: {  	s30 =	sld [smem:$0x0];
	_ =	sdelay $0x2  }
0xb7: {  	s31 =	sshll.u32 s1, $0xD;
	s1 =	sshrl.u32 s1, $0x2  }
0xb8: {  	s3 =	sand.u32 $0x4000, s31;
	s1 =	sadd.s32 s1, s30  }
0xb9: {  	s0 =	sor.u32 s3, s0;
	s1 =	sshll.u32 s1, $0x11  }
0xba: {  	s0 =	sor.u32 s1, s0  }
0xbb: {  	s0 =	sadd.s32 $0x8F2B, s0  }
0xbc: {  	[sflag:s0] =	ssyncadd.remote.s32 $0x1  }
0xbd: {  	_ =	sfence.sel $0xFFFF  }
0xbe: {  	[dreg:$0x0] =	wrdreg $0xFFFFFFFF;
	(pc) =	sbr.abs _section_cstart, $3  }
0xbf: {  	[dreg:$0x1] =	wrdreg $0xFFFFFFFF  }
0xc0: {  	_ =	task.clear_ibuf [dreg:s6], $0x2FFFF;
	_ =	strace $0x9FFFFFFF  }
0xc1: {  	(tm) =	ssettm $0x7FFFFFFF  }
tec
execute0_lowered:
.L_overlay_start_1:
0x0: {  	(tag) =	ssettag $0x1  }
0x1: {  	s6 =	rddreg [dreg:$0x0];
	s1 =	srdreg.scid  }
0x2: {  	s2 =	simm.s32 $0x0;
	s0 =	stileid.u32;
	s15 =	simm.s32 $0x190  }
0x3: {  	s18 =	simm.s32 $0x2C8;
	s16 =	simm.s32 $0x400;
	s17 =	simm.s32 $0x200  }
0x4: {  	s19 =	simm.s32 $0x1;
	s20 =	simm.s32 $0x6800;
	s21 =	simm.s32 $0x2  }
0x5: {  	s22 =	simm.s32 $0x13000;
	s23 =	simm.s32 $0x0;
	s10 =	smul.u32 $0x27100, s0  }
0x6: {  	s7 =	sand.u32 $0x1, s1;
	[smem:$0x7FF] =	sst s2;
	s12 =	smul.u32 $0x2710, s0  }
0x7: {  	s5 =	sadd.s32 $0x13E00, s6;
	s3 =	sshll.u32 s7, $0x4;
	s8 =	smul.u32 $0x271000, s7  }
0x8: {  	_ =	strace $0x80000047;
	s29 =	ssub.s32 $0x2, s7;
	s11 =	smul.u32 $0x27100, s7  }
0x9: {  	[dreg:$0x2] =	wrdreg s18;
	s18 =	simm.s32 $0xCC00;
	s4 =	sor.u32 s0, s3  }
0xa: {  	s3 =	sadd.s32 $0x1DC00, s6;
	s30 =	sshrl.u32 s29, $0x1;
	s9 =	smul.u32 $0x2710, s4  }
0xb: {  	s4 =	sadd.s32 $0xA000, s6;
	s8 =	sadd.s32 s8, s6;
	s13 =	ssub.s32 s29, s30  }
0xc: {  	s11 =	sadd.s32 s12, s11;
	s10 =	sadd.s32 s10, s8;
	s8 =	smax.u32 s13, $0x1  }
0xd: {  	s12 =	sadd.s32 $0xC8, s11;
	s13 =	simm.s32 $0x3;
	s9 =	sshrl.u32 s9, $0x3  }
0xe: {  	s31 =	sadd.s32 $0x44E00, s10;
	s12 =	sshrl.u32 s12, $0x3;
	s6 =	sadd.s32 s4, s9  }
0xf: {  	s7 =	sadd.s32 s5, s9;
	[dreg:$0x3] =	wrdreg s31;
	s9 =	sadd.s32 $0x526E00, s10  }
0x10: {  	s10 =	sadd.s32 $0x190, s11;
	s11 =	sadd.s32 s12, s5;
	s12 =	sadd.s32 s12, s4  }
.LBB2_1:
0x11: {  	[tilespmem:s2], [sflag:$0x3] =	stream.linear.gather [hbm4b:s6+s2], $0xC8, $0x38;
	[tilespmem:$0x19400] =	vst v63  }
0x12: {  	_ =	swait.ge [sflag:s13], $0xC8  }
0x13: {  	[sflag:s13] =	ssyncset.done $0x0  }
0x14: {  	s0 =	simm.s32 $0xC8;
	[sflag:s13] =	ssyncadd.s32 $0xFFFFFF38  }
0x15: {  	[tilespmem:s0], [sflag:$0x3] =	stream.linear.gather [hbm4b:s7+s2], $0xC8, $0x38;
	[tilespmem:$0x19400] =	vst v63  }
0x16: {  	_ =	swait.ge [sflag:s13], $0xC8  }
0x17: {  	[sflag:s13] =	ssyncset.done $0x0  }
0x18: {  	[sflag:s13] =	ssyncadd.s32 $0xFFFFFF38  }
0x19: {  	[tilespmem:s16], [sflag:$0x1] =	stream.indirect.gather [hbm4b:s3+s15], $0x80, s2, s15, $0xb8;
	[tilespmem:$0x19400] =	vst v63  }
0x1a: {  	_ = 	snop  }
0x1b: {  	[tilespmem:s17], [sflag:$0x3] =	stream.linear.gather [hbm4b:s12+s2], $0xC8, $0x38;
	[tilespmem:$0x19400] =	vst v63  }
0x1c: {  	_ =	swait.ge [sflag:s13], $0xC8  }
0x1d: {  	[sflag:s13] =	ssyncset.done $0x0  }
0x1e: {  	s24 =	rddreg [dreg:$0x2];
	[sflag:s13] =	ssyncadd.s32 $0xFFFFFF38  }
0x1f: {  	[tilespmem:s24], [sflag:$0x3] =	stream.linear.gather [hbm4b:s11+s2], $0xC8, $0x38;
	[tilespmem:$0x19400] =	vst v63  }
0x20: {  	_ =	swait.ge [sflag:s13], $0xC8  }
0x21: {  	[sflag:s13] =	ssyncset.done $0x0  }
0x22: {  	[sflag:s13] =	ssyncadd.s32 $0xFFFFFF38  }
0x23: {  	[tilespmem:s18], [sflag:$0x2] =	stream.indirect.gather [hbm4b:s3+s15], $0x80, s17, s15, $0xb8;
	[tilespmem:$0x19400] =	vst v63  }
0x24: {  	_ =	swait.ge [sflag:s19], $0xC800  }
0x25: {  	s30 =	rddreg [dreg:$0x3];
	[sflag:s19] =	ssyncset.done $0x0  }
0x26: {  	[sflag:s19] =	ssyncadd.s32 $0xFFFF3800;
	s24 =	sadd.s32 $0x0, s30  }
0x27: {  	[hbm4b:s24+s2] =	stream.linear.scatter [tilespmem:s16], [sflag:$0x3], $0x6400, $0x38;
	[tilespmem:$0x19400] =	vst v63  }
0x28: {  	_ =	swait.ge [sflag:s13], $0x6400  }
0x29: {  	[sflag:s13] =	ssyncset.done $0x0  }
0x2a: {  	s25 =	sadd.s32 $0x0, s9;
	[sflag:s13] =	ssyncadd.s32 $0xFFFF9C00  }
0x2b: {  	[hbm4b:s25+s2] =	stream.linear.scatter [tilespmem:s20], [sflag:$0x3], $0x6400, $0x38;
	[tilespmem:$0x19400] =	vst v63  }
0x2c: {  	p0 =	por $0x0, $0x0;
	_ =	swait.ge [sflag:s13], $0x6400  }
0x2d: {  	s26 =	sshrl.u32 @!p0 s10, $0x3;
	s28 =	simm.s32 @!p0 $0x3;
	[sflag:s13] =	ssyncset.done $0x0  }
0x2e: {  	s29 =	sadd.s32 @!p0 s4, s26;
	s30 =	simm.s32 @!p0 $0x0;
	[sflag:s13] =	ssyncadd.s32 $0xFFFF9C00  }
0x2f: {  	[tilespmem:s30], [sflag:$0x3] =	stream.linear.gather @!p0 [hbm4b:s29+s30], $0xC8, $0x38;
	[tilespmem:$0x19400] =	vst v63  }
0x30: {  	_ =	swait.ge @!p0 [sflag:s28], $0xC8  }
0x31: {  	[sflag:s28] =	ssyncset.done @!p0 $0x0  }
0x32: {  	s26 =	sadd.s32 @!p0 s5, s26;
	s29 =	simm.s32 @!p0 $0xC8;
	[sflag:s28] =	ssyncadd.s32 @!p0 $0xFFFFFF38  }
0x33: {  	[tilespmem:s29], [sflag:$0x3] =	stream.linear.gather @!p0 [hbm4b:s26+s30], $0xC8, $0x38;
	[tilespmem:$0x19400] =	vst v63  }
0x34: {  	_ =	swait.ge @!p0 [sflag:s28], $0xC8  }
0x35: {  	[sflag:s28] =	ssyncset.done @!p0 $0x0  }
0x36: {  	s26 =	simm.s32 @!p0 $0x190;
	[sflag:s28] =	ssyncadd.s32 @!p0 $0xFFFFFF38;
	s28 =	simm.s32 @!p0 $0x400  }
0x37: {  	[tilespmem:s28], [sflag:$0x1] =	stream.indirect.gather @!p0 [hbm4b:s3+s26], $0x80, s30, s26, $0xb8;
	[tilespmem:$0x19400] =	vst v63  }
0x38: {  	_ =	swait.ge [sflag:s21], $0xC800  }
0x39: {  	[sflag:s21] =	ssyncset.done $0x0  }
0x3a: {  	s24 =	sadd.s32 $0xC80, s24;
	[sflag:s21] =	ssyncadd.s32 $0xFFFF3800  }
0x3b: {  	[hbm4b:s24+s2] =	stream.linear.scatter [tilespmem:s18], [sflag:$0x3], $0x6400, $0x38;
	[tilespmem:$0x19400] =	vst v63  }
0x3c: {  	_ =	swait.ge [sflag:s13], $0x6400  }
0x3d: {  	[sflag:s13] =	ssyncset.done $0x0  }
0x3e: {  	s31 =	sadd.s32 $0xC80, s25;
	[sflag:s13] =	ssyncadd.s32 $0xFFFF9C00  }
0x3f: {  	[hbm4b:s31+s2] =	stream.linear.scatter [tilespmem:s22], [sflag:$0x3], $0x6400, $0x38;
	[tilespmem:$0x19400] =	vst v63  }
0x40: {  	s25 =	sadd.s32 $0x32, s11;
	s26 =	sadd.s32 $0x32, s12;
	_ =	swait.ge [sflag:s13], $0x6400  }
0x41: {  	s28 =	smov.u32 s10;
	s24 =	simm.s32 $0x1900;
	[sflag:s13] =	ssyncset.done $0x0  }
.LBB2_2:
0x42: {  	[sflag:s13] =	ssyncadd.s32 $0xFFFF9C00  }
0x43: {  	[tilespmem:s17], [sflag:$0x3] =	stream.linear.gather [hbm4b:s26+s2], $0xC8, $0x38;
	[tilespmem:$0x19400] =	vst v63  }
0x44: {  	_ =	swait.ge [sflag:s13], $0xC8  }
0x45: {  	[sflag:s13] =	ssyncset.done $0x0  }
0x46: {  	s30 =	rddreg [dreg:$0x2];
	[sflag:s13] =	ssyncadd.s32 $0xFFFFFF38  }
0x47: {  	[tilespmem:s30], [sflag:$0x3] =	stream.linear.gather [hbm4b:s25+s2], $0xC8, $0x38;
	[tilespmem:$0x19400] =	vst v63  }
0x48: {  	_ =	swait.ge [sflag:s13], $0xC8  }
0x49: {  	[sflag:s13] =	ssyncset.done $0x0  }
0x4a: {  	[sflag:s13] =	ssyncadd.s32 $0xFFFFFF38  }
0x4b: {  	[tilespmem:s18], [sflag:$0x2] =	stream.indirect.gather [hbm4b:s3+s15], $0x80, s17, s15, $0xb8;
	[tilespmem:$0x19400] =	vst v63  }
0x4c: {  	_ =	swait.ge [sflag:s19], $0xC800  }
0x4d: {  	s29 =	smov.u32 s24;
	s14 =	rddreg [dreg:$0x3];
	[sflag:s19] =	ssyncset.done $0x0  }
0x4e: {  	[sflag:s19] =	ssyncadd.s32 $0xFFFF3800;
	s30 =	sadd.s32 s29, s14  }
0x4f: {  	[hbm4b:s30+s2] =	stream.linear.scatter [tilespmem:s16], [sflag:$0x3], $0x6400, $0x38;
	[tilespmem:$0x19400] =	vst v63  }
0x50: {  	_ =	swait.ge [sflag:s13], $0x6400  }
0x51: {  	[sflag:s13] =	ssyncset.done $0x0  }
0x52: {  	s31 =	sadd.s32 s29, s9;
	[sflag:s13] =	ssyncadd.s32 $0xFFFF9C00  }
0x53: {  	[hbm4b:s31+s2] =	stream.linear.scatter [tilespmem:s20], [sflag:$0x3], $0x6400, $0x38;
	[tilespmem:$0x19400] =	vst v63  }
0x54: {  	s28 =	sadd.s32 $0x190, s28;
	p1 =	seq.s32 s29, $0x25800;
	_ =	swait.ge [sflag:s13], $0x6400  }
0x55: {  	s0 =	simm.s32 @!p1 $0x3;
	s29 =	sshrl.u32 @!p1 s28, $0x3;
	[sflag:s13] =	ssyncset.done $0x0  }
0x56: {  	s14 =	simm.s32 @!p1 $0x0;
	s1 =	sadd.s32 @!p1 s4, s29;
	[sflag:s13] =	ssyncadd.s32 $0xFFFF9C00  }
0x57: {  	[tilespmem:s14], [sflag:$0x3] =	stream.linear.gather @!p1 [hbm4b:s1+s14], $0xC8, $0x38;
	[tilespmem:$0x19400] =	vst v63  }
0x58: {  	_ =	swait.ge @!p1 [sflag:s0], $0xC8  }
0x59: {  	[sflag:s0] =	ssyncset.done @!p1 $0x0  }
0x5a: {  	s1 =	sadd.s32 @!p1 s5, s29;
	s29 =	simm.s32 @!p1 $0xC8;
	[sflag:s0] =	ssyncadd.s32 @!p1 $0xFFFFFF38  }
0x5b: {  	[tilespmem:s29], [sflag:$0x3] =	stream.linear.gather @!p1 [hbm4b:s1+s14], $0xC8, $0x38;
	[tilespmem:$0x19400] =	vst v63  }
0x5c: {  	_ =	swait.ge @!p1 [sflag:s0], $0xC8  }
0x5d: {  	[sflag:s0] =	ssyncset.done @!p1 $0x0  }
0x5e: {  	s1 =	simm.s32 @!p1 $0x400;
	[sflag:s0] =	ssyncadd.s32 @!p1 $0xFFFFFF38;
	s0 =	simm.s32 @!p1 $0x190  }
0x5f: {  	[tilespmem:s1], [sflag:$0x1] =	stream.indirect.gather @!p1 [hbm4b:s3+s0], $0x80, s14, s0, $0xb8;
	[tilespmem:$0x19400] =	vst v63  }
0x60: {  	_ =	swait.ge [sflag:s21], $0xC800  }
0x61: {  	[sflag:s21] =	ssyncset.done $0x0  }
0x62: {  	s24 =	sadd.s32 $0x1900, s24;
	s30 =	sadd.s32 $0xC80, s30;
	[sflag:s21] =	ssyncadd.s32 $0xFFFF3800  }
0x63: {  	[hbm4b:s30+s2] =	stream.linear.scatter [tilespmem:s18], [sflag:$0x3], $0x6400, $0x38;
	[tilespmem:$0x19400] =	vst v63  }
0x64: {  	p0 =	sne.s32 s24, $0x27100;
	_ =	swait.ge [sflag:s13], $0x6400  }
.Ltmp0:
0x65: {  	[sflag:s13] =	ssyncset.done $0x0;
	(pc) =	sbr.rel @p0 .LBB2_2-.Ltmp0, $4  }
0x66: {  	s31 =	sadd.s32 $0xC80, s31;
	[sflag:s13] =	ssyncadd.s32 $0xFFFF9C00  }
0x67: {  	[hbm4b:s31+s2] =	stream.linear.scatter [tilespmem:s22], [sflag:$0x3], $0x6400, $0x38;
	[tilespmem:$0x19400] =	vst v63  }
0x68: {  	_ =	swait.ge [sflag:s13], $0x6400  }
0x69: {  	s26 =	sadd.s32 $0x32, s26;
	s25 =	sadd.s32 $0x32, s25;
	[sflag:s13] =	ssyncset.done $0x0  }
0x6a: {  	s23 =	sadd.s32 $0x1, s23  }
0x6b: {  	p0 =	sne.s32 s23, s8  }
.Ltmp1:
0x6c: {  	_ = 	snop;
	(pc) =	sbr.rel @p0 .LBB2_1-.Ltmp1, $2  }
0x6d: {  	_ =	sdelay $0x2  }
0x6e: {  	[sflag:s13] =	ssyncadd.s32 $0xFFFF9C00  }
0x6f: {  	_ =	sfence.sel $0x180000  }
0x70: {  	[bflag:$0x0] =	sbarrier.arrive $0xFFFF  }
0x71: {  	_ =	strace $0x90000047  }
0x72: {  	s0 =	stileid.u32;
	[bflag:$0x2] =	sbarrier.arrive $0xFFFF  }
0x73: {  	p0 =	sne.s32 s0, $0x0;
	s0 =	rddreg [dreg:$0x1]  }
0x74: {  	s0 =	sadd.s32 @!p0 $0x100000, s0  }
0x75: {  	[sflag:s0] =	ssyncadd.tile.s32 @!p0 $0x1;
	_ =	shalt  }
.Lfunc_end2:
_tile_overlayer_lowered:
.L_overlay_start_2:
0x76: {  	(tag) =	ssettag $0x2  }
0x77: {  	s0 =	rddreg [dreg:$0x0];
	s2 =	stileid.u32  }
0x78: {  	s1 =	rddreg [dreg:$0x1];
	p0 =	sne.s32 s2, $0x0  }
0x79: {  	s3 =	rddreg [dreg:$0x2];
	[bflag:$0x3] =	sbarrier.arrive $0xFFFF;
	s2 =	simm.s32 @!p0 $0x1C03  }
0x7a: {  	[timem:s3], [sflag:s2] =	dma.local @!p0 [hbm:s0], s1  }
0x7b: {  	s0 =	simm.s32 @!p0 $0x3  }
0x7c: {  	_ =	swait.ge @!p0 [sflag:s0], s1  }
0x7d: {  	s1 =	ssub.s32 @!p0 $0x0, s1;
	[sflag:s0] =	ssyncset.done @!p0 $0x0  }
0x7e: {  	[sflag:s0] =	ssyncadd.s32 @!p0 s1  }
0x7f: {  	[bflag:$0x3] =	sbarrier.arrive $0xFFFF  }
0x80: {  	_ =	shalt  }

// kernel: kernel.19.cloned.1.call-start
scs
__scs_entry_jumppad:
0x0: {  	(pc) =	sbr.rel $0x88, $3  }
0x1: {  	(tag) =	ssettag $0x0;
	lr =	simm.s32 $0x1  }
0x2: {  	[smem:$0x3F71] =	sst lr;
	_ =	strace $0xD0000000  }
0x3: {  	_ = 	snop  }
0x4: {  	_ = 	snop  }
0x5: {  	_ = 	snop  }
0x6: {  	_ = 	snop  }
0x7: {  	_ = 	snop  }
__scs_overlays_trampoline_lowered:
0x8: {  	[smem:$0x3F80] =	sst s0  }
0x9: {  	[smem:$0x3F81] =	sst s1  }
0xa: {  	[smem:$0x3F82] =	sst s2  }
0xb: {  	[smem:$0x3F83] =	sst s3  }
0xc: {  	[smem:$0x3F84] =	sst s4  }
0xd: {  	[smem:$0x3F85] =	sst s5  }
0xe: {  	[smem:$0x3F86] =	sst s6  }
0xf: {  	[smem:$0x3F87] =	sst s7  }
0x10: {  	[smem:$0x3F88] =	sst s8  }
0x11: {  	[smem:$0x3F89] =	sst s9;
	s0 =	simm.s32 @!p0 $0x0  }
0x12: {  	s1 =	sld [smem:$0x3F6F];
	s0 =	simm.s32 @p0 $0x1  }
0x13: {  	[smem:$0x3F8A] =	sst s0;
	s0 =	simm.s32 @!p1 $0x0  }
0x14: {  	s2 =	sld [smem:$0x3F6E];
	s0 =	simm.s32 @p1 $0x1  }
0x15: {  	[smem:$0x3F8B] =	sst s0;
	s0 =	simm.s32 @!p2 $0x0  }
0x16: {  	s3 =	sld [smem:$0x3FDB];
	s0 =	simm.s32 @p2 $0x1  }
0x17: {  	s4 =	simm.s32 $0x1BF5;
	[smem:$0x3F8D] =	sst s0  }
0x18: {  	s0 =	sld [smem:$0x3F70];
	_ =	swait.ge [sflag:s4], $0x0  }
0x19: {  	s7 =	sld [smem:$0x3F71]  }
0x1a: {  	s8 =	sadd.s32 $0xFFFFE003, lr  }
0x1b: {  	s9 =	sadd.s32 $0xFFFFFEF7, lr;
	s5 =	simm.s32 $0xFFFFFFFF;
	p2 =	slt.u32 s8, $0xFFFFF086  }
0x1c: {  	p1 =	slt.u32 s9, $0xF7A;
	s5 =	simm.s32 @!p2 $0x0  }
0x1d: {  	s5 =	simm.s32 @p1 $0x1;
	p0 =	seq.s32 s7, s2  }
0x1e: {  	s7 =	smul.u32 @!p0 $0xF7A, s2;
	p2 =	seq.s32 @!p0 s5, $0x0  }
0x1f: {  	s9 =	smul.u32 $0xF7A, s1;
	s8 =	simm.s32 @!p0 $0x1BF5;
	p2 =	por !p2, p0  }
0x20: {  	[sflag:s8] =	ssyncset.s32 @!p0 $0xFFFFF086;
	s6 =	sadd.s32 @!p0 s3, s7;
	s7 =	simm.s32 @!p0 $0x108  }
0x21: {  	s3 =	sadd.s32 s3, s9;
	s6 =	sadd.s32 @!p0 $0x88, s6;
	s7 =	simm.s32 @p2 $0x1082  }
0x22: {  	[simem:s7], [sflag:s8] =	dma.local @!p0 [hbm:s6], $0xF7A  }
0x23: {  	s9 =	sor.u32 $0xD0000000, s2;
	s6 =	simm.s32 $0x108;
	_ =	swait.ge @!p0 [sflag:s8], $0x0  }
0x24: {  	s3 =	sadd.s32 $0x88, s3;
	s6 =	simm.s32 @!p1 $0x1082;
	[sflag:s4] =	ssyncset.s32 $0xFFFFF086  }
0x25: {  	[simem:s6], [sflag:s4] =	dma.local [hbm:s3], $0xF7A  }
0x26: {  	[smem:$0x3F71] =	sst s1;
	(tag) =	ssettag s2;
	_ =	strace s9  }
0x27: {  	s1 =	sld [smem:$0x3F81]  }
0x28: {  	s2 =	sld [smem:$0x3F82]  }
0x29: {  	s4 =	sld [smem:$0x3F84]  }
0x2a: {  	p0 =	seq.s32 s5, $0x0;
	s5 =	sld [smem:$0x3F85]  }
0x2b: {  	s6 =	sld [smem:$0x3F86]  }
0x2c: {  	s7 =	sld [smem:$0x3F87]  }
0x2d: {  	s3 =	simm.s32 $0x108;
	s8 =	sld [smem:$0x3F88]  }
0x2e: {  	s3 =	simm.s32 @!p0 $0x1082;
	s9 =	sld [smem:$0x3F89]  }
0x2f: {  	lr =	sadd.s32 s0, s3;
	s0 =	sld [smem:$0x3F80]  }
0x30: {  	s3 =	sld [smem:$0x3F83]  }
0x31: {  	[smem:$0x3F8C] =	sst s10  }
0x32: {  	s10 =	sld [smem:$0x3F8A];
	_ =	sdelay $0x3  }
0x33: {  	p0 =	seq.s32 s10, $0x1;
	s10 =	sld [smem:$0x3F8C];
	_ =	sdelay $0x3  }
0x34: {  	[smem:$0x3F8C] =	sst s10  }
0x35: {  	s10 =	sld [smem:$0x3F8B];
	_ =	sdelay $0x3  }
0x36: {  	p1 =	seq.s32 s10, $0x1;
	s10 =	sld [smem:$0x3F8C];
	_ =	sdelay $0x3  }
0x37: {  	[smem:$0x3F8C] =	sst s10  }
0x38: {  	s10 =	sld [smem:$0x3F8D]  }
0x39: {  	_ = 	snop;
	(pc) =	sbr.ind lr, $3  }
0x3a: {  	_ = 	snop  }
0x3b: {  	_ = 	snop  }
0x3c: {  	p2 =	seq.s32 s10, $0x1;
	s10 =	sld [smem:$0x3F8C]  }
0x3d: {  	_ =	shalt  }
0x3e: {  	_ =	shalt  }
0x3f: {  	_ =	shalt  }
0x40: {  	_ =	shalt  }
0x41: {  	_ =	shalt  }
0x42: {  	_ =	shalt  }
0x43: {  	_ =	shalt  }
0x44: {  	_ =	shalt  }
0x45: {  	_ =	shalt  }
0x46: {  	_ =	shalt  }
0x47: {  	_ =	shalt  }
0x48: {  	_ =	shalt  }
0x49: {  	_ =	shalt  }
0x4a: {  	_ =	shalt  }
0x4b: {  	_ =	shalt  }
0x4c: {  	_ =	shalt  }
0x4d: {  	_ =	shalt  }
0x4e: {  	_ =	shalt  }
0x4f: {  	_ =	shalt  }
0x50: {  	_ =	shalt  }
0x51: {  	_ =	shalt  }
0x52: {  	_ =	shalt  }
0x53: {  	_ =	shalt  }
0x54: {  	_ =	shalt  }
0x55: {  	_ =	shalt  }
0x56: {  	_ =	shalt  }
0x57: {  	_ =	shalt  }
0x58: {  	_ =	shalt  }
0x59: {  	_ =	shalt  }
0x5a: {  	_ =	shalt  }
0x5b: {  	_ =	shalt  }
0x5c: {  	_ =	shalt  }
0x5d: {  	_ =	shalt  }
0x5e: {  	_ =	shalt  }
0x5f: {  	_ =	shalt  }
0x60: {  	_ =	shalt  }
0x61: {  	_ =	shalt  }
0x62: {  	_ =	shalt  }
0x63: {  	_ =	shalt  }
0x64: {  	_ =	shalt  }
0x65: {  	_ =	shalt  }
0x66: {  	_ =	shalt  }
0x67: {  	_ =	shalt  }
0x68: {  	_ =	shalt  }
0x69: {  	_ =	shalt  }
0x6a: {  	_ =	shalt  }
0x6b: {  	_ =	shalt  }
0x6c: {  	_ =	shalt  }
0x6d: {  	_ =	shalt  }
0x6e: {  	_ =	shalt  }
0x6f: {  	_ =	shalt  }
0x70: {  	_ =	shalt  }
0x71: {  	_ =	shalt  }
0x72: {  	_ =	shalt  }
0x73: {  	_ =	shalt  }
0x74: {  	_ =	shalt  }
0x75: {  	_ =	shalt  }
0x76: {  	_ =	shalt  }
0x77: {  	_ =	shalt  }
0x78: {  	_ =	shalt  }
0x79: {  	_ =	shalt  }
0x7a: {  	_ =	shalt  }
0x7b: {  	_ =	shalt  }
0x7c: {  	_ =	shalt  }
0x7d: {  	_ =	shalt  }
0x7e: {  	_ =	shalt  }
0x7f: {  	_ =	shalt  }
0x80: {  	_ =	shalt  }
0x81: {  	_ =	shalt  }
0x82: {  	_ =	shalt  }
0x83: {  	_ =	shalt  }
0x84: {  	_ =	shalt  }
0x85: {  	_ =	shalt  }
0x86: {  	_ =	shalt  }
0x87: {  	_ =	shalt  }
.Lfunc_end0:
.L_simem_size_0:
called_computation.1_lowered:
.L_overlay_start_0:
0x88: {  	s2 =	sld [smem:$0x3FD9]  }
0x89: {  	s3 =	sld [smem:$0x3FFE];
	_ =	sdelay $0x1  }
0x8a: {  	s1 =	srdreg.scid  }
0x8b: {  	s0 =	sand.u32 $0x1, s1  }
0x8c: {  	s16 =	sshll.u32 s0, $0xA;
	s2 =	sadd.s32 s3, s2  }
0x8d: {  	s2 =	sadd.s32 s2, s16  }
0x8e: {  	[smem:$0x3F98] =	sst s2  }
0x8f: {  	_ = 	snop  }
0x90: {  	(tm) =	ssettm $0x1  }
0x91: {  	s17 =	sld [smem:$0x3FFB];
	_ =	sdelay $0x3  }
0x92: {  	_ =	strace s17  }
0x93: {  	s2 =	sld [smem:$0x3FFC];
	_ =	sdelay $0x3  }
0x94: {  	_ =	strace s2  }
0x95: {  	s2 =	sld [smem:$0x3FFD];
	_ =	sdelay $0x3  }
0x96: {  	_ =	strace s2  }
0x97: {  	_ =	strace $0x8FFFFFFF  }
0x98: {  	s18 =	sld [smem:$0x3FDB];
	_ =	sdelay $0x1  }
0x99: {  	s19 =	simm.s32 $_scs_section_size  }
0x9a: {  	s4 =	simm.s32 $_size__tile_overlayer_lowered;
	s5 =	simm.s32 $_tile_overlayer_lowered  }
0x9b: {  	s22 =	simm.s32 $0x1BFF;
	s21 =	sshll.u32 s5, $0x1;
	s2 =	sadd.s32 s19, s18  }
0x9c: {  	s6 =	simm.s32 $0x0;
	s20 =	sshll.u32 s4, $0x1;
	s4 =	sadd.s32 s21, s2  }
0x9d: {  	[timem:s6], [sflag:s22] =	dma.local [hbm:s4], s20  }
0x9e: {  	_ =	swait.ge [sflag:s22], s20  }
0x9f: {  	s3 =	ssub.s32 $0x0, s20;
	[sflag:s22] =	ssyncset.done $0x0  }
0xa0: {  	[sflag:s22] =	ssyncadd.s32 s3;
	_ =	sdelay $0x1  }
0xa1: {  	s23 =	simm.s32 $0x1B8B  }
0xa2: {  	_ =	swait.ge [sflag:s23], $0x1  }
0xa3: {  	[sflag:s23] =	ssyncset.done $0x0  }
0xa4: {  	s25 =	simm.s32 $0x1B8E;
	s24 =	sld [smem:$0x3FFE];
	[sflag:s23] =	ssyncadd.s32 $0xFFFFFFFF  }
0xa5: {  	s26 =	simm.s32 $execute0_lowered;
	[smem:$0x3FD2] =	sst s25  }
0xa6: {  	s4 =	sshll.u32 s26, $0x1;
	_ =	strace $0x80000049;
	[dreg:$0x1] =	wrdreg $0xFFFFFFFF  }
0xa7: {  	s28 =	simm.s32 $_size_execute0_lowered;
	s2 =	sadd.s32 s2, s4;
	[dreg:$0x0] =	wrdreg $0x0  }
0xa8: {  	s4 =	sshll.u32 s28, $0x1;
	[dreg:$0x2] =	wrdreg s2  }
0xa9: {  	[dreg:$0x3] =	wrdreg s4  }
0xaa: {  	[dreg:$0x4] =	wrdreg $0xC0  }
0xab: {  	_ =	task [dreg:s6], $0x5FFFF  }
0xac: {  	[dreg:$0x1] =	wrdreg $0xFFFFFFFF  }
0xad: {  	[dreg:$0x0] =	wrdreg $0x60  }
0xae: {  	[dreg:$0x2] =	wrdreg s24  }
0xaf: {  	[dreg:$0x3] =	wrdreg $0x0  }
0xb0: {  	[dreg:$0x4] =	wrdreg $0x9  }
0xb1: {  	_ =	task.clear_ibuf [dreg:s6], $0x5FFFF;
	_ =	strace $0x90000049  }
0xb2: {  	s29 =	simm.s32 $0x9;
	_ =	strace $0x8000004B  }
0xb3: {  	_ =	swait.ge [sflag:s29], $0x1  }
0xb4: {  	[sflag:s29] =	ssyncadd.s32 $0xFFFFFFFF  }
0xb5: {  	_ =	strace $0x9000004B  }
0xb6: {  	_ =	sfence  }
0xb7: {  	s30 =	sld [smem:$0x0];
	_ =	sdelay $0x2  }
0xb8: {  	s31 =	sshll.u32 s1, $0xD;
	s1 =	sshrl.u32 s1, $0x2  }
0xb9: {  	s3 =	sand.u32 $0x4000, s31;
	s1 =	sadd.s32 s1, s30  }
0xba: {  	s0 =	sor.u32 s3, s0;
	s1 =	sshll.u32 s1, $0x11  }
0xbb: {  	s0 =	sor.u32 s1, s0  }
0xbc: {  	s0 =	sadd.s32 $0x8F2B, s0  }
0xbd: {  	[sflag:s0] =	ssyncadd.remote.s32 $0x1  }
0xbe: {  	_ =	sfence.sel $0xFFFF  }
0xbf: {  	[dreg:$0x0] =	wrdreg $0xFFFFFFFF;
	(pc) =	sbr.abs _section_cstart, $3  }
0xc0: {  	[dreg:$0x1] =	wrdreg $0xFFFFFFFF  }
0xc1: {  	_ =	task.clear_ibuf [dreg:s6], $0x2FFFF;
	_ =	strace $0x9FFFFFFF  }
0xc2: {  	(tm) =	ssettm $0x7FFFFFFF  }
0xc3: {  	_ =	shalt  }
tec
execute0_lowered:
.L_overlay_start_1:
0x0: {  	(tag) =	ssettag $0x1  }
0x1: {  	s0 =	rddreg [dreg:$0x0];
	s11 =	stileid.u32  }
0x2: {  	s1 =	srdreg.scid;
	s5 =	smul.u32 $0x14000, s11  }
0x3: {  	s2 =	rddreg [dreg:$0x1];
	s3 =	simm.s32 $0x0;
	s8 =	smul.u32 $0x2710, s11  }
0x4: {  	s29 =	simm.s32 $0x15400;
	s1 =	sand.u32 $0x1, s1;
	s25 =	smul.u32 $0x50000, s11  }
0x5: {  	s30 =	simm.s32 $0x15500;
	[smem:$0x7FF] =	sst s3;
	s4 =	smul.u32 $0x140000, s1  }
0x6: {  	s6 =	sadd.s32 $0xEEAE00, s0;
	s23 =	smul.u32 $0x27100, s1;
	s24 =	ssub.s32 $0x2, s1  }
0x7: {  	_ =	strace $0x8000004A;
	s9 =	sshrl.u32 s24, $0x1;
	s4 =	sadd.s32 s5, s4  }
0x8: {  	s5 =	sadd.s32 s8, s23;
	s8 =	sshrl.u32 s25, $0x2;
	s7 =	sshrl.u32 s4, $0x3  }
0x9: {  	s4 =	sadd.s32 $0x13E00, s0;
	s26 =	sshrl.u32 s5, $0x3;
	s10 =	sshll.u32 s5, $0x4  }
0xa: {  	s0 =	sadd.s32 s7, s0;
	s7 =	ssub.s32 s24, s9;
	s9 =	sadd.s32 s4, s26  }
0xb: {  	s8 =	sadd.s32 s8, s2;
	s12 =	sadd.s32 s6, s10;
	[dreg:$0x3] =	wrdreg s9  }
0xc: {  	s31 =	simm.s32 $0x14000;
	s14 =	sadd.s32 $0x1400, s8;
	[dreg:$0x4] =	wrdreg s12  }
0xd: {  	s22 =	smul.u32 $0x271000, s1;
	s15 =	sadd.s32 $0x2800, s8;
	[dreg:$0x7] =	wrdreg s14  }
0xe: {  	s1 =	simm.s32 $0x15480;
	s16 =	sadd.s32 $0x3C00, s8;
	[dreg:$0x8] =	wrdreg s15  }
0xf: {  	s25 =	sadd.s32 $0x50, s5;
	s17 =	sadd.s32 $0x5000, s8;
	[dreg:$0x9] =	wrdreg s16  }
0x10: {  	s18 =	sadd.s32 $0x6400, s8;
	s19 =	sadd.s32 $0x7800, s8;
	[dreg:$0xa] =	wrdreg s17  }
0x11: {  	s20 =	sadd.s32 $0x8C00, s8;
	s21 =	sadd.s32 $0xA000, s8;
	[dreg:$0xb] =	wrdreg s18  }
0x12: {  	s23 =	sadd.s32 $0xB400, s8;
	s24 =	smul.u32 $0x27100, s11;
	[dreg:$0xc] =	wrdreg s19  }
0x13: {  	s26 =	sshrl.u32 s25, $0x3;
	s28 =	sadd.s32 $0x12C00, s8;
	[dreg:$0xd] =	wrdreg s20  }
0x14: {  	s10 =	simm.s32 $0x4;
	s11 =	simm.s32 $0x2;
	[dreg:$0xe] =	wrdreg s21  }
0x15: {  	s0 =	sadd.s32 $0x44E00, s0;
	s13 =	smax.u32 s7, $0x1;
	[dreg:$0xf] =	wrdreg s23  }
0x16: {  	s19 =	sadd.s32 $0xC800, s8;
	s20 =	sadd.s32 $0xDC00, s8;
	s21 =	sadd.s32 $0xF000, s8  }
0x17: {  	s25 =	sadd.s32 s26, s4;
	s26 =	sadd.s32 $0x11800, s8;
	s7 =	simm.s32 $0x1  }
0x18: {  	s9 =	simm.s32 $0x50;
	s12 =	simm.s32 $0x0;
	[dreg:$0x5] =	wrdreg s0  }
0x19: {  	[dreg:$0x6] =	wrdreg s13;
	s0 =	sadd.s32 s22, s6;
	s22 =	sadd.s32 $0x10400, s8  }
0x1a: {  	s6 =	simm.s32 $0x3;
	s0 =	sadd.s32 s24, s0;
	s24 =	sadd.s32 $0xA0, s5  }
0x1b: {  	v0 =	vimm.f32 $0.0e+00;
	s5 =	simm.s32 $0x17D00;
	s23 =	sadd.s32 $0xA00, s0;
	s0 =	simm.s32 $0x5  }
.LBB2_1:
0x1c: {  	s13 =	rddreg [dreg:$0x3]  }
0x1d: {  	[tilespmem:s29], [sflag:$0x3] =	stream.linear.gather [hbm4b:s13+s3], $0x50, $0x38;
	[tilespmem:$0x1A500] =	vst v63  }
0x1e: {  	s18 =	rddreg [dreg:$0x4];
	s14 =	simm.s32 $0x3C0;
	s13 =	simm.s32 $0x70  }
0x1f: {  	[tilespmem:s30], [sflag:$0x1] =	stream.linear.gather [hbm4b:s18+s3], $0x2800, $0x38;
	[tilespmem:$0x1A500] =	vst v63  }
.LBB2_2:
0x20: {  	p0 =	sne.s32 s14, $0x4FC0;
	[tilespmem:s13+$0x14000] =	vst v0  }
0x21: {  	[tilespmem:s13+$0x13F90] =	vst v0  }
0x22: {  	[tilespmem:s13+$0x13FA0] =	vst v0  }
.Ltmp0:
0x23: {  	[tilespmem:s13+$0x13FB0] =	vst v0;
	(pc) =	sbr.rel @p0 .LBB2_2-.Ltmp0, $4  }
0x24: {  	[tilespmem:s13+$0x13FC0] =	vst v0  }
0x25: {  	[tilespmem:s13+$0x13FD0] =	vst v0  }
0x26: {  	[tilespmem:s13+$0x13FE0] =	vst v0  }
0x27: {  	[tilespmem:s13+$0x13FF0] =	vst v0;
	s13 =	sshra.s32 s14, $0x2;
	s14 =	sadd.s32 $0x200, s14  }
0x28: {  	[tilespmem:s13+$0x14000] =	vst v0  }
0x29: {  	[tilespmem:s13+$0x13F90] =	vst v0  }
0x2a: {  	[tilespmem:s13+$0x13FA0] =	vst v0  }
0x2b: {  	[tilespmem:s13+$0x13FB0] =	vst v0  }
0x2c: {  	[tilespmem:s13+$0x13FC0] =	vst v0  }
0x2d: {  	[tilespmem:s13+$0x13FD0] =	vst v0  }
0x2e: {  	[tilespmem:s13+$0x13FE0] =	vst v0  }
0x2f: {  	[tilespmem:s13+$0x13FF0] =	vst v0  }
0x30: {  	[spmem:s8] =	stream.linear.scatter [tilespmem:s31], [sflag:$0x5], $0x1400, $0x38;
	[tilespmem:$0x1A500] =	vst v63  }
0x31: {  	_ =	swait.ge [sflag:s0], $0x1400  }
0x32: {  	[sflag:s0] =	ssyncset.done $0x0  }
0x33: {  	s17 =	rddreg [dreg:$0x7];
	[sflag:s0] =	ssyncadd.s32 $0xFFFFEC00  }
0x34: {  	[spmem:s17] =	stream.linear.scatter [tilespmem:s31], [sflag:$0x5], $0x1400, $0x38;
	[tilespmem:$0x1A500] =	vst v63  }
0x35: {  	_ =	swait.ge [sflag:s0], $0x1400  }
0x36: {  	[sflag:s0] =	ssyncset.done $0x0  }
0x37: {  	s18 =	rddreg [dreg:$0x8];
	[sflag:s0] =	ssyncadd.s32 $0xFFFFEC00  }
0x38: {  	[spmem:s18] =	stream.linear.scatter [tilespmem:s31], [sflag:$0x5], $0x1400, $0x38;
	[tilespmem:$0x1A500] =	vst v63  }
0x39: {  	_ =	swait.ge [sflag:s0], $0x1400  }
0x3a: {  	[sflag:s0] =	ssyncset.done $0x0  }
0x3b: {  	s14 =	rddreg [dreg:$0x9];
	[sflag:s0] =	ssyncadd.s32 $0xFFFFEC00  }
0x3c: {  	[spmem:s14] =	stream.linear.scatter [tilespmem:s31], [sflag:$0x5], $0x1400, $0x38;
	[tilespmem:$0x1A500] =	vst v63  }
0x3d: {  	_ =	swait.ge [sflag:s0], $0x1400  }
0x3e: {  	[sflag:s0] =	ssyncset.done $0x0  }
0x3f: {  	s15 =	rddreg [dreg:$0xa];
	[sflag:s0] =	ssyncadd.s32 $0xFFFFEC00  }
0x40: {  	[spmem:s15] =	stream.linear.scatter [tilespmem:s31], [sflag:$0x5], $0x1400, $0x38;
	[tilespmem:$0x1A500] =	vst v63  }
0x41: {  	_ =	swait.ge [sflag:s0], $0x1400  }
0x42: {  	[sflag:s0] =	ssyncset.done $0x0  }
0x43: {  	s16 =	rddreg [dreg:$0xb];
	[sflag:s0] =	ssyncadd.s32 $0xFFFFEC00  }
0x44: {  	[spmem:s16] =	stream.linear.scatter [tilespmem:s31], [sflag:$0x5], $0x1400, $0x38;
	[tilespmem:$0x1A500] =	vst v63  }
0x45: {  	_ =	swait.ge [sflag:s0], $0x1400  }
0x46: {  	[sflag:s0] =	ssyncset.done $0x0  }
0x47: {  	s17 =	rddreg [dreg:$0xc];
	[sflag:s0] =	ssyncadd.s32 $0xFFFFEC00  }
0x48: {  	[spmem:s17] =	stream.linear.scatter [tilespmem:s31], [sflag:$0x5], $0x1400, $0x38;
	[tilespmem:$0x1A500] =	vst v63  }
0x49: {  	_ =	swait.ge [sflag:s0], $0x1400  }
0x4a: {  	[sflag:s0] =	ssyncset.done $0x0  }
0x4b: {  	s18 =	rddreg [dreg:$0xd];
	[sflag:s0] =	ssyncadd.s32 $0xFFFFEC00  }
0x4c: {  	[spmem:s18] =	stream.linear.scatter [tilespmem:s31], [sflag:$0x5], $0x1400, $0x38;
	[tilespmem:$0x1A500] =	vst v63  }
0x4d: {  	_ =	swait.ge [sflag:s0], $0x1400  }
0x4e: {  	[sflag:s0] =	ssyncset.done $0x0  }
0x4f: {  	s14 =	rddreg [dreg:$0xe];
	[sflag:s0] =	ssyncadd.s32 $0xFFFFEC00  }
0x50: {  	[spmem:s14] =	stream.linear.scatter [tilespmem:s31], [sflag:$0x5], $0x1400, $0x38;
	[tilespmem:$0x1A500] =	vst v63  }
0x51: {  	_ =	swait.ge [sflag:s0], $0x1400  }
0x52: {  	[sflag:s0] =	ssyncset.done $0x0  }
0x53: {  	s15 =	rddreg [dreg:$0xf];
	[sflag:s0] =	ssyncadd.s32 $0xFFFFEC00  }
0x54: {  	[spmem:s15] =	stream.linear.scatter [tilespmem:s31], [sflag:$0x5], $0x1400, $0x38;
	[tilespmem:$0x1A500] =	vst v63  }
0x55: {  	_ =	swait.ge [sflag:s0], $0x1400  }
0x56: {  	[sflag:s0] =	ssyncset.done $0x0  }
0x57: {  	[sflag:s0] =	ssyncadd.s32 $0xFFFFEC00  }
0x58: {  	[spmem:s19] =	stream.linear.scatter [tilespmem:s31], [sflag:$0x5], $0x1400, $0x38;
	[tilespmem:$0x1A500] =	vst v63  }
0x59: {  	_ =	swait.ge [sflag:s0], $0x1400  }
0x5a: {  	[sflag:s0] =	ssyncset.done $0x0  }
0x5b: {  	[sflag:s0] =	ssyncadd.s32 $0xFFFFEC00  }
0x5c: {  	[spmem:s20] =	stream.linear.scatter [tilespmem:s31], [sflag:$0x5], $0x1400, $0x38;
	[tilespmem:$0x1A500] =	vst v63  }
0x5d: {  	_ =	swait.ge [sflag:s0], $0x1400  }
0x5e: {  	[sflag:s0] =	ssyncset.done $0x0  }
0x5f: {  	[sflag:s0] =	ssyncadd.s32 $0xFFFFEC00  }
0x60: {  	[spmem:s21] =	stream.linear.scatter [tilespmem:s31], [sflag:$0x5], $0x1400, $0x38;
	[tilespmem:$0x1A500] =	vst v63  }
0x61: {  	_ =	swait.ge [sflag:s0], $0x1400  }
0x62: {  	[sflag:s0] =	ssyncset.done $0x0  }
0x63: {  	[sflag:s0] =	ssyncadd.s32 $0xFFFFEC00  }
0x64: {  	[spmem:s22] =	stream.linear.scatter [tilespmem:s31], [sflag:$0x5], $0x1400, $0x38;
	[tilespmem:$0x1A500] =	vst v63  }
0x65: {  	_ =	swait.ge [sflag:s0], $0x1400  }
0x66: {  	[sflag:s0] =	ssyncset.done $0x0  }
0x67: {  	[sflag:s0] =	ssyncadd.s32 $0xFFFFEC00  }
0x68: {  	[spmem:s26] =	stream.linear.scatter [tilespmem:s31], [sflag:$0x5], $0x1400, $0x38;
	[tilespmem:$0x1A500] =	vst v63  }
0x69: {  	_ =	swait.ge [sflag:s0], $0x1400  }
0x6a: {  	[sflag:s0] =	ssyncset.done $0x0  }
0x6b: {  	[sflag:s0] =	ssyncadd.s32 $0xFFFFEC00  }
0x6c: {  	[spmem:s28] =	stream.linear.scatter [tilespmem:s31], [sflag:$0x5], $0x1400, $0x38;
	[tilespmem:$0x1A500] =	vst v63  }
0x6d: {  	_ =	swait.ge [sflag:s0], $0x1400  }
0x6e: {  	[sflag:s0] =	ssyncset.done $0x0  }
0x6f: {  	[sflag:s0] =	ssyncadd.s32 $0xFFFFEC00  }
0x70: {  	s16 =	sadd.s32 $0x0, s25;
	[bflag:$0x0] =	sbarrier.arrive $0xFFFF  }
0x71: {  	[tilespmem:s1], [sflag:$0x4] =	stream.linear.gather [hbm4b:s16+s3], $0x50, $0x38;
	[tilespmem:$0x1A500] =	vst v63  }
0x72: {  	s17 =	sadd.s32 $0xFFFFFB00, s23  }
0x73: {  	[tilespmem:s5], [sflag:$0x2] =	stream.linear.gather [hbm4b:s17+s3], $0x2800, $0x38;
	[tilespmem:$0x1A500] =	vst v63  }
0x74: {  	_ =	swait.ge [sflag:s6], $0x50  }
0x75: {  	[sflag:s6] =	ssyncset.done $0x0  }
0x76: {  	[sflag:s6] =	ssyncadd.s32 $0xFFFFFFB0  }
0x77: {  	_ =	swait.ge [sflag:s7], $0x2800  }
0x78: {  	[sflag:s7] =	ssyncset.done $0x0  }
0x79: {  	[sflag:s7] =	ssyncadd.s32 $0xFFFFD800  }
0x7a: {  	[spmem:s2] =	stream.indirect.scatter.add.f32 [tilespmem:s30], [sflag:$0x5], $0x80, s29, s9, $0xb8;
	[tilespmem:$0x1A500] =	vst v63  }
0x7b: {  	_ =	swait.ge [sflag:s0], $0x2800  }
0x7c: {  	s18 =	sshrl.u32 s24, $0x3;
	[sflag:s0] =	ssyncset.done $0x0  }
0x7d: {  	s13 =	sadd.s32 s4, s18;
	[sflag:s0] =	ssyncadd.s32 $0xFFFFD800  }
0x7e: {  	[tilespmem:s29], [sflag:$0x3] =	stream.linear.gather [hbm4b:s13+s3], $0x50, $0x38;
	[tilespmem:$0x1A500] =	vst v63  }
0x7f: {  	_ = 	snop  }
0x80: {  	[tilespmem:s30], [sflag:$0x1] =	stream.linear.gather [hbm4b:s23+s3], $0x2800, $0x38;
	[tilespmem:$0x1A500] =	vst v63  }
0x81: {  	_ =	swait.ge [sflag:s10], $0x50  }
0x82: {  	[sflag:s10] =	ssyncset.done $0x0  }
0x83: {  	[sflag:s10] =	ssyncadd.s32 $0xFFFFFFB0  }
0x84: {  	_ =	swait.ge [sflag:s11], $0x2800  }
0x85: {  	[sflag:s11] =	ssyncset.done $0x0  }
0x86: {  	[sflag:s11] =	ssyncadd.s32 $0xFFFFD800  }
0x87: {  	[spmem:s2] =	stream.indirect.scatter.add.f32 [tilespmem:s5], [sflag:$0x5], $0x80, s1, s9, $0xb8;
	[tilespmem:$0x1A500] =	vst v63  }
0x88: {  	s14 =	sadd.s32 $0xA0, s24;
	s15 =	simm.s32 $0x14;
	_ =	swait.ge [sflag:s0], $0x2800  }
0x89: {  	s16 =	simm.s32 $0x28;
	s13 =	sadd.s32 $0xA00, s23;
	[sflag:s0] =	ssyncset.done $0x0  }
.LBB2_4:
0x8a: {  	s17 =	sadd.s32 s15, s25  }
0x8b: {  	[sflag:s0] =	ssyncadd.s32 $0xFFFFD800;
	s15 =	smov.u32 s16;
	s18 =	sadd.s32 $0x14, s16  }
0x8c: {  	[tilespmem:s1], [sflag:$0x4] =	stream.linear.gather [hbm4b:s17+s3], $0x50, $0x38;
	[tilespmem:$0x1A500] =	vst v63  }
0x8d: {  	p0 =	sne.s32 s16, $0x4C4;
	s16 =	sadd.s32 $0xFFFFFB00, s13  }
0x8e: {  	[tilespmem:s5], [sflag:$0x2] =	stream.linear.gather [hbm4b:s16+s3], $0x2800, $0x38;
	[tilespmem:$0x1A500] =	vst v63  }
0x8f: {  	_ =	swait.ge [sflag:s6], $0x50  }
0x90: {  	[sflag:s6] =	ssyncset.done $0x0  }
0x91: {  	[sflag:s6] =	ssyncadd.s32 $0xFFFFFFB0  }
0x92: {  	_ =	swait.ge [sflag:s7], $0x2800  }
0x93: {  	[sflag:s7] =	ssyncset.done $0x0  }
0x94: {  	[sflag:s7] =	ssyncadd.s32 $0xFFFFD800  }
0x95: {  	[spmem:s2] =	stream.indirect.scatter.add.f32 [tilespmem:s30], [sflag:$0x5], $0x80, s29, s9, $0xb8;
	[tilespmem:$0x1A500] =	vst v63  }
0x96: {  	_ =	swait.ge [sflag:s0], $0x2800  }
0x97: {  	s16 =	sshrl.u32 s14, $0x3;
	[sflag:s0] =	ssyncset.done $0x0  }
0x98: {  	s16 =	sadd.s32 s4, s16;
	[sflag:s0] =	ssyncadd.s32 $0xFFFFD800  }
0x99: {  	[tilespmem:s29], [sflag:$0x3] =	stream.linear.gather [hbm4b:s16+s3], $0x50, $0x38;
	[tilespmem:$0x1A500] =	vst v63  }
0x9a: {  	_ = 	snop  }
0x9b: {  	[tilespmem:s30], [sflag:$0x1] =	stream.linear.gather [hbm4b:s13+s3], $0x2800, $0x38;
	[tilespmem:$0x1A500] =	vst v63  }
0x9c: {  	_ =	swait.ge [sflag:s10], $0x50  }
0x9d: {  	[sflag:s10] =	ssyncset.done $0x0  }
0x9e: {  	[sflag:s10] =	ssyncadd.s32 $0xFFFFFFB0  }
0x9f: {  	_ =	swait.ge [sflag:s11], $0x2800  }
.Ltmp1:
0xa0: {  	[sflag:s11] =	ssyncset.done $0x0;
	(pc) =	sbr.rel @p0 .LBB2_4-.Ltmp1, $4  }
0xa1: {  	[sflag:s11] =	ssyncadd.s32 $0xFFFFD800  }
0xa2: {  	[spmem:s2] =	stream.indirect.scatter.add.f32 [tilespmem:s5], [sflag:$0x5], $0x80, s1, s9, $0xb8;
	[tilespmem:$0x1A500] =	vst v63  }
0xa3: {  	s14 =	sadd.s32 $0xA0, s14;
	_ =	swait.ge [sflag:s0], $0x2800  }
0xa4: {  	s16 =	smov.u32 s18;
	s13 =	sadd.s32 $0xA00, s13;
	[sflag:s0] =	ssyncset.done $0x0  }
0xa5: {  	s15 =	sadd.s32 s15, s25;
	[sflag:s0] =	ssyncadd.s32 $0xFFFFD800  }
0xa6: {  	[tilespmem:s1], [sflag:$0x4] =	stream.linear.gather [hbm4b:s15+s3], $0x50, $0x38;
	[tilespmem:$0x1A500] =	vst v63  }
0xa7: {  	s18 =	sadd.s32 $0xFFFFFB00, s13  }
0xa8: {  	[tilespmem:s5], [sflag:$0x2] =	stream.linear.gather [hbm4b:s18+s3], $0x2800, $0x38;
	[tilespmem:$0x1A500] =	vst v63  }
0xa9: {  	_ =	swait.ge [sflag:s6], $0x50  }
0xaa: {  	[sflag:s6] =	ssyncset.done $0x0  }
0xab: {  	[sflag:s6] =	ssyncadd.s32 $0xFFFFFFB0  }
0xac: {  	_ =	swait.ge [sflag:s7], $0x2800  }
0xad: {  	[sflag:s7] =	ssyncset.done $0x0  }
0xae: {  	[sflag:s7] =	ssyncadd.s32 $0xFFFFD800  }
0xaf: {  	[spmem:s2] =	stream.indirect.scatter.add.f32 [tilespmem:s30], [sflag:$0x5], $0x80, s29, s9, $0xb8;
	[tilespmem:$0x1A500] =	vst v63  }
0xb0: {  	_ =	swait.ge [sflag:s0], $0x2800  }
0xb1: {  	s14 =	sshrl.u32 s14, $0x3;
	[sflag:s0] =	ssyncset.done $0x0  }
0xb2: {  	s14 =	sadd.s32 s4, s14;
	[sflag:s0] =	ssyncadd.s32 $0xFFFFD800  }
0xb3: {  	[tilespmem:s29], [sflag:$0x3] =	stream.linear.gather [hbm4b:s14+s3], $0x50, $0x38;
	[tilespmem:$0x1A500] =	vst v63  }
0xb4: {  	_ = 	snop  }
0xb5: {  	[tilespmem:s30], [sflag:$0x1] =	stream.linear.gather [hbm4b:s13+s3], $0x2800, $0x38;
	[tilespmem:$0x1A500] =	vst v63  }
0xb6: {  	_ =	swait.ge [sflag:s10], $0x50  }
0xb7: {  	[sflag:s10] =	ssyncset.done $0x0  }
0xb8: {  	[sflag:s10] =	ssyncadd.s32 $0xFFFFFFB0  }
0xb9: {  	_ =	swait.ge [sflag:s11], $0x2800  }
0xba: {  	[sflag:s11] =	ssyncset.done $0x0  }
0xbb: {  	[sflag:s11] =	ssyncadd.s32 $0xFFFFD800  }
0xbc: {  	[spmem:s2] =	stream.indirect.scatter.add.f32 [tilespmem:s5], [sflag:$0x5], $0x80, s1, s9, $0xb8;
	[tilespmem:$0x1A500] =	vst v63  }
0xbd: {  	_ =	swait.ge [sflag:s0], $0x2800  }
0xbe: {  	[sflag:s0] =	ssyncset.done $0x0  }
0xbf: {  	[sflag:s0] =	ssyncadd.s32 $0xFFFFD800  }
0xc0: {  	_ =	swait.ge [sflag:s6], $0x50  }
0xc1: {  	[sflag:s6] =	ssyncset.done $0x0  }
0xc2: {  	[sflag:s6] =	ssyncadd.s32 $0xFFFFFFB0  }
0xc3: {  	_ =	swait.ge [sflag:s7], $0x2800  }
0xc4: {  	[sflag:s7] =	ssyncset.done $0x0  }
0xc5: {  	[sflag:s7] =	ssyncadd.s32 $0xFFFFD800  }
0xc6: {  	[spmem:s2] =	stream.indirect.scatter.add.f32 [tilespmem:s30], [sflag:$0x5], $0x80, s29, s9, $0xb8;
	[tilespmem:$0x1A500] =	vst v63  }
0xc7: {  	_ =	swait.ge [sflag:s0], $0x2800  }
0xc8: {  	[sflag:s0] =	ssyncset.done $0x0  }
0xc9: {  	s15 =	stileid.u32;
	[sflag:s0] =	ssyncadd.s32 $0xFFFFD800  }
0xca: {  	s13 =	sshll.u32 s15, $0x6;
	[bflag:$0x0] =	sbarrier.arrive $0xFFFF  }
0xcb: {  	s16 =	sshrl.u32 s8, $0x3;
	s13 =	sor.u32 $0x1C05, s13;
	s17 =	rddreg [dreg:$0x5]  }
0xcc: {  	[hbm:s17], [sflag:s13] =	dma.local [spmem:s16], $0x2800  }
0xcd: {  	_ =	swait.ge [sflag:s0], $0x2800  }
0xce: {  	s12 =	sadd.s32 $0x1, s12;
	s18 =	rddreg [dreg:$0x6]  }
0xcf: {  	p0 =	sne.s32 s12, s18  }
.Ltmp2:
0xd0: {  	_ = 	snop;
	(pc) =	sbr.rel @p0 .LBB2_1-.Ltmp2, $3  }
0xd1: {  	_ =	sdelay $0x1  }
0xd2: {  	[sflag:s0] =	ssyncset.done $0x0  }
0xd3: {  	[sflag:s0] =	ssyncadd.s32 $0xFFFFD800  }
0xd4: {  	_ =	sfence.sel $0x180000  }
0xd5: {  	[bflag:$0x0] =	sbarrier.arrive $0xFFFF  }
0xd6: {  	_ =	strace $0x9000004A  }
0xd7: {  	s0 =	stileid.u32;
	[bflag:$0x2] =	sbarrier.arrive $0xFFFF  }
0xd8: {  	p0 =	sne.s32 s0, $0x0;
	s0 =	rddreg [dreg:$0x2]  }
0xd9: {  	s0 =	sadd.s32 @!p0 $0x100000, s0  }
0xda: {  	[sflag:s0] =	ssyncadd.tile.s32 @!p0 $0x1;
	_ =	shalt  }
.Lfunc_end2:
_tile_overlayer_lowered:
.L_overlay_start_2:
0xdb: {  	(tag) =	ssettag $0x2  }
0xdc: {  	s0 =	rddreg [dreg:$0x0];
	s2 =	stileid.u32  }
0xdd: {  	s1 =	rddreg [dreg:$0x1];
	p0 =	sne.s32 s2, $0x0  }
0xde: {  	s3 =	rddreg [dreg:$0x2];
	[bflag:$0x3] =	sbarrier.arrive $0xFFFF;
	s2 =	simm.s32 @!p0 $0x1C05  }
0xdf: {  	[timem:s3], [sflag:s2] =	dma.local @!p0 [hbm:s0], s1  }
0xe0: {  	s0 =	simm.s32 @!p0 $0x5  }
0xe1: {  	_ =	swait.ge @!p0 [sflag:s0], s1  }
0xe2: {  	s1 =	ssub.s32 @!p0 $0x0, s1;
	[sflag:s0] =	ssyncset.done @!p0 $0x0  }
0xe3: {  	[sflag:s0] =	ssyncadd.s32 @!p0 s1  }
0xe4: {  	[bflag:$0x3] =	sbarrier.arrive $0xFFFF  }
0xe5: {  	_ =	shalt  }

// kernel: kernel.22.cloned.1.call-start
scs
__scs_entry_jumppad:
0x0: {  	(pc) =	sbr.rel $0x88, $3  }
0x1: {  	(tag) =	ssettag $0x0;
	lr =	simm.s32 $0x1  }
0x2: {  	[smem:$0x3F71] =	sst lr;
	_ =	strace $0xD0000000  }
0x3: {  	_ = 	snop  }
0x4: {  	_ = 	snop  }
0x5: {  	_ = 	snop  }
0x6: {  	_ = 	snop  }
0x7: {  	_ = 	snop  }
__scs_overlays_trampoline_lowered:
0x8: {  	[smem:$0x3F80] =	sst s0  }
0x9: {  	[smem:$0x3F81] =	sst s1  }
0xa: {  	[smem:$0x3F82] =	sst s2  }
0xb: {  	[smem:$0x3F83] =	sst s3  }
0xc: {  	[smem:$0x3F84] =	sst s4  }
0xd: {  	[smem:$0x3F85] =	sst s5  }
0xe: {  	[smem:$0x3F86] =	sst s6  }
0xf: {  	[smem:$0x3F87] =	sst s7  }
0x10: {  	[smem:$0x3F88] =	sst s8  }
0x11: {  	[smem:$0x3F89] =	sst s9;
	s0 =	simm.s32 @!p0 $0x0  }
0x12: {  	s1 =	sld [smem:$0x3F6F];
	s0 =	simm.s32 @p0 $0x1  }
0x13: {  	[smem:$0x3F8A] =	sst s0;
	s0 =	simm.s32 @!p1 $0x0  }
0x14: {  	s2 =	sld [smem:$0x3F6E];
	s0 =	simm.s32 @p1 $0x1  }
0x15: {  	[smem:$0x3F8B] =	sst s0;
	s0 =	simm.s32 @!p2 $0x0  }
0x16: {  	s3 =	sld [smem:$0x3FDB];
	s0 =	simm.s32 @p2 $0x1  }
0x17: {  	s4 =	simm.s32 $0x1BF5;
	[smem:$0x3F8D] =	sst s0  }
0x18: {  	s0 =	sld [smem:$0x3F70];
	_ =	swait.ge [sflag:s4], $0x0  }
0x19: {  	s7 =	sld [smem:$0x3F71]  }
0x1a: {  	s8 =	sadd.s32 $0xFFFFE003, lr  }
0x1b: {  	s9 =	sadd.s32 $0xFFFFFEF7, lr;
	s5 =	simm.s32 $0xFFFFFFFF;
	p2 =	slt.u32 s8, $0xFFFFF086  }
0x1c: {  	p1 =	slt.u32 s9, $0xF7A;
	s5 =	simm.s32 @!p2 $0x0  }
0x1d: {  	s5 =	simm.s32 @p1 $0x1;
	p0 =	seq.s32 s7, s2  }
0x1e: {  	s7 =	smul.u32 @!p0 $0xF7A, s2;
	p2 =	seq.s32 @!p0 s5, $0x0  }
0x1f: {  	s9 =	smul.u32 $0xF7A, s1;
	s8 =	simm.s32 @!p0 $0x1BF5;
	p2 =	por !p2, p0  }
0x20: {  	[sflag:s8] =	ssyncset.s32 @!p0 $0xFFFFF086;
	s6 =	sadd.s32 @!p0 s3, s7;
	s7 =	simm.s32 @!p0 $0x108  }
0x21: {  	s3 =	sadd.s32 s3, s9;
	s6 =	sadd.s32 @!p0 $0x88, s6;
	s7 =	simm.s32 @p2 $0x1082  }
0x22: {  	[simem:s7], [sflag:s8] =	dma.local @!p0 [hbm:s6], $0xF7A  }
0x23: {  	s9 =	sor.u32 $0xD0000000, s2;
	s6 =	simm.s32 $0x108;
	_ =	swait.ge @!p0 [sflag:s8], $0x0  }
0x24: {  	s3 =	sadd.s32 $0x88, s3;
	s6 =	simm.s32 @!p1 $0x1082;
	[sflag:s4] =	ssyncset.s32 $0xFFFFF086  }
0x25: {  	[simem:s6], [sflag:s4] =	dma.local [hbm:s3], $0xF7A  }
0x26: {  	[smem:$0x3F71] =	sst s1;
	(tag) =	ssettag s2;
	_ =	strace s9  }
0x27: {  	s1 =	sld [smem:$0x3F81]  }
0x28: {  	s2 =	sld [smem:$0x3F82]  }
0x29: {  	s4 =	sld [smem:$0x3F84]  }
0x2a: {  	p0 =	seq.s32 s5, $0x0;
	s5 =	sld [smem:$0x3F85]  }
0x2b: {  	s6 =	sld [smem:$0x3F86]  }
0x2c: {  	s7 =	sld [smem:$0x3F87]  }
0x2d: {  	s3 =	simm.s32 $0x108;
	s8 =	sld [smem:$0x3F88]  }
0x2e: {  	s3 =	simm.s32 @!p0 $0x1082;
	s9 =	sld [smem:$0x3F89]  }
0x2f: {  	lr =	sadd.s32 s0, s3;
	s0 =	sld [smem:$0x3F80]  }
0x30: {  	s3 =	sld [smem:$0x3F83]  }
0x31: {  	[smem:$0x3F8C] =	sst s10  }
0x32: {  	s10 =	sld [smem:$0x3F8A];
	_ =	sdelay $0x3  }
0x33: {  	p0 =	seq.s32 s10, $0x1;
	s10 =	sld [smem:$0x3F8C];
	_ =	sdelay $0x3  }
0x34: {  	[smem:$0x3F8C] =	sst s10  }
0x35: {  	s10 =	sld [smem:$0x3F8B];
	_ =	sdelay $0x3  }
0x36: {  	p1 =	seq.s32 s10, $0x1;
	s10 =	sld [smem:$0x3F8C];
	_ =	sdelay $0x3  }
0x37: {  	[smem:$0x3F8C] =	sst s10  }
0x38: {  	s10 =	sld [smem:$0x3F8D]  }
0x39: {  	_ = 	snop;
	(pc) =	sbr.ind lr, $3  }
0x3a: {  	_ = 	snop  }
0x3b: {  	_ = 	snop  }
0x3c: {  	p2 =	seq.s32 s10, $0x1;
	s10 =	sld [smem:$0x3F8C]  }
0x3d: {  	_ =	shalt  }
0x3e: {  	_ =	shalt  }
0x3f: {  	_ =	shalt  }
0x40: {  	_ =	shalt  }
0x41: {  	_ =	shalt  }
0x42: {  	_ =	shalt  }
0x43: {  	_ =	shalt  }
0x44: {  	_ =	shalt  }
0x45: {  	_ =	shalt  }
0x46: {  	_ =	shalt  }
0x47: {  	_ =	shalt  }
0x48: {  	_ =	shalt  }
0x49: {  	_ =	shalt  }
0x4a: {  	_ =	shalt  }
0x4b: {  	_ =	shalt  }
0x4c: {  	_ =	shalt  }
0x4d: {  	_ =	shalt  }
0x4e: {  	_ =	shalt  }
0x4f: {  	_ =	shalt  }
0x50: {  	_ =	shalt  }
0x51: {  	_ =	shalt  }
0x52: {  	_ =	shalt  }
0x53: {  	_ =	shalt  }
0x54: {  	_ =	shalt  }
0x55: {  	_ =	shalt  }
0x56: {  	_ =	shalt  }
0x57: {  	_ =	shalt  }
0x58: {  	_ =	shalt  }
0x59: {  	_ =	shalt  }
0x5a: {  	_ =	shalt  }
0x5b: {  	_ =	shalt  }
0x5c: {  	_ =	shalt  }
0x5d: {  	_ =	shalt  }
0x5e: {  	_ =	shalt  }
0x5f: {  	_ =	shalt  }
0x60: {  	_ =	shalt  }
0x61: {  	_ =	shalt  }
0x62: {  	_ =	shalt  }
0x63: {  	_ =	shalt  }
0x64: {  	_ =	shalt  }
0x65: {  	_ =	shalt  }
0x66: {  	_ =	shalt  }
0x67: {  	_ =	shalt  }
0x68: {  	_ =	shalt  }
0x69: {  	_ =	shalt  }
0x6a: {  	_ =	shalt  }
0x6b: {  	_ =	shalt  }
0x6c: {  	_ =	shalt  }
0x6d: {  	_ =	shalt  }
0x6e: {  	_ =	shalt  }
0x6f: {  	_ =	shalt  }
0x70: {  	_ =	shalt  }
0x71: {  	_ =	shalt  }
0x72: {  	_ =	shalt  }
0x73: {  	_ =	shalt  }
0x74: {  	_ =	shalt  }
0x75: {  	_ =	shalt  }
0x76: {  	_ =	shalt  }
0x77: {  	_ =	shalt  }
0x78: {  	_ =	shalt  }
0x79: {  	_ =	shalt  }
0x7a: {  	_ =	shalt  }
0x7b: {  	_ =	shalt  }
0x7c: {  	_ =	shalt  }
0x7d: {  	_ =	shalt  }
0x7e: {  	_ =	shalt  }
0x7f: {  	_ =	shalt  }
0x80: {  	_ =	shalt  }
0x81: {  	_ =	shalt  }
0x82: {  	_ =	shalt  }
0x83: {  	_ =	shalt  }
0x84: {  	_ =	shalt  }
0x85: {  	_ =	shalt  }
0x86: {  	_ =	shalt  }
0x87: {  	_ =	shalt  }
.Lfunc_end0:
.L_simem_size_0:
called_computation.2_lowered:
.L_overlay_start_0:
0x88: {  	s2 =	sld [smem:$0x3FD9]  }
0x89: {  	s3 =	sld [smem:$0x3FFE];
	_ =	sdelay $0x1  }
0x8a: {  	s1 =	srdreg.scid  }
0x8b: {  	s0 =	sand.u32 $0x1, s1  }
0x8c: {  	s16 =	sshll.u32 s0, $0xA;
	s2 =	sadd.s32 s3, s2  }
0x8d: {  	s2 =	sadd.s32 s2, s16  }
0x8e: {  	[smem:$0x3F98] =	sst s2  }
0x8f: {  	_ = 	snop  }
0x90: {  	(tm) =	ssettm $0x1  }
0x91: {  	s17 =	sld [smem:$0x3FFB];
	_ =	sdelay $0x3  }
0x92: {  	_ =	strace s17  }
0x93: {  	s2 =	sld [smem:$0x3FFC];
	_ =	sdelay $0x3  }
0x94: {  	_ =	strace s2  }
0x95: {  	s2 =	sld [smem:$0x3FFD];
	_ =	sdelay $0x3  }
0x96: {  	_ =	strace s2  }
0x97: {  	_ =	strace $0x8FFFFFFF  }
0x98: {  	s18 =	sld [smem:$0x3FDB];
	_ =	sdelay $0x1  }
0x99: {  	s19 =	simm.s32 $_scs_section_size  }
0x9a: {  	s4 =	simm.s32 $_size__tile_overlayer_lowered;
	s5 =	simm.s32 $_tile_overlayer_lowered  }
0x9b: {  	s22 =	simm.s32 $0x1BFF;
	s21 =	sshll.u32 s5, $0x1;
	s2 =	sadd.s32 s19, s18  }
0x9c: {  	s6 =	simm.s32 $0x0;
	s20 =	sshll.u32 s4, $0x1;
	s4 =	sadd.s32 s21, s2  }
0x9d: {  	[timem:s6], [sflag:s22] =	dma.local [hbm:s4], s20  }
0x9e: {  	_ =	swait.ge [sflag:s22], s20  }
0x9f: {  	s3 =	ssub.s32 $0x0, s20;
	[sflag:s22] =	ssyncset.done $0x0  }
0xa0: {  	[sflag:s22] =	ssyncadd.s32 s3;
	_ =	sdelay $0x1  }
0xa1: {  	s23 =	simm.s32 $0x1B8B  }
0xa2: {  	_ =	swait.ge [sflag:s23], $0x1  }
0xa3: {  	[sflag:s23] =	ssyncset.done $0x0  }
0xa4: {  	s25 =	simm.s32 $0x1B8E;
	s24 =	sld [smem:$0x3FFE];
	[sflag:s23] =	ssyncadd.s32 $0xFFFFFFFF  }
0xa5: {  	s26 =	simm.s32 $execute0_lowered;
	[smem:$0x3FD2] =	sst s25  }
0xa6: {  	s4 =	sshll.u32 s26, $0x1;
	_ =	strace $0x8000004C;
	[dreg:$0x1] =	wrdreg $0xFFFFFFFF  }
0xa7: {  	s28 =	simm.s32 $_size_execute0_lowered;
	s2 =	sadd.s32 s2, s4;
	[dreg:$0x0] =	wrdreg $0x0  }
0xa8: {  	s4 =	sshll.u32 s28, $0x1;
	[dreg:$0x2] =	wrdreg s2  }
0xa9: {  	[dreg:$0x3] =	wrdreg s4  }
0xaa: {  	[dreg:$0x4] =	wrdreg $0xC0  }
0xab: {  	_ =	task [dreg:s6], $0x5FFFF  }
0xac: {  	[dreg:$0x1] =	wrdreg $0xFFFFFFFF  }
0xad: {  	[dreg:$0x0] =	wrdreg $0x60  }
0xae: {  	[dreg:$0x2] =	wrdreg s24  }
0xaf: {  	[dreg:$0x3] =	wrdreg $0x9  }
0xb0: {  	_ =	task.clear_ibuf [dreg:s6], $0x4FFFF;
	_ =	strace $0x9000004C  }
0xb1: {  	s29 =	simm.s32 $0x9;
	_ =	strace $0x8000004E  }
0xb2: {  	_ =	swait.ge [sflag:s29], $0x1  }
0xb3: {  	[sflag:s29] =	ssyncadd.s32 $0xFFFFFFFF  }
0xb4: {  	_ =	strace $0x9000004E  }
0xb5: {  	_ =	sfence  }
0xb6: {  	s30 =	sld [smem:$0x0];
	_ =	sdelay $0x2  }
0xb7: {  	s31 =	sshll.u32 s1, $0xD;
	s1 =	sshrl.u32 s1, $0x2  }
0xb8: {  	s3 =	sand.u32 $0x4000, s31;
	s1 =	sadd.s32 s1, s30  }
0xb9: {  	s0 =	sor.u32 s3, s0;
	s1 =	sshll.u32 s1, $0x11  }
0xba: {  	s0 =	sor.u32 s1, s0  }
0xbb: {  	s0 =	sadd.s32 $0x8F2B, s0  }
0xbc: {  	[sflag:s0] =	ssyncadd.remote.s32 $0x1  }
0xbd: {  	_ =	sfence.sel $0xFFFF  }
0xbe: {  	[dreg:$0x0] =	wrdreg $0xFFFFFFFF;
	(pc) =	sbr.abs _section_cstart, $3  }
0xbf: {  	[dreg:$0x1] =	wrdreg $0xFFFFFFFF  }
0xc0: {  	_ =	task.clear_ibuf [dreg:s6], $0x2FFFF;
	_ =	strace $0x9FFFFFFF  }
0xc1: {  	(tm) =	ssettm $0x7FFFFFFF  }
tec
execute0_lowered:
.L_overlay_start_1:
0x0: {  	(tag) =	ssettag $0x1  }
0x1: {  	s6 =	rddreg [dreg:$0x0];
	s1 =	srdreg.scid  }
0x2: {  	s2 =	simm.s32 $0x0;
	s0 =	stileid.u32;
	s15 =	simm.s32 $0x190  }
0x3: {  	s18 =	simm.s32 $0x2C8;
	s16 =	simm.s32 $0x400;
	s17 =	simm.s32 $0x200  }
0x4: {  	s19 =	simm.s32 $0x1;
	s20 =	simm.s32 $0x6800;
	s21 =	simm.s32 $0x2  }
0x5: {  	s22 =	simm.s32 $0x13000;
	s23 =	simm.s32 $0x0;
	s10 =	smul.u32 $0x27100, s0  }
0x6: {  	s7 =	sand.u32 $0x1, s1;
	[smem:$0x7FF] =	sst s2;
	s12 =	smul.u32 $0x2710, s0  }
0x7: {  	s5 =	sadd.s32 $0x13E00, s6;
	s3 =	sshll.u32 s7, $0x4;
	s8 =	smul.u32 $0x271000, s7  }
0x8: {  	_ =	strace $0x8000004D;
	s29 =	ssub.s32 $0x2, s7;
	s11 =	smul.u32 $0x27100, s7  }
0x9: {  	[dreg:$0x2] =	wrdreg s18;
	s18 =	simm.s32 $0xCC00;
	s4 =	sor.u32 s0, s3  }
0xa: {  	s3 =	sadd.s32 $0x1DC00, s6;
	s30 =	sshrl.u32 s29, $0x1;
	s9 =	smul.u32 $0x2710, s4  }
0xb: {  	s4 =	sadd.s32 $0xA000, s6;
	s8 =	sadd.s32 s8, s6;
	s13 =	ssub.s32 s29, s30  }
0xc: {  	s11 =	sadd.s32 s12, s11;
	s10 =	sadd.s32 s10, s8;
	s8 =	smax.u32 s13, $0x1  }
0xd: {  	s12 =	sadd.s32 $0xC8, s11;
	s13 =	simm.s32 $0x3;
	s9 =	sshrl.u32 s9, $0x3  }
0xe: {  	s31 =	sadd.s32 $0x44E00, s10;
	s12 =	sshrl.u32 s12, $0x3;
	s6 =	sadd.s32 s4, s9  }
0xf: {  	s7 =	sadd.s32 s5, s9;
	[dreg:$0x3] =	wrdreg s31;
	s9 =	sadd.s32 $0x526E00, s10  }
0x10: {  	s10 =	sadd.s32 $0x190, s11;
	s11 =	sadd.s32 s12, s5;
	s12 =	sadd.s32 s12, s4  }
.LBB2_1:
0x11: {  	[tilespmem:s2], [sflag:$0x3] =	stream.linear.gather [hbm4b:s6+s2], $0xC8, $0x38;
	[tilespmem:$0x19400] =	vst v63  }
0x12: {  	_ =	swait.ge [sflag:s13], $0xC8  }
0x13: {  	[sflag:s13] =	ssyncset.done $0x0  }
0x14: {  	s0 =	simm.s32 $0xC8;
	[sflag:s13] =	ssyncadd.s32 $0xFFFFFF38  }
0x15: {  	[tilespmem:s0], [sflag:$0x3] =	stream.linear.gather [hbm4b:s7+s2], $0xC8, $0x38;
	[tilespmem:$0x19400] =	vst v63  }
0x16: {  	_ =	swait.ge [sflag:s13], $0xC8  }
0x17: {  	[sflag:s13] =	ssyncset.done $0x0  }
0x18: {  	[sflag:s13] =	ssyncadd.s32 $0xFFFFFF38  }
0x19: {  	[tilespmem:s16], [sflag:$0x1] =	stream.indirect.gather [hbm4b:s3+s15], $0x80, s2, s15, $0xb8;
	[tilespmem:$0x19400] =	vst v63  }
0x1a: {  	_ = 	snop  }
0x1b: {  	[tilespmem:s17], [sflag:$0x3] =	stream.linear.gather [hbm4b:s12+s2], $0xC8, $0x38;
	[tilespmem:$0x19400] =	vst v63  }
0x1c: {  	_ =	swait.ge [sflag:s13], $0xC8  }
0x1d: {  	[sflag:s13] =	ssyncset.done $0x0  }
0x1e: {  	s24 =	rddreg [dreg:$0x2];
	[sflag:s13] =	ssyncadd.s32 $0xFFFFFF38  }
0x1f: {  	[tilespmem:s24], [sflag:$0x3] =	stream.linear.gather [hbm4b:s11+s2], $0xC8, $0x38;
	[tilespmem:$0x19400] =	vst v63  }
0x20: {  	_ =	swait.ge [sflag:s13], $0xC8  }
0x21: {  	[sflag:s13] =	ssyncset.done $0x0  }
0x22: {  	[sflag:s13] =	ssyncadd.s32 $0xFFFFFF38  }
0x23: {  	[tilespmem:s18], [sflag:$0x2] =	stream.indirect.gather [hbm4b:s3+s15], $0x80, s17, s15, $0xb8;
	[tilespmem:$0x19400] =	vst v63  }
0x24: {  	_ =	swait.ge [sflag:s19], $0xC800  }
0x25: {  	s30 =	rddreg [dreg:$0x3];
	[sflag:s19] =	ssyncset.done $0x0  }
0x26: {  	[sflag:s19] =	ssyncadd.s32 $0xFFFF3800;
	s24 =	sadd.s32 $0x0, s30  }
0x27: {  	[hbm4b:s24+s2] =	stream.linear.scatter [tilespmem:s16], [sflag:$0x3], $0x6400, $0x38;
	[tilespmem:$0x19400] =	vst v63  }
0x28: {  	_ =	swait.ge [sflag:s13], $0x6400  }
0x29: {  	[sflag:s13] =	ssyncset.done $0x0  }
0x2a: {  	s25 =	sadd.s32 $0x0, s9;
	[sflag:s13] =	ssyncadd.s32 $0xFFFF9C00  }
0x2b: {  	[hbm4b:s25+s2] =	stream.linear.scatter [tilespmem:s20], [sflag:$0x3], $0x6400, $0x38;
	[tilespmem:$0x19400] =	vst v63  }
0x2c: {  	p0 =	por $0x0, $0x0;
	_ =	swait.ge [sflag:s13], $0x6400  }
0x2d: {  	s26 =	sshrl.u32 @!p0 s10, $0x3;
	s28 =	simm.s32 @!p0 $0x3;
	[sflag:s13] =	ssyncset.done $0x0  }
0x2e: {  	s29 =	sadd.s32 @!p0 s4, s26;
	s30 =	simm.s32 @!p0 $0x0;
	[sflag:s13] =	ssyncadd.s32 $0xFFFF9C00  }
0x2f: {  	[tilespmem:s30], [sflag:$0x3] =	stream.linear.gather @!p0 [hbm4b:s29+s30], $0xC8, $0x38;
	[tilespmem:$0x19400] =	vst v63  }
0x30: {  	_ =	swait.ge @!p0 [sflag:s28], $0xC8  }
0x31: {  	[sflag:s28] =	ssyncset.done @!p0 $0x0  }
0x32: {  	s26 =	sadd.s32 @!p0 s5, s26;
	s29 =	simm.s32 @!p0 $0xC8;
	[sflag:s28] =	ssyncadd.s32 @!p0 $0xFFFFFF38  }
0x33: {  	[tilespmem:s29], [sflag:$0x3] =	stream.linear.gather @!p0 [hbm4b:s26+s30], $0xC8, $0x38;
	[tilespmem:$0x19400] =	vst v63  }
0x34: {  	_ =	swait.ge @!p0 [sflag:s28], $0xC8  }
0x35: {  	[sflag:s28] =	ssyncset.done @!p0 $0x0  }
0x36: {  	s26 =	simm.s32 @!p0 $0x190;
	[sflag:s28] =	ssyncadd.s32 @!p0 $0xFFFFFF38;
	s28 =	simm.s32 @!p0 $0x400  }
0x37: {  	[tilespmem:s28], [sflag:$0x1] =	stream.indirect.gather @!p0 [hbm4b:s3+s26], $0x80, s30, s26, $0xb8;
	[tilespmem:$0x19400] =	vst v63  }
0x38: {  	_ =	swait.ge [sflag:s21], $0xC800  }
0x39: {  	[sflag:s21] =	ssyncset.done $0x0  }
0x3a: {  	s24 =	sadd.s32 $0xC80, s24;
	[sflag:s21] =	ssyncadd.s32 $0xFFFF3800  }
0x3b: {  	[hbm4b:s24+s2] =	stream.linear.scatter [tilespmem:s18], [sflag:$0x3], $0x6400, $0x38;
	[tilespmem:$0x19400] =	vst v63  }
0x3c: {  	_ =	swait.ge [sflag:s13], $0x6400  }
0x3d: {  	[sflag:s13] =	ssyncset.done $0x0  }
0x3e: {  	s31 =	sadd.s32 $0xC80, s25;
	[sflag:s13] =	ssyncadd.s32 $0xFFFF9C00  }
0x3f: {  	[hbm4b:s31+s2] =	stream.linear.scatter [tilespmem:s22], [sflag:$0x3], $0x6400, $0x38;
	[tilespmem:$0x19400] =	vst v63  }
0x40: {  	s25 =	sadd.s32 $0x32, s11;
	s26 =	sadd.s32 $0x32, s12;
	_ =	swait.ge [sflag:s13], $0x6400  }
0x41: {  	s28 =	smov.u32 s10;
	s24 =	simm.s32 $0x1900;
	[sflag:s13] =	ssyncset.done $0x0  }
.LBB2_2:
0x42: {  	[sflag:s13] =	ssyncadd.s32 $0xFFFF9C00  }
0x43: {  	[tilespmem:s17], [sflag:$0x3] =	stream.linear.gather [hbm4b:s26+s2], $0xC8, $0x38;
	[tilespmem:$0x19400] =	vst v63  }
0x44: {  	_ =	swait.ge [sflag:s13], $0xC8  }
0x45: {  	[sflag:s13] =	ssyncset.done $0x0  }
0x46: {  	s30 =	rddreg [dreg:$0x2];
	[sflag:s13] =	ssyncadd.s32 $0xFFFFFF38  }
0x47: {  	[tilespmem:s30], [sflag:$0x3] =	stream.linear.gather [hbm4b:s25+s2], $0xC8, $0x38;
	[tilespmem:$0x19400] =	vst v63  }
0x48: {  	_ =	swait.ge [sflag:s13], $0xC8  }
0x49: {  	[sflag:s13] =	ssyncset.done $0x0  }
0x4a: {  	[sflag:s13] =	ssyncadd.s32 $0xFFFFFF38  }
0x4b: {  	[tilespmem:s18], [sflag:$0x2] =	stream.indirect.gather [hbm4b:s3+s15], $0x80, s17, s15, $0xb8;
	[tilespmem:$0x19400] =	vst v63  }
0x4c: {  	_ =	swait.ge [sflag:s19], $0xC800  }
0x4d: {  	s29 =	smov.u32 s24;
	s14 =	rddreg [dreg:$0x3];
	[sflag:s19] =	ssyncset.done $0x0  }
0x4e: {  	[sflag:s19] =	ssyncadd.s32 $0xFFFF3800;
	s30 =	sadd.s32 s29, s14  }
0x4f: {  	[hbm4b:s30+s2] =	stream.linear.scatter [tilespmem:s16], [sflag:$0x3], $0x6400, $0x38;
	[tilespmem:$0x19400] =	vst v63  }
0x50: {  	_ =	swait.ge [sflag:s13], $0x6400  }
0x51: {  	[sflag:s13] =	ssyncset.done $0x0  }
0x52: {  	s31 =	sadd.s32 s29, s9;
	[sflag:s13] =	ssyncadd.s32 $0xFFFF9C00  }
0x53: {  	[hbm4b:s31+s2] =	stream.linear.scatter [tilespmem:s20], [sflag:$0x3], $0x6400, $0x38;
	[tilespmem:$0x19400] =	vst v63  }
0x54: {  	s28 =	sadd.s32 $0x190, s28;
	p1 =	seq.s32 s29, $0x25800;
	_ =	swait.ge [sflag:s13], $0x6400  }
0x55: {  	s0 =	simm.s32 @!p1 $0x3;
	s29 =	sshrl.u32 @!p1 s28, $0x3;
	[sflag:s13] =	ssyncset.done $0x0  }
0x56: {  	s14 =	simm.s32 @!p1 $0x0;
	s1 =	sadd.s32 @!p1 s4, s29;
	[sflag:s13] =	ssyncadd.s32 $0xFFFF9C00  }
0x57: {  	[tilespmem:s14], [sflag:$0x3] =	stream.linear.gather @!p1 [hbm4b:s1+s14], $0xC8, $0x38;
	[tilespmem:$0x19400] =	vst v63  }
0x58: {  	_ =	swait.ge @!p1 [sflag:s0], $0xC8  }
0x59: {  	[sflag:s0] =	ssyncset.done @!p1 $0x0  }
0x5a: {  	s1 =	sadd.s32 @!p1 s5, s29;
	s29 =	simm.s32 @!p1 $0xC8;
	[sflag:s0] =	ssyncadd.s32 @!p1 $0xFFFFFF38  }
0x5b: {  	[tilespmem:s29], [sflag:$0x3] =	stream.linear.gather @!p1 [hbm4b:s1+s14], $0xC8, $0x38;
	[tilespmem:$0x19400] =	vst v63  }
0x5c: {  	_ =	swait.ge @!p1 [sflag:s0], $0xC8  }
0x5d: {  	[sflag:s0] =	ssyncset.done @!p1 $0x0  }
0x5e: {  	s1 =	simm.s32 @!p1 $0x400;
	[sflag:s0] =	ssyncadd.s32 @!p1 $0xFFFFFF38;
	s0 =	simm.s32 @!p1 $0x190  }
0x5f: {  	[tilespmem:s1], [sflag:$0x1] =	stream.indirect.gather @!p1 [hbm4b:s3+s0], $0x80, s14, s0, $0xb8;
	[tilespmem:$0x19400] =	vst v63  }
0x60: {  	_ =	swait.ge [sflag:s21], $0xC800  }
0x61: {  	[sflag:s21] =	ssyncset.done $0x0  }
0x62: {  	s24 =	sadd.s32 $0x1900, s24;
	s30 =	sadd.s32 $0xC80, s30;
	[sflag:s21] =	ssyncadd.s32 $0xFFFF3800  }
0x63: {  	[hbm4b:s30+s2] =	stream.linear.scatter [tilespmem:s18], [sflag:$0x3], $0x6400, $0x38;
	[tilespmem:$0x19400] =	vst v63  }
0x64: {  	p0 =	sne.s32 s24, $0x27100;
	_ =	swait.ge [sflag:s13], $0x6400  }
.Ltmp0:
0x65: {  	[sflag:s13] =	ssyncset.done $0x0;
	(pc) =	sbr.rel @p0 .LBB2_2-.Ltmp0, $4  }
0x66: {  	s31 =	sadd.s32 $0xC80, s31;
	[sflag:s13] =	ssyncadd.s32 $0xFFFF9C00  }
0x67: {  	[hbm4b:s31+s2] =	stream.linear.scatter [tilespmem:s22], [sflag:$0x3], $0x6400, $0x38;
	[tilespmem:$0x19400] =	vst v63  }
0x68: {  	_ =	swait.ge [sflag:s13], $0x6400  }
0x69: {  	s26 =	sadd.s32 $0x32, s26;
	s25 =	sadd.s32 $0x32, s25;
	[sflag:s13] =	ssyncset.done $0x0  }
0x6a: {  	s23 =	sadd.s32 $0x1, s23  }
0x6b: {  	p0 =	sne.s32 s23, s8  }
.Ltmp1:
0x6c: {  	_ = 	snop;
	(pc) =	sbr.rel @p0 .LBB2_1-.Ltmp1, $2  }
0x6d: {  	_ =	sdelay $0x2  }
0x6e: {  	[sflag:s13] =	ssyncadd.s32 $0xFFFF9C00  }
0x6f: {  	_ =	sfence.sel $0x180000  }
0x70: {  	[bflag:$0x0] =	sbarrier.arrive $0xFFFF  }
0x71: {  	_ =	strace $0x9000004D  }
0x72: {  	s0 =	stileid.u32;
	[bflag:$0x2] =	sbarrier.arrive $0xFFFF  }
0x73: {  	p0 =	sne.s32 s0, $0x0;
	s0 =	rddreg [dreg:$0x1]  }
0x74: {  	s0 =	sadd.s32 @!p0 $0x100000, s0  }
0x75: {  	[sflag:s0] =	ssyncadd.tile.s32 @!p0 $0x1;
	_ =	shalt  }
.Lfunc_end2:
_tile_overlayer_lowered:
.L_overlay_start_2:
0x76: {  	(tag) =	ssettag $0x2  }
0x77: {  	s0 =	rddreg [dreg:$0x0];
	s2 =	stileid.u32  }
0x78: {  	s1 =	rddreg [dreg:$0x1];
	p0 =	sne.s32 s2, $0x0  }
0x79: {  	s3 =	rddreg [dreg:$0x2];
	[bflag:$0x3] =	sbarrier.arrive $0xFFFF;
	s2 =	simm.s32 @!p0 $0x1C03  }
0x7a: {  	[timem:s3], [sflag:s2] =	dma.local @!p0 [hbm:s0], s1  }
0x7b: {  	s0 =	simm.s32 @!p0 $0x3  }
0x7c: {  	_ =	swait.ge @!p0 [sflag:s0], s1  }
0x7d: {  	s1 =	ssub.s32 @!p0 $0x0, s1;
	[sflag:s0] =	ssyncset.done @!p0 $0x0  }
0x7e: {  	[sflag:s0] =	ssyncadd.s32 @!p0 s1  }
0x7f: {  	[bflag:$0x3] =	sbarrier.arrive $0xFFFF  }
0x80: {  	_ =	shalt  }

// kernel: kernel.25.cloned.1.call-start
scs
__scs_entry_jumppad:
0x0: {  	(pc) =	sbr.rel $0x88, $3  }
0x1: {  	(tag) =	ssettag $0x0;
	lr =	simm.s32 $0x1  }
0x2: {  	[smem:$0x3F71] =	sst lr;
	_ =	strace $0xD0000000  }
0x3: {  	_ = 	snop  }
0x4: {  	_ = 	snop  }
0x5: {  	_ = 	snop  }
0x6: {  	_ = 	snop  }
0x7: {  	_ = 	snop  }
__scs_overlays_trampoline_lowered:
0x8: {  	[smem:$0x3F80] =	sst s0  }
0x9: {  	[smem:$0x3F81] =	sst s1  }
0xa: {  	[smem:$0x3F82] =	sst s2  }
0xb: {  	[smem:$0x3F83] =	sst s3  }
0xc: {  	[smem:$0x3F84] =	sst s4  }
0xd: {  	[smem:$0x3F85] =	sst s5  }
0xe: {  	[smem:$0x3F86] =	sst s6  }
0xf: {  	[smem:$0x3F87] =	sst s7  }
0x10: {  	[smem:$0x3F88] =	sst s8  }
0x11: {  	[smem:$0x3F89] =	sst s9;
	s0 =	simm.s32 @!p0 $0x0  }
0x12: {  	s1 =	sld [smem:$0x3F6F];
	s0 =	simm.s32 @p0 $0x1  }
0x13: {  	[smem:$0x3F8A] =	sst s0;
	s0 =	simm.s32 @!p1 $0x0  }
0x14: {  	s2 =	sld [smem:$0x3F6E];
	s0 =	simm.s32 @p1 $0x1  }
0x15: {  	[smem:$0x3F8B] =	sst s0;
	s0 =	simm.s32 @!p2 $0x0  }
0x16: {  	s3 =	sld [smem:$0x3FDB];
	s0 =	simm.s32 @p2 $0x1  }
0x17: {  	s4 =	simm.s32 $0x1BF5;
	[smem:$0x3F8D] =	sst s0  }
0x18: {  	s0 =	sld [smem:$0x3F70];
	_ =	swait.ge [sflag:s4], $0x0  }
0x19: {  	s7 =	sld [smem:$0x3F71]  }
0x1a: {  	s8 =	sadd.s32 $0xFFFFE003, lr  }
0x1b: {  	s9 =	sadd.s32 $0xFFFFFEF7, lr;
	s5 =	simm.s32 $0xFFFFFFFF;
	p2 =	slt.u32 s8, $0xFFFFF086  }
0x1c: {  	p1 =	slt.u32 s9, $0xF7A;
	s5 =	simm.s32 @!p2 $0x0  }
0x1d: {  	s5 =	simm.s32 @p1 $0x1;
	p0 =	seq.s32 s7, s2  }
0x1e: {  	s7 =	smul.u32 @!p0 $0xF7A, s2;
	p2 =	seq.s32 @!p0 s5, $0x0  }
0x1f: {  	s9 =	smul.u32 $0xF7A, s1;
	s8 =	simm.s32 @!p0 $0x1BF5;
	p2 =	por !p2, p0  }
0x20: {  	[sflag:s8] =	ssyncset.s32 @!p0 $0xFFFFF086;
	s6 =	sadd.s32 @!p0 s3, s7;
	s7 =	simm.s32 @!p0 $0x108  }
0x21: {  	s3 =	sadd.s32 s3, s9;
	s6 =	sadd.s32 @!p0 $0x88, s6;
	s7 =	simm.s32 @p2 $0x1082  }
0x22: {  	[simem:s7], [sflag:s8] =	dma.local @!p0 [hbm:s6], $0xF7A  }
0x23: {  	s9 =	sor.u32 $0xD0000000, s2;
	s6 =	simm.s32 $0x108;
	_ =	swait.ge @!p0 [sflag:s8], $0x0  }
0x24: {  	s3 =	sadd.s32 $0x88, s3;
	s6 =	simm.s32 @!p1 $0x1082;
	[sflag:s4] =	ssyncset.s32 $0xFFFFF086  }
0x25: {  	[simem:s6], [sflag:s4] =	dma.local [hbm:s3], $0xF7A  }
0x26: {  	[smem:$0x3F71] =	sst s1;
	(tag) =	ssettag s2;
	_ =	strace s9  }
0x27: {  	s1 =	sld [smem:$0x3F81]  }
0x28: {  	s2 =	sld [smem:$0x3F82]  }
0x29: {  	s4 =	sld [smem:$0x3F84]  }
0x2a: {  	p0 =	seq.s32 s5, $0x0;
	s5 =	sld [smem:$0x3F85]  }
0x2b: {  	s6 =	sld [smem:$0x3F86]  }
0x2c: {  	s7 =	sld [smem:$0x3F87]  }
0x2d: {  	s3 =	simm.s32 $0x108;
	s8 =	sld [smem:$0x3F88]  }
0x2e: {  	s3 =	simm.s32 @!p0 $0x1082;
	s9 =	sld [smem:$0x3F89]  }
0x2f: {  	lr =	sadd.s32 s0, s3;
	s0 =	sld [smem:$0x3F80]  }
0x30: {  	s3 =	sld [smem:$0x3F83]  }
0x31: {  	[smem:$0x3F8C] =	sst s10  }
0x32: {  	s10 =	sld [smem:$0x3F8A];
	_ =	sdelay $0x3  }
0x33: {  	p0 =	seq.s32 s10, $0x1;
	s10 =	sld [smem:$0x3F8C];
	_ =	sdelay $0x3  }
0x34: {  	[smem:$0x3F8C] =	sst s10  }
0x35: {  	s10 =	sld [smem:$0x3F8B];
	_ =	sdelay $0x3  }
0x36: {  	p1 =	seq.s32 s10, $0x1;
	s10 =	sld [smem:$0x3F8C];
	_ =	sdelay $0x3  }
0x37: {  	[smem:$0x3F8C] =	sst s10  }
0x38: {  	s10 =	sld [smem:$0x3F8D]  }
0x39: {  	_ = 	snop;
	(pc) =	sbr.ind lr, $3  }
0x3a: {  	_ = 	snop  }
0x3b: {  	_ = 	snop  }
0x3c: {  	p2 =	seq.s32 s10, $0x1;
	s10 =	sld [smem:$0x3F8C]  }
0x3d: {  	_ =	shalt  }
0x3e: {  	_ =	shalt  }
0x3f: {  	_ =	shalt  }
0x40: {  	_ =	shalt  }
0x41: {  	_ =	shalt  }
0x42: {  	_ =	shalt  }
0x43: {  	_ =	shalt  }
0x44: {  	_ =	shalt  }
0x45: {  	_ =	shalt  }
0x46: {  	_ =	shalt  }
0x47: {  	_ =	shalt  }
0x48: {  	_ =	shalt  }
0x49: {  	_ =	shalt  }
0x4a: {  	_ =	shalt  }
0x4b: {  	_ =	shalt  }
0x4c: {  	_ =	shalt  }
0x4d: {  	_ =	shalt  }
0x4e: {  	_ =	shalt  }
0x4f: {  	_ =	shalt  }
0x50: {  	_ =	shalt  }
0x51: {  	_ =	shalt  }
0x52: {  	_ =	shalt  }
0x53: {  	_ =	shalt  }
0x54: {  	_ =	shalt  }
0x55: {  	_ =	shalt  }
0x56: {  	_ =	shalt  }
0x57: {  	_ =	shalt  }
0x58: {  	_ =	shalt  }
0x59: {  	_ =	shalt  }
0x5a: {  	_ =	shalt  }
0x5b: {  	_ =	shalt  }
0x5c: {  	_ =	shalt  }
0x5d: {  	_ =	shalt  }
0x5e: {  	_ =	shalt  }
0x5f: {  	_ =	shalt  }
0x60: {  	_ =	shalt  }
0x61: {  	_ =	shalt  }
0x62: {  	_ =	shalt  }
0x63: {  	_ =	shalt  }
0x64: {  	_ =	shalt  }
0x65: {  	_ =	shalt  }
0x66: {  	_ =	shalt  }
0x67: {  	_ =	shalt  }
0x68: {  	_ =	shalt  }
0x69: {  	_ =	shalt  }
0x6a: {  	_ =	shalt  }
0x6b: {  	_ =	shalt  }
0x6c: {  	_ =	shalt  }
0x6d: {  	_ =	shalt  }
0x6e: {  	_ =	shalt  }
0x6f: {  	_ =	shalt  }
0x70: {  	_ =	shalt  }
0x71: {  	_ =	shalt  }
0x72: {  	_ =	shalt  }
0x73: {  	_ =	shalt  }
0x74: {  	_ =	shalt  }
0x75: {  	_ =	shalt  }
0x76: {  	_ =	shalt  }
0x77: {  	_ =	shalt  }
0x78: {  	_ =	shalt  }
0x79: {  	_ =	shalt  }
0x7a: {  	_ =	shalt  }
0x7b: {  	_ =	shalt  }
0x7c: {  	_ =	shalt  }
0x7d: {  	_ =	shalt  }
0x7e: {  	_ =	shalt  }
0x7f: {  	_ =	shalt  }
0x80: {  	_ =	shalt  }
0x81: {  	_ =	shalt  }
0x82: {  	_ =	shalt  }
0x83: {  	_ =	shalt  }
0x84: {  	_ =	shalt  }
0x85: {  	_ =	shalt  }
0x86: {  	_ =	shalt  }
0x87: {  	_ =	shalt  }
.Lfunc_end0:
.L_simem_size_0:
called_computation.3_lowered:
.L_overlay_start_0:
0x88: {  	s2 =	sld [smem:$0x3FD9]  }
0x89: {  	s3 =	sld [smem:$0x3FFE];
	_ =	sdelay $0x1  }
0x8a: {  	s1 =	srdreg.scid  }
0x8b: {  	s0 =	sand.u32 $0x1, s1  }
0x8c: {  	s16 =	sshll.u32 s0, $0xA;
	s2 =	sadd.s32 s3, s2  }
0x8d: {  	s2 =	sadd.s32 s2, s16  }
0x8e: {  	[smem:$0x3F98] =	sst s2  }
0x8f: {  	_ = 	snop  }
0x90: {  	(tm) =	ssettm $0x1  }
0x91: {  	s17 =	sld [smem:$0x3FFB];
	_ =	sdelay $0x3  }
0x92: {  	_ =	strace s17  }
0x93: {  	s2 =	sld [smem:$0x3FFC];
	_ =	sdelay $0x3  }
0x94: {  	_ =	strace s2  }
0x95: {  	s2 =	sld [smem:$0x3FFD];
	_ =	sdelay $0x3  }
0x96: {  	_ =	strace s2  }
0x97: {  	_ =	strace $0x8FFFFFFF  }
0x98: {  	s18 =	sld [smem:$0x3FDB];
	_ =	sdelay $0x1  }
0x99: {  	s19 =	simm.s32 $_scs_section_size  }
0x9a: {  	s4 =	simm.s32 $_size__tile_overlayer_lowered;
	s5 =	simm.s32 $_tile_overlayer_lowered  }
0x9b: {  	s22 =	simm.s32 $0x1BFF;
	s21 =	sshll.u32 s5, $0x1;
	s2 =	sadd.s32 s19, s18  }
0x9c: {  	s6 =	simm.s32 $0x0;
	s20 =	sshll.u32 s4, $0x1;
	s4 =	sadd.s32 s21, s2  }
0x9d: {  	[timem:s6], [sflag:s22] =	dma.local [hbm:s4], s20  }
0x9e: {  	_ =	swait.ge [sflag:s22], s20  }
0x9f: {  	s3 =	ssub.s32 $0x0, s20;
	[sflag:s22] =	ssyncset.done $0x0  }
0xa0: {  	[sflag:s22] =	ssyncadd.s32 s3;
	_ =	sdelay $0x1  }
0xa1: {  	s23 =	simm.s32 $0x1B8B  }
0xa2: {  	_ =	swait.ge [sflag:s23], $0x1  }
0xa3: {  	[sflag:s23] =	ssyncset.done $0x0  }
0xa4: {  	s25 =	simm.s32 $0x1B8E;
	s24 =	sld [smem:$0x3FFE];
	[sflag:s23] =	ssyncadd.s32 $0xFFFFFFFF  }
0xa5: {  	s26 =	simm.s32 $execute0_lowered;
	[smem:$0x3FD2] =	sst s25  }
0xa6: {  	s4 =	sshll.u32 s26, $0x1;
	_ =	strace $0x8000004F;
	[dreg:$0x1] =	wrdreg $0xFFFFFFFF  }
0xa7: {  	s28 =	simm.s32 $_size_execute0_lowered;
	s2 =	sadd.s32 s2, s4;
	[dreg:$0x0] =	wrdreg $0x0  }
0xa8: {  	s4 =	sshll.u32 s28, $0x1;
	[dreg:$0x2] =	wrdreg s2  }
0xa9: {  	[dreg:$0x3] =	wrdreg s4  }
0xaa: {  	[dreg:$0x4] =	wrdreg $0xC0  }
0xab: {  	_ =	task [dreg:s6], $0x5FFFF  }
0xac: {  	[dreg:$0x1] =	wrdreg $0xFFFFFFFF  }
0xad: {  	[dreg:$0x0] =	wrdreg $0x60  }
0xae: {  	[dreg:$0x2] =	wrdreg s24  }
0xaf: {  	[dreg:$0x3] =	wrdreg $0x0  }
0xb0: {  	[dreg:$0x4] =	wrdreg $0x9  }
0xb1: {  	_ =	task.clear_ibuf [dreg:s6], $0x5FFFF;
	_ =	strace $0x9000004F  }
0xb2: {  	s29 =	simm.s32 $0x9;
	_ =	strace $0x80000051  }
0xb3: {  	_ =	swait.ge [sflag:s29], $0x1  }
0xb4: {  	[sflag:s29] =	ssyncadd.s32 $0xFFFFFFFF  }
0xb5: {  	_ =	strace $0x90000051  }
0xb6: {  	_ =	sfence  }
0xb7: {  	s30 =	sld [smem:$0x0];
	_ =	sdelay $0x2  }
0xb8: {  	s31 =	sshll.u32 s1, $0xD;
	s1 =	sshrl.u32 s1, $0x2  }
0xb9: {  	s3 =	sand.u32 $0x4000, s31;
	s1 =	sadd.s32 s1, s30  }
0xba: {  	s0 =	sor.u32 s3, s0;
	s1 =	sshll.u32 s1, $0x11  }
0xbb: {  	s0 =	sor.u32 s1, s0  }
0xbc: {  	s0 =	sadd.s32 $0x8F2B, s0  }
0xbd: {  	[sflag:s0] =	ssyncadd.remote.s32 $0x1  }
0xbe: {  	_ =	sfence.sel $0xFFFF  }
0xbf: {  	[dreg:$0x0] =	wrdreg $0xFFFFFFFF;
	(pc) =	sbr.abs _section_cstart, $3  }
0xc0: {  	[dreg:$0x1] =	wrdreg $0xFFFFFFFF  }
0xc1: {  	_ =	task.clear_ibuf [dreg:s6], $0x2FFFF;
	_ =	strace $0x9FFFFFFF  }
0xc2: {  	(tm) =	ssettm $0x7FFFFFFF  }
0xc3: {  	_ =	shalt  }
tec
execute0_lowered:
.L_overlay_start_1:
0x0: {  	(tag) =	ssettag $0x1  }
0x1: {  	s0 =	rddreg [dreg:$0x0];
	s11 =	stileid.u32  }
0x2: {  	s1 =	srdreg.scid;
	s5 =	smul.u32 $0x14000, s11  }
0x3: {  	s2 =	rddreg [dreg:$0x1];
	s3 =	simm.s32 $0x0;
	s8 =	smul.u32 $0x2710, s11  }
0x4: {  	s29 =	simm.s32 $0x15400;
	s1 =	sand.u32 $0x1, s1;
	s25 =	smul.u32 $0x50000, s11  }
0x5: {  	s30 =	simm.s32 $0x15500;
	[smem:$0x7FF] =	sst s3;
	s4 =	smul.u32 $0x140000, s1  }
0x6: {  	s6 =	sadd.s32 $0xEEAE00, s0;
	s23 =	smul.u32 $0x27100, s1;
	s24 =	ssub.s32 $0x2, s1  }
0x7: {  	_ =	strace $0x80000050;
	s9 =	sshrl.u32 s24, $0x1;
	s4 =	sadd.s32 s5, s4  }
0x8: {  	s5 =	sadd.s32 s8, s23;
	s8 =	sshrl.u32 s25, $0x2;
	s7 =	sshrl.u32 s4, $0x3  }
0x9: {  	s4 =	sadd.s32 $0x13E00, s0;
	s26 =	sshrl.u32 s5, $0x3;
	s10 =	sshll.u32 s5, $0x4  }
0xa: {  	s0 =	sadd.s32 s7, s0;
	s7 =	ssub.s32 s24, s9;
	s9 =	sadd.s32 s4, s26  }
0xb: {  	s8 =	sadd.s32 s8, s2;
	s12 =	sadd.s32 s6, s10;
	[dreg:$0x3] =	wrdreg s9  }
0xc: {  	s31 =	simm.s32 $0x14000;
	s14 =	sadd.s32 $0x1400, s8;
	[dreg:$0x4] =	wrdreg s12  }
0xd: {  	s22 =	smul.u32 $0x271000, s1;
	s15 =	sadd.s32 $0x2800, s8;
	[dreg:$0x7] =	wrdreg s14  }
0xe: {  	s1 =	simm.s32 $0x15480;
	s16 =	sadd.s32 $0x3C00, s8;
	[dreg:$0x8] =	wrdreg s15  }
0xf: {  	s25 =	sadd.s32 $0x50, s5;
	s17 =	sadd.s32 $0x5000, s8;
	[dreg:$0x9] =	wrdreg s16  }
0x10: {  	s18 =	sadd.s32 $0x6400, s8;
	s19 =	sadd.s32 $0x7800, s8;
	[dreg:$0xa] =	wrdreg s17  }
0x11: {  	s20 =	sadd.s32 $0x8C00, s8;
	s21 =	sadd.s32 $0xA000, s8;
	[dreg:$0xb] =	wrdreg s18  }
0x12: {  	s23 =	sadd.s32 $0xB400, s8;
	s24 =	smul.u32 $0x27100, s11;
	[dreg:$0xc] =	wrdreg s19  }
0x13: {  	s26 =	sshrl.u32 s25, $0x3;
	s28 =	sadd.s32 $0x12C00, s8;
	[dreg:$0xd] =	wrdreg s20  }
0x14: {  	s10 =	simm.s32 $0x4;
	s11 =	simm.s32 $0x2;
	[dreg:$0xe] =	wrdreg s21  }
0x15: {  	s0 =	sadd.s32 $0x44E00, s0;
	s13 =	smax.u32 s7, $0x1;
	[dreg:$0xf] =	wrdreg s23  }
0x16: {  	s19 =	sadd.s32 $0xC800, s8;
	s20 =	sadd.s32 $0xDC00, s8;
	s21 =	sadd.s32 $0xF000, s8  }
0x17: {  	s25 =	sadd.s32 s26, s4;
	s26 =	sadd.s32 $0x11800, s8;
	s7 =	simm.s32 $0x1  }
0x18: {  	s9 =	simm.s32 $0x50;
	s12 =	simm.s32 $0x0;
	[dreg:$0x5] =	wrdreg s0  }
0x19: {  	[dreg:$0x6] =	wrdreg s13;
	s0 =	sadd.s32 s22, s6;
	s22 =	sadd.s32 $0x10400, s8  }
0x1a: {  	s6 =	simm.s32 $0x3;
	s0 =	sadd.s32 s24, s0;
	s24 =	sadd.s32 $0xA0, s5  }
0x1b: {  	v0 =	vimm.f32 $0.0e+00;
	s5 =	simm.s32 $0x17D00;
	s23 =	sadd.s32 $0xA00, s0;
	s0 =	simm.s32 $0x5  }
.LBB2_1:
0x1c: {  	s13 =	rddreg [dreg:$0x3]  }
0x1d: {  	[tilespmem:s29], [sflag:$0x3] =	stream.linear.gather [hbm4b:s13+s3], $0x50, $0x38;
	[tilespmem:$0x1A500] =	vst v63  }
0x1e: {  	s18 =	rddreg [dreg:$0x4];
	s14 =	simm.s32 $0x3C0;
	s13 =	simm.s32 $0x70  }
0x1f: {  	[tilespmem:s30], [sflag:$0x1] =	stream.linear.gather [hbm4b:s18+s3], $0x2800, $0x38;
	[tilespmem:$0x1A500] =	vst v63  }
.LBB2_2:
0x20: {  	p0 =	sne.s32 s14, $0x4FC0;
	[tilespmem:s13+$0x14000] =	vst v0  }
0x21: {  	[tilespmem:s13+$0x13F90] =	vst v0  }
0x22: {  	[tilespmem:s13+$0x13FA0] =	vst v0  }
.Ltmp0:
0x23: {  	[tilespmem:s13+$0x13FB0] =	vst v0;
	(pc) =	sbr.rel @p0 .LBB2_2-.Ltmp0, $4  }
0x24: {  	[tilespmem:s13+$0x13FC0] =	vst v0  }
0x25: {  	[tilespmem:s13+$0x13FD0] =	vst v0  }
0x26: {  	[tilespmem:s13+$0x13FE0] =	vst v0  }
0x27: {  	[tilespmem:s13+$0x13FF0] =	vst v0;
	s13 =	sshra.s32 s14, $0x2;
	s14 =	sadd.s32 $0x200, s14  }
0x28: {  	[tilespmem:s13+$0x14000] =	vst v0  }
0x29: {  	[tilespmem:s13+$0x13F90] =	vst v0  }
0x2a: {  	[tilespmem:s13+$0x13FA0] =	vst v0  }
0x2b: {  	[tilespmem:s13+$0x13FB0] =	vst v0  }
0x2c: {  	[tilespmem:s13+$0x13FC0] =	vst v0  }
0x2d: {  	[tilespmem:s13+$0x13FD0] =	vst v0  }
0x2e: {  	[tilespmem:s13+$0x13FE0] =	vst v0  }
0x2f: {  	[tilespmem:s13+$0x13FF0] =	vst v0  }
0x30: {  	[spmem:s8] =	stream.linear.scatter [tilespmem:s31], [sflag:$0x5], $0x1400, $0x38;
	[tilespmem:$0x1A500] =	vst v63  }
0x31: {  	_ =	swait.ge [sflag:s0], $0x1400  }
0x32: {  	[sflag:s0] =	ssyncset.done $0x0  }
0x33: {  	s17 =	rddreg [dreg:$0x7];
	[sflag:s0] =	ssyncadd.s32 $0xFFFFEC00  }
0x34: {  	[spmem:s17] =	stream.linear.scatter [tilespmem:s31], [sflag:$0x5], $0x1400, $0x38;
	[tilespmem:$0x1A500] =	vst v63  }
0x35: {  	_ =	swait.ge [sflag:s0], $0x1400  }
0x36: {  	[sflag:s0] =	ssyncset.done $0x0  }
0x37: {  	s18 =	rddreg [dreg:$0x8];
	[sflag:s0] =	ssyncadd.s32 $0xFFFFEC00  }
0x38: {  	[spmem:s18] =	stream.linear.scatter [tilespmem:s31], [sflag:$0x5], $0x1400, $0x38;
	[tilespmem:$0x1A500] =	vst v63  }
0x39: {  	_ =	swait.ge [sflag:s0], $0x1400  }
0x3a: {  	[sflag:s0] =	ssyncset.done $0x0  }
0x3b: {  	s14 =	rddreg [dreg:$0x9];
	[sflag:s0] =	ssyncadd.s32 $0xFFFFEC00  }
0x3c: {  	[spmem:s14] =	stream.linear.scatter [tilespmem:s31], [sflag:$0x5], $0x1400, $0x38;
	[tilespmem:$0x1A500] =	vst v63  }
0x3d: {  	_ =	swait.ge [sflag:s0], $0x1400  }
0x3e: {  	[sflag:s0] =	ssyncset.done $0x0  }
0x3f: {  	s15 =	rddreg [dreg:$0xa];
	[sflag:s0] =	ssyncadd.s32 $0xFFFFEC00  }
0x40: {  	[spmem:s15] =	stream.linear.scatter [tilespmem:s31], [sflag:$0x5], $0x1400, $0x38;
	[tilespmem:$0x1A500] =	vst v63  }
0x41: {  	_ =	swait.ge [sflag:s0], $0x1400  }
0x42: {  	[sflag:s0] =	ssyncset.done $0x0  }
0x43: {  	s16 =	rddreg [dreg:$0xb];
	[sflag:s0] =	ssyncadd.s32 $0xFFFFEC00  }
0x44: {  	[spmem:s16] =	stream.linear.scatter [tilespmem:s31], [sflag:$0x5], $0x1400, $0x38;
	[tilespmem:$0x1A500] =	vst v63  }
0x45: {  	_ =	swait.ge [sflag:s0], $0x1400  }
0x46: {  	[sflag:s0] =	ssyncset.done $0x0  }
0x47: {  	s17 =	rddreg [dreg:$0xc];
	[sflag:s0] =	ssyncadd.s32 $0xFFFFEC00  }
0x48: {  	[spmem:s17] =	stream.linear.scatter [tilespmem:s31], [sflag:$0x5], $0x1400, $0x38;
	[tilespmem:$0x1A500] =	vst v63  }
0x49: {  	_ =	swait.ge [sflag:s0], $0x1400  }
0x4a: {  	[sflag:s0] =	ssyncset.done $0x0  }
0x4b: {  	s18 =	rddreg [dreg:$0xd];
	[sflag:s0] =	ssyncadd.s32 $0xFFFFEC00  }
0x4c: {  	[spmem:s18] =	stream.linear.scatter [tilespmem:s31], [sflag:$0x5], $0x1400, $0x38;
	[tilespmem:$0x1A500] =	vst v63  }
0x4d: {  	_ =	swait.ge [sflag:s0], $0x1400  }
0x4e: {  	[sflag:s0] =	ssyncset.done $0x0  }
0x4f: {  	s14 =	rddreg [dreg:$0xe];
	[sflag:s0] =	ssyncadd.s32 $0xFFFFEC00  }
0x50: {  	[spmem:s14] =	stream.linear.scatter [tilespmem:s31], [sflag:$0x5], $0x1400, $0x38;
	[tilespmem:$0x1A500] =	vst v63  }
0x51: {  	_ =	swait.ge [sflag:s0], $0x1400  }
0x52: {  	[sflag:s0] =	ssyncset.done $0x0  }
0x53: {  	s15 =	rddreg [dreg:$0xf];
	[sflag:s0] =	ssyncadd.s32 $0xFFFFEC00  }
0x54: {  	[spmem:s15] =	stream.linear.scatter [tilespmem:s31], [sflag:$0x5], $0x1400, $0x38;
	[tilespmem:$0x1A500] =	vst v63  }
0x55: {  	_ =	swait.ge [sflag:s0], $0x1400  }
0x56: {  	[sflag:s0] =	ssyncset.done $0x0  }
0x57: {  	[sflag:s0] =	ssyncadd.s32 $0xFFFFEC00  }
0x58: {  	[spmem:s19] =	stream.linear.scatter [tilespmem:s31], [sflag:$0x5], $0x1400, $0x38;
	[tilespmem:$0x1A500] =	vst v63  }
0x59: {  	_ =	swait.ge [sflag:s0], $0x1400  }
0x5a: {  	[sflag:s0] =	ssyncset.done $0x0  }
0x5b: {  	[sflag:s0] =	ssyncadd.s32 $0xFFFFEC00  }
0x5c: {  	[spmem:s20] =	stream.linear.scatter [tilespmem:s31], [sflag:$0x5], $0x1400, $0x38;
	[tilespmem:$0x1A500] =	vst v63  }
0x5d: {  	_ =	swait.ge [sflag:s0], $0x1400  }
0x5e: {  	[sflag:s0] =	ssyncset.done $0x0  }
0x5f: {  	[sflag:s0] =	ssyncadd.s32 $0xFFFFEC00  }
0x60: {  	[spmem:s21] =	stream.linear.scatter [tilespmem:s31], [sflag:$0x5], $0x1400, $0x38;
	[tilespmem:$0x1A500] =	vst v63  }
0x61: {  	_ =	swait.ge [sflag:s0], $0x1400  }
0x62: {  	[sflag:s0] =	ssyncset.done $0x0  }
0x63: {  	[sflag:s0] =	ssyncadd.s32 $0xFFFFEC00  }
0x64: {  	[spmem:s22] =	stream.linear.scatter [tilespmem:s31], [sflag:$0x5], $0x1400, $0x38;
	[tilespmem:$0x1A500] =	vst v63  }
0x65: {  	_ =	swait.ge [sflag:s0], $0x1400  }
0x66: {  	[sflag:s0] =	ssyncset.done $0x0  }
0x67: {  	[sflag:s0] =	ssyncadd.s32 $0xFFFFEC00  }
0x68: {  	[spmem:s26] =	stream.linear.scatter [tilespmem:s31], [sflag:$0x5], $0x1400, $0x38;
	[tilespmem:$0x1A500] =	vst v63  }
0x69: {  	_ =	swait.ge [sflag:s0], $0x1400  }
0x6a: {  	[sflag:s0] =	ssyncset.done $0x0  }
0x6b: {  	[sflag:s0] =	ssyncadd.s32 $0xFFFFEC00  }
0x6c: {  	[spmem:s28] =	stream.linear.scatter [tilespmem:s31], [sflag:$0x5], $0x1400, $0x38;
	[tilespmem:$0x1A500] =	vst v63  }
0x6d: {  	_ =	swait.ge [sflag:s0], $0x1400  }
0x6e: {  	[sflag:s0] =	ssyncset.done $0x0  }
0x6f: {  	[sflag:s0] =	ssyncadd.s32 $0xFFFFEC00  }
0x70: {  	s16 =	sadd.s32 $0x0, s25;
	[bflag:$0x0] =	sbarrier.arrive $0xFFFF  }
0x71: {  	[tilespmem:s1], [sflag:$0x4] =	stream.linear.gather [hbm4b:s16+s3], $0x50, $0x38;
	[tilespmem:$0x1A500] =	vst v63  }
0x72: {  	s17 =	sadd.s32 $0xFFFFFB00, s23  }
0x73: {  	[tilespmem:s5], [sflag:$0x2] =	stream.linear.gather [hbm4b:s17+s3], $0x2800, $0x38;
	[tilespmem:$0x1A500] =	vst v63  }
0x74: {  	_ =	swait.ge [sflag:s6], $0x50  }
0x75: {  	[sflag:s6] =	ssyncset.done $0x0  }
0x76: {  	[sflag:s6] =	ssyncadd.s32 $0xFFFFFFB0  }
0x77: {  	_ =	swait.ge [sflag:s7], $0x2800  }
0x78: {  	[sflag:s7] =	ssyncset.done $0x0  }
0x79: {  	[sflag:s7] =	ssyncadd.s32 $0xFFFFD800  }
0x7a: {  	[spmem:s2] =	stream.indirect.scatter.add.f32 [tilespmem:s30], [sflag:$0x5], $0x80, s29, s9, $0xb8;
	[tilespmem:$0x1A500] =	vst v63  }
0x7b: {  	_ =	swait.ge [sflag:s0], $0x2800  }
0x7c: {  	s18 =	sshrl.u32 s24, $0x3;
	[sflag:s0] =	ssyncset.done $0x0  }
0x7d: {  	s13 =	sadd.s32 s4, s18;
	[sflag:s0] =	ssyncadd.s32 $0xFFFFD800  }
0x7e: {  	[tilespmem:s29], [sflag:$0x3] =	stream.linear.gather [hbm4b:s13+s3], $0x50, $0x38;
	[tilespmem:$0x1A500] =	vst v63  }
0x7f: {  	_ = 	snop  }
0x80: {  	[tilespmem:s30], [sflag:$0x1] =	stream.linear.gather [hbm4b:s23+s3], $0x2800, $0x38;
	[tilespmem:$0x1A500] =	vst v63  }
0x81: {  	_ =	swait.ge [sflag:s10], $0x50  }
0x82: {  	[sflag:s10] =	ssyncset.done $0x0  }
0x83: {  	[sflag:s10] =	ssyncadd.s32 $0xFFFFFFB0  }
0x84: {  	_ =	swait.ge [sflag:s11], $0x2800  }
0x85: {  	[sflag:s11] =	ssyncset.done $0x0  }
0x86: {  	[sflag:s11] =	ssyncadd.s32 $0xFFFFD800  }
0x87: {  	[spmem:s2] =	stream.indirect.scatter.add.f32 [tilespmem:s5], [sflag:$0x5], $0x80, s1, s9, $0xb8;
	[tilespmem:$0x1A500] =	vst v63  }
0x88: {  	s14 =	sadd.s32 $0xA0, s24;
	s15 =	simm.s32 $0x14;
	_ =	swait.ge [sflag:s0], $0x2800  }
0x89: {  	s16 =	simm.s32 $0x28;
	s13 =	sadd.s32 $0xA00, s23;
	[sflag:s0] =	ssyncset.done $0x0  }
.LBB2_4:
0x8a: {  	s17 =	sadd.s32 s15, s25  }
0x8b: {  	[sflag:s0] =	ssyncadd.s32 $0xFFFFD800;
	s15 =	smov.u32 s16;
	s18 =	sadd.s32 $0x14, s16  }
0x8c: {  	[tilespmem:s1], [sflag:$0x4] =	stream.linear.gather [hbm4b:s17+s3], $0x50, $0x38;
	[tilespmem:$0x1A500] =	vst v63  }
0x8d: {  	p0 =	sne.s32 s16, $0x4C4;
	s16 =	sadd.s32 $0xFFFFFB00, s13  }
0x8e: {  	[tilespmem:s5], [sflag:$0x2] =	stream.linear.gather [hbm4b:s16+s3], $0x2800, $0x38;
	[tilespmem:$0x1A500] =	vst v63  }
0x8f: {  	_ =	swait.ge [sflag:s6], $0x50  }
0x90: {  	[sflag:s6] =	ssyncset.done $0x0  }
0x91: {  	[sflag:s6] =	ssyncadd.s32 $0xFFFFFFB0  }
0x92: {  	_ =	swait.ge [sflag:s7], $0x2800  }
0x93: {  	[sflag:s7] =	ssyncset.done $0x0  }
0x94: {  	[sflag:s7] =	ssyncadd.s32 $0xFFFFD800  }
0x95: {  	[spmem:s2] =	stream.indirect.scatter.add.f32 [tilespmem:s30], [sflag:$0x5], $0x80, s29, s9, $0xb8;
	[tilespmem:$0x1A500] =	vst v63  }
0x96: {  	_ =	swait.ge [sflag:s0], $0x2800  }
0x97: {  	s16 =	sshrl.u32 s14, $0x3;
	[sflag:s0] =	ssyncset.done $0x0  }
0x98: {  	s16 =	sadd.s32 s4, s16;
	[sflag:s0] =	ssyncadd.s32 $0xFFFFD800  }
0x99: {  	[tilespmem:s29], [sflag:$0x3] =	stream.linear.gather [hbm4b:s16+s3], $0x50, $0x38;
	[tilespmem:$0x1A500] =	vst v63  }
0x9a: {  	_ = 	snop  }
0x9b: {  	[tilespmem:s30], [sflag:$0x1] =	stream.linear.gather [hbm4b:s13+s3], $0x2800, $0x38;
	[tilespmem:$0x1A500] =	vst v63  }
0x9c: {  	_ =	swait.ge [sflag:s10], $0x50  }
0x9d: {  	[sflag:s10] =	ssyncset.done $0x0  }
0x9e: {  	[sflag:s10] =	ssyncadd.s32 $0xFFFFFFB0  }
0x9f: {  	_ =	swait.ge [sflag:s11], $0x2800  }
.Ltmp1:
0xa0: {  	[sflag:s11] =	ssyncset.done $0x0;
	(pc) =	sbr.rel @p0 .LBB2_4-.Ltmp1, $4  }
0xa1: {  	[sflag:s11] =	ssyncadd.s32 $0xFFFFD800  }
0xa2: {  	[spmem:s2] =	stream.indirect.scatter.add.f32 [tilespmem:s5], [sflag:$0x5], $0x80, s1, s9, $0xb8;
	[tilespmem:$0x1A500] =	vst v63  }
0xa3: {  	s14 =	sadd.s32 $0xA0, s14;
	_ =	swait.ge [sflag:s0], $0x2800  }
0xa4: {  	s16 =	smov.u32 s18;
	s13 =	sadd.s32 $0xA00, s13;
	[sflag:s0] =	ssyncset.done $0x0  }
0xa5: {  	s15 =	sadd.s32 s15, s25;
	[sflag:s0] =	ssyncadd.s32 $0xFFFFD800  }
0xa6: {  	[tilespmem:s1], [sflag:$0x4] =	stream.linear.gather [hbm4b:s15+s3], $0x50, $0x38;
	[tilespmem:$0x1A500] =	vst v63  }
0xa7: {  	s18 =	sadd.s32 $0xFFFFFB00, s13  }
0xa8: {  	[tilespmem:s5], [sflag:$0x2] =	stream.linear.gather [hbm4b:s18+s3], $0x2800, $0x38;
	[tilespmem:$0x1A500] =	vst v63  }
0xa9: {  	_ =	swait.ge [sflag:s6], $0x50  }
0xaa: {  	[sflag:s6] =	ssyncset.done $0x0  }
0xab: {  	[sflag:s6] =	ssyncadd.s32 $0xFFFFFFB0  }
0xac: {  	_ =	swait.ge [sflag:s7], $0x2800  }
0xad: {  	[sflag:s7] =	ssyncset.done $0x0  }
0xae: {  	[sflag:s7] =	ssyncadd.s32 $0xFFFFD800  }
0xaf: {  	[spmem:s2] =	stream.indirect.scatter.add.f32 [tilespmem:s30], [sflag:$0x5], $0x80, s29, s9, $0xb8;
	[tilespmem:$0x1A500] =	vst v63  }
0xb0: {  	_ =	swait.ge [sflag:s0], $0x2800  }
0xb1: {  	s14 =	sshrl.u32 s14, $0x3;
	[sflag:s0] =	ssyncset.done $0x0  }
0xb2: {  	s14 =	sadd.s32 s4, s14;
	[sflag:s0] =	ssyncadd.s32 $0xFFFFD800  }
0xb3: {  	[tilespmem:s29], [sflag:$0x3] =	stream.linear.gather [hbm4b:s14+s3], $0x50, $0x38;
	[tilespmem:$0x1A500] =	vst v63  }
0xb4: {  	_ = 	snop  }
0xb5: {  	[tilespmem:s30], [sflag:$0x1] =	stream.linear.gather [hbm4b:s13+s3], $0x2800, $0x38;
	[tilespmem:$0x1A500] =	vst v63  }
0xb6: {  	_ =	swait.ge [sflag:s10], $0x50  }
0xb7: {  	[sflag:s10] =	ssyncset.done $0x0  }
0xb8: {  	[sflag:s10] =	ssyncadd.s32 $0xFFFFFFB0  }
0xb9: {  	_ =	swait.ge [sflag:s11], $0x2800  }
0xba: {  	[sflag:s11] =	ssyncset.done $0x0  }
0xbb: {  	[sflag:s11] =	ssyncadd.s32 $0xFFFFD800  }
0xbc: {  	[spmem:s2] =	stream.indirect.scatter.add.f32 [tilespmem:s5], [sflag:$0x5], $0x80, s1, s9, $0xb8;
	[tilespmem:$0x1A500] =	vst v63  }
0xbd: {  	_ =	swait.ge [sflag:s0], $0x2800  }
0xbe: {  	[sflag:s0] =	ssyncset.done $0x0  }
0xbf: {  	[sflag:s0] =	ssyncadd.s32 $0xFFFFD800  }
0xc0: {  	_ =	swait.ge [sflag:s6], $0x50  }
0xc1: {  	[sflag:s6] =	ssyncset.done $0x0  }
0xc2: {  	[sflag:s6] =	ssyncadd.s32 $0xFFFFFFB0  }
0xc3: {  	_ =	swait.ge [sflag:s7], $0x2800  }
0xc4: {  	[sflag:s7] =	ssyncset.done $0x0  }
0xc5: {  	[sflag:s7] =	ssyncadd.s32 $0xFFFFD800  }
0xc6: {  	[spmem:s2] =	stream.indirect.scatter.add.f32 [tilespmem:s30], [sflag:$0x5], $0x80, s29, s9, $0xb8;
	[tilespmem:$0x1A500] =	vst v63  }
0xc7: {  	_ =	swait.ge [sflag:s0], $0x2800  }
0xc8: {  	[sflag:s0] =	ssyncset.done $0x0  }
0xc9: {  	s15 =	stileid.u32;
	[sflag:s0] =	ssyncadd.s32 $0xFFFFD800  }
0xca: {  	s13 =	sshll.u32 s15, $0x6;
	[bflag:$0x0] =	sbarrier.arrive $0xFFFF  }
0xcb: {  	s16 =	sshrl.u32 s8, $0x3;
	s13 =	sor.u32 $0x1C05, s13;
	s17 =	rddreg [dreg:$0x5]  }
0xcc: {  	[hbm:s17], [sflag:s13] =	dma.local [spmem:s16], $0x2800  }
0xcd: {  	_ =	swait.ge [sflag:s0], $0x2800  }
0xce: {  	s12 =	sadd.s32 $0x1, s12;
	s18 =	rddreg [dreg:$0x6]  }
0xcf: {  	p0 =	sne.s32 s12, s18  }
.Ltmp2:
0xd0: {  	_ = 	snop;
	(pc) =	sbr.rel @p0 .LBB2_1-.Ltmp2, $3  }
0xd1: {  	_ =	sdelay $0x1  }
0xd2: {  	[sflag:s0] =	ssyncset.done $0x0  }
0xd3: {  	[sflag:s0] =	ssyncadd.s32 $0xFFFFD800  }
0xd4: {  	_ =	sfence.sel $0x180000  }
0xd5: {  	[bflag:$0x0] =	sbarrier.arrive $0xFFFF  }
0xd6: {  	_ =	strace $0x90000050  }
0xd7: {  	s0 =	stileid.u32;
	[bflag:$0x2] =	sbarrier.arrive $0xFFFF  }
0xd8: {  	p0 =	sne.s32 s0, $0x0;
	s0 =	rddreg [dreg:$0x2]  }
0xd9: {  	s0 =	sadd.s32 @!p0 $0x100000, s0  }
0xda: {  	[sflag:s0] =	ssyncadd.tile.s32 @!p0 $0x1;
	_ =	shalt  }
.Lfunc_end2:
_tile_overlayer_lowered:
.L_overlay_start_2:
0xdb: {  	(tag) =	ssettag $0x2  }
0xdc: {  	s0 =	rddreg [dreg:$0x0];
	s2 =	stileid.u32  }
0xdd: {  	s1 =	rddreg [dreg:$0x1];
	p0 =	sne.s32 s2, $0x0  }
0xde: {  	s3 =	rddreg [dreg:$0x2];
	[bflag:$0x3] =	sbarrier.arrive $0xFFFF;
	s2 =	simm.s32 @!p0 $0x1C05  }
0xdf: {  	[timem:s3], [sflag:s2] =	dma.local @!p0 [hbm:s0], s1  }
0xe0: {  	s0 =	simm.s32 @!p0 $0x5  }
0xe1: {  	_ =	swait.ge @!p0 [sflag:s0], s1  }
0xe2: {  	s1 =	ssub.s32 @!p0 $0x0, s1;
	[sflag:s0] =	ssyncset.done @!p0 $0x0  }
0xe3: {  	[sflag:s0] =	ssyncadd.s32 @!p0 s1  }
0xe4: {  	[bflag:$0x3] =	sbarrier.arrive $0xFFFF  }
0xe5: {  	_ =	shalt  }

// kernel: kernel.28.cloned.1.call-start
scs
__scs_entry_jumppad:
0x0: {  	(pc) =	sbr.rel $0x88, $3  }
0x1: {  	(tag) =	ssettag $0x0;
	lr =	simm.s32 $0x1  }
0x2: {  	[smem:$0x3F71] =	sst lr;
	_ =	strace $0xD0000000  }
0x3: {  	_ = 	snop  }
0x4: {  	_ = 	snop  }
0x5: {  	_ = 	snop  }
0x6: {  	_ = 	snop  }
0x7: {  	_ = 	snop  }
__scs_overlays_trampoline_lowered:
0x8: {  	[smem:$0x3F80] =	sst s0  }
0x9: {  	[smem:$0x3F81] =	sst s1  }
0xa: {  	[smem:$0x3F82] =	sst s2  }
0xb: {  	[smem:$0x3F83] =	sst s3  }
0xc: {  	[smem:$0x3F84] =	sst s4  }
0xd: {  	[smem:$0x3F85] =	sst s5  }
0xe: {  	[smem:$0x3F86] =	sst s6  }
0xf: {  	[smem:$0x3F87] =	sst s7  }
0x10: {  	[smem:$0x3F88] =	sst s8  }
0x11: {  	[smem:$0x3F89] =	sst s9;
	s0 =	simm.s32 @!p0 $0x0  }
0x12: {  	s1 =	sld [smem:$0x3F6F];
	s0 =	simm.s32 @p0 $0x1  }
0x13: {  	[smem:$0x3F8A] =	sst s0;
	s0 =	simm.s32 @!p1 $0x0  }
0x14: {  	s2 =	sld [smem:$0x3F6E];
	s0 =	simm.s32 @p1 $0x1  }
0x15: {  	[smem:$0x3F8B] =	sst s0;
	s0 =	simm.s32 @!p2 $0x0  }
0x16: {  	s3 =	sld [smem:$0x3FDB];
	s0 =	simm.s32 @p2 $0x1  }
0x17: {  	s4 =	simm.s32 $0x1BF5;
	[smem:$0x3F8D] =	sst s0  }
0x18: {  	s0 =	sld [smem:$0x3F70];
	_ =	swait.ge [sflag:s4], $0x0  }
0x19: {  	s7 =	sld [smem:$0x3F71]  }
0x1a: {  	s8 =	sadd.s32 $0xFFFFE003, lr  }
0x1b: {  	s9 =	sadd.s32 $0xFFFFFEF7, lr;
	s5 =	simm.s32 $0xFFFFFFFF;
	p2 =	slt.u32 s8, $0xFFFFF086  }
0x1c: {  	p1 =	slt.u32 s9, $0xF7A;
	s5 =	simm.s32 @!p2 $0x0  }
0x1d: {  	s5 =	simm.s32 @p1 $0x1;
	p0 =	seq.s32 s7, s2  }
0x1e: {  	s7 =	smul.u32 @!p0 $0xF7A, s2;
	p2 =	seq.s32 @!p0 s5, $0x0  }
0x1f: {  	s9 =	smul.u32 $0xF7A, s1;
	s8 =	simm.s32 @!p0 $0x1BF5;
	p2 =	por !p2, p0  }
0x20: {  	[sflag:s8] =	ssyncset.s32 @!p0 $0xFFFFF086;
	s6 =	sadd.s32 @!p0 s3, s7;
	s7 =	simm.s32 @!p0 $0x108  }
0x21: {  	s3 =	sadd.s32 s3, s9;
	s6 =	sadd.s32 @!p0 $0x88, s6;
	s7 =	simm.s32 @p2 $0x1082  }
0x22: {  	[simem:s7], [sflag:s8] =	dma.local @!p0 [hbm:s6], $0xF7A  }
0x23: {  	s9 =	sor.u32 $0xD0000000, s2;
	s6 =	simm.s32 $0x108;
	_ =	swait.ge @!p0 [sflag:s8], $0x0  }
0x24: {  	s3 =	sadd.s32 $0x88, s3;
	s6 =	simm.s32 @!p1 $0x1082;
	[sflag:s4] =	ssyncset.s32 $0xFFFFF086  }
0x25: {  	[simem:s6], [sflag:s4] =	dma.local [hbm:s3], $0xF7A  }
0x26: {  	[smem:$0x3F71] =	sst s1;
	(tag) =	ssettag s2;
	_ =	strace s9  }
0x27: {  	s1 =	sld [smem:$0x3F81]  }
0x28: {  	s2 =	sld [smem:$0x3F82]  }
0x29: {  	s4 =	sld [smem:$0x3F84]  }
0x2a: {  	p0 =	seq.s32 s5, $0x0;
	s5 =	sld [smem:$0x3F85]  }
0x2b: {  	s6 =	sld [smem:$0x3F86]  }
0x2c: {  	s7 =	sld [smem:$0x3F87]  }
0x2d: {  	s3 =	simm.s32 $0x108;
	s8 =	sld [smem:$0x3F88]  }
0x2e: {  	s3 =	simm.s32 @!p0 $0x1082;
	s9 =	sld [smem:$0x3F89]  }
0x2f: {  	lr =	sadd.s32 s0, s3;
	s0 =	sld [smem:$0x3F80]  }
0x30: {  	s3 =	sld [smem:$0x3F83]  }
0x31: {  	[smem:$0x3F8C] =	sst s10  }
0x32: {  	s10 =	sld [smem:$0x3F8A];
	_ =	sdelay $0x3  }
0x33: {  	p0 =	seq.s32 s10, $0x1;
	s10 =	sld [smem:$0x3F8C];
	_ =	sdelay $0x3  }
0x34: {  	[smem:$0x3F8C] =	sst s10  }
0x35: {  	s10 =	sld [smem:$0x3F8B];
	_ =	sdelay $0x3  }
0x36: {  	p1 =	seq.s32 s10, $0x1;
	s10 =	sld [smem:$0x3F8C];
	_ =	sdelay $0x3  }
0x37: {  	[smem:$0x3F8C] =	sst s10  }
0x38: {  	s10 =	sld [smem:$0x3F8D]  }
0x39: {  	_ = 	snop;
	(pc) =	sbr.ind lr, $3  }
0x3a: {  	_ = 	snop  }
0x3b: {  	_ = 	snop  }
0x3c: {  	p2 =	seq.s32 s10, $0x1;
	s10 =	sld [smem:$0x3F8C]  }
0x3d: {  	_ =	shalt  }
0x3e: {  	_ =	shalt  }
0x3f: {  	_ =	shalt  }
0x40: {  	_ =	shalt  }
0x41: {  	_ =	shalt  }
0x42: {  	_ =	shalt  }
0x43: {  	_ =	shalt  }
0x44: {  	_ =	shalt  }
0x45: {  	_ =	shalt  }
0x46: {  	_ =	shalt  }
0x47: {  	_ =	shalt  }
0x48: {  	_ =	shalt  }
0x49: {  	_ =	shalt  }
0x4a: {  	_ =	shalt  }
0x4b: {  	_ =	shalt  }
0x4c: {  	_ =	shalt  }
0x4d: {  	_ =	shalt  }
0x4e: {  	_ =	shalt  }
0x4f: {  	_ =	shalt  }
0x50: {  	_ =	shalt  }
0x51: {  	_ =	shalt  }
0x52: {  	_ =	shalt  }
0x53: {  	_ =	shalt  }
0x54: {  	_ =	shalt  }
0x55: {  	_ =	shalt  }
0x56: {  	_ =	shalt  }
0x57: {  	_ =	shalt  }
0x58: {  	_ =	shalt  }
0x59: {  	_ =	shalt  }
0x5a: {  	_ =	shalt  }
0x5b: {  	_ =	shalt  }
0x5c: {  	_ =	shalt  }
0x5d: {  	_ =	shalt  }
0x5e: {  	_ =	shalt  }
0x5f: {  	_ =	shalt  }
0x60: {  	_ =	shalt  }
0x61: {  	_ =	shalt  }
0x62: {  	_ =	shalt  }
0x63: {  	_ =	shalt  }
0x64: {  	_ =	shalt  }
0x65: {  	_ =	shalt  }
0x66: {  	_ =	shalt  }
0x67: {  	_ =	shalt  }
0x68: {  	_ =	shalt  }
0x69: {  	_ =	shalt  }
0x6a: {  	_ =	shalt  }
0x6b: {  	_ =	shalt  }
0x6c: {  	_ =	shalt  }
0x6d: {  	_ =	shalt  }
0x6e: {  	_ =	shalt  }
0x6f: {  	_ =	shalt  }
0x70: {  	_ =	shalt  }
0x71: {  	_ =	shalt  }
0x72: {  	_ =	shalt  }
0x73: {  	_ =	shalt  }
0x74: {  	_ =	shalt  }
0x75: {  	_ =	shalt  }
0x76: {  	_ =	shalt  }
0x77: {  	_ =	shalt  }
0x78: {  	_ =	shalt  }
0x79: {  	_ =	shalt  }
0x7a: {  	_ =	shalt  }
0x7b: {  	_ =	shalt  }
0x7c: {  	_ =	shalt  }
0x7d: {  	_ =	shalt  }
0x7e: {  	_ =	shalt  }
0x7f: {  	_ =	shalt  }
0x80: {  	_ =	shalt  }
0x81: {  	_ =	shalt  }
0x82: {  	_ =	shalt  }
0x83: {  	_ =	shalt  }
0x84: {  	_ =	shalt  }
0x85: {  	_ =	shalt  }
0x86: {  	_ =	shalt  }
0x87: {  	_ =	shalt  }
.Lfunc_end0:
.L_simem_size_0:
called_computation.4_lowered:
.L_overlay_start_0:
0x88: {  	s2 =	sld [smem:$0x3FD9]  }
0x89: {  	s3 =	sld [smem:$0x3FFE];
	_ =	sdelay $0x1  }
0x8a: {  	s1 =	srdreg.scid  }
0x8b: {  	s0 =	sand.u32 $0x1, s1  }
0x8c: {  	s16 =	sshll.u32 s0, $0xA;
	s2 =	sadd.s32 s3, s2  }
0x8d: {  	s2 =	sadd.s32 s2, s16  }
0x8e: {  	[smem:$0x3F98] =	sst s2  }
0x8f: {  	_ = 	snop  }
0x90: {  	(tm) =	ssettm $0x1  }
0x91: {  	s17 =	sld [smem:$0x3FFB];
	_ =	sdelay $0x3  }
0x92: {  	_ =	strace s17  }
0x93: {  	s2 =	sld [smem:$0x3FFC];
	_ =	sdelay $0x3  }
0x94: {  	_ =	strace s2  }
0x95: {  	s2 =	sld [smem:$0x3FFD];
	_ =	sdelay $0x3  }
0x96: {  	_ =	strace s2  }
0x97: {  	_ =	strace $0x8FFFFFFF  }
0x98: {  	s18 =	sld [smem:$0x3FDB];
	_ =	sdelay $0x1  }
0x99: {  	s19 =	simm.s32 $_scs_section_size  }
0x9a: {  	s4 =	simm.s32 $_size__tile_overlayer_lowered;
	s5 =	simm.s32 $_tile_overlayer_lowered  }
0x9b: {  	s22 =	simm.s32 $0x1BFF;
	s21 =	sshll.u32 s5, $0x1;
	s2 =	sadd.s32 s19, s18  }
0x9c: {  	s6 =	simm.s32 $0x0;
	s20 =	sshll.u32 s4, $0x1;
	s4 =	sadd.s32 s21, s2  }
0x9d: {  	[timem:s6], [sflag:s22] =	dma.local [hbm:s4], s20  }
0x9e: {  	_ =	swait.ge [sflag:s22], s20  }
0x9f: {  	s3 =	ssub.s32 $0x0, s20;
	[sflag:s22] =	ssyncset.done $0x0  }
0xa0: {  	[sflag:s22] =	ssyncadd.s32 s3;
	_ =	sdelay $0x1  }
0xa1: {  	s23 =	simm.s32 $0x1B8B  }
0xa2: {  	_ =	swait.ge [sflag:s23], $0x1  }
0xa3: {  	[sflag:s23] =	ssyncset.done $0x0  }
0xa4: {  	s25 =	simm.s32 $0x1B8E;
	s24 =	sld [smem:$0x3FFE];
	[sflag:s23] =	ssyncadd.s32 $0xFFFFFFFF  }
0xa5: {  	s26 =	simm.s32 $execute0_lowered;
	[smem:$0x3FD2] =	sst s25  }
0xa6: {  	s4 =	sshll.u32 s26, $0x1;
	_ =	strace $0x80000052;
	[dreg:$0x1] =	wrdreg $0xFFFFFFFF  }
0xa7: {  	s28 =	simm.s32 $_size_execute0_lowered;
	s2 =	sadd.s32 s2, s4;
	[dreg:$0x0] =	wrdreg $0x0  }
0xa8: {  	s4 =	sshll.u32 s28, $0x1;
	[dreg:$0x2] =	wrdreg s2  }
0xa9: {  	[dreg:$0x3] =	wrdreg s4  }
0xaa: {  	[dreg:$0x4] =	wrdreg $0xC0  }
0xab: {  	_ =	task [dreg:s6], $0x5FFFF  }
0xac: {  	[dreg:$0x1] =	wrdreg $0xFFFFFFFF  }
0xad: {  	[dreg:$0x0] =	wrdreg $0x60  }
0xae: {  	[dreg:$0x2] =	wrdreg s24  }
0xaf: {  	[dreg:$0x3] =	wrdreg $0x9  }
0xb0: {  	_ =	task.clear_ibuf [dreg:s6], $0x4FFFF;
	_ =	strace $0x90000052  }
0xb1: {  	s29 =	simm.s32 $0x9;
	_ =	strace $0x80000054  }
0xb2: {  	_ =	swait.ge [sflag:s29], $0x1  }
0xb3: {  	[sflag:s29] =	ssyncadd.s32 $0xFFFFFFFF  }
0xb4: {  	_ =	strace $0x90000054  }
0xb5: {  	_ =	sfence  }
0xb6: {  	s30 =	sld [smem:$0x0];
	_ =	sdelay $0x2  }
0xb7: {  	s31 =	sshll.u32 s1, $0xD;
	s1 =	sshrl.u32 s1, $0x2  }
0xb8: {  	s3 =	sand.u32 $0x4000, s31;
	s1 =	sadd.s32 s1, s30  }
0xb9: {  	s0 =	sor.u32 s3, s0;
	s1 =	sshll.u32 s1, $0x11  }
0xba: {  	s0 =	sor.u32 s1, s0  }
0xbb: {  	s0 =	sadd.s32 $0x8F2B, s0  }
0xbc: {  	[sflag:s0] =	ssyncadd.remote.s32 $0x1  }
0xbd: {  	_ =	sfence.sel $0xFFFF  }
0xbe: {  	[dreg:$0x0] =	wrdreg $0xFFFFFFFF;
	(pc) =	sbr.abs _section_cstart, $3  }
0xbf: {  	[dreg:$0x1] =	wrdreg $0xFFFFFFFF  }
0xc0: {  	_ =	task.clear_ibuf [dreg:s6], $0x2FFFF;
	_ =	strace $0x9FFFFFFF  }
0xc1: {  	(tm) =	ssettm $0x7FFFFFFF  }
tec
execute0_lowered:
.L_overlay_start_1:
0x0: {  	(tag) =	ssettag $0x1  }
0x1: {  	s6 =	rddreg [dreg:$0x0];
	s1 =	srdreg.scid  }
0x2: {  	s2 =	simm.s32 $0x0;
	s0 =	stileid.u32;
	s15 =	simm.s32 $0x190  }
0x3: {  	s18 =	simm.s32 $0x2C8;
	s16 =	simm.s32 $0x400;
	s17 =	simm.s32 $0x200  }
0x4: {  	s19 =	simm.s32 $0x1;
	s20 =	simm.s32 $0x6800;
	s21 =	simm.s32 $0x2  }
0x5: {  	s22 =	simm.s32 $0x13000;
	s23 =	simm.s32 $0x0;
	s10 =	smul.u32 $0x27100, s0  }
0x6: {  	s7 =	sand.u32 $0x1, s1;
	[smem:$0x7FF] =	sst s2;
	s12 =	smul.u32 $0x2710, s0  }
0x7: {  	s5 =	sadd.s32 $0x13E00, s6;
	s3 =	sshll.u32 s7, $0x4;
	s8 =	smul.u32 $0x271000, s7  }
0x8: {  	_ =	strace $0x80000053;
	s29 =	ssub.s32 $0x2, s7;
	s11 =	smul.u32 $0x27100, s7  }
0x9: {  	[dreg:$0x2] =	wrdreg s18;
	s18 =	simm.s32 $0xCC00;
	s4 =	sor.u32 s0, s3  }
0xa: {  	s3 =	sadd.s32 $0x1DC00, s6;
	s30 =	sshrl.u32 s29, $0x1;
	s9 =	smul.u32 $0x2710, s4  }
0xb: {  	s4 =	sadd.s32 $0xA000, s6;
	s8 =	sadd.s32 s8, s6;
	s13 =	ssub.s32 s29, s30  }
0xc: {  	s11 =	sadd.s32 s12, s11;
	s10 =	sadd.s32 s10, s8;
	s8 =	smax.u32 s13, $0x1  }
0xd: {  	s12 =	sadd.s32 $0xC8, s11;
	s13 =	simm.s32 $0x3;
	s9 =	sshrl.u32 s9, $0x3  }
0xe: {  	s31 =	sadd.s32 $0x44E00, s10;
	s12 =	sshrl.u32 s12, $0x3;
	s6 =	sadd.s32 s4, s9  }
0xf: {  	s7 =	sadd.s32 s5, s9;
	[dreg:$0x3] =	wrdreg s31;
	s9 =	sadd.s32 $0x526E00, s10  }
0x10: {  	s10 =	sadd.s32 $0x190, s11;
	s11 =	sadd.s32 s12, s5;
	s12 =	sadd.s32 s12, s4  }
.LBB2_1:
0x11: {  	[tilespmem:s2], [sflag:$0x3] =	stream.linear.gather [hbm4b:s6+s2], $0xC8, $0x38;
	[tilespmem:$0x19400] =	vst v63  }
0x12: {  	_ =	swait.ge [sflag:s13], $0xC8  }
0x13: {  	[sflag:s13] =	ssyncset.done $0x0  }
0x14: {  	s0 =	simm.s32 $0xC8;
	[sflag:s13] =	ssyncadd.s32 $0xFFFFFF38  }
0x15: {  	[tilespmem:s0], [sflag:$0x3] =	stream.linear.gather [hbm4b:s7+s2], $0xC8, $0x38;
	[tilespmem:$0x19400] =	vst v63  }
0x16: {  	_ =	swait.ge [sflag:s13], $0xC8  }
0x17: {  	[sflag:s13] =	ssyncset.done $0x0  }
0x18: {  	[sflag:s13] =	ssyncadd.s32 $0xFFFFFF38  }
0x19: {  	[tilespmem:s16], [sflag:$0x1] =	stream.indirect.gather [hbm4b:s3+s15], $0x80, s2, s15, $0xb8;
	[tilespmem:$0x19400] =	vst v63  }
0x1a: {  	_ = 	snop  }
0x1b: {  	[tilespmem:s17], [sflag:$0x3] =	stream.linear.gather [hbm4b:s12+s2], $0xC8, $0x38;
	[tilespmem:$0x19400] =	vst v63  }
0x1c: {  	_ =	swait.ge [sflag:s13], $0xC8  }
0x1d: {  	[sflag:s13] =	ssyncset.done $0x0  }
0x1e: {  	s24 =	rddreg [dreg:$0x2];
	[sflag:s13] =	ssyncadd.s32 $0xFFFFFF38  }
0x1f: {  	[tilespmem:s24], [sflag:$0x3] =	stream.linear.gather [hbm4b:s11+s2], $0xC8, $0x38;
	[tilespmem:$0x19400] =	vst v63  }
0x20: {  	_ =	swait.ge [sflag:s13], $0xC8  }
0x21: {  	[sflag:s13] =	ssyncset.done $0x0  }
0x22: {  	[sflag:s13] =	ssyncadd.s32 $0xFFFFFF38  }
0x23: {  	[tilespmem:s18], [sflag:$0x2] =	stream.indirect.gather [hbm4b:s3+s15], $0x80, s17, s15, $0xb8;
	[tilespmem:$0x19400] =	vst v63  }
0x24: {  	_ =	swait.ge [sflag:s19], $0xC800  }
0x25: {  	s30 =	rddreg [dreg:$0x3];
	[sflag:s19] =	ssyncset.done $0x0  }
0x26: {  	[sflag:s19] =	ssyncadd.s32 $0xFFFF3800;
	s24 =	sadd.s32 $0x0, s30  }
0x27: {  	[hbm4b:s24+s2] =	stream.linear.scatter [tilespmem:s16], [sflag:$0x3], $0x6400, $0x38;
	[tilespmem:$0x19400] =	vst v63  }
0x28: {  	_ =	swait.ge [sflag:s13], $0x6400  }
0x29: {  	[sflag:s13] =	ssyncset.done $0x0  }
0x2a: {  	s25 =	sadd.s32 $0x0, s9;
	[sflag:s13] =	ssyncadd.s32 $0xFFFF9C00  }
0x2b: {  	[hbm4b:s25+s2] =	stream.linear.scatter [tilespmem:s20], [sflag:$0x3], $0x6400, $0x38;
	[tilespmem:$0x19400] =	vst v63  }
0x2c: {  	p0 =	por $0x0, $0x0;
	_ =	swait.ge [sflag:s13], $0x6400  }
0x2d: {  	s26 =	sshrl.u32 @!p0 s10, $0x3;
	s28 =	simm.s32 @!p0 $0x3;
	[sflag:s13] =	ssyncset.done $0x0  }
0x2e: {  	s29 =	sadd.s32 @!p0 s4, s26;
	s30 =	simm.s32 @!p0 $0x0;
	[sflag:s13] =	ssyncadd.s32 $0xFFFF9C00  }
0x2f: {  	[tilespmem:s30], [sflag:$0x3] =	stream.linear.gather @!p0 [hbm4b:s29+s30], $0xC8, $0x38;
	[tilespmem:$0x19400] =	vst v63  }
0x30: {  	_ =	swait.ge @!p0 [sflag:s28], $0xC8  }
0x31: {  	[sflag:s28] =	ssyncset.done @!p0 $0x0  }
0x32: {  	s26 =	sadd.s32 @!p0 s5, s26;
	s29 =	simm.s32 @!p0 $0xC8;
	[sflag:s28] =	ssyncadd.s32 @!p0 $0xFFFFFF38  }
0x33: {  	[tilespmem:s29], [sflag:$0x3] =	stream.linear.gather @!p0 [hbm4b:s26+s30], $0xC8, $0x38;
	[tilespmem:$0x19400] =	vst v63  }
0x34: {  	_ =	swait.ge @!p0 [sflag:s28], $0xC8  }
0x35: {  	[sflag:s28] =	ssyncset.done @!p0 $0x0  }
0x36: {  	s26 =	simm.s32 @!p0 $0x190;
	[sflag:s28] =	ssyncadd.s32 @!p0 $0xFFFFFF38;
	s28 =	simm.s32 @!p0 $0x400  }
0x37: {  	[tilespmem:s28], [sflag:$0x1] =	stream.indirect.gather @!p0 [hbm4b:s3+s26], $0x80, s30, s26, $0xb8;
	[tilespmem:$0x19400] =	vst v63  }
0x38: {  	_ =	swait.ge [sflag:s21], $0xC800  }
0x39: {  	[sflag:s21] =	ssyncset.done $0x0  }
0x3a: {  	s24 =	sadd.s32 $0xC80, s24;
	[sflag:s21] =	ssyncadd.s32 $0xFFFF3800  }
0x3b: {  	[hbm4b:s24+s2] =	stream.linear.scatter [tilespmem:s18], [sflag:$0x3], $0x6400, $0x38;
	[tilespmem:$0x19400] =	vst v63  }
0x3c: {  	_ =	swait.ge [sflag:s13], $0x6400  }
0x3d: {  	[sflag:s13] =	ssyncset.done $0x0  }
0x3e: {  	s31 =	sadd.s32 $0xC80, s25;
	[sflag:s13] =	ssyncadd.s32 $0xFFFF9C00  }
0x3f: {  	[hbm4b:s31+s2] =	stream.linear.scatter [tilespmem:s22], [sflag:$0x3], $0x6400, $0x38;
	[tilespmem:$0x19400] =	vst v63  }
0x40: {  	s25 =	sadd.s32 $0x32, s11;
	s26 =	sadd.s32 $0x32, s12;
	_ =	swait.ge [sflag:s13], $0x6400  }
0x41: {  	s28 =	smov.u32 s10;
	s24 =	simm.s32 $0x1900;
	[sflag:s13] =	ssyncset.done $0x0  }
.LBB2_2:
0x42: {  	[sflag:s13] =	ssyncadd.s32 $0xFFFF9C00  }
0x43: {  	[tilespmem:s17], [sflag:$0x3] =	stream.linear.gather [hbm4b:s26+s2], $0xC8, $0x38;
	[tilespmem:$0x19400] =	vst v63  }
0x44: {  	_ =	swait.ge [sflag:s13], $0xC8  }
0x45: {  	[sflag:s13] =	ssyncset.done $0x0  }
0x46: {  	s30 =	rddreg [dreg:$0x2];
	[sflag:s13] =	ssyncadd.s32 $0xFFFFFF38  }
0x47: {  	[tilespmem:s30], [sflag:$0x3] =	stream.linear.gather [hbm4b:s25+s2], $0xC8, $0x38;
	[tilespmem:$0x19400] =	vst v63  }
0x48: {  	_ =	swait.ge [sflag:s13], $0xC8  }
0x49: {  	[sflag:s13] =	ssyncset.done $0x0  }
0x4a: {  	[sflag:s13] =	ssyncadd.s32 $0xFFFFFF38  }
0x4b: {  	[tilespmem:s18], [sflag:$0x2] =	stream.indirect.gather [hbm4b:s3+s15], $0x80, s17, s15, $0xb8;
	[tilespmem:$0x19400] =	vst v63  }
0x4c: {  	_ =	swait.ge [sflag:s19], $0xC800  }
0x4d: {  	s29 =	smov.u32 s24;
	s14 =	rddreg [dreg:$0x3];
	[sflag:s19] =	ssyncset.done $0x0  }
0x4e: {  	[sflag:s19] =	ssyncadd.s32 $0xFFFF3800;
	s30 =	sadd.s32 s29, s14  }
0x4f: {  	[hbm4b:s30+s2] =	stream.linear.scatter [tilespmem:s16], [sflag:$0x3], $0x6400, $0x38;
	[tilespmem:$0x19400] =	vst v63  }
0x50: {  	_ =	swait.ge [sflag:s13], $0x6400  }
0x51: {  	[sflag:s13] =	ssyncset.done $0x0  }
0x52: {  	s31 =	sadd.s32 s29, s9;
	[sflag:s13] =	ssyncadd.s32 $0xFFFF9C00  }
0x53: {  	[hbm4b:s31+s2] =	stream.linear.scatter [tilespmem:s20], [sflag:$0x3], $0x6400, $0x38;
	[tilespmem:$0x19400] =	vst v63  }
0x54: {  	s28 =	sadd.s32 $0x190, s28;
	p1 =	seq.s32 s29, $0x25800;
	_ =	swait.ge [sflag:s13], $0x6400  }
0x55: {  	s0 =	simm.s32 @!p1 $0x3;
	s29 =	sshrl.u32 @!p1 s28, $0x3;
	[sflag:s13] =	ssyncset.done $0x0  }
0x56: {  	s14 =	simm.s32 @!p1 $0x0;
	s1 =	sadd.s32 @!p1 s4, s29;
	[sflag:s13] =	ssyncadd.s32 $0xFFFF9C00  }
0x57: {  	[tilespmem:s14], [sflag:$0x3] =	stream.linear.gather @!p1 [hbm4b:s1+s14], $0xC8, $0x38;
	[tilespmem:$0x19400] =	vst v63  }
0x58: {  	_ =	swait.ge @!p1 [sflag:s0], $0xC8  }
0x59: {  	[sflag:s0] =	ssyncset.done @!p1 $0x0  }
0x5a: {  	s1 =	sadd.s32 @!p1 s5, s29;
	s29 =	simm.s32 @!p1 $0xC8;
	[sflag:s0] =	ssyncadd.s32 @!p1 $0xFFFFFF38  }
0x5b: {  	[tilespmem:s29], [sflag:$0x3] =	stream.linear.gather @!p1 [hbm4b:s1+s14], $0xC8, $0x38;
	[tilespmem:$0x19400] =	vst v63  }
0x5c: {  	_ =	swait.ge @!p1 [sflag:s0], $0xC8  }
0x5d: {  	[sflag:s0] =	ssyncset.done @!p1 $0x0  }
0x5e: {  	s1 =	simm.s32 @!p1 $0x400;
	[sflag:s0] =	ssyncadd.s32 @!p1 $0xFFFFFF38;
	s0 =	simm.s32 @!p1 $0x190  }
0x5f: {  	[tilespmem:s1], [sflag:$0x1] =	stream.indirect.gather @!p1 [hbm4b:s3+s0], $0x80, s14, s0, $0xb8;
	[tilespmem:$0x19400] =	vst v63  }
0x60: {  	_ =	swait.ge [sflag:s21], $0xC800  }
0x61: {  	[sflag:s21] =	ssyncset.done $0x0  }
0x62: {  	s24 =	sadd.s32 $0x1900, s24;
	s30 =	sadd.s32 $0xC80, s30;
	[sflag:s21] =	ssyncadd.s32 $0xFFFF3800  }
0x63: {  	[hbm4b:s30+s2] =	stream.linear.scatter [tilespmem:s18], [sflag:$0x3], $0x6400, $0x38;
	[tilespmem:$0x19400] =	vst v63  }
0x64: {  	p0 =	sne.s32 s24, $0x27100;
	_ =	swait.ge [sflag:s13], $0x6400  }
.Ltmp0:
0x65: {  	[sflag:s13] =	ssyncset.done $0x0;
	(pc) =	sbr.rel @p0 .LBB2_2-.Ltmp0, $4  }
0x66: {  	s31 =	sadd.s32 $0xC80, s31;
	[sflag:s13] =	ssyncadd.s32 $0xFFFF9C00  }
0x67: {  	[hbm4b:s31+s2] =	stream.linear.scatter [tilespmem:s22], [sflag:$0x3], $0x6400, $0x38;
	[tilespmem:$0x19400] =	vst v63  }
0x68: {  	_ =	swait.ge [sflag:s13], $0x6400  }
0x69: {  	s26 =	sadd.s32 $0x32, s26;
	s25 =	sadd.s32 $0x32, s25;
	[sflag:s13] =	ssyncset.done $0x0  }
0x6a: {  	s23 =	sadd.s32 $0x1, s23  }
0x6b: {  	p0 =	sne.s32 s23, s8  }
.Ltmp1:
0x6c: {  	_ = 	snop;
	(pc) =	sbr.rel @p0 .LBB2_1-.Ltmp1, $2  }
0x6d: {  	_ =	sdelay $0x2  }
0x6e: {  	[sflag:s13] =	ssyncadd.s32 $0xFFFF9C00  }
0x6f: {  	_ =	sfence.sel $0x180000  }
0x70: {  	[bflag:$0x0] =	sbarrier.arrive $0xFFFF  }
0x71: {  	_ =	strace $0x90000053  }
0x72: {  	s0 =	stileid.u32;
	[bflag:$0x2] =	sbarrier.arrive $0xFFFF  }
0x73: {  	p0 =	sne.s32 s0, $0x0;
	s0 =	rddreg [dreg:$0x1]  }
0x74: {  	s0 =	sadd.s32 @!p0 $0x100000, s0  }
0x75: {  	[sflag:s0] =	ssyncadd.tile.s32 @!p0 $0x1;
	_ =	shalt  }
.Lfunc_end2:
_tile_overlayer_lowered:
.L_overlay_start_2:
0x76: {  	(tag) =	ssettag $0x2  }
0x77: {  	s0 =	rddreg [dreg:$0x0];
	s2 =	stileid.u32  }
0x78: {  	s1 =	rddreg [dreg:$0x1];
	p0 =	sne.s32 s2, $0x0  }
0x79: {  	s3 =	rddreg [dreg:$0x2];
	[bflag:$0x3] =	sbarrier.arrive $0xFFFF;
	s2 =	simm.s32 @!p0 $0x1C03  }
0x7a: {  	[timem:s3], [sflag:s2] =	dma.local @!p0 [hbm:s0], s1  }
0x7b: {  	s0 =	simm.s32 @!p0 $0x3  }
0x7c: {  	_ =	swait.ge @!p0 [sflag:s0], s1  }
0x7d: {  	s1 =	ssub.s32 @!p0 $0x0, s1;
	[sflag:s0] =	ssyncset.done @!p0 $0x0  }
0x7e: {  	[sflag:s0] =	ssyncadd.s32 @!p0 s1  }
0x7f: {  	[bflag:$0x3] =	sbarrier.arrive $0xFFFF  }
0x80: {  	_ =	shalt  }

// kernel: kernel.31.cloned.1.call-start
scs
__scs_entry_jumppad:
0x0: {  	(pc) =	sbr.rel $0x88, $3  }
0x1: {  	(tag) =	ssettag $0x0;
	lr =	simm.s32 $0x1  }
0x2: {  	[smem:$0x3F71] =	sst lr;
	_ =	strace $0xD0000000  }
0x3: {  	_ = 	snop  }
0x4: {  	_ = 	snop  }
0x5: {  	_ = 	snop  }
0x6: {  	_ = 	snop  }
0x7: {  	_ = 	snop  }
__scs_overlays_trampoline_lowered:
0x8: {  	[smem:$0x3F80] =	sst s0  }
0x9: {  	[smem:$0x3F81] =	sst s1  }
0xa: {  	[smem:$0x3F82] =	sst s2  }
0xb: {  	[smem:$0x3F83] =	sst s3  }
0xc: {  	[smem:$0x3F84] =	sst s4  }
0xd: {  	[smem:$0x3F85] =	sst s5  }
0xe: {  	[smem:$0x3F86] =	sst s6  }
0xf: {  	[smem:$0x3F87] =	sst s7  }
0x10: {  	[smem:$0x3F88] =	sst s8  }
0x11: {  	[smem:$0x3F89] =	sst s9;
	s0 =	simm.s32 @!p0 $0x0  }
0x12: {  	s1 =	sld [smem:$0x3F6F];
	s0 =	simm.s32 @p0 $0x1  }
0x13: {  	[smem:$0x3F8A] =	sst s0;
	s0 =	simm.s32 @!p1 $0x0  }
0x14: {  	s2 =	sld [smem:$0x3F6E];
	s0 =	simm.s32 @p1 $0x1  }
0x15: {  	[smem:$0x3F8B] =	sst s0;
	s0 =	simm.s32 @!p2 $0x0  }
0x16: {  	s3 =	sld [smem:$0x3FDB];
	s0 =	simm.s32 @p2 $0x1  }
0x17: {  	s4 =	simm.s32 $0x1BF5;
	[smem:$0x3F8D] =	sst s0  }
0x18: {  	s0 =	sld [smem:$0x3F70];
	_ =	swait.ge [sflag:s4], $0x0  }
0x19: {  	s7 =	sld [smem:$0x3F71]  }
0x1a: {  	s8 =	sadd.s32 $0xFFFFE003, lr  }
0x1b: {  	s9 =	sadd.s32 $0xFFFFFEF7, lr;
	s5 =	simm.s32 $0xFFFFFFFF;
	p2 =	slt.u32 s8, $0xFFFFF086  }
0x1c: {  	p1 =	slt.u32 s9, $0xF7A;
	s5 =	simm.s32 @!p2 $0x0  }
0x1d: {  	s5 =	simm.s32 @p1 $0x1;
	p0 =	seq.s32 s7, s2  }
0x1e: {  	s7 =	smul.u32 @!p0 $0xF7A, s2;
	p2 =	seq.s32 @!p0 s5, $0x0  }
0x1f: {  	s9 =	smul.u32 $0xF7A, s1;
	s8 =	simm.s32 @!p0 $0x1BF5;
	p2 =	por !p2, p0  }
0x20: {  	[sflag:s8] =	ssyncset.s32 @!p0 $0xFFFFF086;
	s6 =	sadd.s32 @!p0 s3, s7;
	s7 =	simm.s32 @!p0 $0x108  }
0x21: {  	s3 =	sadd.s32 s3, s9;
	s6 =	sadd.s32 @!p0 $0x88, s6;
	s7 =	simm.s32 @p2 $0x1082  }
0x22: {  	[simem:s7], [sflag:s8] =	dma.local @!p0 [hbm:s6], $0xF7A  }
0x23: {  	s9 =	sor.u32 $0xD0000000, s2;
	s6 =	simm.s32 $0x108;
	_ =	swait.ge @!p0 [sflag:s8], $0x0  }
0x24: {  	s3 =	sadd.s32 $0x88, s3;
	s6 =	simm.s32 @!p1 $0x1082;
	[sflag:s4] =	ssyncset.s32 $0xFFFFF086  }
0x25: {  	[simem:s6], [sflag:s4] =	dma.local [hbm:s3], $0xF7A  }
0x26: {  	[smem:$0x3F71] =	sst s1;
	(tag) =	ssettag s2;
	_ =	strace s9  }
0x27: {  	s1 =	sld [smem:$0x3F81]  }
0x28: {  	s2 =	sld [smem:$0x3F82]  }
0x29: {  	s4 =	sld [smem:$0x3F84]  }
0x2a: {  	p0 =	seq.s32 s5, $0x0;
	s5 =	sld [smem:$0x3F85]  }
0x2b: {  	s6 =	sld [smem:$0x3F86]  }
0x2c: {  	s7 =	sld [smem:$0x3F87]  }
0x2d: {  	s3 =	simm.s32 $0x108;
	s8 =	sld [smem:$0x3F88]  }
0x2e: {  	s3 =	simm.s32 @!p0 $0x1082;
	s9 =	sld [smem:$0x3F89]  }
0x2f: {  	lr =	sadd.s32 s0, s3;
	s0 =	sld [smem:$0x3F80]  }
0x30: {  	s3 =	sld [smem:$0x3F83]  }
0x31: {  	[smem:$0x3F8C] =	sst s10  }
0x32: {  	s10 =	sld [smem:$0x3F8A];
	_ =	sdelay $0x3  }
0x33: {  	p0 =	seq.s32 s10, $0x1;
	s10 =	sld [smem:$0x3F8C];
	_ =	sdelay $0x3  }
0x34: {  	[smem:$0x3F8C] =	sst s10  }
0x35: {  	s10 =	sld [smem:$0x3F8B];
	_ =	sdelay $0x3  }
0x36: {  	p1 =	seq.s32 s10, $0x1;
	s10 =	sld [smem:$0x3F8C];
	_ =	sdelay $0x3  }
0x37: {  	[smem:$0x3F8C] =	sst s10  }
0x38: {  	s10 =	sld [smem:$0x3F8D]  }
0x39: {  	_ = 	snop;
	(pc) =	sbr.ind lr, $3  }
0x3a: {  	_ = 	snop  }
0x3b: {  	_ = 	snop  }
0x3c: {  	p2 =	seq.s32 s10, $0x1;
	s10 =	sld [smem:$0x3F8C]  }
0x3d: {  	_ =	shalt  }
0x3e: {  	_ =	shalt  }
0x3f: {  	_ =	shalt  }
0x40: {  	_ =	shalt  }
0x41: {  	_ =	shalt  }
0x42: {  	_ =	shalt  }
0x43: {  	_ =	shalt  }
0x44: {  	_ =	shalt  }
0x45: {  	_ =	shalt  }
0x46: {  	_ =	shalt  }
0x47: {  	_ =	shalt  }
0x48: {  	_ =	shalt  }
0x49: {  	_ =	shalt  }
0x4a: {  	_ =	shalt  }
0x4b: {  	_ =	shalt  }
0x4c: {  	_ =	shalt  }
0x4d: {  	_ =	shalt  }
0x4e: {  	_ =	shalt  }
0x4f: {  	_ =	shalt  }
0x50: {  	_ =	shalt  }
0x51: {  	_ =	shalt  }
0x52: {  	_ =	shalt  }
0x53: {  	_ =	shalt  }
0x54: {  	_ =	shalt  }
0x55: {  	_ =	shalt  }
0x56: {  	_ =	shalt  }
0x57: {  	_ =	shalt  }
0x58: {  	_ =	shalt  }
0x59: {  	_ =	shalt  }
0x5a: {  	_ =	shalt  }
0x5b: {  	_ =	shalt  }
0x5c: {  	_ =	shalt  }
0x5d: {  	_ =	shalt  }
0x5e: {  	_ =	shalt  }
0x5f: {  	_ =	shalt  }
0x60: {  	_ =	shalt  }
0x61: {  	_ =	shalt  }
0x62: {  	_ =	shalt  }
0x63: {  	_ =	shalt  }
0x64: {  	_ =	shalt  }
0x65: {  	_ =	shalt  }
0x66: {  	_ =	shalt  }
0x67: {  	_ =	shalt  }
0x68: {  	_ =	shalt  }
0x69: {  	_ =	shalt  }
0x6a: {  	_ =	shalt  }
0x6b: {  	_ =	shalt  }
0x6c: {  	_ =	shalt  }
0x6d: {  	_ =	shalt  }
0x6e: {  	_ =	shalt  }
0x6f: {  	_ =	shalt  }
0x70: {  	_ =	shalt  }
0x71: {  	_ =	shalt  }
0x72: {  	_ =	shalt  }
0x73: {  	_ =	shalt  }
0x74: {  	_ =	shalt  }
0x75: {  	_ =	shalt  }
0x76: {  	_ =	shalt  }
0x77: {  	_ =	shalt  }
0x78: {  	_ =	shalt  }
0x79: {  	_ =	shalt  }
0x7a: {  	_ =	shalt  }
0x7b: {  	_ =	shalt  }
0x7c: {  	_ =	shalt  }
0x7d: {  	_ =	shalt  }
0x7e: {  	_ =	shalt  }
0x7f: {  	_ =	shalt  }
0x80: {  	_ =	shalt  }
0x81: {  	_ =	shalt  }
0x82: {  	_ =	shalt  }
0x83: {  	_ =	shalt  }
0x84: {  	_ =	shalt  }
0x85: {  	_ =	shalt  }
0x86: {  	_ =	shalt  }
0x87: {  	_ =	shalt  }
.Lfunc_end0:
.L_simem_size_0:
called_computation.5_lowered:
.L_overlay_start_0:
0x88: {  	s2 =	sld [smem:$0x3FD9]  }
0x89: {  	s3 =	sld [smem:$0x3FFE];
	_ =	sdelay $0x1  }
0x8a: {  	s1 =	srdreg.scid  }
0x8b: {  	s0 =	sand.u32 $0x1, s1  }
0x8c: {  	s16 =	sshll.u32 s0, $0xA;
	s2 =	sadd.s32 s3, s2  }
0x8d: {  	s2 =	sadd.s32 s2, s16  }
0x8e: {  	[smem:$0x3F98] =	sst s2  }
0x8f: {  	_ = 	snop  }
0x90: {  	(tm) =	ssettm $0x1  }
0x91: {  	s17 =	sld [smem:$0x3FFB];
	_ =	sdelay $0x3  }
0x92: {  	_ =	strace s17  }
0x93: {  	s2 =	sld [smem:$0x3FFC];
	_ =	sdelay $0x3  }
0x94: {  	_ =	strace s2  }
0x95: {  	s2 =	sld [smem:$0x3FFD];
	_ =	sdelay $0x3  }
0x96: {  	_ =	strace s2  }
0x97: {  	_ =	strace $0x8FFFFFFF  }
0x98: {  	s18 =	sld [smem:$0x3FDB];
	_ =	sdelay $0x1  }
0x99: {  	s19 =	simm.s32 $_scs_section_size  }
0x9a: {  	s4 =	simm.s32 $_size__tile_overlayer_lowered;
	s5 =	simm.s32 $_tile_overlayer_lowered  }
0x9b: {  	s22 =	simm.s32 $0x1BFF;
	s21 =	sshll.u32 s5, $0x1;
	s2 =	sadd.s32 s19, s18  }
0x9c: {  	s6 =	simm.s32 $0x0;
	s20 =	sshll.u32 s4, $0x1;
	s4 =	sadd.s32 s21, s2  }
0x9d: {  	[timem:s6], [sflag:s22] =	dma.local [hbm:s4], s20  }
0x9e: {  	_ =	swait.ge [sflag:s22], s20  }
0x9f: {  	s3 =	ssub.s32 $0x0, s20;
	[sflag:s22] =	ssyncset.done $0x0  }
0xa0: {  	[sflag:s22] =	ssyncadd.s32 s3;
	_ =	sdelay $0x1  }
0xa1: {  	s23 =	simm.s32 $0x1B8B  }
0xa2: {  	_ =	swait.ge [sflag:s23], $0x1  }
0xa3: {  	[sflag:s23] =	ssyncset.done $0x0  }
0xa4: {  	s25 =	simm.s32 $0x1B8E;
	s24 =	sld [smem:$0x3FFE];
	[sflag:s23] =	ssyncadd.s32 $0xFFFFFFFF  }
0xa5: {  	s26 =	simm.s32 $execute0_lowered;
	[smem:$0x3FD2] =	sst s25  }
0xa6: {  	s4 =	sshll.u32 s26, $0x1;
	_ =	strace $0x80000055;
	[dreg:$0x1] =	wrdreg $0xFFFFFFFF  }
0xa7: {  	s28 =	simm.s32 $_size_execute0_lowered;
	s2 =	sadd.s32 s2, s4;
	[dreg:$0x0] =	wrdreg $0x0  }
0xa8: {  	s4 =	sshll.u32 s28, $0x1;
	[dreg:$0x2] =	wrdreg s2  }
0xa9: {  	[dreg:$0x3] =	wrdreg s4  }
0xaa: {  	[dreg:$0x4] =	wrdreg $0xC0  }
0xab: {  	_ =	task [dreg:s6], $0x5FFFF  }
0xac: {  	[dreg:$0x1] =	wrdreg $0xFFFFFFFF  }
0xad: {  	[dreg:$0x0] =	wrdreg $0x60  }
0xae: {  	[dreg:$0x2] =	wrdreg s24  }
0xaf: {  	[dreg:$0x3] =	wrdreg $0x0  }
0xb0: {  	[dreg:$0x4] =	wrdreg $0x9  }
0xb1: {  	_ =	task.clear_ibuf [dreg:s6], $0x5FFFF;
	_ =	strace $0x90000055  }
0xb2: {  	s29 =	simm.s32 $0x9;
	_ =	strace $0x80000057  }
0xb3: {  	_ =	swait.ge [sflag:s29], $0x1  }
0xb4: {  	[sflag:s29] =	ssyncadd.s32 $0xFFFFFFFF  }
0xb5: {  	_ =	strace $0x90000057  }
0xb6: {  	_ =	sfence  }
0xb7: {  	s30 =	sld [smem:$0x0];
	_ =	sdelay $0x2  }
0xb8: {  	s31 =	sshll.u32 s1, $0xD;
	s1 =	sshrl.u32 s1, $0x2  }
0xb9: {  	s3 =	sand.u32 $0x4000, s31;
	s1 =	sadd.s32 s1, s30  }
0xba: {  	s0 =	sor.u32 s3, s0;
	s1 =	sshll.u32 s1, $0x11  }
0xbb: {  	s0 =	sor.u32 s1, s0  }
0xbc: {  	s0 =	sadd.s32 $0x8F2B, s0  }
0xbd: {  	[sflag:s0] =	ssyncadd.remote.s32 $0x1  }
0xbe: {  	_ =	sfence.sel $0xFFFF  }
0xbf: {  	[dreg:$0x0] =	wrdreg $0xFFFFFFFF;
	(pc) =	sbr.abs _section_cstart, $3  }
0xc0: {  	[dreg:$0x1] =	wrdreg $0xFFFFFFFF  }
0xc1: {  	_ =	task.clear_ibuf [dreg:s6], $0x2FFFF;
	_ =	strace $0x9FFFFFFF  }
0xc2: {  	(tm) =	ssettm $0x7FFFFFFF  }
0xc3: {  	_ =	shalt  }
tec
execute0_lowered:
.L_overlay_start_1:
0x0: {  	(tag) =	ssettag $0x1  }
0x1: {  	s0 =	rddreg [dreg:$0x0];
	s11 =	stileid.u32  }
0x2: {  	s1 =	srdreg.scid;
	s5 =	smul.u32 $0x14000, s11  }
0x3: {  	s2 =	rddreg [dreg:$0x1];
	s3 =	simm.s32 $0x0;
	s8 =	smul.u32 $0x2710, s11  }
0x4: {  	s29 =	simm.s32 $0x15400;
	s1 =	sand.u32 $0x1, s1;
	s25 =	smul.u32 $0x50000, s11  }
0x5: {  	s30 =	simm.s32 $0x15500;
	[smem:$0x7FF] =	sst s3;
	s4 =	smul.u32 $0x140000, s1  }
0x6: {  	s6 =	sadd.s32 $0xEEAE00, s0;
	s23 =	smul.u32 $0x27100, s1;
	s24 =	ssub.s32 $0x2, s1  }
0x7: {  	_ =	strace $0x80000056;
	s9 =	sshrl.u32 s24, $0x1;
	s4 =	sadd.s32 s5, s4  }
0x8: {  	s5 =	sadd.s32 s8, s23;
	s8 =	sshrl.u32 s25, $0x2;
	s7 =	sshrl.u32 s4, $0x3  }
0x9: {  	s4 =	sadd.s32 $0x13E00, s0;
	s26 =	sshrl.u32 s5, $0x3;
	s10 =	sshll.u32 s5, $0x4  }
0xa: {  	s0 =	sadd.s32 s7, s0;
	s7 =	ssub.s32 s24, s9;
	s9 =	sadd.s32 s4, s26  }
0xb: {  	s8 =	sadd.s32 s8, s2;
	s12 =	sadd.s32 s6, s10;
	[dreg:$0x3] =	wrdreg s9  }
0xc: {  	s31 =	simm.s32 $0x14000;
	s14 =	sadd.s32 $0x1400, s8;
	[dreg:$0x4] =	wrdreg s12  }
0xd: {  	s22 =	smul.u32 $0x271000, s1;
	s15 =	sadd.s32 $0x2800, s8;
	[dreg:$0x7] =	wrdreg s14  }
0xe: {  	s1 =	simm.s32 $0x15480;
	s16 =	sadd.s32 $0x3C00, s8;
	[dreg:$0x8] =	wrdreg s15  }
0xf: {  	s25 =	sadd.s32 $0x50, s5;
	s17 =	sadd.s32 $0x5000, s8;
	[dreg:$0x9] =	wrdreg s16  }
0x10: {  	s18 =	sadd.s32 $0x6400, s8;
	s19 =	sadd.s32 $0x7800, s8;
	[dreg:$0xa] =	wrdreg s17  }
0x11: {  	s20 =	sadd.s32 $0x8C00, s8;
	s21 =	sadd.s32 $0xA000, s8;
	[dreg:$0xb] =	wrdreg s18  }
0x12: {  	s23 =	sadd.s32 $0xB400, s8;
	s24 =	smul.u32 $0x27100, s11;
	[dreg:$0xc] =	wrdreg s19  }
0x13: {  	s26 =	sshrl.u32 s25, $0x3;
	s28 =	sadd.s32 $0x12C00, s8;
	[dreg:$0xd] =	wrdreg s20  }
0x14: {  	s10 =	simm.s32 $0x4;
	s11 =	simm.s32 $0x2;
	[dreg:$0xe] =	wrdreg s21  }
0x15: {  	s0 =	sadd.s32 $0x44E00, s0;
	s13 =	smax.u32 s7, $0x1;
	[dreg:$0xf] =	wrdreg s23  }
0x16: {  	s19 =	sadd.s32 $0xC800, s8;
	s20 =	sadd.s32 $0xDC00, s8;
	s21 =	sadd.s32 $0xF000, s8  }
0x17: {  	s25 =	sadd.s32 s26, s4;
	s26 =	sadd.s32 $0x11800, s8;
	s7 =	simm.s32 $0x1  }
0x18: {  	s9 =	simm.s32 $0x50;
	s12 =	simm.s32 $0x0;
	[dreg:$0x5] =	wrdreg s0  }
0x19: {  	[dreg:$0x6] =	wrdreg s13;
	s0 =	sadd.s32 s22, s6;
	s22 =	sadd.s32 $0x10400, s8  }
0x1a: {  	s6 =	simm.s32 $0x3;
	s0 =	sadd.s32 s24, s0;
	s24 =	sadd.s32 $0xA0, s5  }
0x1b: {  	v0 =	vimm.f32 $0.0e+00;
	s5 =	simm.s32 $0x17D00;
	s23 =	sadd.s32 $0xA00, s0;
	s0 =	simm.s32 $0x5  }
.LBB2_1:
0x1c: {  	s13 =	rddreg [dreg:$0x3]  }
0x1d: {  	[tilespmem:s29], [sflag:$0x3] =	stream.linear.gather [hbm4b:s13+s3], $0x50, $0x38;
	[tilespmem:$0x1A500] =	vst v63  }
0x1e: {  	s18 =	rddreg [dreg:$0x4];
	s14 =	simm.s32 $0x3C0;
	s13 =	simm.s32 $0x70  }
0x1f: {  	[tilespmem:s30], [sflag:$0x1] =	stream.linear.gather [hbm4b:s18+s3], $0x2800, $0x38;
	[tilespmem:$0x1A500] =	vst v63  }
.LBB2_2:
0x20: {  	p0 =	sne.s32 s14, $0x4FC0;
	[tilespmem:s13+$0x14000] =	vst v0  }
0x21: {  	[tilespmem:s13+$0x13F90] =	vst v0  }
0x22: {  	[tilespmem:s13+$0x13FA0] =	vst v0  }
.Ltmp0:
0x23: {  	[tilespmem:s13+$0x13FB0] =	vst v0;
	(pc) =	sbr.rel @p0 .LBB2_2-.Ltmp0, $4  }
0x24: {  	[tilespmem:s13+$0x13FC0] =	vst v0  }
0x25: {  	[tilespmem:s13+$0x13FD0] =	vst v0  }
0x26: {  	[tilespmem:s13+$0x13FE0] =	vst v0  }
0x27: {  	[tilespmem:s13+$0x13FF0] =	vst v0;
	s13 =	sshra.s32 s14, $0x2;
	s14 =	sadd.s32 $0x200, s14  }
0x28: {  	[tilespmem:s13+$0x14000] =	vst v0  }
0x29: {  	[tilespmem:s13+$0x13F90] =	vst v0  }
0x2a: {  	[tilespmem:s13+$0x13FA0] =	vst v0  }
0x2b: {  	[tilespmem:s13+$0x13FB0] =	vst v0  }
0x2c: {  	[tilespmem:s13+$0x13FC0] =	vst v0  }
0x2d: {  	[tilespmem:s13+$0x13FD0] =	vst v0  }
0x2e: {  	[tilespmem:s13+$0x13FE0] =	vst v0  }
0x2f: {  	[tilespmem:s13+$0x13FF0] =	vst v0  }
0x30: {  	[spmem:s8] =	stream.linear.scatter [tilespmem:s31], [sflag:$0x5], $0x1400, $0x38;
	[tilespmem:$0x1A500] =	vst v63  }
0x31: {  	_ =	swait.ge [sflag:s0], $0x1400  }
0x32: {  	[sflag:s0] =	ssyncset.done $0x0  }
0x33: {  	s17 =	rddreg [dreg:$0x7];
	[sflag:s0] =	ssyncadd.s32 $0xFFFFEC00  }
0x34: {  	[spmem:s17] =	stream.linear.scatter [tilespmem:s31], [sflag:$0x5], $0x1400, $0x38;
	[tilespmem:$0x1A500] =	vst v63  }
0x35: {  	_ =	swait.ge [sflag:s0], $0x1400  }
0x36: {  	[sflag:s0] =	ssyncset.done $0x0  }
0x37: {  	s18 =	rddreg [dreg:$0x8];
	[sflag:s0] =	ssyncadd.s32 $0xFFFFEC00  }
0x38: {  	[spmem:s18] =	stream.linear.scatter [tilespmem:s31], [sflag:$0x5], $0x1400, $0x38;
	[tilespmem:$0x1A500] =	vst v63  }
0x39: {  	_ =	swait.ge [sflag:s0], $0x1400  }
0x3a: {  	[sflag:s0] =	ssyncset.done $0x0  }
0x3b: {  	s14 =	rddreg [dreg:$0x9];
	[sflag:s0] =	ssyncadd.s32 $0xFFFFEC00  }
0x3c: {  	[spmem:s14] =	stream.linear.scatter [tilespmem:s31], [sflag:$0x5], $0x1400, $0x38;
	[tilespmem:$0x1A500] =	vst v63  }
0x3d: {  	_ =	swait.ge [sflag:s0], $0x1400  }
0x3e: {  	[sflag:s0] =	ssyncset.done $0x0  }
0x3f: {  	s15 =	rddreg [dreg:$0xa];
	[sflag:s0] =	ssyncadd.s32 $0xFFFFEC00  }
0x40: {  	[spmem:s15] =	stream.linear.scatter [tilespmem:s31], [sflag:$0x5], $0x1400, $0x38;
	[tilespmem:$0x1A500] =	vst v63  }
0x41: {  	_ =	swait.ge [sflag:s0], $0x1400  }
0x42: {  	[sflag:s0] =	ssyncset.done $0x0  }
0x43: {  	s16 =	rddreg [dreg:$0xb];
	[sflag:s0] =	ssyncadd.s32 $0xFFFFEC00  }
0x44: {  	[spmem:s16] =	stream.linear.scatter [tilespmem:s31], [sflag:$0x5], $0x1400, $0x38;
	[tilespmem:$0x1A500] =	vst v63  }
0x45: {  	_ =	swait.ge [sflag:s0], $0x1400  }
0x46: {  	[sflag:s0] =	ssyncset.done $0x0  }
0x47: {  	s17 =	rddreg [dreg:$0xc];
	[sflag:s0] =	ssyncadd.s32 $0xFFFFEC00  }
0x48: {  	[spmem:s17] =	stream.linear.scatter [tilespmem:s31], [sflag:$0x5], $0x1400, $0x38;
	[tilespmem:$0x1A500] =	vst v63  }
0x49: {  	_ =	swait.ge [sflag:s0], $0x1400  }
0x4a: {  	[sflag:s0] =	ssyncset.done $0x0  }
0x4b: {  	s18 =	rddreg [dreg:$0xd];
	[sflag:s0] =	ssyncadd.s32 $0xFFFFEC00  }
0x4c: {  	[spmem:s18] =	stream.linear.scatter [tilespmem:s31], [sflag:$0x5], $0x1400, $0x38;
	[tilespmem:$0x1A500] =	vst v63  }
0x4d: {  	_ =	swait.ge [sflag:s0], $0x1400  }
0x4e: {  	[sflag:s0] =	ssyncset.done $0x0  }
0x4f: {  	s14 =	rddreg [dreg:$0xe];
	[sflag:s0] =	ssyncadd.s32 $0xFFFFEC00  }
0x50: {  	[spmem:s14] =	stream.linear.scatter [tilespmem:s31], [sflag:$0x5], $0x1400, $0x38;
	[tilespmem:$0x1A500] =	vst v63  }
0x51: {  	_ =	swait.ge [sflag:s0], $0x1400  }
0x52: {  	[sflag:s0] =	ssyncset.done $0x0  }
0x53: {  	s15 =	rddreg [dreg:$0xf];
	[sflag:s0] =	ssyncadd.s32 $0xFFFFEC00  }
0x54: {  	[spmem:s15] =	stream.linear.scatter [tilespmem:s31], [sflag:$0x5], $0x1400, $0x38;
	[tilespmem:$0x1A500] =	vst v63  }
0x55: {  	_ =	swait.ge [sflag:s0], $0x1400  }
0x56: {  	[sflag:s0] =	ssyncset.done $0x0  }
0x57: {  	[sflag:s0] =	ssyncadd.s32 $0xFFFFEC00  }
0x58: {  	[spmem:s19] =	stream.linear.scatter [tilespmem:s31], [sflag:$0x5], $0x1400, $0x38;
	[tilespmem:$0x1A500] =	vst v63  }
0x59: {  	_ =	swait.ge [sflag:s0], $0x1400  }
0x5a: {  	[sflag:s0] =	ssyncset.done $0x0  }
0x5b: {  	[sflag:s0] =	ssyncadd.s32 $0xFFFFEC00  }
0x5c: {  	[spmem:s20] =	stream.linear.scatter [tilespmem:s31], [sflag:$0x5], $0x1400, $0x38;
	[tilespmem:$0x1A500] =	vst v63  }
0x5d: {  	_ =	swait.ge [sflag:s0], $0x1400  }
0x5e: {  	[sflag:s0] =	ssyncset.done $0x0  }
0x5f: {  	[sflag:s0] =	ssyncadd.s32 $0xFFFFEC00  }
0x60: {  	[spmem:s21] =	stream.linear.scatter [tilespmem:s31], [sflag:$0x5], $0x1400, $0x38;
	[tilespmem:$0x1A500] =	vst v63  }
0x61: {  	_ =	swait.ge [sflag:s0], $0x1400  }
0x62: {  	[sflag:s0] =	ssyncset.done $0x0  }
0x63: {  	[sflag:s0] =	ssyncadd.s32 $0xFFFFEC00  }
0x64: {  	[spmem:s22] =	stream.linear.scatter [tilespmem:s31], [sflag:$0x5], $0x1400, $0x38;
	[tilespmem:$0x1A500] =	vst v63  }
0x65: {  	_ =	swait.ge [sflag:s0], $0x1400  }
0x66: {  	[sflag:s0] =	ssyncset.done $0x0  }
0x67: {  	[sflag:s0] =	ssyncadd.s32 $0xFFFFEC00  }
0x68: {  	[spmem:s26] =	stream.linear.scatter [tilespmem:s31], [sflag:$0x5], $0x1400, $0x38;
	[tilespmem:$0x1A500] =	vst v63  }
0x69: {  	_ =	swait.ge [sflag:s0], $0x1400  }
0x6a: {  	[sflag:s0] =	ssyncset.done $0x0  }
0x6b: {  	[sflag:s0] =	ssyncadd.s32 $0xFFFFEC00  }
0x6c: {  	[spmem:s28] =	stream.linear.scatter [tilespmem:s31], [sflag:$0x5], $0x1400, $0x38;
	[tilespmem:$0x1A500] =	vst v63  }
0x6d: {  	_ =	swait.ge [sflag:s0], $0x1400  }
0x6e: {  	[sflag:s0] =	ssyncset.done $0x0  }
0x6f: {  	[sflag:s0] =	ssyncadd.s32 $0xFFFFEC00  }
0x70: {  	s16 =	sadd.s32 $0x0, s25;
	[bflag:$0x0] =	sbarrier.arrive $0xFFFF  }
0x71: {  	[tilespmem:s1], [sflag:$0x4] =	stream.linear.gather [hbm4b:s16+s3], $0x50, $0x38;
	[tilespmem:$0x1A500] =	vst v63  }
0x72: {  	s17 =	sadd.s32 $0xFFFFFB00, s23  }
0x73: {  	[tilespmem:s5], [sflag:$0x2] =	stream.linear.gather [hbm4b:s17+s3], $0x2800, $0x38;
	[tilespmem:$0x1A500] =	vst v63  }
0x74: {  	_ =	swait.ge [sflag:s6], $0x50  }
0x75: {  	[sflag:s6] =	ssyncset.done $0x0  }
0x76: {  	[sflag:s6] =	ssyncadd.s32 $0xFFFFFFB0  }
0x77: {  	_ =	swait.ge [sflag:s7], $0x2800  }
0x78: {  	[sflag:s7] =	ssyncset.done $0x0  }
0x79: {  	[sflag:s7] =	ssyncadd.s32 $0xFFFFD800  }
0x7a: {  	[spmem:s2] =	stream.indirect.scatter.add.f32 [tilespmem:s30], [sflag:$0x5], $0x80, s29, s9, $0xb8;
	[tilespmem:$0x1A500] =	vst v63  }
0x7b: {  	_ =	swait.ge [sflag:s0], $0x2800  }
0x7c: {  	s18 =	sshrl.u32 s24, $0x3;
	[sflag:s0] =	ssyncset.done $0x0  }
0x7d: {  	s13 =	sadd.s32 s4, s18;
	[sflag:s0] =	ssyncadd.s32 $0xFFFFD800  }
0x7e: {  	[tilespmem:s29], [sflag:$0x3] =	stream.linear.gather [hbm4b:s13+s3], $0x50, $0x38;
	[tilespmem:$0x1A500] =	vst v63  }
0x7f: {  	_ = 	snop  }
0x80: {  	[tilespmem:s30], [sflag:$0x1] =	stream.linear.gather [hbm4b:s23+s3], $0x2800, $0x38;
	[tilespmem:$0x1A500] =	vst v63  }
0x81: {  	_ =	swait.ge [sflag:s10], $0x50  }
0x82: {  	[sflag:s10] =	ssyncset.done $0x0  }
0x83: {  	[sflag:s10] =	ssyncadd.s32 $0xFFFFFFB0  }
0x84: {  	_ =	swait.ge [sflag:s11], $0x2800  }
0x85: {  	[sflag:s11] =	ssyncset.done $0x0  }
0x86: {  	[sflag:s11] =	ssyncadd.s32 $0xFFFFD800  }
0x87: {  	[spmem:s2] =	stream.indirect.scatter.add.f32 [tilespmem:s5], [sflag:$0x5], $0x80, s1, s9, $0xb8;
	[tilespmem:$0x1A500] =	vst v63  }
0x88: {  	s14 =	sadd.s32 $0xA0, s24;
	s15 =	simm.s32 $0x14;
	_ =	swait.ge [sflag:s0], $0x2800  }
0x89: {  	s16 =	simm.s32 $0x28;
	s13 =	sadd.s32 $0xA00, s23;
	[sflag:s0] =	ssyncset.done $0x0  }
.LBB2_4:
0x8a: {  	s17 =	sadd.s32 s15, s25  }
0x8b: {  	[sflag:s0] =	ssyncadd.s32 $0xFFFFD800;
	s15 =	smov.u32 s16;
	s18 =	sadd.s32 $0x14, s16  }
0x8c: {  	[tilespmem:s1], [sflag:$0x4] =	stream.linear.gather [hbm4b:s17+s3], $0x50, $0x38;
	[tilespmem:$0x1A500] =	vst v63  }
0x8d: {  	p0 =	sne.s32 s16, $0x4C4;
	s16 =	sadd.s32 $0xFFFFFB00, s13  }
0x8e: {  	[tilespmem:s5], [sflag:$0x2] =	stream.linear.gather [hbm4b:s16+s3], $0x2800, $0x38;
	[tilespmem:$0x1A500] =	vst v63  }
0x8f: {  	_ =	swait.ge [sflag:s6], $0x50  }
0x90: {  	[sflag:s6] =	ssyncset.done $0x0  }
0x91: {  	[sflag:s6] =	ssyncadd.s32 $0xFFFFFFB0  }
0x92: {  	_ =	swait.ge [sflag:s7], $0x2800  }
0x93: {  	[sflag:s7] =	ssyncset.done $0x0  }
0x94: {  	[sflag:s7] =	ssyncadd.s32 $0xFFFFD800  }
0x95: {  	[spmem:s2] =	stream.indirect.scatter.add.f32 [tilespmem:s30], [sflag:$0x5], $0x80, s29, s9, $0xb8;
	[tilespmem:$0x1A500] =	vst v63  }
0x96: {  	_ =	swait.ge [sflag:s0], $0x2800  }
0x97: {  	s16 =	sshrl.u32 s14, $0x3;
	[sflag:s0] =	ssyncset.done $0x0  }
0x98: {  	s16 =	sadd.s32 s4, s16;
	[sflag:s0] =	ssyncadd.s32 $0xFFFFD800  }
0x99: {  	[tilespmem:s29], [sflag:$0x3] =	stream.linear.gather [hbm4b:s16+s3], $0x50, $0x38;
	[tilespmem:$0x1A500] =	vst v63  }
0x9a: {  	_ = 	snop  }
0x9b: {  	[tilespmem:s30], [sflag:$0x1] =	stream.linear.gather [hbm4b:s13+s3], $0x2800, $0x38;
	[tilespmem:$0x1A500] =	vst v63  }
0x9c: {  	_ =	swait.ge [sflag:s10], $0x50  }
0x9d: {  	[sflag:s10] =	ssyncset.done $0x0  }
0x9e: {  	[sflag:s10] =	ssyncadd.s32 $0xFFFFFFB0  }
0x9f: {  	_ =	swait.ge [sflag:s11], $0x2800  }
.Ltmp1:
0xa0: {  	[sflag:s11] =	ssyncset.done $0x0;
	(pc) =	sbr.rel @p0 .LBB2_4-.Ltmp1, $4  }
0xa1: {  	[sflag:s11] =	ssyncadd.s32 $0xFFFFD800  }
0xa2: {  	[spmem:s2] =	stream.indirect.scatter.add.f32 [tilespmem:s5], [sflag:$0x5], $0x80, s1, s9, $0xb8;
	[tilespmem:$0x1A500] =	vst v63  }
0xa3: {  	s14 =	sadd.s32 $0xA0, s14;
	_ =	swait.ge [sflag:s0], $0x2800  }
0xa4: {  	s16 =	smov.u32 s18;
	s13 =	sadd.s32 $0xA00, s13;
	[sflag:s0] =	ssyncset.done $0x0  }
0xa5: {  	s15 =	sadd.s32 s15, s25;
	[sflag:s0] =	ssyncadd.s32 $0xFFFFD800  }
0xa6: {  	[tilespmem:s1], [sflag:$0x4] =	stream.linear.gather [hbm4b:s15+s3], $0x50, $0x38;
	[tilespmem:$0x1A500] =	vst v63  }
0xa7: {  	s18 =	sadd.s32 $0xFFFFFB00, s13  }
0xa8: {  	[tilespmem:s5], [sflag:$0x2] =	stream.linear.gather [hbm4b:s18+s3], $0x2800, $0x38;
	[tilespmem:$0x1A500] =	vst v63  }
0xa9: {  	_ =	swait.ge [sflag:s6], $0x50  }
0xaa: {  	[sflag:s6] =	ssyncset.done $0x0  }
0xab: {  	[sflag:s6] =	ssyncadd.s32 $0xFFFFFFB0  }
0xac: {  	_ =	swait.ge [sflag:s7], $0x2800  }
0xad: {  	[sflag:s7] =	ssyncset.done $0x0  }
0xae: {  	[sflag:s7] =	ssyncadd.s32 $0xFFFFD800  }
0xaf: {  	[spmem:s2] =	stream.indirect.scatter.add.f32 [tilespmem:s30], [sflag:$0x5], $0x80, s29, s9, $0xb8;
	[tilespmem:$0x1A500] =	vst v63  }
0xb0: {  	_ =	swait.ge [sflag:s0], $0x2800  }
0xb1: {  	s14 =	sshrl.u32 s14, $0x3;
	[sflag:s0] =	ssyncset.done $0x0  }
0xb2: {  	s14 =	sadd.s32 s4, s14;
	[sflag:s0] =	ssyncadd.s32 $0xFFFFD800  }
0xb3: {  	[tilespmem:s29], [sflag:$0x3] =	stream.linear.gather [hbm4b:s14+s3], $0x50, $0x38;
	[tilespmem:$0x1A500] =	vst v63  }
0xb4: {  	_ = 	snop  }
0xb5: {  	[tilespmem:s30], [sflag:$0x1] =	stream.linear.gather [hbm4b:s13+s3], $0x2800, $0x38;
	[tilespmem:$0x1A500] =	vst v63  }
0xb6: {  	_ =	swait.ge [sflag:s10], $0x50  }
0xb7: {  	[sflag:s10] =	ssyncset.done $0x0  }
0xb8: {  	[sflag:s10] =	ssyncadd.s32 $0xFFFFFFB0  }
0xb9: {  	_ =	swait.ge [sflag:s11], $0x2800  }
0xba: {  	[sflag:s11] =	ssyncset.done $0x0  }
0xbb: {  	[sflag:s11] =	ssyncadd.s32 $0xFFFFD800  }
0xbc: {  	[spmem:s2] =	stream.indirect.scatter.add.f32 [tilespmem:s5], [sflag:$0x5], $0x80, s1, s9, $0xb8;
	[tilespmem:$0x1A500] =	vst v63  }
0xbd: {  	_ =	swait.ge [sflag:s0], $0x2800  }
0xbe: {  	[sflag:s0] =	ssyncset.done $0x0  }
0xbf: {  	[sflag:s0] =	ssyncadd.s32 $0xFFFFD800  }
0xc0: {  	_ =	swait.ge [sflag:s6], $0x50  }
0xc1: {  	[sflag:s6] =	ssyncset.done $0x0  }
0xc2: {  	[sflag:s6] =	ssyncadd.s32 $0xFFFFFFB0  }
0xc3: {  	_ =	swait.ge [sflag:s7], $0x2800  }
0xc4: {  	[sflag:s7] =	ssyncset.done $0x0  }
0xc5: {  	[sflag:s7] =	ssyncadd.s32 $0xFFFFD800  }
0xc6: {  	[spmem:s2] =	stream.indirect.scatter.add.f32 [tilespmem:s30], [sflag:$0x5], $0x80, s29, s9, $0xb8;
	[tilespmem:$0x1A500] =	vst v63  }
0xc7: {  	_ =	swait.ge [sflag:s0], $0x2800  }
0xc8: {  	[sflag:s0] =	ssyncset.done $0x0  }
0xc9: {  	s15 =	stileid.u32;
	[sflag:s0] =	ssyncadd.s32 $0xFFFFD800  }
0xca: {  	s13 =	sshll.u32 s15, $0x6;
	[bflag:$0x0] =	sbarrier.arrive $0xFFFF  }
0xcb: {  	s16 =	sshrl.u32 s8, $0x3;
	s13 =	sor.u32 $0x1C05, s13;
	s17 =	rddreg [dreg:$0x5]  }
0xcc: {  	[hbm:s17], [sflag:s13] =	dma.local [spmem:s16], $0x2800  }
0xcd: {  	_ =	swait.ge [sflag:s0], $0x2800  }
0xce: {  	s12 =	sadd.s32 $0x1, s12;
	s18 =	rddreg [dreg:$0x6]  }
0xcf: {  	p0 =	sne.s32 s12, s18  }
.Ltmp2:
0xd0: {  	_ = 	snop;
	(pc) =	sbr.rel @p0 .LBB2_1-.Ltmp2, $3  }
0xd1: {  	_ =	sdelay $0x1  }
0xd2: {  	[sflag:s0] =	ssyncset.done $0x0  }
0xd3: {  	[sflag:s0] =	ssyncadd.s32 $0xFFFFD800  }
0xd4: {  	_ =	sfence.sel $0x180000  }
0xd5: {  	[bflag:$0x0] =	sbarrier.arrive $0xFFFF  }
0xd6: {  	_ =	strace $0x90000056  }
0xd7: {  	s0 =	stileid.u32;
	[bflag:$0x2] =	sbarrier.arrive $0xFFFF  }
0xd8: {  	p0 =	sne.s32 s0, $0x0;
	s0 =	rddreg [dreg:$0x2]  }
0xd9: {  	s0 =	sadd.s32 @!p0 $0x100000, s0  }
0xda: {  	[sflag:s0] =	ssyncadd.tile.s32 @!p0 $0x1;
	_ =	shalt  }
.Lfunc_end2:
_tile_overlayer_lowered:
.L_overlay_start_2:
0xdb: {  	(tag) =	ssettag $0x2  }
0xdc: {  	s0 =	rddreg [dreg:$0x0];
	s2 =	stileid.u32  }
0xdd: {  	s1 =	rddreg [dreg:$0x1];
	p0 =	sne.s32 s2, $0x0  }
0xde: {  	s3 =	rddreg [dreg:$0x2];
	[bflag:$0x3] =	sbarrier.arrive $0xFFFF;
	s2 =	simm.s32 @!p0 $0x1C05  }
0xdf: {  	[timem:s3], [sflag:s2] =	dma.local @!p0 [hbm:s0], s1  }
0xe0: {  	s0 =	simm.s32 @!p0 $0x5  }
0xe1: {  	_ =	swait.ge @!p0 [sflag:s0], s1  }
0xe2: {  	s1 =	ssub.s32 @!p0 $0x0, s1;
	[sflag:s0] =	ssyncset.done @!p0 $0x0  }
0xe3: {  	[sflag:s0] =	ssyncadd.s32 @!p0 s1  }
0xe4: {  	[bflag:$0x3] =	sbarrier.arrive $0xFFFF  }
0xe5: {  	_ =	shalt  }

</sc_bundles>
